<compile_context>
chip_gen: v7x
topology: tpu7x:2x2x1
jax: 0.10.2.dev20260603
libtpu: 0.0.44.dev20260713+nightly
codegen_flags: <defaults>
</compile_context>

<pallas_src>
import functools

import jax
import jax.numpy as jnp
from jax import lax
from jax.experimental import pallas as pl
from jax.experimental.pallas import tpu as pltpu
from jax.experimental.pallas import tpu_sc as plsc

NC = 2
NS = 16
CH = 128
NH = 2
K = 5
HB = 4


def _sc_aggregate(n, n_acc, dh, ts):
  rt = n_acc // NS
  nt = n // NS
  sb = ts // HB

  mesh = plsc.VectorSubcoreMesh(core_axis_name="c", subcore_axis_name="s")

  @functools.partial(
      pl.kernel,
      out_type=[jax.ShapeDtypeStruct((n_acc, dh), jnp.bfloat16)
                for _ in range(NH)],
      mesh=mesh,
      scratch_types=[
          pltpu.VMEM((sb, CH), jnp.int32),
          pltpu.VMEM((sb, CH), jnp.int32),
          pltpu.VMEM((K, CH, dh), jnp.bfloat16),
          pltpu.VMEM_SHARED((n, dh), jnp.bfloat16),
          pltpu.VMEM_SHARED((n_acc, dh), jnp.bfloat16),
          pltpu.SemaphoreType.DMA,
          pltpu.SemaphoreType.DMA,
      ],
      compiler_params=pltpu.CompilerParams(use_tc_tiling_on_sc=False),
  )
  def agg(colh, rowh, fflat, zrows,
          o0, o1, colv, rowv, gbuf, table, acc, sem0, sem1):
    cid = lax.axis_index("c")
    sid = lax.axis_index("s")
    outs = (o0, o1)

    pltpu.sync_copy(fflat.at[pl.ds(cid * n + sid * nt, nt)],
                    table.at[pl.ds(sid * nt, nt)])
    zr = rt // 8
    for z in range(8):
      pltpu.sync_copy(zrows, acc.at[pl.ds(sid * rt + z * zr, zr)])
    plsc.subcore_barrier()

    for hb in range(HB):
      pltpu.sync_copy(colh.at[sid * HB + hb], colv)
      pltpu.sync_copy(rowh.at[sid * HB + hb], rowv)

      def body(g, carry):
        j0 = K * g
        gds = [pltpu.async_copy(table.at[colv.at[j0 + k]], gbuf.at[k],
                                sem0)
               for k in range(K)]
        for dsc in gds:
          dsc.wait()
        sds = [pltpu.async_copy(gbuf.at[k], acc.at[rowv.at[j0 + k]], sem1,
                                add=True)
               for k in range(K)]
        for dsc in sds:
          dsc.wait()
        return carry

      lax.fori_loop(0, sb // K, body, 0)

    plsc.subcore_barrier()

    @pl.when(cid == 0)
    def _():
      pltpu.sync_copy(acc.at[pl.ds(sid * rt, rt)],
                      outs[0].at[pl.ds(sid * rt, rt)])

    @pl.when(cid == 1)
    def _():
      pltpu.sync_copy(acc.at[pl.ds(sid * rt, rt)],
                      outs[1].at[pl.ds(sid * rt, rt)])

  return agg


def _tc_linear_body(a0, a1, w0, w1, bb, out):
  acc = jnp.dot(a0[...].astype(jnp.float32), w0[...],
                preferred_element_type=jnp.float32)
  acc += jnp.dot(a1[...].astype(jnp.float32), w1[...],
                 preferred_element_type=jnp.float32)
  out[...] = acc + bb[...]


def kernel(edge_index, features, W, b):
  n, d = features.shape
  d_out = W.shape[0]
  e = edge_index.shape[1]
  dh = d // NH

  ts = -(-e // (NS * CH * K * HB)) * K * HB
  e_pad = NS * ts * CH
  n_acc = -(-n // (NS * 8)) * (NS * 8)

  row = edge_index[0].astype(jnp.int32)
  col = edge_index[1].astype(jnp.int32)
  row = jnp.pad(row, (0, e_pad - e), constant_values=n)
  col = jnp.pad(col, (0, e_pad - e), constant_values=0)
  row3 = row.reshape(NS * HB, ts // HB, CH)
  col3 = col.reshape(NS * HB, ts // HB, CH)

  fbf = features.astype(jnp.bfloat16)
  fflat = jnp.concatenate([fbf[:, :dh], fbf[:, dh:]], axis=0)
  zrows = jnp.zeros((n_acc // NS // 8, dh), jnp.bfloat16)

  agg0, agg1 = _sc_aggregate(n, n_acc, dh, ts)(col3, row3, fflat, zrows)

  blk = 1000
  grid = n // blk
  w0 = W[:, :dh].T
  w1 = W[:, dh:].T
  bb = b.reshape(1, d_out)

  out = pl.pallas_call(
      _tc_linear_body,
      grid=(grid,),
      in_specs=[
          pl.BlockSpec((blk, dh), lambda i: (i, 0)),
          pl.BlockSpec((blk, dh), lambda i: (i, 0)),
          pl.BlockSpec((dh, d_out), lambda i: (0, 0)),
          pl.BlockSpec((dh, d_out), lambda i: (0, 0)),
          pl.BlockSpec((1, d_out), lambda i: (0, 0)),
      ],
      out_specs=pl.BlockSpec((blk, d_out), lambda i: (i, 0)),
      out_shape=jax.ShapeDtypeStruct((n, d_out), jnp.float32),
  )(agg0, agg1, w0, w1, bb)

  return out

# --- scband reference (transcript-rebuilt; emitter-appended) ---
"""Pipeline reference for scband-sparse-gcnconv-58411555225965 (READ-ONLY COPY).

The authoritative reference and input builder live on the scoring server;
editing this copy changes nothing except your own understanding.
"""

import jax, jax.numpy as jnp
import numpy as np

N = 10000
E = 160000
D_IN = 256
D_OUT = 256


def setup_inputs(seed: int = 0) -> dict:
    key = jax.random.key(seed)
    k1, k2, k3, k4 = jax.random.split(key, 4)
    features = jax.random.normal(k1, (N, D_IN), dtype=jnp.float32)
    edge_index = jax.random.randint(k2, (2, E), 0, N)
    # nn.Linear(in_feats, out_feats) parameters
    bound = 1.0 / np.sqrt(D_IN)
    W = jax.random.uniform(k3, (D_OUT, D_IN), minval=-bound, maxval=bound, dtype=jnp.float32)
    b = jax.random.uniform(k4, (D_OUT,), minval=-bound, maxval=bound, dtype=jnp.float32)
    return {"edge_index": edge_index, "features": features, "W": W, "b": b}


def reference(edge_index, features, W, b):
    # torch.sparse.mm(adj, features): adj is a sparse [N, N] matrix whose nonzeros
    # are given by edge_index (row=edge_index[0], col=edge_index[1]) with value 1.0.
    # out[i] = sum_{j : (i,j) in adj} features[j]  ->  scatter-add / segment_sum.
    row = edge_index[0]
    col = edge_index[1]
    gathered = jnp.take(features, col, axis=0)          # gather  [E, D_IN]
    agg = jax.ops.segment_sum(gathered, row, num_segments=N)  # scatter-add [N, D_IN]
    # self.linear(sparse_feat)
    return agg @ W.T + b

if __name__ == "__main__":
    import jax
    _d = setup_inputs()
    print(jax.jit(kernel)(*tuple(_d.values())))

</pallas_src>

<mosaic_0001>
#map = affine_map<(d0, d1) -> (0, 0, 0)>
#map1 = affine_map<(d0, d1) -> (0, 0)>
module attributes {stable_mosaic.version = 14 : i64} {
  func.func @agg(%arg0: i32, %arg1: i32, %arg2: memref<64x20x128xi32, #tpu.memory_space<hbm>>, %arg3: memref<64x20x128xi32, #tpu.memory_space<hbm>>, %arg4: memref<20000x128xbf16, #tpu.memory_space<hbm>>, %arg5: memref<79x128xbf16, #tpu.memory_space<hbm>>, %arg6: memref<10112x128xbf16, #tpu.memory_space<hbm>>, %arg7: memref<10112x128xbf16, #tpu.memory_space<hbm>>, %arg8: memref<20x128xi32, #tpu.memory_space<vmem>>, %arg9: memref<20x128xi32, #tpu.memory_space<vmem>>, %arg10: memref<5x128x128xbf16, #tpu.memory_space<vmem>>, %arg11: memref<10000x128xbf16, #tpu.memory_space<vmem_shared>>, %arg12: memref<10112x128xbf16, #tpu.memory_space<vmem_shared>>, %arg13: memref<!tpu.dma_semaphore, #tpu.memory_space<semaphore_mem>>, %arg14: memref<!tpu.dma_semaphore, #tpu.memory_space<semaphore_mem>>) attributes {dimension_semantics = [#tpu.dimension_semantics<core_parallel>, #tpu.dimension_semantics<subcore_parallel>], iteration_bounds = array<i64: 2, 16>, scalar_prefetch = 0 : i64, scratch_operands = 7 : i64, tpu.core_type = #tpu.core_type<sc_vector_subcore>, window_params = [{transform_indices = #map}, {transform_indices = #map}, {transform_indices = #map1}, {transform_indices = #map1}, {transform_indices = #map1}, {transform_indices = #map1}]} {
    %mul3A = arith.constant 10000 : i32
    %mul3A_0 = arith.muli %arg0, %mul3A : i32
    %mul3A_1 = arith.constant 625 : i32
    %mul3A_2 = arith.muli %arg1, %mul3A_1 : i32
    %add3A = arith.addi %mul3A_0, %mul3A_2 : i32
    %mul3A_3 = arith.constant 625 : i32
    %mul3A_4 = arith.muli %arg1, %mul3A_3 : i32
    "tpu.region"() ({
      %run_scoped3A = tpu.sem_alloc : memref<!tpu.dma_semaphore, #tpu.memory_space<semaphore_mem>>
      %dma_start3A = arith.constant 0 : i32
      %dma_start3A_100 = tpu.memref_slice %arg11[%mul3A_4, %dma_start3A] : memref<10000x128xbf16, #tpu.memory_space<vmem_shared>> -> memref<625x128xbf16, #tpu.memory_space<vmem_shared>>
      %dma_start3A_101 = arith.constant 0 : i32
      %dma_start3A_102 = tpu.memref_slice %arg4[%add3A, %dma_start3A_101] : memref<20000x128xbf16, #tpu.memory_space<hbm>> -> memref<625x128xbf16, #tpu.memory_space<hbm>>
      tpu.enqueue_dma source(%dma_start3A_102 : memref<625x128xbf16, #tpu.memory_space<hbm>>) target(%dma_start3A_100 : memref<625x128xbf16, #tpu.memory_space<vmem_shared>>) target_semaphore(%run_scoped3A : memref<!tpu.dma_semaphore, #tpu.memory_space<semaphore_mem>>)
      %dma_wait3A = arith.constant 0 : i32
      %dma_wait3A_103 = tpu.memref_slice %arg11[%mul3A_4, %dma_wait3A] : memref<10000x128xbf16, #tpu.memory_space<vmem_shared>> -> memref<625x128xbf16, #tpu.memory_space<vmem_shared>>
      %dma_wait3A_104 = arith.constant 0 : i32
      %dma_wait3A_105 = tpu.memref_slice %arg4[%add3A, %dma_wait3A_104] : memref<20000x128xbf16, #tpu.memory_space<hbm>> -> memref<625x128xbf16, #tpu.memory_space<hbm>>
      tpu.wait_dma2 semaphore(%run_scoped3A : memref<!tpu.dma_semaphore, #tpu.memory_space<semaphore_mem>>) src(%dma_wait3A_105 : memref<625x128xbf16, #tpu.memory_space<hbm>>) dst(%dma_wait3A_103 : memref<625x128xbf16, #tpu.memory_space<vmem_shared>>)
      tpu.yield
    }) : () -> ()
    %mul3A_5 = arith.constant 632 : i32
    %mul3A_6 = arith.muli %arg1, %mul3A_5 : i32
    %add3A_7 = arith.constant 0 : i32
    %add3A_8 = arith.addi %mul3A_6, %add3A_7 : i32
    "tpu.region"() ({
      %run_scoped3A = tpu.sem_alloc : memref<!tpu.dma_semaphore, #tpu.memory_space<semaphore_mem>>
      %dma_start3A = arith.constant 0 : i32
      %dma_start3A_100 = tpu.memref_slice %arg12[%add3A_8, %dma_start3A] : memref<10112x128xbf16, #tpu.memory_space<vmem_shared>> -> memref<79x128xbf16, #tpu.memory_space<vmem_shared>>
      tpu.enqueue_dma source(%arg5 : memref<79x128xbf16, #tpu.memory_space<hbm>>) target(%dma_start3A_100 : memref<79x128xbf16, #tpu.memory_space<vmem_shared>>) target_semaphore(%run_scoped3A : memref<!tpu.dma_semaphore, #tpu.memory_space<semaphore_mem>>)
      %dma_wait3A = arith.constant 0 : i32
      %dma_wait3A_101 = tpu.memref_slice %arg12[%add3A_8, %dma_wait3A] : memref<10112x128xbf16, #tpu.memory_space<vmem_shared>> -> memref<79x128xbf16, #tpu.memory_space<vmem_shared>>
      tpu.wait_dma2 semaphore(%run_scoped3A : memref<!tpu.dma_semaphore, #tpu.memory_space<semaphore_mem>>) src(%arg5 : memref<79x128xbf16, #tpu.memory_space<hbm>>) dst(%dma_wait3A_101 : memref<79x128xbf16, #tpu.memory_space<vmem_shared>>)
      tpu.yield
    }) : () -> ()
    %mul3A_9 = arith.constant 632 : i32
    %mul3A_10 = arith.muli %arg1, %mul3A_9 : i32
    %add3A_11 = arith.constant 79 : i32
    %add3A_12 = arith.addi %mul3A_10, %add3A_11 : i32
    "tpu.region"() ({
      %run_scoped3A = tpu.sem_alloc : memref<!tpu.dma_semaphore, #tpu.memory_space<semaphore_mem>>
      %dma_start3A = arith.constant 0 : i32
      %dma_start3A_100 = tpu.memref_slice %arg12[%add3A_12, %dma_start3A] : memref<10112x128xbf16, #tpu.memory_space<vmem_shared>> -> memref<79x128xbf16, #tpu.memory_space<vmem_shared>>
      tpu.enqueue_dma source(%arg5 : memref<79x128xbf16, #tpu.memory_space<hbm>>) target(%dma_start3A_100 : memref<79x128xbf16, #tpu.memory_space<vmem_shared>>) target_semaphore(%run_scoped3A : memref<!tpu.dma_semaphore, #tpu.memory_space<semaphore_mem>>)
      %dma_wait3A = arith.constant 0 : i32
      %dma_wait3A_101 = tpu.memref_slice %arg12[%add3A_12, %dma_wait3A] : memref<10112x128xbf16, #tpu.memory_space<vmem_shared>> -> memref<79x128xbf16, #tpu.memory_space<vmem_shared>>
      tpu.wait_dma2 semaphore(%run_scoped3A : memref<!tpu.dma_semaphore, #tpu.memory_space<semaphore_mem>>) src(%arg5 : memref<79x128xbf16, #tpu.memory_space<hbm>>) dst(%dma_wait3A_101 : memref<79x128xbf16, #tpu.memory_space<vmem_shared>>)
      tpu.yield
    }) : () -> ()
    %mul3A_13 = arith.constant 632 : i32
    %mul3A_14 = arith.muli %arg1, %mul3A_13 : i32
    %add3A_15 = arith.constant 158 : i32
    %add3A_16 = arith.addi %mul3A_14, %add3A_15 : i32
    "tpu.region"() ({
      %run_scoped3A = tpu.sem_alloc : memref<!tpu.dma_semaphore, #tpu.memory_space<semaphore_mem>>
      %dma_start3A = arith.constant 0 : i32
      %dma_start3A_100 = tpu.memref_slice %arg12[%add3A_16, %dma_start3A] : memref<10112x128xbf16, #tpu.memory_space<vmem_shared>> -> memref<79x128xbf16, #tpu.memory_space<vmem_shared>>
      tpu.enqueue_dma source(%arg5 : memref<79x128xbf16, #tpu.memory_space<hbm>>) target(%dma_start3A_100 : memref<79x128xbf16, #tpu.memory_space<vmem_shared>>) target_semaphore(%run_scoped3A : memref<!tpu.dma_semaphore, #tpu.memory_space<semaphore_mem>>)
      %dma_wait3A = arith.constant 0 : i32
      %dma_wait3A_101 = tpu.memref_slice %arg12[%add3A_16, %dma_wait3A] : memref<10112x128xbf16, #tpu.memory_space<vmem_shared>> -> memref<79x128xbf16, #tpu.memory_space<vmem_shared>>
      tpu.wait_dma2 semaphore(%run_scoped3A : memref<!tpu.dma_semaphore, #tpu.memory_space<semaphore_mem>>) src(%arg5 : memref<79x128xbf16, #tpu.memory_space<hbm>>) dst(%dma_wait3A_101 : memref<79x128xbf16, #tpu.memory_space<vmem_shared>>)
      tpu.yield
    }) : () -> ()
    %mul3A_17 = arith.constant 632 : i32
    %mul3A_18 = arith.muli %arg1, %mul3A_17 : i32
    %add3A_19 = arith.constant 237 : i32
    %add3A_20 = arith.addi %mul3A_18, %add3A_19 : i32
    "tpu.region"() ({
      %run_scoped3A = tpu.sem_alloc : memref<!tpu.dma_semaphore, #tpu.memory_space<semaphore_mem>>
      %dma_start3A = arith.constant 0 : i32
      %dma_start3A_100 = tpu.memref_slice %arg12[%add3A_20, %dma_start3A] : memref<10112x128xbf16, #tpu.memory_space<vmem_shared>> -> memref<79x128xbf16, #tpu.memory_space<vmem_shared>>
      tpu.enqueue_dma source(%arg5 : memref<79x128xbf16, #tpu.memory_space<hbm>>) target(%dma_start3A_100 : memref<79x128xbf16, #tpu.memory_space<vmem_shared>>) target_semaphore(%run_scoped3A : memref<!tpu.dma_semaphore, #tpu.memory_space<semaphore_mem>>)
      %dma_wait3A = arith.constant 0 : i32
      %dma_wait3A_101 = tpu.memref_slice %arg12[%add3A_20, %dma_wait3A] : memref<10112x128xbf16, #tpu.memory_space<vmem_shared>> -> memref<79x128xbf16, #tpu.memory_space<vmem_shared>>
      tpu.wait_dma2 semaphore(%run_scoped3A : memref<!tpu.dma_semaphore, #tpu.memory_space<semaphore_mem>>) src(%arg5 : memref<79x128xbf16, #tpu.memory_space<hbm>>) dst(%dma_wait3A_101 : memref<79x128xbf16, #tpu.memory_space<vmem_shared>>)
      tpu.yield
    }) : () -> ()
    %mul3A_21 = arith.constant 632 : i32
    %mul3A_22 = arith.muli %arg1, %mul3A_21 : i32
    %add3A_23 = arith.constant 316 : i32
    %add3A_24 = arith.addi %mul3A_22, %add3A_23 : i32
    "tpu.region"() ({
      %run_scoped3A = tpu.sem_alloc : memref<!tpu.dma_semaphore, #tpu.memory_space<semaphore_mem>>
      %dma_start3A = arith.constant 0 : i32
      %dma_start3A_100 = tpu.memref_slice %arg12[%add3A_24, %dma_start3A] : memref<10112x128xbf16, #tpu.memory_space<vmem_shared>> -> memref<79x128xbf16, #tpu.memory_space<vmem_shared>>
      tpu.enqueue_dma source(%arg5 : memref<79x128xbf16, #tpu.memory_space<hbm>>) target(%dma_start3A_100 : memref<79x128xbf16, #tpu.memory_space<vmem_shared>>) target_semaphore(%run_scoped3A : memref<!tpu.dma_semaphore, #tpu.memory_space<semaphore_mem>>)
      %dma_wait3A = arith.constant 0 : i32
      %dma_wait3A_101 = tpu.memref_slice %arg12[%add3A_24, %dma_wait3A] : memref<10112x128xbf16, #tpu.memory_space<vmem_shared>> -> memref<79x128xbf16, #tpu.memory_space<vmem_shared>>
      tpu.wait_dma2 semaphore(%run_scoped3A : memref<!tpu.dma_semaphore, #tpu.memory_space<semaphore_mem>>) src(%arg5 : memref<79x128xbf16, #tpu.memory_space<hbm>>) dst(%dma_wait3A_101 : memref<79x128xbf16, #tpu.memory_space<vmem_shared>>)
      tpu.yield
    }) : () -> ()
    %mul3A_25 = arith.constant 632 : i32
    %mul3A_26 = arith.muli %arg1, %mul3A_25 : i32
    %add3A_27 = arith.constant 395 : i32
    %add3A_28 = arith.addi %mul3A_26, %add3A_27 : i32
    "tpu.region"() ({
      %run_scoped3A = tpu.sem_alloc : memref<!tpu.dma_semaphore, #tpu.memory_space<semaphore_mem>>
      %dma_start3A = arith.constant 0 : i32
      %dma_start3A_100 = tpu.memref_slice %arg12[%add3A_28, %dma_start3A] : memref<10112x128xbf16, #tpu.memory_space<vmem_shared>> -> memref<79x128xbf16, #tpu.memory_space<vmem_shared>>
      tpu.enqueue_dma source(%arg5 : memref<79x128xbf16, #tpu.memory_space<hbm>>) target(%dma_start3A_100 : memref<79x128xbf16, #tpu.memory_space<vmem_shared>>) target_semaphore(%run_scoped3A : memref<!tpu.dma_semaphore, #tpu.memory_space<semaphore_mem>>)
      %dma_wait3A = arith.constant 0 : i32
      %dma_wait3A_101 = tpu.memref_slice %arg12[%add3A_28, %dma_wait3A] : memref<10112x128xbf16, #tpu.memory_space<vmem_shared>> -> memref<79x128xbf16, #tpu.memory_space<vmem_shared>>
      tpu.wait_dma2 semaphore(%run_scoped3A : memref<!tpu.dma_semaphore, #tpu.memory_space<semaphore_mem>>) src(%arg5 : memref<79x128xbf16, #tpu.memory_space<hbm>>) dst(%dma_wait3A_101 : memref<79x128xbf16, #tpu.memory_space<vmem_shared>>)
      tpu.yield
    }) : () -> ()
    %mul3A_29 = arith.constant 632 : i32
    %mul3A_30 = arith.muli %arg1, %mul3A_29 : i32
    %add3A_31 = arith.constant 474 : i32
    %add3A_32 = arith.addi %mul3A_30, %add3A_31 : i32
    "tpu.region"() ({
      %run_scoped3A = tpu.sem_alloc : memref<!tpu.dma_semaphore, #tpu.memory_space<semaphore_mem>>
      %dma_start3A = arith.constant 0 : i32
      %dma_start3A_100 = tpu.memref_slice %arg12[%add3A_32, %dma_start3A] : memref<10112x128xbf16, #tpu.memory_space<vmem_shared>> -> memref<79x128xbf16, #tpu.memory_space<vmem_shared>>
      tpu.enqueue_dma source(%arg5 : memref<79x128xbf16, #tpu.memory_space<hbm>>) target(%dma_start3A_100 : memref<79x128xbf16, #tpu.memory_space<vmem_shared>>) target_semaphore(%run_scoped3A : memref<!tpu.dma_semaphore, #tpu.memory_space<semaphore_mem>>)
      %dma_wait3A = arith.constant 0 : i32
      %dma_wait3A_101 = tpu.memref_slice %arg12[%add3A_32, %dma_wait3A] : memref<10112x128xbf16, #tpu.memory_space<vmem_shared>> -> memref<79x128xbf16, #tpu.memory_space<vmem_shared>>
      tpu.wait_dma2 semaphore(%run_scoped3A : memref<!tpu.dma_semaphore, #tpu.memory_space<semaphore_mem>>) src(%arg5 : memref<79x128xbf16, #tpu.memory_space<hbm>>) dst(%dma_wait3A_101 : memref<79x128xbf16, #tpu.memory_space<vmem_shared>>)
      tpu.yield
    }) : () -> ()
    %mul3A_33 = arith.constant 632 : i32
    %mul3A_34 = arith.muli %arg1, %mul3A_33 : i32
    %add3A_35 = arith.constant 553 : i32
    %add3A_36 = arith.addi %mul3A_34, %add3A_35 : i32
    "tpu.region"() ({
      %run_scoped3A = tpu.sem_alloc : memref<!tpu.dma_semaphore, #tpu.memory_space<semaphore_mem>>
      %dma_start3A = arith.constant 0 : i32
      %dma_start3A_100 = tpu.memref_slice %arg12[%add3A_36, %dma_start3A] : memref<10112x128xbf16, #tpu.memory_space<vmem_shared>> -> memref<79x128xbf16, #tpu.memory_space<vmem_shared>>
      tpu.enqueue_dma source(%arg5 : memref<79x128xbf16, #tpu.memory_space<hbm>>) target(%dma_start3A_100 : memref<79x128xbf16, #tpu.memory_space<vmem_shared>>) target_semaphore(%run_scoped3A : memref<!tpu.dma_semaphore, #tpu.memory_space<semaphore_mem>>)
      %dma_wait3A = arith.constant 0 : i32
      %dma_wait3A_101 = tpu.memref_slice %arg12[%add3A_36, %dma_wait3A] : memref<10112x128xbf16, #tpu.memory_space<vmem_shared>> -> memref<79x128xbf16, #tpu.memory_space<vmem_shared>>
      tpu.wait_dma2 semaphore(%run_scoped3A : memref<!tpu.dma_semaphore, #tpu.memory_space<semaphore_mem>>) src(%arg5 : memref<79x128xbf16, #tpu.memory_space<hbm>>) dst(%dma_wait3A_101 : memref<79x128xbf16, #tpu.memory_space<vmem_shared>>)
      tpu.yield
    }) : () -> ()
    %barrier3A = arith.constant 0 : index
    tpu.barrier barrier_id(%barrier3A)
    %mul3A_37 = arith.constant 4 : i32
    %mul3A_38 = arith.muli %arg1, %mul3A_37 : i32
    %add3A_39 = arith.constant 0 : i32
    %add3A_40 = arith.addi %mul3A_38, %add3A_39 : i32
    "tpu.region"() ({
      %run_scoped3A = tpu.sem_alloc : memref<!tpu.dma_semaphore, #tpu.memory_space<semaphore_mem>>
      %dma_start3A = arith.constant 0 : i32
      %dma_start3A_100 = arith.constant 0 : i32
      %dma_start3A_101 = tpu.memref_slice %arg2[%add3A_40, %dma_start3A, %dma_start3A_100] : memref<64x20x128xi32, #tpu.memory_space<hbm>> -> memref<1x20x128xi32, #tpu.memory_space<hbm>>
      %dma_start3A_102 = tpu.memref_squeeze %dma_start3A_101 : memref<1x20x128xi32, #tpu.memory_space<hbm>> -> memref<20x128xi32, #tpu.memory_space<hbm>>
      %dma_start3A_103 = arith.constant 0 : i32
      %dma_start3A_104 = arith.constant 0 : i32
      %dma_start3A_105 = tpu.memref_slice %arg2[%add3A_40, %dma_start3A_103, %dma_start3A_104] : memref<64x20x128xi32, #tpu.memory_space<hbm>> -> memref<1x20x128xi32, #tpu.memory_space<hbm>>
      %dma_start3A_106 = tpu.memref_squeeze %dma_start3A_105 : memref<1x20x128xi32, #tpu.memory_space<hbm>> -> memref<20x128xi32, #tpu.memory_space<hbm>>
      tpu.enqueue_dma source(%dma_start3A_106 : memref<20x128xi32, #tpu.memory_space<hbm>>) target(%arg8 : memref<20x128xi32, #tpu.memory_space<vmem>>) target_semaphore(%run_scoped3A : memref<!tpu.dma_semaphore, #tpu.memory_space<semaphore_mem>>)
      %dma_wait3A = arith.constant 0 : i32
      %dma_wait3A_107 = arith.constant 0 : i32
      %dma_wait3A_108 = tpu.memref_slice %arg2[%add3A_40, %dma_wait3A, %dma_wait3A_107] : memref<64x20x128xi32, #tpu.memory_space<hbm>> -> memref<1x20x128xi32, #tpu.memory_space<hbm>>
      %dma_wait3A_109 = tpu.memref_squeeze %dma_wait3A_108 : memref<1x20x128xi32, #tpu.memory_space<hbm>> -> memref<20x128xi32, #tpu.memory_space<hbm>>
      %dma_wait3A_110 = arith.constant 0 : i32
      %dma_wait3A_111 = arith.constant 0 : i32
      %dma_wait3A_112 = tpu.memref_slice %arg2[%add3A_40, %dma_wait3A_110, %dma_wait3A_111] : memref<64x20x128xi32, #tpu.memory_space<hbm>> -> memref<1x20x128xi32, #tpu.memory_space<hbm>>
      %dma_wait3A_113 = tpu.memref_squeeze %dma_wait3A_112 : memref<1x20x128xi32, #tpu.memory_space<hbm>> -> memref<20x128xi32, #tpu.memory_space<hbm>>
      tpu.wait_dma2 semaphore(%run_scoped3A : memref<!tpu.dma_semaphore, #tpu.memory_space<semaphore_mem>>) src(%dma_wait3A_113 : memref<20x128xi32, #tpu.memory_space<hbm>>) dst(%arg8 : memref<20x128xi32, #tpu.memory_space<vmem>>)
      tpu.yield
    }) : () -> ()
    %mul3A_41 = arith.constant 4 : i32
    %mul3A_42 = arith.muli %arg1, %mul3A_41 : i32
    %add3A_43 = arith.constant 0 : i32
    %add3A_44 = arith.addi %mul3A_42, %add3A_43 : i32
    "tpu.region"() ({
      %run_scoped3A = tpu.sem_alloc : memref<!tpu.dma_semaphore, #tpu.memory_space<semaphore_mem>>
      %dma_start3A = arith.constant 0 : i32
      %dma_start3A_100 = arith.constant 0 : i32
      %dma_start3A_101 = tpu.memref_slice %arg3[%add3A_44, %dma_start3A, %dma_start3A_100] : memref<64x20x128xi32, #tpu.memory_space<hbm>> -> memref<1x20x128xi32, #tpu.memory_space<hbm>>
      %dma_start3A_102 = tpu.memref_squeeze %dma_start3A_101 : memref<1x20x128xi32, #tpu.memory_space<hbm>> -> memref<20x128xi32, #tpu.memory_space<hbm>>
      %dma_start3A_103 = arith.constant 0 : i32
      %dma_start3A_104 = arith.constant 0 : i32
      %dma_start3A_105 = tpu.memref_slice %arg3[%add3A_44, %dma_start3A_103, %dma_start3A_104] : memref<64x20x128xi32, #tpu.memory_space<hbm>> -> memref<1x20x128xi32, #tpu.memory_space<hbm>>
      %dma_start3A_106 = tpu.memref_squeeze %dma_start3A_105 : memref<1x20x128xi32, #tpu.memory_space<hbm>> -> memref<20x128xi32, #tpu.memory_space<hbm>>
      tpu.enqueue_dma source(%dma_start3A_106 : memref<20x128xi32, #tpu.memory_space<hbm>>) target(%arg9 : memref<20x128xi32, #tpu.memory_space<vmem>>) target_semaphore(%run_scoped3A : memref<!tpu.dma_semaphore, #tpu.memory_space<semaphore_mem>>)
      %dma_wait3A = arith.constant 0 : i32
      %dma_wait3A_107 = arith.constant 0 : i32
      %dma_wait3A_108 = tpu.memref_slice %arg3[%add3A_44, %dma_wait3A, %dma_wait3A_107] : memref<64x20x128xi32, #tpu.memory_space<hbm>> -> memref<1x20x128xi32, #tpu.memory_space<hbm>>
      %dma_wait3A_109 = tpu.memref_squeeze %dma_wait3A_108 : memref<1x20x128xi32, #tpu.memory_space<hbm>> -> memref<20x128xi32, #tpu.memory_space<hbm>>
      %dma_wait3A_110 = arith.constant 0 : i32
      %dma_wait3A_111 = arith.constant 0 : i32
      %dma_wait3A_112 = tpu.memref_slice %arg3[%add3A_44, %dma_wait3A_110, %dma_wait3A_111] : memref<64x20x128xi32, #tpu.memory_space<hbm>> -> memref<1x20x128xi32, #tpu.memory_space<hbm>>
      %dma_wait3A_113 = tpu.memref_squeeze %dma_wait3A_112 : memref<1x20x128xi32, #tpu.memory_space<hbm>> -> memref<20x128xi32, #tpu.memory_space<hbm>>
      tpu.wait_dma2 semaphore(%run_scoped3A : memref<!tpu.dma_semaphore, #tpu.memory_space<semaphore_mem>>) src(%dma_wait3A_113 : memref<20x128xi32, #tpu.memory_space<hbm>>) dst(%arg9 : memref<20x128xi32, #tpu.memory_space<vmem>>)
      tpu.yield
    }) : () -> ()
    %scan3A = arith.constant 0 : i32
    %scan3A_45 = arith.constant 0 : i32
    %scan3A_46 = arith.constant 4 : i32
    %scan3A_47 = arith.addi %scan3A_45, %scan3A_46 : i32
    %scan3A_48 = arith.constant 1 : i32
    scf.for %scan3A_100 = %scan3A_45 to %scan3A_47 step %scan3A_48  : i32 {
      %mul3A_101 = arith.constant 5 : i32
      %mul3A_102 = arith.muli %mul3A_101, %scan3A_100 : i32
      %add3A_103 = arith.constant 0 : i32
      %add3A_104 = arith.addi %mul3A_102, %add3A_103 : i32
      %dma_start3A = arith.constant 0 : i32
      %dma_start3A_105 = arith.constant 0 : i32
      %dma_start3A_106 = arith.constant 0 : i32
      %dma_start3A_107 = tpu.memref_slice %arg10[%dma_start3A, %dma_start3A_105, %dma_start3A_106] : memref<5x128x128xbf16, #tpu.memory_space<vmem>> -> memref<1x128x128xbf16, #tpu.memory_space<vmem>>
      %dma_start3A_108 = tpu.memref_squeeze %dma_start3A_107 : memref<1x128x128xbf16, #tpu.memory_space<vmem>> -> memref<128x128xbf16, #tpu.memory_space<vmem>>
      %dma_start3A_109 = arith.constant 0 : i32
      %dma_start3A_110 = tpu.memref_slice %arg8[%add3A_104, %dma_start3A_109] : memref<20x128xi32, #tpu.memory_space<vmem>> -> memref<1x128xi32, #tpu.memory_space<vmem>>
      %dma_start3A_111 = tpu.memref_squeeze %dma_start3A_110 : memref<1x128xi32, #tpu.memory_space<vmem>> -> memref<128xi32, #tpu.memory_space<vmem>>
      %dma_start3A_112 = arith.constant 0 : i32
      %dma_start3A_113 = arith.constant 0 : i32
      %dma_start3A_114 = tpu.memref_slice %arg11[%dma_start3A_112, %dma_start3A_113] : memref<10000x128xbf16, #tpu.memory_space<vmem_shared>> -> memref<10000x128xbf16, #tpu.memory_space<vmem_shared>>
      tpu.enqueue_indirect_dma source(%dma_start3A_114 : memref<10000x128xbf16, #tpu.memory_space<vmem_shared>>) target(%dma_start3A_108 : memref<128x128xbf16, #tpu.memory_space<vmem>>) offsets(%dma_start3A_111 : memref<128xi32, #tpu.memory_space<vmem>>) semaphore(%arg13 : memref<!tpu.dma_semaphore, #tpu.memory_space<semaphore_mem>>)
      %add3A_115 = arith.constant 1 : i32
      %add3A_116 = arith.addi %mul3A_102, %add3A_115 : i32
      %dma_start3A_117 = arith.constant 1 : i32
      %dma_start3A_118 = arith.constant 0 : i32
      %dma_start3A_119 = arith.constant 0 : i32
      %dma_start3A_120 = tpu.memref_slice %arg10[%dma_start3A_117, %dma_start3A_118, %dma_start3A_119] : memref<5x128x128xbf16, #tpu.memory_space<vmem>> -> memref<1x128x128xbf16, #tpu.memory_space<vmem>>
      %dma_start3A_121 = tpu.memref_squeeze %dma_start3A_120 : memref<1x128x128xbf16, #tpu.memory_space<vmem>> -> memref<128x128xbf16, #tpu.memory_space<vmem>>
      %dma_start3A_122 = arith.constant 0 : i32
      %dma_start3A_123 = tpu.memref_slice %arg8[%add3A_116, %dma_start3A_122] : memref<20x128xi32, #tpu.memory_space<vmem>> -> memref<1x128xi32, #tpu.memory_space<vmem>>
      %dma_start3A_124 = tpu.memref_squeeze %dma_start3A_123 : memref<1x128xi32, #tpu.memory_space<vmem>> -> memref<128xi32, #tpu.memory_space<vmem>>
      %dma_start3A_125 = arith.constant 0 : i32
      %dma_start3A_126 = arith.constant 0 : i32
      %dma_start3A_127 = tpu.memref_slice %arg11[%dma_start3A_125, %dma_start3A_126] : memref<10000x128xbf16, #tpu.memory_space<vmem_shared>> -> memref<10000x128xbf16, #tpu.memory_space<vmem_shared>>
      tpu.enqueue_indirect_dma source(%dma_start3A_127 : memref<10000x128xbf16, #tpu.memory_space<vmem_shared>>) target(%dma_start3A_121 : memref<128x128xbf16, #tpu.memory_space<vmem>>) offsets(%dma_start3A_124 : memref<128xi32, #tpu.memory_space<vmem>>) semaphore(%arg13 : memref<!tpu.dma_semaphore, #tpu.memory_space<semaphore_mem>>)
      %add3A_128 = arith.constant 2 : i32
      %add3A_129 = arith.addi %mul3A_102, %add3A_128 : i32
      %dma_start3A_130 = arith.constant 2 : i32
      %dma_start3A_131 = arith.constant 0 : i32
      %dma_start3A_132 = arith.constant 0 : i32
      %dma_start3A_133 = tpu.memref_slice %arg10[%dma_start3A_130, %dma_start3A_131, %dma_start3A_132] : memref<5x128x128xbf16, #tpu.memory_space<vmem>> -> memref<1x128x128xbf16, #tpu.memory_space<vmem>>
      %dma_start3A_134 = tpu.memref_squeeze %dma_start3A_133 : memref<1x128x128xbf16, #tpu.memory_space<vmem>> -> memref<128x128xbf16, #tpu.memory_space<vmem>>
      %dma_start3A_135 = arith.constant 0 : i32
      %dma_start3A_136 = tpu.memref_slice %arg8[%add3A_129, %dma_start3A_135] : memref<20x128xi32, #tpu.memory_space<vmem>> -> memref<1x128xi32, #tpu.memory_space<vmem>>
      %dma_start3A_137 = tpu.memref_squeeze %dma_start3A_136 : memref<1x128xi32, #tpu.memory_space<vmem>> -> memref<128xi32, #tpu.memory_space<vmem>>
      %dma_start3A_138 = arith.constant 0 : i32
      %dma_start3A_139 = arith.constant 0 : i32
      %dma_start3A_140 = tpu.memref_slice %arg11[%dma_start3A_138, %dma_start3A_139] : memref<10000x128xbf16, #tpu.memory_space<vmem_shared>> -> memref<10000x128xbf16, #tpu.memory_space<vmem_shared>>
      tpu.enqueue_indirect_dma source(%dma_start3A_140 : memref<10000x128xbf16, #tpu.memory_space<vmem_shared>>) target(%dma_start3A_134 : memref<128x128xbf16, #tpu.memory_space<vmem>>) offsets(%dma_start3A_137 : memref<128xi32, #tpu.memory_space<vmem>>) semaphore(%arg13 : memref<!tpu.dma_semaphore, #tpu.memory_space<semaphore_mem>>)
      %add3A_141 = arith.constant 3 : i32
      %add3A_142 = arith.addi %mul3A_102, %add3A_141 : i32
      %dma_start3A_143 = arith.constant 3 : i32
      %dma_start3A_144 = arith.constant 0 : i32
      %dma_start3A_145 = arith.constant 0 : i32
      %dma_start3A_146 = tpu.memref_slice %arg10[%dma_start3A_143, %dma_start3A_144, %dma_start3A_145] : memref<5x128x128xbf16, #tpu.memory_space<vmem>> -> memref<1x128x128xbf16, #tpu.memory_space<vmem>>
      %dma_start3A_147 = tpu.memref_squeeze %dma_start3A_146 : memref<1x128x128xbf16, #tpu.memory_space<vmem>> -> memref<128x128xbf16, #tpu.memory_space<vmem>>
      %dma_start3A_148 = arith.constant 0 : i32
      %dma_start3A_149 = tpu.memref_slice %arg8[%add3A_142, %dma_start3A_148] : memref<20x128xi32, #tpu.memory_space<vmem>> -> memref<1x128xi32, #tpu.memory_space<vmem>>
      %dma_start3A_150 = tpu.memref_squeeze %dma_start3A_149 : memref<1x128xi32, #tpu.memory_space<vmem>> -> memref<128xi32, #tpu.memory_space<vmem>>
      %dma_start3A_151 = arith.constant 0 : i32
      %dma_start3A_152 = arith.constant 0 : i32
      %dma_start3A_153 = tpu.memref_slice %arg11[%dma_start3A_151, %dma_start3A_152] : memref<10000x128xbf16, #tpu.memory_space<vmem_shared>> -> memref<10000x128xbf16, #tpu.memory_space<vmem_shared>>
      tpu.enqueue_indirect_dma source(%dma_start3A_153 : memref<10000x128xbf16, #tpu.memory_space<vmem_shared>>) target(%dma_start3A_147 : memref<128x128xbf16, #tpu.memory_space<vmem>>) offsets(%dma_start3A_150 : memref<128xi32, #tpu.memory_space<vmem>>) semaphore(%arg13 : memref<!tpu.dma_semaphore, #tpu.memory_space<semaphore_mem>>)
      %add3A_154 = arith.constant 4 : i32
      %add3A_155 = arith.addi %mul3A_102, %add3A_154 : i32
      %dma_start3A_156 = arith.constant 4 : i32
      %dma_start3A_157 = arith.constant 0 : i32
      %dma_start3A_158 = arith.constant 0 : i32
      %dma_start3A_159 = tpu.memref_slice %arg10[%dma_start3A_156, %dma_start3A_157, %dma_start3A_158] : memref<5x128x128xbf16, #tpu.memory_space<vmem>> -> memref<1x128x128xbf16, #tpu.memory_space<vmem>>
      %dma_start3A_160 = tpu.memref_squeeze %dma_start3A_159 : memref<1x128x128xbf16, #tpu.memory_space<vmem>> -> memref<128x128xbf16, #tpu.memory_space<vmem>>
      %dma_start3A_161 = arith.constant 0 : i32
      %dma_start3A_162 = tpu.memref_slice %arg8[%add3A_155, %dma_start3A_161] : memref<20x128xi32, #tpu.memory_space<vmem>> -> memref<1x128xi32, #tpu.memory_space<vmem>>
      %dma_start3A_163 = tpu.memref_squeeze %dma_start3A_162 : memref<1x128xi32, #tpu.memory_space<vmem>> -> memref<128xi32, #tpu.memory_space<vmem>>
      %dma_start3A_164 = arith.constant 0 : i32
      %dma_start3A_165 = arith.constant 0 : i32
      %dma_start3A_166 = tpu.memref_slice %arg11[%dma_start3A_164, %dma_start3A_165] : memref<10000x128xbf16, #tpu.memory_space<vmem_shared>> -> memref<10000x128xbf16, #tpu.memory_space<vmem_shared>>
      tpu.enqueue_indirect_dma source(%dma_start3A_166 : memref<10000x128xbf16, #tpu.memory_space<vmem_shared>>) target(%dma_start3A_160 : memref<128x128xbf16, #tpu.memory_space<vmem>>) offsets(%dma_start3A_163 : memref<128xi32, #tpu.memory_space<vmem>>) semaphore(%arg13 : memref<!tpu.dma_semaphore, #tpu.memory_space<semaphore_mem>>)
      %dma_wait3A = arith.constant 0 : i32
      %dma_wait3A_167 = arith.constant 0 : i32
      %dma_wait3A_168 = arith.constant 0 : i32
      %dma_wait3A_169 = tpu.memref_slice %arg10[%dma_wait3A, %dma_wait3A_167, %dma_wait3A_168] : memref<5x128x128xbf16, #tpu.memory_space<vmem>> -> memref<1x128x128xbf16, #tpu.memory_space<vmem>>
      %dma_wait3A_170 = tpu.memref_squeeze %dma_wait3A_169 : memref<1x128x128xbf16, #tpu.memory_space<vmem>> -> memref<128x128xbf16, #tpu.memory_space<vmem>>
      %dma_wait3A_171 = arith.constant 0 : i32
      %dma_wait3A_172 = tpu.memref_slice %arg8[%add3A_104, %dma_wait3A_171] : memref<20x128xi32, #tpu.memory_space<vmem>> -> memref<1x128xi32, #tpu.memory_space<vmem>>
      %dma_wait3A_173 = tpu.memref_squeeze %dma_wait3A_172 : memref<1x128xi32, #tpu.memory_space<vmem>> -> memref<128xi32, #tpu.memory_space<vmem>>
      %dma_wait3A_174 = arith.constant 0 : i32
      %dma_wait3A_175 = arith.constant 0 : i32
      %dma_wait3A_176 = tpu.memref_slice %arg11[%dma_wait3A_174, %dma_wait3A_175] : memref<10000x128xbf16, #tpu.memory_space<vmem_shared>> -> memref<10000x128xbf16, #tpu.memory_space<vmem_shared>>
      tpu.wait_indirect_dma semaphore(%arg13 : memref<!tpu.dma_semaphore, #tpu.memory_space<semaphore_mem>>) src(%dma_wait3A_176 : memref<10000x128xbf16, #tpu.memory_space<vmem_shared>>) dst(%dma_wait3A_170 : memref<128x128xbf16, #tpu.memory_space<vmem>>)
      %dma_wait3A_177 = arith.constant 1 : i32
      %dma_wait3A_178 = arith.constant 0 : i32
      %dma_wait3A_179 = arith.constant 0 : i32
      %dma_wait3A_180 = tpu.memref_slice %arg10[%dma_wait3A_177, %dma_wait3A_178, %dma_wait3A_179] : memref<5x128x128xbf16, #tpu.memory_space<vmem>> -> memref<1x128x128xbf16, #tpu.memory_space<vmem>>
      %dma_wait3A_181 = tpu.memref_squeeze %dma_wait3A_180 : memref<1x128x128xbf16, #tpu.memory_space<vmem>> -> memref<128x128xbf16, #tpu.memory_space<vmem>>
      %dma_wait3A_182 = arith.constant 0 : i32
      %dma_wait3A_183 = tpu.memref_slice %arg8[%add3A_116, %dma_wait3A_182] : memref<20x128xi32, #tpu.memory_space<vmem>> -> memref<1x128xi32, #tpu.memory_space<vmem>>
      %dma_wait3A_184 = tpu.memref_squeeze %dma_wait3A_183 : memref<1x128xi32, #tpu.memory_space<vmem>> -> memref<128xi32, #tpu.memory_space<vmem>>
      %dma_wait3A_185 = arith.constant 0 : i32
      %dma_wait3A_186 = arith.constant 0 : i32
      %dma_wait3A_187 = tpu.memref_slice %arg11[%dma_wait3A_185, %dma_wait3A_186] : memref<10000x128xbf16, #tpu.memory_space<vmem_shared>> -> memref<10000x128xbf16, #tpu.memory_space<vmem_shared>>
      tpu.wait_indirect_dma semaphore(%arg13 : memref<!tpu.dma_semaphore, #tpu.memory_space<semaphore_mem>>) src(%dma_wait3A_187 : memref<10000x128xbf16, #tpu.memory_space<vmem_shared>>) dst(%dma_wait3A_181 : memref<128x128xbf16, #tpu.memory_space<vmem>>)
      %dma_wait3A_188 = arith.constant 2 : i32
      %dma_wait3A_189 = arith.constant 0 : i32
      %dma_wait3A_190 = arith.constant 0 : i32
      %dma_wait3A_191 = tpu.memref_slice %arg10[%dma_wait3A_188, %dma_wait3A_189, %dma_wait3A_190] : memref<5x128x128xbf16, #tpu.memory_space<vmem>> -> memref<1x128x128xbf16, #tpu.memory_space<vmem>>
      %dma_wait3A_192 = tpu.memref_squeeze %dma_wait3A_191 : memref<1x128x128xbf16, #tpu.memory_space<vmem>> -> memref<128x128xbf16, #tpu.memory_space<vmem>>
      %dma_wait3A_193 = arith.constant 0 : i32
      %dma_wait3A_194 = tpu.memref_slice %arg8[%add3A_129, %dma_wait3A_193] : memref<20x128xi32, #tpu.memory_space<vmem>> -> memref<1x128xi32, #tpu.memory_space<vmem>>
      %dma_wait3A_195 = tpu.memref_squeeze %dma_wait3A_194 : memref<1x128xi32, #tpu.memory_space<vmem>> -> memref<128xi32, #tpu.memory_space<vmem>>
      %dma_wait3A_196 = arith.constant 0 : i32
      %dma_wait3A_197 = arith.constant 0 : i32
      %dma_wait3A_198 = tpu.memref_slice %arg11[%dma_wait3A_196, %dma_wait3A_197] : memref<10000x128xbf16, #tpu.memory_space<vmem_shared>> -> memref<10000x128xbf16, #tpu.memory_space<vmem_shared>>
      tpu.wait_indirect_dma semaphore(%arg13 : memref<!tpu.dma_semaphore, #tpu.memory_space<semaphore_mem>>) src(%dma_wait3A_198 : memref<10000x128xbf16, #tpu.memory_space<vmem_shared>>) dst(%dma_wait3A_192 : memref<128x128xbf16, #tpu.memory_space<vmem>>)
      %dma_wait3A_199 = arith.constant 3 : i32
      %dma_wait3A_200 = arith.constant 0 : i32
      %dma_wait3A_201 = arith.constant 0 : i32
      %dma_wait3A_202 = tpu.memref_slice %arg10[%dma_wait3A_199, %dma_wait3A_200, %dma_wait3A_201] : memref<5x128x128xbf16, #tpu.memory_space<vmem>> -> memref<1x128x128xbf16, #tpu.memory_space<vmem>>
      %dma_wait3A_203 = tpu.memref_squeeze %dma_wait3A_202 : memref<1x128x128xbf16, #tpu.memory_space<vmem>> -> memref<128x128xbf16, #tpu.memory_space<vmem>>
      %dma_wait3A_204 = arith.constant 0 : i32
      %dma_wait3A_205 = tpu.memref_slice %arg8[%add3A_142, %dma_wait3A_204] : memref<20x128xi32, #tpu.memory_space<vmem>> -> memref<1x128xi32, #tpu.memory_space<vmem>>
      %dma_wait3A_206 = tpu.memref_squeeze %dma_wait3A_205 : memref<1x128xi32, #tpu.memory_space<vmem>> -> memref<128xi32, #tpu.memory_space<vmem>>
      %dma_wait3A_207 = arith.constant 0 : i32
      %dma_wait3A_208 = arith.constant 0 : i32
      %dma_wait3A_209 = tpu.memref_slice %arg11[%dma_wait3A_207, %dma_wait3A_208] : memref<10000x128xbf16, #tpu.memory_space<vmem_shared>> -> memref<10000x128xbf16, #tpu.memory_space<vmem_shared>>
      tpu.wait_indirect_dma semaphore(%arg13 : memref<!tpu.dma_semaphore, #tpu.memory_space<semaphore_mem>>) src(%dma_wait3A_209 : memref<10000x128xbf16, #tpu.memory_space<vmem_shared>>) dst(%dma_wait3A_203 : memref<128x128xbf16, #tpu.memory_space<vmem>>)
      %dma_wait3A_210 = arith.constant 4 : i32
      %dma_wait3A_211 = arith.constant 0 : i32
      %dma_wait3A_212 = arith.constant 0 : i32
      %dma_wait3A_213 = tpu.memref_slice %arg10[%dma_wait3A_210, %dma_wait3A_211, %dma_wait3A_212] : memref<5x128x128xbf16, #tpu.memory_space<vmem>> -> memref<1x128x128xbf16, #tpu.memory_space<vmem>>
      %dma_wait3A_214 = tpu.memref_squeeze %dma_wait3A_213 : memref<1x128x128xbf16, #tpu.memory_space<vmem>> -> memref<128x128xbf16, #tpu.memory_space<vmem>>
      %dma_wait3A_215 = arith.constant 0 : i32
      %dma_wait3A_216 = tpu.memref_slice %arg8[%add3A_155, %dma_wait3A_215] : memref<20x128xi32, #tpu.memory_space<vmem>> -> memref<1x128xi32, #tpu.memory_space<vmem>>
      %dma_wait3A_217 = tpu.memref_squeeze %dma_wait3A_216 : memref<1x128xi32, #tpu.memory_space<vmem>> -> memref<128xi32, #tpu.memory_space<vmem>>
      %dma_wait3A_218 = arith.constant 0 : i32
      %dma_wait3A_219 = arith.constant 0 : i32
      %dma_wait3A_220 = tpu.memref_slice %arg11[%dma_wait3A_218, %dma_wait3A_219] : memref<10000x128xbf16, #tpu.memory_space<vmem_shared>> -> memref<10000x128xbf16, #tpu.memory_space<vmem_shared>>
      tpu.wait_indirect_dma semaphore(%arg13 : memref<!tpu.dma_semaphore, #tpu.memory_space<semaphore_mem>>) src(%dma_wait3A_220 : memref<10000x128xbf16, #tpu.memory_space<vmem_shared>>) dst(%dma_wait3A_214 : memref<128x128xbf16, #tpu.memory_space<vmem>>)
      %add3A_221 = arith.constant 0 : i32
      %add3A_222 = arith.addi %mul3A_102, %add3A_221 : i32
      %dma_start3A_223 = arith.constant 0 : i32
      %dma_start3A_224 = arith.constant 0 : i32
      %dma_start3A_225 = arith.constant 0 : i32
      %dma_start3A_226 = tpu.memref_slice %arg10[%dma_start3A_223, %dma_start3A_224, %dma_start3A_225] : memref<5x128x128xbf16, #tpu.memory_space<vmem>> -> memref<1x128x128xbf16, #tpu.memory_space<vmem>>
      %dma_start3A_227 = tpu.memref_squeeze %dma_start3A_226 : memref<1x128x128xbf16, #tpu.memory_space<vmem>> -> memref<128x128xbf16, #tpu.memory_space<vmem>>
      %dma_start3A_228 = arith.constant 0 : i32
      %dma_start3A_229 = tpu.memref_slice %arg9[%add3A_222, %dma_start3A_228] : memref<20x128xi32, #tpu.memory_space<vmem>> -> memref<1x128xi32, #tpu.memory_space<vmem>>
      %dma_start3A_230 = tpu.memref_squeeze %dma_start3A_229 : memref<1x128xi32, #tpu.memory_space<vmem>> -> memref<128xi32, #tpu.memory_space<vmem>>
      %dma_start3A_231 = arith.constant 0 : i32
      %dma_start3A_232 = arith.constant 0 : i32
      %dma_start3A_233 = tpu.memref_slice %arg12[%dma_start3A_231, %dma_start3A_232] : memref<10112x128xbf16, #tpu.memory_space<vmem_shared>> -> memref<10112x128xbf16, #tpu.memory_space<vmem_shared>>
      tpu.enqueue_indirect_dma source(%dma_start3A_227 : memref<128x128xbf16, #tpu.memory_space<vmem>>) target(%dma_start3A_233 : memref<10112x128xbf16, #tpu.memory_space<vmem_shared>>) offsets(%dma_start3A_230 : memref<128xi32, #tpu.memory_space<vmem>>) semaphore(%arg14 : memref<!tpu.dma_semaphore, #tpu.memory_space<semaphore_mem>>) {add = true}
      %add3A_234 = arith.constant 1 : i32
      %add3A_235 = arith.addi %mul3A_102, %add3A_234 : i32
      %dma_start3A_236 = arith.constant 1 : i32
      %dma_start3A_237 = arith.constant 0 : i32
      %dma_start3A_238 = arith.constant 0 : i32
      %dma_start3A_239 = tpu.memref_slice %arg10[%dma_start3A_236, %dma_start3A_237, %dma_start3A_238] : memref<5x128x128xbf16, #tpu.memory_space<vmem>> -> memref<1x128x128xbf16, #tpu.memory_space<vmem>>
      %dma_start3A_240 = tpu.memref_squeeze %dma_start3A_239 : memref<1x128x128xbf16, #tpu.memory_space<vmem>> -> memref<128x128xbf16, #tpu.memory_space<vmem>>
      %dma_start3A_241 = arith.constant 0 : i32
      %dma_start3A_242 = tpu.memref_slice %arg9[%add3A_235, %dma_start3A_241] : memref<20x128xi32, #tpu.memory_space<vmem>> -> memref<1x128xi32, #tpu.memory_space<vmem>>
      %dma_start3A_243 = tpu.memref_squeeze %dma_start3A_242 : memref<1x128xi32, #tpu.memory_space<vmem>> -> memref<128xi32, #tpu.memory_space<vmem>>
      %dma_start3A_244 = arith.constant 0 : i32
      %dma_start3A_245 = arith.constant 0 : i32
      %dma_start3A_246 = tpu.memref_slice %arg12[%dma_start3A_244, %dma_start3A_245] : memref<10112x128xbf16, #tpu.memory_space<vmem_shared>> -> memref<10112x128xbf16, #tpu.memory_space<vmem_shared>>
      tpu.enqueue_indirect_dma source(%dma_start3A_240 : memref<128x128xbf16, #tpu.memory_space<vmem>>) target(%dma_start3A_246 : memref<10112x128xbf16, #tpu.memory_space<vmem_shared>>) offsets(%dma_start3A_243 : memref<128xi32, #tpu.memory_space<vmem>>) semaphore(%arg14 : memref<!tpu.dma_semaphore, #tpu.memory_space<semaphore_mem>>) {add = true}
      %add3A_247 = arith.constant 2 : i32
      %add3A_248 = arith.addi %mul3A_102, %add3A_247 : i32
      %dma_start3A_249 = arith.constant 2 : i32
      %dma_start3A_250 = arith.constant 0 : i32
      %dma_start3A_251 = arith.constant 0 : i32
      %dma_start3A_252 = tpu.memref_slice %arg10[%dma_start3A_249, %dma_start3A_250, %dma_start3A_251] : memref<5x128x128xbf16, #tpu.memory_space<vmem>> -> memref<1x128x128xbf16, #tpu.memory_space<vmem>>
      %dma_start3A_253 = tpu.memref_squeeze %dma_start3A_252 : memref<1x128x128xbf16, #tpu.memory_space<vmem>> -> memref<128x128xbf16, #tpu.memory_space<vmem>>
      %dma_start3A_254 = arith.constant 0 : i32
      %dma_start3A_255 = tpu.memref_slice %arg9[%add3A_248, %dma_start3A_254] : memref<20x128xi32, #tpu.memory_space<vmem>> -> memref<1x128xi32, #tpu.memory_space<vmem>>
      %dma_start3A_256 = tpu.memref_squeeze %dma_start3A_255 : memref<1x128xi32, #tpu.memory_space<vmem>> -> memref<128xi32, #tpu.memory_space<vmem>>
      %dma_start3A_257 = arith.constant 0 : i32
      %dma_start3A_258 = arith.constant 0 : i32
      %dma_start3A_259 = tpu.memref_slice %arg12[%dma_start3A_257, %dma_start3A_258] : memref<10112x128xbf16, #tpu.memory_space<vmem_shared>> -> memref<10112x128xbf16, #tpu.memory_space<vmem_shared>>
      tpu.enqueue_indirect_dma source(%dma_start3A_253 : memref<128x128xbf16, #tpu.memory_space<vmem>>) target(%dma_start3A_259 : memref<10112x128xbf16, #tpu.memory_space<vmem_shared>>) offsets(%dma_start3A_256 : memref<128xi32, #tpu.memory_space<vmem>>) semaphore(%arg14 : memref<!tpu.dma_semaphore, #tpu.memory_space<semaphore_mem>>) {add = true}
      %add3A_260 = arith.constant 3 : i32
      %add3A_261 = arith.addi %mul3A_102, %add3A_260 : i32
      %dma_start3A_262 = arith.constant 3 : i32
      %dma_start3A_263 = arith.constant 0 : i32
      %dma_start3A_264 = arith.constant 0 : i32
      %dma_start3A_265 = tpu.memref_slice %arg10[%dma_start3A_262, %dma_start3A_263, %dma_start3A_264] : memref<5x128x128xbf16, #tpu.memory_space<vmem>> -> memref<1x128x128xbf16, #tpu.memory_space<vmem>>
      %dma_start3A_266 = tpu.memref_squeeze %dma_start3A_265 : memref<1x128x128xbf16, #tpu.memory_space<vmem>> -> memref<128x128xbf16, #tpu.memory_space<vmem>>
      %dma_start3A_267 = arith.constant 0 : i32
      %dma_start3A_268 = tpu.memref_slice %arg9[%add3A_261, %dma_start3A_267] : memref<20x128xi32, #tpu.memory_space<vmem>> -> memref<1x128xi32, #tpu.memory_space<vmem>>
      %dma_start3A_269 = tpu.memref_squeeze %dma_start3A_268 : memref<1x128xi32, #tpu.memory_space<vmem>> -> memref<128xi32, #tpu.memory_space<vmem>>
      %dma_start3A_270 = arith.constant 0 : i32
      %dma_start3A_271 = arith.constant 0 : i32
      %dma_start3A_272 = tpu.memref_slice %arg12[%dma_start3A_270, %dma_start3A_271] : memref<10112x128xbf16, #tpu.memory_space<vmem_shared>> -> memref<10112x128xbf16, #tpu.memory_space<vmem_shared>>
      tpu.enqueue_indirect_dma source(%dma_start3A_266 : memref<128x128xbf16, #tpu.memory_space<vmem>>) target(%dma_start3A_272 : memref<10112x128xbf16, #tpu.memory_space<vmem_shared>>) offsets(%dma_start3A_269 : memref<128xi32, #tpu.memory_space<vmem>>) semaphore(%arg14 : memref<!tpu.dma_semaphore, #tpu.memory_space<semaphore_mem>>) {add = true}
      %add3A_273 = arith.constant 4 : i32
      %add3A_274 = arith.addi %mul3A_102, %add3A_273 : i32
      %dma_start3A_275 = arith.constant 4 : i32
      %dma_start3A_276 = arith.constant 0 : i32
      %dma_start3A_277 = arith.constant 0 : i32
      %dma_start3A_278 = tpu.memref_slice %arg10[%dma_start3A_275, %dma_start3A_276, %dma_start3A_277] : memref<5x128x128xbf16, #tpu.memory_space<vmem>> -> memref<1x128x128xbf16, #tpu.memory_space<vmem>>
      %dma_start3A_279 = tpu.memref_squeeze %dma_start3A_278 : memref<1x128x128xbf16, #tpu.memory_space<vmem>> -> memref<128x128xbf16, #tpu.memory_space<vmem>>
      %dma_start3A_280 = arith.constant 0 : i32
      %dma_start3A_281 = tpu.memref_slice %arg9[%add3A_274, %dma_start3A_280] : memref<20x128xi32, #tpu.memory_space<vmem>> -> memref<1x128xi32, #tpu.memory_space<vmem>>
      %dma_start3A_282 = tpu.memref_squeeze %dma_start3A_281 : memref<1x128xi32, #tpu.memory_space<vmem>> -> memref<128xi32, #tpu.memory_space<vmem>>
      %dma_start3A_283 = arith.constant 0 : i32
      %dma_start3A_284 = arith.constant 0 : i32
      %dma_start3A_285 = tpu.memref_slice %arg12[%dma_start3A_283, %dma_start3A_284] : memref<10112x128xbf16, #tpu.memory_space<vmem_shared>> -> memref<10112x128xbf16, #tpu.memory_space<vmem_shared>>
      tpu.enqueue_indirect_dma source(%dma_start3A_279 : memref<128x128xbf16, #tpu.memory_space<vmem>>) target(%dma_start3A_285 : memref<10112x128xbf16, #tpu.memory_space<vmem_shared>>) offsets(%dma_start3A_282 : memref<128xi32, #tpu.memory_space<vmem>>) semaphore(%arg14 : memref<!tpu.dma_semaphore, #tpu.memory_space<semaphore_mem>>) {add = true}
      %dma_wait3A_286 = arith.constant 0 : i32
      %dma_wait3A_287 = arith.constant 0 : i32
      %dma_wait3A_288 = arith.constant 0 : i32
      %dma_wait3A_289 = tpu.memref_slice %arg10[%dma_wait3A_286, %dma_wait3A_287, %dma_wait3A_288] : memref<5x128x128xbf16, #tpu.memory_space<vmem>> -> memref<1x128x128xbf16, #tpu.memory_space<vmem>>
      %dma_wait3A_290 = tpu.memref_squeeze %dma_wait3A_289 : memref<1x128x128xbf16, #tpu.memory_space<vmem>> -> memref<128x128xbf16, #tpu.memory_space<vmem>>
      %dma_wait3A_291 = arith.constant 0 : i32
      %dma_wait3A_292 = tpu.memref_slice %arg9[%add3A_222, %dma_wait3A_291] : memref<20x128xi32, #tpu.memory_space<vmem>> -> memref<1x128xi32, #tpu.memory_space<vmem>>
      %dma_wait3A_293 = tpu.memref_squeeze %dma_wait3A_292 : memref<1x128xi32, #tpu.memory_space<vmem>> -> memref<128xi32, #tpu.memory_space<vmem>>
      %dma_wait3A_294 = arith.constant 0 : i32
      %dma_wait3A_295 = arith.constant 0 : i32
      %dma_wait3A_296 = tpu.memref_slice %arg12[%dma_wait3A_294, %dma_wait3A_295] : memref<10112x128xbf16, #tpu.memory_space<vmem_shared>> -> memref<10112x128xbf16, #tpu.memory_space<vmem_shared>>
      tpu.wait_indirect_dma semaphore(%arg14 : memref<!tpu.dma_semaphore, #tpu.memory_space<semaphore_mem>>) src(%dma_wait3A_290 : memref<128x128xbf16, #tpu.memory_space<vmem>>) dst(%dma_wait3A_296 : memref<10112x128xbf16, #tpu.memory_space<vmem_shared>>)
      %dma_wait3A_297 = arith.constant 1 : i32
      %dma_wait3A_298 = arith.constant 0 : i32
      %dma_wait3A_299 = arith.constant 0 : i32
      %dma_wait3A_300 = tpu.memref_slice %arg10[%dma_wait3A_297, %dma_wait3A_298, %dma_wait3A_299] : memref<5x128x128xbf16, #tpu.memory_space<vmem>> -> memref<1x128x128xbf16, #tpu.memory_space<vmem>>
      %dma_wait3A_301 = tpu.memref_squeeze %dma_wait3A_300 : memref<1x128x128xbf16, #tpu.memory_space<vmem>> -> memref<128x128xbf16, #tpu.memory_space<vmem>>
      %dma_wait3A_302 = arith.constant 0 : i32
      %dma_wait3A_303 = tpu.memref_slice %arg9[%add3A_235, %dma_wait3A_302] : memref<20x128xi32, #tpu.memory_space<vmem>> -> memref<1x128xi32, #tpu.memory_space<vmem>>
      %dma_wait3A_304 = tpu.memref_squeeze %dma_wait3A_303 : memref<1x128xi32, #tpu.memory_space<vmem>> -> memref<128xi32, #tpu.memory_space<vmem>>
      %dma_wait3A_305 = arith.constant 0 : i32
      %dma_wait3A_306 = arith.constant 0 : i32
      %dma_wait3A_307 = tpu.memref_slice %arg12[%dma_wait3A_305, %dma_wait3A_306] : memref<10112x128xbf16, #tpu.memory_space<vmem_shared>> -> memref<10112x128xbf16, #tpu.memory_space<vmem_shared>>
      tpu.wait_indirect_dma semaphore(%arg14 : memref<!tpu.dma_semaphore, #tpu.memory_space<semaphore_mem>>) src(%dma_wait3A_301 : memref<128x128xbf16, #tpu.memory_space<vmem>>) dst(%dma_wait3A_307 : memref<10112x128xbf16, #tpu.memory_space<vmem_shared>>)
      %dma_wait3A_308 = arith.constant 2 : i32
      %dma_wait3A_309 = arith.constant 0 : i32
      %dma_wait3A_310 = arith.constant 0 : i32
      %dma_wait3A_311 = tpu.memref_slice %arg10[%dma_wait3A_308, %dma_wait3A_309, %dma_wait3A_310] : memref<5x128x128xbf16, #tpu.memory_space<vmem>> -> memref<1x128x128xbf16, #tpu.memory_space<vmem>>
      %dma_wait3A_312 = tpu.memref_squeeze %dma_wait3A_311 : memref<1x128x128xbf16, #tpu.memory_space<vmem>> -> memref<128x128xbf16, #tpu.memory_space<vmem>>
      %dma_wait3A_313 = arith.constant 0 : i32
      %dma_wait3A_314 = tpu.memref_slice %arg9[%add3A_248, %dma_wait3A_313] : memref<20x128xi32, #tpu.memory_space<vmem>> -> memref<1x128xi32, #tpu.memory_space<vmem>>
      %dma_wait3A_315 = tpu.memref_squeeze %dma_wait3A_314 : memref<1x128xi32, #tpu.memory_space<vmem>> -> memref<128xi32, #tpu.memory_space<vmem>>
      %dma_wait3A_316 = arith.constant 0 : i32
      %dma_wait3A_317 = arith.constant 0 : i32
      %dma_wait3A_318 = tpu.memref_slice %arg12[%dma_wait3A_316, %dma_wait3A_317] : memref<10112x128xbf16, #tpu.memory_space<vmem_shared>> -> memref<10112x128xbf16, #tpu.memory_space<vmem_shared>>
      tpu.wait_indirect_dma semaphore(%arg14 : memref<!tpu.dma_semaphore, #tpu.memory_space<semaphore_mem>>) src(%dma_wait3A_312 : memref<128x128xbf16, #tpu.memory_space<vmem>>) dst(%dma_wait3A_318 : memref<10112x128xbf16, #tpu.memory_space<vmem_shared>>)
      %dma_wait3A_319 = arith.constant 3 : i32
      %dma_wait3A_320 = arith.constant 0 : i32
      %dma_wait3A_321 = arith.constant 0 : i32
      %dma_wait3A_322 = tpu.memref_slice %arg10[%dma_wait3A_319, %dma_wait3A_320, %dma_wait3A_321] : memref<5x128x128xbf16, #tpu.memory_space<vmem>> -> memref<1x128x128xbf16, #tpu.memory_space<vmem>>
      %dma_wait3A_323 = tpu.memref_squeeze %dma_wait3A_322 : memref<1x128x128xbf16, #tpu.memory_space<vmem>> -> memref<128x128xbf16, #tpu.memory_space<vmem>>
      %dma_wait3A_324 = arith.constant 0 : i32
      %dma_wait3A_325 = tpu.memref_slice %arg9[%add3A_261, %dma_wait3A_324] : memref<20x128xi32, #tpu.memory_space<vmem>> -> memref<1x128xi32, #tpu.memory_space<vmem>>
      %dma_wait3A_326 = tpu.memref_squeeze %dma_wait3A_325 : memref<1x128xi32, #tpu.memory_space<vmem>> -> memref<128xi32, #tpu.memory_space<vmem>>
      %dma_wait3A_327 = arith.constant 0 : i32
      %dma_wait3A_328 = arith.constant 0 : i32
      %dma_wait3A_329 = tpu.memref_slice %arg12[%dma_wait3A_327, %dma_wait3A_328] : memref<10112x128xbf16, #tpu.memory_space<vmem_shared>> -> memref<10112x128xbf16, #tpu.memory_space<vmem_shared>>
      tpu.wait_indirect_dma semaphore(%arg14 : memref<!tpu.dma_semaphore, #tpu.memory_space<semaphore_mem>>) src(%dma_wait3A_323 : memref<128x128xbf16, #tpu.memory_space<vmem>>) dst(%dma_wait3A_329 : memref<10112x128xbf16, #tpu.memory_space<vmem_shared>>)
      %dma_wait3A_330 = arith.constant 4 : i32
      %dma_wait3A_331 = arith.constant 0 : i32
      %dma_wait3A_332 = arith.constant 0 : i32
      %dma_wait3A_333 = tpu.memref_slice %arg10[%dma_wait3A_330, %dma_wait3A_331, %dma_wait3A_332] : memref<5x128x128xbf16, #tpu.memory_space<vmem>> -> memref<1x128x128xbf16, #tpu.memory_space<vmem>>
      %dma_wait3A_334 = tpu.memref_squeeze %dma_wait3A_333 : memref<1x128x128xbf16, #tpu.memory_space<vmem>> -> memref<128x128xbf16, #tpu.memory_space<vmem>>
      %dma_wait3A_335 = arith.constant 0 : i32
      %dma_wait3A_336 = tpu.memref_slice %arg9[%add3A_274, %dma_wait3A_335] : memref<20x128xi32, #tpu.memory_space<vmem>> -> memref<1x128xi32, #tpu.memory_space<vmem>>
      %dma_wait3A_337 = tpu.memref_squeeze %dma_wait3A_336 : memref<1x128xi32, #tpu.memory_space<vmem>> -> memref<128xi32, #tpu.memory_space<vmem>>
      %dma_wait3A_338 = arith.constant 0 : i32
      %dma_wait3A_339 = arith.constant 0 : i32
      %dma_wait3A_340 = tpu.memref_slice %arg12[%dma_wait3A_338, %dma_wait3A_339] : memref<10112x128xbf16, #tpu.memory_space<vmem_shared>> -> memref<10112x128xbf16, #tpu.memory_space<vmem_shared>>
      tpu.wait_indirect_dma semaphore(%arg14 : memref<!tpu.dma_semaphore, #tpu.memory_space<semaphore_mem>>) src(%dma_wait3A_334 : memref<128x128xbf16, #tpu.memory_space<vmem>>) dst(%dma_wait3A_340 : memref<10112x128xbf16, #tpu.memory_space<vmem_shared>>)
    }
    %scan3A_49 = arith.constant 4 : i32
    %mul3A_50 = arith.constant 4 : i32
    %mul3A_51 = arith.muli %arg1, %mul3A_50 : i32
    %add3A_52 = arith.constant 1 : i32
    %add3A_53 = arith.addi %mul3A_51, %add3A_52 : i32
    "tpu.region"() ({
      %run_scoped3A = tpu.sem_alloc : memref<!tpu.dma_semaphore, #tpu.memory_space<semaphore_mem>>
      %dma_start3A = arith.constant 0 : i32
      %dma_start3A_100 = arith.constant 0 : i32
      %dma_start3A_101 = tpu.memref_slice %arg2[%add3A_53, %dma_start3A, %dma_start3A_100] : memref<64x20x128xi32, #tpu.memory_space<hbm>> -> memref<1x20x128xi32, #tpu.memory_space<hbm>>
      %dma_start3A_102 = tpu.memref_squeeze %dma_start3A_101 : memref<1x20x128xi32, #tpu.memory_space<hbm>> -> memref<20x128xi32, #tpu.memory_space<hbm>>
      %dma_start3A_103 = arith.constant 0 : i32
      %dma_start3A_104 = arith.constant 0 : i32
      %dma_start3A_105 = tpu.memref_slice %arg2[%add3A_53, %dma_start3A_103, %dma_start3A_104] : memref<64x20x128xi32, #tpu.memory_space<hbm>> -> memref<1x20x128xi32, #tpu.memory_space<hbm>>
      %dma_start3A_106 = tpu.memref_squeeze %dma_start3A_105 : memref<1x20x128xi32, #tpu.memory_space<hbm>> -> memref<20x128xi32, #tpu.memory_space<hbm>>
      tpu.enqueue_dma source(%dma_start3A_106 : memref<20x128xi32, #tpu.memory_space<hbm>>) target(%arg8 : memref<20x128xi32, #tpu.memory_space<vmem>>) target_semaphore(%run_scoped3A : memref<!tpu.dma_semaphore, #tpu.memory_space<semaphore_mem>>)
      %dma_wait3A = arith.constant 0 : i32
      %dma_wait3A_107 = arith.constant 0 : i32
      %dma_wait3A_108 = tpu.memref_slice %arg2[%add3A_53, %dma_wait3A, %dma_wait3A_107] : memref<64x20x128xi32, #tpu.memory_space<hbm>> -> memref<1x20x128xi32, #tpu.memory_space<hbm>>
      %dma_wait3A_109 = tpu.memref_squeeze %dma_wait3A_108 : memref<1x20x128xi32, #tpu.memory_space<hbm>> -> memref<20x128xi32, #tpu.memory_space<hbm>>
      %dma_wait3A_110 = arith.constant 0 : i32
      %dma_wait3A_111 = arith.constant 0 : i32
      %dma_wait3A_112 = tpu.memref_slice %arg2[%add3A_53, %dma_wait3A_110, %dma_wait3A_111] : memref<64x20x128xi32, #tpu.memory_space<hbm>> -> memref<1x20x128xi32, #tpu.memory_space<hbm>>
      %dma_wait3A_113 = tpu.memref_squeeze %dma_wait3A_112 : memref<1x20x128xi32, #tpu.memory_space<hbm>> -> memref<20x128xi32, #tpu.memory_space<hbm>>
      tpu.wait_dma2 semaphore(%run_scoped3A : memref<!tpu.dma_semaphore, #tpu.memory_space<semaphore_mem>>) src(%dma_wait3A_113 : memref<20x128xi32, #tpu.memory_space<hbm>>) dst(%arg8 : memref<20x128xi32, #tpu.memory_space<vmem>>)
      tpu.yield
    }) : () -> ()
    %mul3A_54 = arith.constant 4 : i32
    %mul3A_55 = arith.muli %arg1, %mul3A_54 : i32
    %add3A_56 = arith.constant 1 : i32
    %add3A_57 = arith.addi %mul3A_55, %add3A_56 : i32
    "tpu.region"() ({
      %run_scoped3A = tpu.sem_alloc : memref<!tpu.dma_semaphore, #tpu.memory_space<semaphore_mem>>
      %dma_start3A = arith.constant 0 : i32
      %dma_start3A_100 = arith.constant 0 : i32
      %dma_start3A_101 = tpu.memref_slice %arg3[%add3A_57, %dma_start3A, %dma_start3A_100] : memref<64x20x128xi32, #tpu.memory_space<hbm>> -> memref<1x20x128xi32, #tpu.memory_space<hbm>>
      %dma_start3A_102 = tpu.memref_squeeze %dma_start3A_101 : memref<1x20x128xi32, #tpu.memory_space<hbm>> -> memref<20x128xi32, #tpu.memory_space<hbm>>
      %dma_start3A_103 = arith.constant 0 : i32
      %dma_start3A_104 = arith.constant 0 : i32
      %dma_start3A_105 = tpu.memref_slice %arg3[%add3A_57, %dma_start3A_103, %dma_start3A_104] : memref<64x20x128xi32, #tpu.memory_space<hbm>> -> memref<1x20x128xi32, #tpu.memory_space<hbm>>
      %dma_start3A_106 = tpu.memref_squeeze %dma_start3A_105 : memref<1x20x128xi32, #tpu.memory_space<hbm>> -> memref<20x128xi32, #tpu.memory_space<hbm>>
      tpu.enqueue_dma source(%dma_start3A_106 : memref<20x128xi32, #tpu.memory_space<hbm>>) target(%arg9 : memref<20x128xi32, #tpu.memory_space<vmem>>) target_semaphore(%run_scoped3A : memref<!tpu.dma_semaphore, #tpu.memory_space<semaphore_mem>>)
      %dma_wait3A = arith.constant 0 : i32
      %dma_wait3A_107 = arith.constant 0 : i32
      %dma_wait3A_108 = tpu.memref_slice %arg3[%add3A_57, %dma_wait3A, %dma_wait3A_107] : memref<64x20x128xi32, #tpu.memory_space<hbm>> -> memref<1x20x128xi32, #tpu.memory_space<hbm>>
      %dma_wait3A_109 = tpu.memref_squeeze %dma_wait3A_108 : memref<1x20x128xi32, #tpu.memory_space<hbm>> -> memref<20x128xi32, #tpu.memory_space<hbm>>
      %dma_wait3A_110 = arith.constant 0 : i32
      %dma_wait3A_111 = arith.constant 0 : i32
      %dma_wait3A_112 = tpu.memref_slice %arg3[%add3A_57, %dma_wait3A_110, %dma_wait3A_111] : memref<64x20x128xi32, #tpu.memory_space<hbm>> -> memref<1x20x128xi32, #tpu.memory_space<hbm>>
      %dma_wait3A_113 = tpu.memref_squeeze %dma_wait3A_112 : memref<1x20x128xi32, #tpu.memory_space<hbm>> -> memref<20x128xi32, #tpu.memory_space<hbm>>
      tpu.wait_dma2 semaphore(%run_scoped3A : memref<!tpu.dma_semaphore, #tpu.memory_space<semaphore_mem>>) src(%dma_wait3A_113 : memref<20x128xi32, #tpu.memory_space<hbm>>) dst(%arg9 : memref<20x128xi32, #tpu.memory_space<vmem>>)
      tpu.yield
    }) : () -> ()
    %scan3A_58 = arith.constant 0 : i32
    %scan3A_59 = arith.constant 0 : i32
    %scan3A_60 = arith.constant 4 : i32
    %scan3A_61 = arith.addi %scan3A_59, %scan3A_60 : i32
    %scan3A_62 = arith.constant 1 : i32
    scf.for %scan3A_100 = %scan3A_59 to %scan3A_61 step %scan3A_62  : i32 {
      %mul3A_101 = arith.constant 5 : i32
      %mul3A_102 = arith.muli %mul3A_101, %scan3A_100 : i32
      %add3A_103 = arith.constant 0 : i32
      %add3A_104 = arith.addi %mul3A_102, %add3A_103 : i32
      %dma_start3A = arith.constant 0 : i32
      %dma_start3A_105 = arith.constant 0 : i32
      %dma_start3A_106 = arith.constant 0 : i32
      %dma_start3A_107 = tpu.memref_slice %arg10[%dma_start3A, %dma_start3A_105, %dma_start3A_106] : memref<5x128x128xbf16, #tpu.memory_space<vmem>> -> memref<1x128x128xbf16, #tpu.memory_space<vmem>>
      %dma_start3A_108 = tpu.memref_squeeze %dma_start3A_107 : memref<1x128x128xbf16, #tpu.memory_space<vmem>> -> memref<128x128xbf16, #tpu.memory_space<vmem>>
      %dma_start3A_109 = arith.constant 0 : i32
      %dma_start3A_110 = tpu.memref_slice %arg8[%add3A_104, %dma_start3A_109] : memref<20x128xi32, #tpu.memory_space<vmem>> -> memref<1x128xi32, #tpu.memory_space<vmem>>
      %dma_start3A_111 = tpu.memref_squeeze %dma_start3A_110 : memref<1x128xi32, #tpu.memory_space<vmem>> -> memref<128xi32, #tpu.memory_space<vmem>>
      %dma_start3A_112 = arith.constant 0 : i32
      %dma_start3A_113 = arith.constant 0 : i32
      %dma_start3A_114 = tpu.memref_slice %arg11[%dma_start3A_112, %dma_start3A_113] : memref<10000x128xbf16, #tpu.memory_space<vmem_shared>> -> memref<10000x128xbf16, #tpu.memory_space<vmem_shared>>
      tpu.enqueue_indirect_dma source(%dma_start3A_114 : memref<10000x128xbf16, #tpu.memory_space<vmem_shared>>) target(%dma_start3A_108 : memref<128x128xbf16, #tpu.memory_space<vmem>>) offsets(%dma_start3A_111 : memref<128xi32, #tpu.memory_space<vmem>>) semaphore(%arg13 : memref<!tpu.dma_semaphore, #tpu.memory_space<semaphore_mem>>)
      %add3A_115 = arith.constant 1 : i32
      %add3A_116 = arith.addi %mul3A_102, %add3A_115 : i32
      %dma_start3A_117 = arith.constant 1 : i32
      %dma_start3A_118 = arith.constant 0 : i32
      %dma_start3A_119 = arith.constant 0 : i32
      %dma_start3A_120 = tpu.memref_slice %arg10[%dma_start3A_117, %dma_start3A_118, %dma_start3A_119] : memref<5x128x128xbf16, #tpu.memory_space<vmem>> -> memref<1x128x128xbf16, #tpu.memory_space<vmem>>
      %dma_start3A_121 = tpu.memref_squeeze %dma_start3A_120 : memref<1x128x128xbf16, #tpu.memory_space<vmem>> -> memref<128x128xbf16, #tpu.memory_space<vmem>>
      %dma_start3A_122 = arith.constant 0 : i32
      %dma_start3A_123 = tpu.memref_slice %arg8[%add3A_116, %dma_start3A_122] : memref<20x128xi32, #tpu.memory_space<vmem>> -> memref<1x128xi32, #tpu.memory_space<vmem>>
      %dma_start3A_124 = tpu.memref_squeeze %dma_start3A_123 : memref<1x128xi32, #tpu.memory_space<vmem>> -> memref<128xi32, #tpu.memory_space<vmem>>
      %dma_start3A_125 = arith.constant 0 : i32
      %dma_start3A_126 = arith.constant 0 : i32
      %dma_start3A_127 = tpu.memref_slice %arg11[%dma_start3A_125, %dma_start3A_126] : memref<10000x128xbf16, #tpu.memory_space<vmem_shared>> -> memref<10000x128xbf16, #tpu.memory_space<vmem_shared>>
      tpu.enqueue_indirect_dma source(%dma_start3A_127 : memref<10000x128xbf16, #tpu.memory_space<vmem_shared>>) target(%dma_start3A_121 : memref<128x128xbf16, #tpu.memory_space<vmem>>) offsets(%dma_start3A_124 : memref<128xi32, #tpu.memory_space<vmem>>) semaphore(%arg13 : memref<!tpu.dma_semaphore, #tpu.memory_space<semaphore_mem>>)
      %add3A_128 = arith.constant 2 : i32
      %add3A_129 = arith.addi %mul3A_102, %add3A_128 : i32
      %dma_start3A_130 = arith.constant 2 : i32
      %dma_start3A_131 = arith.constant 0 : i32
      %dma_start3A_132 = arith.constant 0 : i32
      %dma_start3A_133 = tpu.memref_slice %arg10[%dma_start3A_130, %dma_start3A_131, %dma_start3A_132] : memref<5x128x128xbf16, #tpu.memory_space<vmem>> -> memref<1x128x128xbf16, #tpu.memory_space<vmem>>
      %dma_start3A_134 = tpu.memref_squeeze %dma_start3A_133 : memref<1x128x128xbf16, #tpu.memory_space<vmem>> -> memref<128x128xbf16, #tpu.memory_space<vmem>>
      %dma_start3A_135 = arith.constant 0 : i32
      %dma_start3A_136 = tpu.memref_slice %arg8[%add3A_129, %dma_start3A_135] : memref<20x128xi32, #tpu.memory_space<vmem>> -> memref<1x128xi32, #tpu.memory_space<vmem>>
      %dma_start3A_137 = tpu.memref_squeeze %dma_start3A_136 : memref<1x128xi32, #tpu.memory_space<vmem>> -> memref<128xi32, #tpu.memory_space<vmem>>
      %dma_start3A_138 = arith.constant 0 : i32
      %dma_start3A_139 = arith.constant 0 : i32
      %dma_start3A_140 = tpu.memref_slice %arg11[%dma_start3A_138, %dma_start3A_139] : memref<10000x128xbf16, #tpu.memory_space<vmem_shared>> -> memref<10000x128xbf16, #tpu.memory_space<vmem_shared>>
      tpu.enqueue_indirect_dma source(%dma_start3A_140 : memref<10000x128xbf16, #tpu.memory_space<vmem_shared>>) target(%dma_start3A_134 : memref<128x128xbf16, #tpu.memory_space<vmem>>) offsets(%dma_start3A_137 : memref<128xi32, #tpu.memory_space<vmem>>) semaphore(%arg13 : memref<!tpu.dma_semaphore, #tpu.memory_space<semaphore_mem>>)
      %add3A_141 = arith.constant 3 : i32
      %add3A_142 = arith.addi %mul3A_102, %add3A_141 : i32
      %dma_start3A_143 = arith.constant 3 : i32
      %dma_start3A_144 = arith.constant 0 : i32
      %dma_start3A_145 = arith.constant 0 : i32
      %dma_start3A_146 = tpu.memref_slice %arg10[%dma_start3A_143, %dma_start3A_144, %dma_start3A_145] : memref<5x128x128xbf16, #tpu.memory_space<vmem>> -> memref<1x128x128xbf16, #tpu.memory_space<vmem>>
      %dma_start3A_147 = tpu.memref_squeeze %dma_start3A_146 : memref<1x128x128xbf16, #tpu.memory_space<vmem>> -> memref<128x128xbf16, #tpu.memory_space<vmem>>
      %dma_start3A_148 = arith.constant 0 : i32
      %dma_start3A_149 = tpu.memref_slice %arg8[%add3A_142, %dma_start3A_148] : memref<20x128xi32, #tpu.memory_space<vmem>> -> memref<1x128xi32, #tpu.memory_space<vmem>>
      %dma_start3A_150 = tpu.memref_squeeze %dma_start3A_149 : memref<1x128xi32, #tpu.memory_space<vmem>> -> memref<128xi32, #tpu.memory_space<vmem>>
      %dma_start3A_151 = arith.constant 0 : i32
      %dma_start3A_152 = arith.constant 0 : i32
      %dma_start3A_153 = tpu.memref_slice %arg11[%dma_start3A_151, %dma_start3A_152] : memref<10000x128xbf16, #tpu.memory_space<vmem_shared>> -> memref<10000x128xbf16, #tpu.memory_space<vmem_shared>>
      tpu.enqueue_indirect_dma source(%dma_start3A_153 : memref<10000x128xbf16, #tpu.memory_space<vmem_shared>>) target(%dma_start3A_147 : memref<128x128xbf16, #tpu.memory_space<vmem>>) offsets(%dma_start3A_150 : memref<128xi32, #tpu.memory_space<vmem>>) semaphore(%arg13 : memref<!tpu.dma_semaphore, #tpu.memory_space<semaphore_mem>>)
      %add3A_154 = arith.constant 4 : i32
      %add3A_155 = arith.addi %mul3A_102, %add3A_154 : i32
      %dma_start3A_156 = arith.constant 4 : i32
      %dma_start3A_157 = arith.constant 0 : i32
      %dma_start3A_158 = arith.constant 0 : i32
      %dma_start3A_159 = tpu.memref_slice %arg10[%dma_start3A_156, %dma_start3A_157, %dma_start3A_158] : memref<5x128x128xbf16, #tpu.memory_space<vmem>> -> memref<1x128x128xbf16, #tpu.memory_space<vmem>>
      %dma_start3A_160 = tpu.memref_squeeze %dma_start3A_159 : memref<1x128x128xbf16, #tpu.memory_space<vmem>> -> memref<128x128xbf16, #tpu.memory_space<vmem>>
      %dma_start3A_161 = arith.constant 0 : i32
      %dma_start3A_162 = tpu.memref_slice %arg8[%add3A_155, %dma_start3A_161] : memref<20x128xi32, #tpu.memory_space<vmem>> -> memref<1x128xi32, #tpu.memory_space<vmem>>
      %dma_start3A_163 = tpu.memref_squeeze %dma_start3A_162 : memref<1x128xi32, #tpu.memory_space<vmem>> -> memref<128xi32, #tpu.memory_space<vmem>>
      %dma_start3A_164 = arith.constant 0 : i32
      %dma_start3A_165 = arith.constant 0 : i32
      %dma_start3A_166 = tpu.memref_slice %arg11[%dma_start3A_164, %dma_start3A_165] : memref<10000x128xbf16, #tpu.memory_space<vmem_shared>> -> memref<10000x128xbf16, #tpu.memory_space<vmem_shared>>
      tpu.enqueue_indirect_dma source(%dma_start3A_166 : memref<10000x128xbf16, #tpu.memory_space<vmem_shared>>) target(%dma_start3A_160 : memref<128x128xbf16, #tpu.memory_space<vmem>>) offsets(%dma_start3A_163 : memref<128xi32, #tpu.memory_space<vmem>>) semaphore(%arg13 : memref<!tpu.dma_semaphore, #tpu.memory_space<semaphore_mem>>)
      %dma_wait3A = arith.constant 0 : i32
      %dma_wait3A_167 = arith.constant 0 : i32
      %dma_wait3A_168 = arith.constant 0 : i32
      %dma_wait3A_169 = tpu.memref_slice %arg10[%dma_wait3A, %dma_wait3A_167, %dma_wait3A_168] : memref<5x128x128xbf16, #tpu.memory_space<vmem>> -> memref<1x128x128xbf16, #tpu.memory_space<vmem>>
      %dma_wait3A_170 = tpu.memref_squeeze %dma_wait3A_169 : memref<1x128x128xbf16, #tpu.memory_space<vmem>> -> memref<128x128xbf16, #tpu.memory_space<vmem>>
      %dma_wait3A_171 = arith.constant 0 : i32
      %dma_wait3A_172 = tpu.memref_slice %arg8[%add3A_104, %dma_wait3A_171] : memref<20x128xi32, #tpu.memory_space<vmem>> -> memref<1x128xi32, #tpu.memory_space<vmem>>
      %dma_wait3A_173 = tpu.memref_squeeze %dma_wait3A_172 : memref<1x128xi32, #tpu.memory_space<vmem>> -> memref<128xi32, #tpu.memory_space<vmem>>
      %dma_wait3A_174 = arith.constant 0 : i32
      %dma_wait3A_175 = arith.constant 0 : i32
      %dma_wait3A_176 = tpu.memref_slice %arg11[%dma_wait3A_174, %dma_wait3A_175] : memref<10000x128xbf16, #tpu.memory_space<vmem_shared>> -> memref<10000x128xbf16, #tpu.memory_space<vmem_shared>>
      tpu.wait_indirect_dma semaphore(%arg13 : memref<!tpu.dma_semaphore, #tpu.memory_space<semaphore_mem>>) src(%dma_wait3A_176 : memref<10000x128xbf16, #tpu.memory_space<vmem_shared>>) dst(%dma_wait3A_170 : memref<128x128xbf16, #tpu.memory_space<vmem>>)
      %dma_wait3A_177 = arith.constant 1 : i32
      %dma_wait3A_178 = arith.constant 0 : i32
      %dma_wait3A_179 = arith.constant 0 : i32
      %dma_wait3A_180 = tpu.memref_slice %arg10[%dma_wait3A_177, %dma_wait3A_178, %dma_wait3A_179] : memref<5x128x128xbf16, #tpu.memory_space<vmem>> -> memref<1x128x128xbf16, #tpu.memory_space<vmem>>
      %dma_wait3A_181 = tpu.memref_squeeze %dma_wait3A_180 : memref<1x128x128xbf16, #tpu.memory_space<vmem>> -> memref<128x128xbf16, #tpu.memory_space<vmem>>
      %dma_wait3A_182 = arith.constant 0 : i32
      %dma_wait3A_183 = tpu.memref_slice %arg8[%add3A_116, %dma_wait3A_182] : memref<20x128xi32, #tpu.memory_space<vmem>> -> memref<1x128xi32, #tpu.memory_space<vmem>>
      %dma_wait3A_184 = tpu.memref_squeeze %dma_wait3A_183 : memref<1x128xi32, #tpu.memory_space<vmem>> -> memref<128xi32, #tpu.memory_space<vmem>>
      %dma_wait3A_185 = arith.constant 0 : i32
      %dma_wait3A_186 = arith.constant 0 : i32
      %dma_wait3A_187 = tpu.memref_slice %arg11[%dma_wait3A_185, %dma_wait3A_186] : memref<10000x128xbf16, #tpu.memory_space<vmem_shared>> -> memref<10000x128xbf16, #tpu.memory_space<vmem_shared>>
      tpu.wait_indirect_dma semaphore(%arg13 : memref<!tpu.dma_semaphore, #tpu.memory_space<semaphore_mem>>) src(%dma_wait3A_187 : memref<10000x128xbf16, #tpu.memory_space<vmem_shared>>) dst(%dma_wait3A_181 : memref<128x128xbf16, #tpu.memory_space<vmem>>)
      %dma_wait3A_188 = arith.constant 2 : i32
      %dma_wait3A_189 = arith.constant 0 : i32
      %dma_wait3A_190 = arith.constant 0 : i32
      %dma_wait3A_191 = tpu.memref_slice %arg10[%dma_wait3A_188, %dma_wait3A_189, %dma_wait3A_190] : memref<5x128x128xbf16, #tpu.memory_space<vmem>> -> memref<1x128x128xbf16, #tpu.memory_space<vmem>>
      %dma_wait3A_192 = tpu.memref_squeeze %dma_wait3A_191 : memref<1x128x128xbf16, #tpu.memory_space<vmem>> -> memref<128x128xbf16, #tpu.memory_space<vmem>>
      %dma_wait3A_193 = arith.constant 0 : i32
      %dma_wait3A_194 = tpu.memref_slice %arg8[%add3A_129, %dma_wait3A_193] : memref<20x128xi32, #tpu.memory_space<vmem>> -> memref<1x128xi32, #tpu.memory_space<vmem>>
      %dma_wait3A_195 = tpu.memref_squeeze %dma_wait3A_194 : memref<1x128xi32, #tpu.memory_space<vmem>> -> memref<128xi32, #tpu.memory_space<vmem>>
      %dma_wait3A_196 = arith.constant 0 : i32
      %dma_wait3A_197 = arith.constant 0 : i32
      %dma_wait3A_198 = tpu.memref_slice %arg11[%dma_wait3A_196, %dma_wait3A_197] : memref<10000x128xbf16, #tpu.memory_space<vmem_shared>> -> memref<10000x128xbf16, #tpu.memory_space<vmem_shared>>
      tpu.wait_indirect_dma semaphore(%arg13 : memref<!tpu.dma_semaphore, #tpu.memory_space<semaphore_mem>>) src(%dma_wait3A_198 : memref<10000x128xbf16, #tpu.memory_space<vmem_shared>>) dst(%dma_wait3A_192 : memref<128x128xbf16, #tpu.memory_space<vmem>>)
      %dma_wait3A_199 = arith.constant 3 : i32
      %dma_wait3A_200 = arith.constant 0 : i32
      %dma_wait3A_201 = arith.constant 0 : i32
      %dma_wait3A_202 = tpu.memref_slice %arg10[%dma_wait3A_199, %dma_wait3A_200, %dma_wait3A_201] : memref<5x128x128xbf16, #tpu.memory_space<vmem>> -> memref<1x128x128xbf16, #tpu.memory_space<vmem>>
      %dma_wait3A_203 = tpu.memref_squeeze %dma_wait3A_202 : memref<1x128x128xbf16, #tpu.memory_space<vmem>> -> memref<128x128xbf16, #tpu.memory_space<vmem>>
      %dma_wait3A_204 = arith.constant 0 : i32
      %dma_wait3A_205 = tpu.memref_slice %arg8[%add3A_142, %dma_wait3A_204] : memref<20x128xi32, #tpu.memory_space<vmem>> -> memref<1x128xi32, #tpu.memory_space<vmem>>
      %dma_wait3A_206 = tpu.memref_squeeze %dma_wait3A_205 : memref<1x128xi32, #tpu.memory_space<vmem>> -> memref<128xi32, #tpu.memory_space<vmem>>
      %dma_wait3A_207 = arith.constant 0 : i32
      %dma_wait3A_208 = arith.constant 0 : i32
      %dma_wait3A_209 = tpu.memref_slice %arg11[%dma_wait3A_207, %dma_wait3A_208] : memref<10000x128xbf16, #tpu.memory_space<vmem_shared>> -> memref<10000x128xbf16, #tpu.memory_space<vmem_shared>>
      tpu.wait_indirect_dma semaphore(%arg13 : memref<!tpu.dma_semaphore, #tpu.memory_space<semaphore_mem>>) src(%dma_wait3A_209 : memref<10000x128xbf16, #tpu.memory_space<vmem_shared>>) dst(%dma_wait3A_203 : memref<128x128xbf16, #tpu.memory_space<vmem>>)
      %dma_wait3A_210 = arith.constant 4 : i32
      %dma_wait3A_211 = arith.constant 0 : i32
      %dma_wait3A_212 = arith.constant 0 : i32
      %dma_wait3A_213 = tpu.memref_slice %arg10[%dma_wait3A_210, %dma_wait3A_211, %dma_wait3A_212] : memref<5x128x128xbf16, #tpu.memory_space<vmem>> -> memref<1x128x128xbf16, #tpu.memory_space<vmem>>
      %dma_wait3A_214 = tpu.memref_squeeze %dma_wait3A_213 : memref<1x128x128xbf16, #tpu.memory_space<vmem>> -> memref<128x128xbf16, #tpu.memory_space<vmem>>
      %dma_wait3A_215 = arith.constant 0 : i32
      %dma_wait3A_216 = tpu.memref_slice %arg8[%add3A_155, %dma_wait3A_215] : memref<20x128xi32, #tpu.memory_space<vmem>> -> memref<1x128xi32, #tpu.memory_space<vmem>>
      %dma_wait3A_217 = tpu.memref_squeeze %dma_wait3A_216 : memref<1x128xi32, #tpu.memory_space<vmem>> -> memref<128xi32, #tpu.memory_space<vmem>>
      %dma_wait3A_218 = arith.constant 0 : i32
      %dma_wait3A_219 = arith.constant 0 : i32
      %dma_wait3A_220 = tpu.memref_slice %arg11[%dma_wait3A_218, %dma_wait3A_219] : memref<10000x128xbf16, #tpu.memory_space<vmem_shared>> -> memref<10000x128xbf16, #tpu.memory_space<vmem_shared>>
      tpu.wait_indirect_dma semaphore(%arg13 : memref<!tpu.dma_semaphore, #tpu.memory_space<semaphore_mem>>) src(%dma_wait3A_220 : memref<10000x128xbf16, #tpu.memory_space<vmem_shared>>) dst(%dma_wait3A_214 : memref<128x128xbf16, #tpu.memory_space<vmem>>)
      %add3A_221 = arith.constant 0 : i32
      %add3A_222 = arith.addi %mul3A_102, %add3A_221 : i32
      %dma_start3A_223 = arith.constant 0 : i32
      %dma_start3A_224 = arith.constant 0 : i32
      %dma_start3A_225 = arith.constant 0 : i32
      %dma_start3A_226 = tpu.memref_slice %arg10[%dma_start3A_223, %dma_start3A_224, %dma_start3A_225] : memref<5x128x128xbf16, #tpu.memory_space<vmem>> -> memref<1x128x128xbf16, #tpu.memory_space<vmem>>
      %dma_start3A_227 = tpu.memref_squeeze %dma_start3A_226 : memref<1x128x128xbf16, #tpu.memory_space<vmem>> -> memref<128x128xbf16, #tpu.memory_space<vmem>>
      %dma_start3A_228 = arith.constant 0 : i32
      %dma_start3A_229 = tpu.memref_slice %arg9[%add3A_222, %dma_start3A_228] : memref<20x128xi32, #tpu.memory_space<vmem>> -> memref<1x128xi32, #tpu.memory_space<vmem>>
      %dma_start3A_230 = tpu.memref_squeeze %dma_start3A_229 : memref<1x128xi32, #tpu.memory_space<vmem>> -> memref<128xi32, #tpu.memory_space<vmem>>
      %dma_start3A_231 = arith.constant 0 : i32
      %dma_start3A_232 = arith.constant 0 : i32
      %dma_start3A_233 = tpu.memref_slice %arg12[%dma_start3A_231, %dma_start3A_232] : memref<10112x128xbf16, #tpu.memory_space<vmem_shared>> -> memref<10112x128xbf16, #tpu.memory_space<vmem_shared>>
      tpu.enqueue_indirect_dma source(%dma_start3A_227 : memref<128x128xbf16, #tpu.memory_space<vmem>>) target(%dma_start3A_233 : memref<10112x128xbf16, #tpu.memory_space<vmem_shared>>) offsets(%dma_start3A_230 : memref<128xi32, #tpu.memory_space<vmem>>) semaphore(%arg14 : memref<!tpu.dma_semaphore, #tpu.memory_space<semaphore_mem>>) {add = true}
      %add3A_234 = arith.constant 1 : i32
      %add3A_235 = arith.addi %mul3A_102, %add3A_234 : i32
      %dma_start3A_236 = arith.constant 1 : i32
      %dma_start3A_237 = arith.constant 0 : i32
      %dma_start3A_238 = arith.constant 0 : i32
      %dma_start3A_239 = tpu.memref_slice %arg10[%dma_start3A_236, %dma_start3A_237, %dma_start3A_238] : memref<5x128x128xbf16, #tpu.memory_space<vmem>> -> memref<1x128x128xbf16, #tpu.memory_space<vmem>>
      %dma_start3A_240 = tpu.memref_squeeze %dma_start3A_239 : memref<1x128x128xbf16, #tpu.memory_space<vmem>> -> memref<128x128xbf16, #tpu.memory_space<vmem>>
      %dma_start3A_241 = arith.constant 0 : i32
      %dma_start3A_242 = tpu.memref_slice %arg9[%add3A_235, %dma_start3A_241] : memref<20x128xi32, #tpu.memory_space<vmem>> -> memref<1x128xi32, #tpu.memory_space<vmem>>
      %dma_start3A_243 = tpu.memref_squeeze %dma_start3A_242 : memref<1x128xi32, #tpu.memory_space<vmem>> -> memref<128xi32, #tpu.memory_space<vmem>>
      %dma_start3A_244 = arith.constant 0 : i32
      %dma_start3A_245 = arith.constant 0 : i32
      %dma_start3A_246 = tpu.memref_slice %arg12[%dma_start3A_244, %dma_start3A_245] : memref<10112x128xbf16, #tpu.memory_space<vmem_shared>> -> memref<10112x128xbf16, #tpu.memory_space<vmem_shared>>
      tpu.enqueue_indirect_dma source(%dma_start3A_240 : memref<128x128xbf16, #tpu.memory_space<vmem>>) target(%dma_start3A_246 : memref<10112x128xbf16, #tpu.memory_space<vmem_shared>>) offsets(%dma_start3A_243 : memref<128xi32, #tpu.memory_space<vmem>>) semaphore(%arg14 : memref<!tpu.dma_semaphore, #tpu.memory_space<semaphore_mem>>) {add = true}
      %add3A_247 = arith.constant 2 : i32
      %add3A_248 = arith.addi %mul3A_102, %add3A_247 : i32
      %dma_start3A_249 = arith.constant 2 : i32
      %dma_start3A_250 = arith.constant 0 : i32
      %dma_start3A_251 = arith.constant 0 : i32
      %dma_start3A_252 = tpu.memref_slice %arg10[%dma_start3A_249, %dma_start3A_250, %dma_start3A_251] : memref<5x128x128xbf16, #tpu.memory_space<vmem>> -> memref<1x128x128xbf16, #tpu.memory_space<vmem>>
      %dma_start3A_253 = tpu.memref_squeeze %dma_start3A_252 : memref<1x128x128xbf16, #tpu.memory_space<vmem>> -> memref<128x128xbf16, #tpu.memory_space<vmem>>
      %dma_start3A_254 = arith.constant 0 : i32
      %dma_start3A_255 = tpu.memref_slice %arg9[%add3A_248, %dma_start3A_254] : memref<20x128xi32, #tpu.memory_space<vmem>> -> memref<1x128xi32, #tpu.memory_space<vmem>>
      %dma_start3A_256 = tpu.memref_squeeze %dma_start3A_255 : memref<1x128xi32, #tpu.memory_space<vmem>> -> memref<128xi32, #tpu.memory_space<vmem>>
      %dma_start3A_257 = arith.constant 0 : i32
      %dma_start3A_258 = arith.constant 0 : i32
      %dma_start3A_259 = tpu.memref_slice %arg12[%dma_start3A_257, %dma_start3A_258] : memref<10112x128xbf16, #tpu.memory_space<vmem_shared>> -> memref<10112x128xbf16, #tpu.memory_space<vmem_shared>>
      tpu.enqueue_indirect_dma source(%dma_start3A_253 : memref<128x128xbf16, #tpu.memory_space<vmem>>) target(%dma_start3A_259 : memref<10112x128xbf16, #tpu.memory_space<vmem_shared>>) offsets(%dma_start3A_256 : memref<128xi32, #tpu.memory_space<vmem>>) semaphore(%arg14 : memref<!tpu.dma_semaphore, #tpu.memory_space<semaphore_mem>>) {add = true}
      %add3A_260 = arith.constant 3 : i32
      %add3A_261 = arith.addi %mul3A_102, %add3A_260 : i32
      %dma_start3A_262 = arith.constant 3 : i32
      %dma_start3A_263 = arith.constant 0 : i32
      %dma_start3A_264 = arith.constant 0 : i32
      %dma_start3A_265 = tpu.memref_slice %arg10[%dma_start3A_262, %dma_start3A_263, %dma_start3A_264] : memref<5x128x128xbf16, #tpu.memory_space<vmem>> -> memref<1x128x128xbf16, #tpu.memory_space<vmem>>
      %dma_start3A_266 = tpu.memref_squeeze %dma_start3A_265 : memref<1x128x128xbf16, #tpu.memory_space<vmem>> -> memref<128x128xbf16, #tpu.memory_space<vmem>>
      %dma_start3A_267 = arith.constant 0 : i32
      %dma_start3A_268 = tpu.memref_slice %arg9[%add3A_261, %dma_start3A_267] : memref<20x128xi32, #tpu.memory_space<vmem>> -> memref<1x128xi32, #tpu.memory_space<vmem>>
      %dma_start3A_269 = tpu.memref_squeeze %dma_start3A_268 : memref<1x128xi32, #tpu.memory_space<vmem>> -> memref<128xi32, #tpu.memory_space<vmem>>
      %dma_start3A_270 = arith.constant 0 : i32
      %dma_start3A_271 = arith.constant 0 : i32
      %dma_start3A_272 = tpu.memref_slice %arg12[%dma_start3A_270, %dma_start3A_271] : memref<10112x128xbf16, #tpu.memory_space<vmem_shared>> -> memref<10112x128xbf16, #tpu.memory_space<vmem_shared>>
      tpu.enqueue_indirect_dma source(%dma_start3A_266 : memref<128x128xbf16, #tpu.memory_space<vmem>>) target(%dma_start3A_272 : memref<10112x128xbf16, #tpu.memory_space<vmem_shared>>) offsets(%dma_start3A_269 : memref<128xi32, #tpu.memory_space<vmem>>) semaphore(%arg14 : memref<!tpu.dma_semaphore, #tpu.memory_space<semaphore_mem>>) {add = true}
      %add3A_273 = arith.constant 4 : i32
      %add3A_274 = arith.addi %mul3A_102, %add3A_273 : i32
      %dma_start3A_275 = arith.constant 4 : i32
      %dma_start3A_276 = arith.constant 0 : i32
      %dma_start3A_277 = arith.constant 0 : i32
      %dma_start3A_278 = tpu.memref_slice %arg10[%dma_start3A_275, %dma_start3A_276, %dma_start3A_277] : memref<5x128x128xbf16, #tpu.memory_space<vmem>> -> memref<1x128x128xbf16, #tpu.memory_space<vmem>>
      %dma_start3A_279 = tpu.memref_squeeze %dma_start3A_278 : memref<1x128x128xbf16, #tpu.memory_space<vmem>> -> memref<128x128xbf16, #tpu.memory_space<vmem>>
      %dma_start3A_280 = arith.constant 0 : i32
      %dma_start3A_281 = tpu.memref_slice %arg9[%add3A_274, %dma_start3A_280] : memref<20x128xi32, #tpu.memory_space<vmem>> -> memref<1x128xi32, #tpu.memory_space<vmem>>
      %dma_start3A_282 = tpu.memref_squeeze %dma_start3A_281 : memref<1x128xi32, #tpu.memory_space<vmem>> -> memref<128xi32, #tpu.memory_space<vmem>>
      %dma_start3A_283 = arith.constant 0 : i32
      %dma_start3A_284 = arith.constant 0 : i32
      %dma_start3A_285 = tpu.memref_slice %arg12[%dma_start3A_283, %dma_start3A_284] : memref<10112x128xbf16, #tpu.memory_space<vmem_shared>> -> memref<10112x128xbf16, #tpu.memory_space<vmem_shared>>
      tpu.enqueue_indirect_dma source(%dma_start3A_279 : memref<128x128xbf16, #tpu.memory_space<vmem>>) target(%dma_start3A_285 : memref<10112x128xbf16, #tpu.memory_space<vmem_shared>>) offsets(%dma_start3A_282 : memref<128xi32, #tpu.memory_space<vmem>>) semaphore(%arg14 : memref<!tpu.dma_semaphore, #tpu.memory_space<semaphore_mem>>) {add = true}
      %dma_wait3A_286 = arith.constant 0 : i32
      %dma_wait3A_287 = arith.constant 0 : i32
      %dma_wait3A_288 = arith.constant 0 : i32
      %dma_wait3A_289 = tpu.memref_slice %arg10[%dma_wait3A_286, %dma_wait3A_287, %dma_wait3A_288] : memref<5x128x128xbf16, #tpu.memory_space<vmem>> -> memref<1x128x128xbf16, #tpu.memory_space<vmem>>
      %dma_wait3A_290 = tpu.memref_squeeze %dma_wait3A_289 : memref<1x128x128xbf16, #tpu.memory_space<vmem>> -> memref<128x128xbf16, #tpu.memory_space<vmem>>
      %dma_wait3A_291 = arith.constant 0 : i32
      %dma_wait3A_292 = tpu.memref_slice %arg9[%add3A_222, %dma_wait3A_291] : memref<20x128xi32, #tpu.memory_space<vmem>> -> memref<1x128xi32, #tpu.memory_space<vmem>>
      %dma_wait3A_293 = tpu.memref_squeeze %dma_wait3A_292 : memref<1x128xi32, #tpu.memory_space<vmem>> -> memref<128xi32, #tpu.memory_space<vmem>>
      %dma_wait3A_294 = arith.constant 0 : i32
      %dma_wait3A_295 = arith.constant 0 : i32
      %dma_wait3A_296 = tpu.memref_slice %arg12[%dma_wait3A_294, %dma_wait3A_295] : memref<10112x128xbf16, #tpu.memory_space<vmem_shared>> -> memref<10112x128xbf16, #tpu.memory_space<vmem_shared>>
      tpu.wait_indirect_dma semaphore(%arg14 : memref<!tpu.dma_semaphore, #tpu.memory_space<semaphore_mem>>) src(%dma_wait3A_290 : memref<128x128xbf16, #tpu.memory_space<vmem>>) dst(%dma_wait3A_296 : memref<10112x128xbf16, #tpu.memory_space<vmem_shared>>)
      %dma_wait3A_297 = arith.constant 1 : i32
      %dma_wait3A_298 = arith.constant 0 : i32
      %dma_wait3A_299 = arith.constant 0 : i32
      %dma_wait3A_300 = tpu.memref_slice %arg10[%dma_wait3A_297, %dma_wait3A_298, %dma_wait3A_299] : memref<5x128x128xbf16, #tpu.memory_space<vmem>> -> memref<1x128x128xbf16, #tpu.memory_space<vmem>>
      %dma_wait3A_301 = tpu.memref_squeeze %dma_wait3A_300 : memref<1x128x128xbf16, #tpu.memory_space<vmem>> -> memref<128x128xbf16, #tpu.memory_space<vmem>>
      %dma_wait3A_302 = arith.constant 0 : i32
      %dma_wait3A_303 = tpu.memref_slice %arg9[%add3A_235, %dma_wait3A_302] : memref<20x128xi32, #tpu.memory_space<vmem>> -> memref<1x128xi32, #tpu.memory_space<vmem>>
      %dma_wait3A_304 = tpu.memref_squeeze %dma_wait3A_303 : memref<1x128xi32, #tpu.memory_space<vmem>> -> memref<128xi32, #tpu.memory_space<vmem>>
      %dma_wait3A_305 = arith.constant 0 : i32
      %dma_wait3A_306 = arith.constant 0 : i32
      %dma_wait3A_307 = tpu.memref_slice %arg12[%dma_wait3A_305, %dma_wait3A_306] : memref<10112x128xbf16, #tpu.memory_space<vmem_shared>> -> memref<10112x128xbf16, #tpu.memory_space<vmem_shared>>
      tpu.wait_indirect_dma semaphore(%arg14 : memref<!tpu.dma_semaphore, #tpu.memory_space<semaphore_mem>>) src(%dma_wait3A_301 : memref<128x128xbf16, #tpu.memory_space<vmem>>) dst(%dma_wait3A_307 : memref<10112x128xbf16, #tpu.memory_space<vmem_shared>>)
      %dma_wait3A_308 = arith.constant 2 : i32
      %dma_wait3A_309 = arith.constant 0 : i32
      %dma_wait3A_310 = arith.constant 0 : i32
      %dma_wait3A_311 = tpu.memref_slice %arg10[%dma_wait3A_308, %dma_wait3A_309, %dma_wait3A_310] : memref<5x128x128xbf16, #tpu.memory_space<vmem>> -> memref<1x128x128xbf16, #tpu.memory_space<vmem>>
      %dma_wait3A_312 = tpu.memref_squeeze %dma_wait3A_311 : memref<1x128x128xbf16, #tpu.memory_space<vmem>> -> memref<128x128xbf16, #tpu.memory_space<vmem>>
      %dma_wait3A_313 = arith.constant 0 : i32
      %dma_wait3A_314 = tpu.memref_slice %arg9[%add3A_248, %dma_wait3A_313] : memref<20x128xi32, #tpu.memory_space<vmem>> -> memref<1x128xi32, #tpu.memory_space<vmem>>
      %dma_wait3A_315 = tpu.memref_squeeze %dma_wait3A_314 : memref<1x128xi32, #tpu.memory_space<vmem>> -> memref<128xi32, #tpu.memory_space<vmem>>
      %dma_wait3A_316 = arith.constant 0 : i32
      %dma_wait3A_317 = arith.constant 0 : i32
      %dma_wait3A_318 = tpu.memref_slice %arg12[%dma_wait3A_316, %dma_wait3A_317] : memref<10112x128xbf16, #tpu.memory_space<vmem_shared>> -> memref<10112x128xbf16, #tpu.memory_space<vmem_shared>>
      tpu.wait_indirect_dma semaphore(%arg14 : memref<!tpu.dma_semaphore, #tpu.memory_space<semaphore_mem>>) src(%dma_wait3A_312 : memref<128x128xbf16, #tpu.memory_space<vmem>>) dst(%dma_wait3A_318 : memref<10112x128xbf16, #tpu.memory_space<vmem_shared>>)
      %dma_wait3A_319 = arith.constant 3 : i32
      %dma_wait3A_320 = arith.constant 0 : i32
      %dma_wait3A_321 = arith.constant 0 : i32
      %dma_wait3A_322 = tpu.memref_slice %arg10[%dma_wait3A_319, %dma_wait3A_320, %dma_wait3A_321] : memref<5x128x128xbf16, #tpu.memory_space<vmem>> -> memref<1x128x128xbf16, #tpu.memory_space<vmem>>
      %dma_wait3A_323 = tpu.memref_squeeze %dma_wait3A_322 : memref<1x128x128xbf16, #tpu.memory_space<vmem>> -> memref<128x128xbf16, #tpu.memory_space<vmem>>
      %dma_wait3A_324 = arith.constant 0 : i32
      %dma_wait3A_325 = tpu.memref_slice %arg9[%add3A_261, %dma_wait3A_324] : memref<20x128xi32, #tpu.memory_space<vmem>> -> memref<1x128xi32, #tpu.memory_space<vmem>>
      %dma_wait3A_326 = tpu.memref_squeeze %dma_wait3A_325 : memref<1x128xi32, #tpu.memory_space<vmem>> -> memref<128xi32, #tpu.memory_space<vmem>>
      %dma_wait3A_327 = arith.constant 0 : i32
      %dma_wait3A_328 = arith.constant 0 : i32
      %dma_wait3A_329 = tpu.memref_slice %arg12[%dma_wait3A_327, %dma_wait3A_328] : memref<10112x128xbf16, #tpu.memory_space<vmem_shared>> -> memref<10112x128xbf16, #tpu.memory_space<vmem_shared>>
      tpu.wait_indirect_dma semaphore(%arg14 : memref<!tpu.dma_semaphore, #tpu.memory_space<semaphore_mem>>) src(%dma_wait3A_323 : memref<128x128xbf16, #tpu.memory_space<vmem>>) dst(%dma_wait3A_329 : memref<10112x128xbf16, #tpu.memory_space<vmem_shared>>)
      %dma_wait3A_330 = arith.constant 4 : i32
      %dma_wait3A_331 = arith.constant 0 : i32
      %dma_wait3A_332 = arith.constant 0 : i32
      %dma_wait3A_333 = tpu.memref_slice %arg10[%dma_wait3A_330, %dma_wait3A_331, %dma_wait3A_332] : memref<5x128x128xbf16, #tpu.memory_space<vmem>> -> memref<1x128x128xbf16, #tpu.memory_space<vmem>>
      %dma_wait3A_334 = tpu.memref_squeeze %dma_wait3A_333 : memref<1x128x128xbf16, #tpu.memory_space<vmem>> -> memref<128x128xbf16, #tpu.memory_space<vmem>>
      %dma_wait3A_335 = arith.constant 0 : i32
      %dma_wait3A_336 = tpu.memref_slice %arg9[%add3A_274, %dma_wait3A_335] : memref<20x128xi32, #tpu.memory_space<vmem>> -> memref<1x128xi32, #tpu.memory_space<vmem>>
      %dma_wait3A_337 = tpu.memref_squeeze %dma_wait3A_336 : memref<1x128xi32, #tpu.memory_space<vmem>> -> memref<128xi32, #tpu.memory_space<vmem>>
      %dma_wait3A_338 = arith.constant 0 : i32
      %dma_wait3A_339 = arith.constant 0 : i32
      %dma_wait3A_340 = tpu.memref_slice %arg12[%dma_wait3A_338, %dma_wait3A_339] : memref<10112x128xbf16, #tpu.memory_space<vmem_shared>> -> memref<10112x128xbf16, #tpu.memory_space<vmem_shared>>
      tpu.wait_indirect_dma semaphore(%arg14 : memref<!tpu.dma_semaphore, #tpu.memory_space<semaphore_mem>>) src(%dma_wait3A_334 : memref<128x128xbf16, #tpu.memory_space<vmem>>) dst(%dma_wait3A_340 : memref<10112x128xbf16, #tpu.memory_space<vmem_shared>>)
    }
    %scan3A_63 = arith.constant 4 : i32
    %mul3A_64 = arith.constant 4 : i32
    %mul3A_65 = arith.muli %arg1, %mul3A_64 : i32
    %add3A_66 = arith.constant 2 : i32
    %add3A_67 = arith.addi %mul3A_65, %add3A_66 : i32
    "tpu.region"() ({
      %run_scoped3A = tpu.sem_alloc : memref<!tpu.dma_semaphore, #tpu.memory_space<semaphore_mem>>
      %dma_start3A = arith.constant 0 : i32
      %dma_start3A_100 = arith.constant 0 : i32
      %dma_start3A_101 = tpu.memref_slice %arg2[%add3A_67, %dma_start3A, %dma_start3A_100] : memref<64x20x128xi32, #tpu.memory_space<hbm>> -> memref<1x20x128xi32, #tpu.memory_space<hbm>>
      %dma_start3A_102 = tpu.memref_squeeze %dma_start3A_101 : memref<1x20x128xi32, #tpu.memory_space<hbm>> -> memref<20x128xi32, #tpu.memory_space<hbm>>
      %dma_start3A_103 = arith.constant 0 : i32
      %dma_start3A_104 = arith.constant 0 : i32
      %dma_start3A_105 = tpu.memref_slice %arg2[%add3A_67, %dma_start3A_103, %dma_start3A_104] : memref<64x20x128xi32, #tpu.memory_space<hbm>> -> memref<1x20x128xi32, #tpu.memory_space<hbm>>
      %dma_start3A_106 = tpu.memref_squeeze %dma_start3A_105 : memref<1x20x128xi32, #tpu.memory_space<hbm>> -> memref<20x128xi32, #tpu.memory_space<hbm>>
      tpu.enqueue_dma source(%dma_start3A_106 : memref<20x128xi32, #tpu.memory_space<hbm>>) target(%arg8 : memref<20x128xi32, #tpu.memory_space<vmem>>) target_semaphore(%run_scoped3A : memref<!tpu.dma_semaphore, #tpu.memory_space<semaphore_mem>>)
      %dma_wait3A = arith.constant 0 : i32
      %dma_wait3A_107 = arith.constant 0 : i32
      %dma_wait3A_108 = tpu.memref_slice %arg2[%add3A_67, %dma_wait3A, %dma_wait3A_107] : memref<64x20x128xi32, #tpu.memory_space<hbm>> -> memref<1x20x128xi32, #tpu.memory_space<hbm>>
      %dma_wait3A_109 = tpu.memref_squeeze %dma_wait3A_108 : memref<1x20x128xi32, #tpu.memory_space<hbm>> -> memref<20x128xi32, #tpu.memory_space<hbm>>
      %dma_wait3A_110 = arith.constant 0 : i32
      %dma_wait3A_111 = arith.constant 0 : i32
      %dma_wait3A_112 = tpu.memref_slice %arg2[%add3A_67, %dma_wait3A_110, %dma_wait3A_111] : memref<64x20x128xi32, #tpu.memory_space<hbm>> -> memref<1x20x128xi32, #tpu.memory_space<hbm>>
      %dma_wait3A_113 = tpu.memref_squeeze %dma_wait3A_112 : memref<1x20x128xi32, #tpu.memory_space<hbm>> -> memref<20x128xi32, #tpu.memory_space<hbm>>
      tpu.wait_dma2 semaphore(%run_scoped3A : memref<!tpu.dma_semaphore, #tpu.memory_space<semaphore_mem>>) src(%dma_wait3A_113 : memref<20x128xi32, #tpu.memory_space<hbm>>) dst(%arg8 : memref<20x128xi32, #tpu.memory_space<vmem>>)
      tpu.yield
    }) : () -> ()
    %mul3A_68 = arith.constant 4 : i32
    %mul3A_69 = arith.muli %arg1, %mul3A_68 : i32
    %add3A_70 = arith.constant 2 : i32
    %add3A_71 = arith.addi %mul3A_69, %add3A_70 : i32
    "tpu.region"() ({
      %run_scoped3A = tpu.sem_alloc : memref<!tpu.dma_semaphore, #tpu.memory_space<semaphore_mem>>
      %dma_start3A = arith.constant 0 : i32
      %dma_start3A_100 = arith.constant 0 : i32
      %dma_start3A_101 = tpu.memref_slice %arg3[%add3A_71, %dma_start3A, %dma_start3A_100] : memref<64x20x128xi32, #tpu.memory_space<hbm>> -> memref<1x20x128xi32, #tpu.memory_space<hbm>>
      %dma_start3A_102 = tpu.memref_squeeze %dma_start3A_101 : memref<1x20x128xi32, #tpu.memory_space<hbm>> -> memref<20x128xi32, #tpu.memory_space<hbm>>
      %dma_start3A_103 = arith.constant 0 : i32
      %dma_start3A_104 = arith.constant 0 : i32
      %dma_start3A_105 = tpu.memref_slice %arg3[%add3A_71, %dma_start3A_103, %dma_start3A_104] : memref<64x20x128xi32, #tpu.memory_space<hbm>> -> memref<1x20x128xi32, #tpu.memory_space<hbm>>
      %dma_start3A_106 = tpu.memref_squeeze %dma_start3A_105 : memref<1x20x128xi32, #tpu.memory_space<hbm>> -> memref<20x128xi32, #tpu.memory_space<hbm>>
      tpu.enqueue_dma source(%dma_start3A_106 : memref<20x128xi32, #tpu.memory_space<hbm>>) target(%arg9 : memref<20x128xi32, #tpu.memory_space<vmem>>) target_semaphore(%run_scoped3A : memref<!tpu.dma_semaphore, #tpu.memory_space<semaphore_mem>>)
      %dma_wait3A = arith.constant 0 : i32
      %dma_wait3A_107 = arith.constant 0 : i32
      %dma_wait3A_108 = tpu.memref_slice %arg3[%add3A_71, %dma_wait3A, %dma_wait3A_107] : memref<64x20x128xi32, #tpu.memory_space<hbm>> -> memref<1x20x128xi32, #tpu.memory_space<hbm>>
      %dma_wait3A_109 = tpu.memref_squeeze %dma_wait3A_108 : memref<1x20x128xi32, #tpu.memory_space<hbm>> -> memref<20x128xi32, #tpu.memory_space<hbm>>
      %dma_wait3A_110 = arith.constant 0 : i32
      %dma_wait3A_111 = arith.constant 0 : i32
      %dma_wait3A_112 = tpu.memref_slice %arg3[%add3A_71, %dma_wait3A_110, %dma_wait3A_111] : memref<64x20x128xi32, #tpu.memory_space<hbm>> -> memref<1x20x128xi32, #tpu.memory_space<hbm>>
      %dma_wait3A_113 = tpu.memref_squeeze %dma_wait3A_112 : memref<1x20x128xi32, #tpu.memory_space<hbm>> -> memref<20x128xi32, #tpu.memory_space<hbm>>
      tpu.wait_dma2 semaphore(%run_scoped3A : memref<!tpu.dma_semaphore, #tpu.memory_space<semaphore_mem>>) src(%dma_wait3A_113 : memref<20x128xi32, #tpu.memory_space<hbm>>) dst(%arg9 : memref<20x128xi32, #tpu.memory_space<vmem>>)
      tpu.yield
    }) : () -> ()
    %scan3A_72 = arith.constant 0 : i32
    %scan3A_73 = arith.constant 0 : i32
    %scan3A_74 = arith.constant 4 : i32
    %scan3A_75 = arith.addi %scan3A_73, %scan3A_74 : i32
    %scan3A_76 = arith.constant 1 : i32
    scf.for %scan3A_100 = %scan3A_73 to %scan3A_75 step %scan3A_76  : i32 {
      %mul3A_101 = arith.constant 5 : i32
      %mul3A_102 = arith.muli %mul3A_101, %scan3A_100 : i32
      %add3A_103 = arith.constant 0 : i32
      %add3A_104 = arith.addi %mul3A_102, %add3A_103 : i32
      %dma_start3A = arith.constant 0 : i32
      %dma_start3A_105 = arith.constant 0 : i32
      %dma_start3A_106 = arith.constant 0 : i32
      %dma_start3A_107 = tpu.memref_slice %arg10[%dma_start3A, %dma_start3A_105, %dma_start3A_106] : memref<5x128x128xbf16, #tpu.memory_space<vmem>> -> memref<1x128x128xbf16, #tpu.memory_space<vmem>>
      %dma_start3A_108 = tpu.memref_squeeze %dma_start3A_107 : memref<1x128x128xbf16, #tpu.memory_space<vmem>> -> memref<128x128xbf16, #tpu.memory_space<vmem>>
      %dma_start3A_109 = arith.constant 0 : i32
      %dma_start3A_110 = tpu.memref_slice %arg8[%add3A_104, %dma_start3A_109] : memref<20x128xi32, #tpu.memory_space<vmem>> -> memref<1x128xi32, #tpu.memory_space<vmem>>
      %dma_start3A_111 = tpu.memref_squeeze %dma_start3A_110 : memref<1x128xi32, #tpu.memory_space<vmem>> -> memref<128xi32, #tpu.memory_space<vmem>>
      %dma_start3A_112 = arith.constant 0 : i32
      %dma_start3A_113 = arith.constant 0 : i32
      %dma_start3A_114 = tpu.memref_slice %arg11[%dma_start3A_112, %dma_start3A_113] : memref<10000x128xbf16, #tpu.memory_space<vmem_shared>> -> memref<10000x128xbf16, #tpu.memory_space<vmem_shared>>
      tpu.enqueue_indirect_dma source(%dma_start3A_114 : memref<10000x128xbf16, #tpu.memory_space<vmem_shared>>) target(%dma_start3A_108 : memref<128x128xbf16, #tpu.memory_space<vmem>>) offsets(%dma_start3A_111 : memref<128xi32, #tpu.memory_space<vmem>>) semaphore(%arg13 : memref<!tpu.dma_semaphore, #tpu.memory_space<semaphore_mem>>)
      %add3A_115 = arith.constant 1 : i32
      %add3A_116 = arith.addi %mul3A_102, %add3A_115 : i32
      %dma_start3A_117 = arith.constant 1 : i32
      %dma_start3A_118 = arith.constant 0 : i32
      %dma_start3A_119 = arith.constant 0 : i32
      %dma_start3A_120 = tpu.memref_slice %arg10[%dma_start3A_117, %dma_start3A_118, %dma_start3A_119] : memref<5x128x128xbf16, #tpu.memory_space<vmem>> -> memref<1x128x128xbf16, #tpu.memory_space<vmem>>
      %dma_start3A_121 = tpu.memref_squeeze %dma_start3A_120 : memref<1x128x128xbf16, #tpu.memory_space<vmem>> -> memref<128x128xbf16, #tpu.memory_space<vmem>>
      %dma_start3A_122 = arith.constant 0 : i32
      %dma_start3A_123 = tpu.memref_slice %arg8[%add3A_116, %dma_start3A_122] : memref<20x128xi32, #tpu.memory_space<vmem>> -> memref<1x128xi32, #tpu.memory_space<vmem>>
      %dma_start3A_124 = tpu.memref_squeeze %dma_start3A_123 : memref<1x128xi32, #tpu.memory_space<vmem>> -> memref<128xi32, #tpu.memory_space<vmem>>
      %dma_start3A_125 = arith.constant 0 : i32
      %dma_start3A_126 = arith.constant 0 : i32
      %dma_start3A_127 = tpu.memref_slice %arg11[%dma_start3A_125, %dma_start3A_126] : memref<10000x128xbf16, #tpu.memory_space<vmem_shared>> -> memref<10000x128xbf16, #tpu.memory_space<vmem_shared>>
      tpu.enqueue_indirect_dma source(%dma_start3A_127 : memref<10000x128xbf16, #tpu.memory_space<vmem_shared>>) target(%dma_start3A_121 : memref<128x128xbf16, #tpu.memory_space<vmem>>) offsets(%dma_start3A_124 : memref<128xi32, #tpu.memory_space<vmem>>) semaphore(%arg13 : memref<!tpu.dma_semaphore, #tpu.memory_space<semaphore_mem>>)
      %add3A_128 = arith.constant 2 : i32
      %add3A_129 = arith.addi %mul3A_102, %add3A_128 : i32
      %dma_start3A_130 = arith.constant 2 : i32
      %dma_start3A_131 = arith.constant 0 : i32
      %dma_start3A_132 = arith.constant 0 : i32
      %dma_start3A_133 = tpu.memref_slice %arg10[%dma_start3A_130, %dma_start3A_131, %dma_start3A_132] : memref<5x128x128xbf16, #tpu.memory_space<vmem>> -> memref<1x128x128xbf16, #tpu.memory_space<vmem>>
      %dma_start3A_134 = tpu.memref_squeeze %dma_start3A_133 : memref<1x128x128xbf16, #tpu.memory_space<vmem>> -> memref<128x128xbf16, #tpu.memory_space<vmem>>
      %dma_start3A_135 = arith.constant 0 : i32
      %dma_start3A_136 = tpu.memref_slice %arg8[%add3A_129, %dma_start3A_135] : memref<20x128xi32, #tpu.memory_space<vmem>> -> memref<1x128xi32, #tpu.memory_space<vmem>>
      %dma_start3A_137 = tpu.memref_squeeze %dma_start3A_136 : memref<1x128xi32, #tpu.memory_space<vmem>> -> memref<128xi32, #tpu.memory_space<vmem>>
      %dma_start3A_138 = arith.constant 0 : i32
      %dma_start3A_139 = arith.constant 0 : i32
      %dma_start3A_140 = tpu.memref_slice %arg11[%dma_start3A_138, %dma_start3A_139] : memref<10000x128xbf16, #tpu.memory_space<vmem_shared>> -> memref<10000x128xbf16, #tpu.memory_space<vmem_shared>>
      tpu.enqueue_indirect_dma source(%dma_start3A_140 : memref<10000x128xbf16, #tpu.memory_space<vmem_shared>>) target(%dma_start3A_134 : memref<128x128xbf16, #tpu.memory_space<vmem>>) offsets(%dma_start3A_137 : memref<128xi32, #tpu.memory_space<vmem>>) semaphore(%arg13 : memref<!tpu.dma_semaphore, #tpu.memory_space<semaphore_mem>>)
      %add3A_141 = arith.constant 3 : i32
      %add3A_142 = arith.addi %mul3A_102, %add3A_141 : i32
      %dma_start3A_143 = arith.constant 3 : i32
      %dma_start3A_144 = arith.constant 0 : i32
      %dma_start3A_145 = arith.constant 0 : i32
      %dma_start3A_146 = tpu.memref_slice %arg10[%dma_start3A_143, %dma_start3A_144, %dma_start3A_145] : memref<5x128x128xbf16, #tpu.memory_space<vmem>> -> memref<1x128x128xbf16, #tpu.memory_space<vmem>>
      %dma_start3A_147 = tpu.memref_squeeze %dma_start3A_146 : memref<1x128x128xbf16, #tpu.memory_space<vmem>> -> memref<128x128xbf16, #tpu.memory_space<vmem>>
      %dma_start3A_148 = arith.constant 0 : i32
      %dma_start3A_149 = tpu.memref_slice %arg8[%add3A_142, %dma_start3A_148] : memref<20x128xi32, #tpu.memory_space<vmem>> -> memref<1x128xi32, #tpu.memory_space<vmem>>
      %dma_start3A_150 = tpu.memref_squeeze %dma_start3A_149 : memref<1x128xi32, #tpu.memory_space<vmem>> -> memref<128xi32, #tpu.memory_space<vmem>>
      %dma_start3A_151 = arith.constant 0 : i32
      %dma_start3A_152 = arith.constant 0 : i32
      %dma_start3A_153 = tpu.memref_slice %arg11[%dma_start3A_151, %dma_start3A_152] : memref<10000x128xbf16, #tpu.memory_space<vmem_shared>> -> memref<10000x128xbf16, #tpu.memory_space<vmem_shared>>
      tpu.enqueue_indirect_dma source(%dma_start3A_153 : memref<10000x128xbf16, #tpu.memory_space<vmem_shared>>) target(%dma_start3A_147 : memref<128x128xbf16, #tpu.memory_space<vmem>>) offsets(%dma_start3A_150 : memref<128xi32, #tpu.memory_space<vmem>>) semaphore(%arg13 : memref<!tpu.dma_semaphore, #tpu.memory_space<semaphore_mem>>)
      %add3A_154 = arith.constant 4 : i32
      %add3A_155 = arith.addi %mul3A_102, %add3A_154 : i32
      %dma_start3A_156 = arith.constant 4 : i32
      %dma_start3A_157 = arith.constant 0 : i32
      %dma_start3A_158 = arith.constant 0 : i32
      %dma_start3A_159 = tpu.memref_slice %arg10[%dma_start3A_156, %dma_start3A_157, %dma_start3A_158] : memref<5x128x128xbf16, #tpu.memory_space<vmem>> -> memref<1x128x128xbf16, #tpu.memory_space<vmem>>
      %dma_start3A_160 = tpu.memref_squeeze %dma_start3A_159 : memref<1x128x128xbf16, #tpu.memory_space<vmem>> -> memref<128x128xbf16, #tpu.memory_space<vmem>>
      %dma_start3A_161 = arith.constant 0 : i32
      %dma_start3A_162 = tpu.memref_slice %arg8[%add3A_155, %dma_start3A_161] : memref<20x128xi32, #tpu.memory_space<vmem>> -> memref<1x128xi32, #tpu.memory_space<vmem>>
      %dma_start3A_163 = tpu.memref_squeeze %dma_start3A_162 : memref<1x128xi32, #tpu.memory_space<vmem>> -> memref<128xi32, #tpu.memory_space<vmem>>
      %dma_start3A_164 = arith.constant 0 : i32
      %dma_start3A_165 = arith.constant 0 : i32
      %dma_start3A_166 = tpu.memref_slice %arg11[%dma_start3A_164, %dma_start3A_165] : memref<10000x128xbf16, #tpu.memory_space<vmem_shared>> -> memref<10000x128xbf16, #tpu.memory_space<vmem_shared>>
      tpu.enqueue_indirect_dma source(%dma_start3A_166 : memref<10000x128xbf16, #tpu.memory_space<vmem_shared>>) target(%dma_start3A_160 : memref<128x128xbf16, #tpu.memory_space<vmem>>) offsets(%dma_start3A_163 : memref<128xi32, #tpu.memory_space<vmem>>) semaphore(%arg13 : memref<!tpu.dma_semaphore, #tpu.memory_space<semaphore_mem>>)
      %dma_wait3A = arith.constant 0 : i32
      %dma_wait3A_167 = arith.constant 0 : i32
      %dma_wait3A_168 = arith.constant 0 : i32
      %dma_wait3A_169 = tpu.memref_slice %arg10[%dma_wait3A, %dma_wait3A_167, %dma_wait3A_168] : memref<5x128x128xbf16, #tpu.memory_space<vmem>> -> memref<1x128x128xbf16, #tpu.memory_space<vmem>>
      %dma_wait3A_170 = tpu.memref_squeeze %dma_wait3A_169 : memref<1x128x128xbf16, #tpu.memory_space<vmem>> -> memref<128x128xbf16, #tpu.memory_space<vmem>>
      %dma_wait3A_171 = arith.constant 0 : i32
      %dma_wait3A_172 = tpu.memref_slice %arg8[%add3A_104, %dma_wait3A_171] : memref<20x128xi32, #tpu.memory_space<vmem>> -> memref<1x128xi32, #tpu.memory_space<vmem>>
      %dma_wait3A_173 = tpu.memref_squeeze %dma_wait3A_172 : memref<1x128xi32, #tpu.memory_space<vmem>> -> memref<128xi32, #tpu.memory_space<vmem>>
      %dma_wait3A_174 = arith.constant 0 : i32
      %dma_wait3A_175 = arith.constant 0 : i32
      %dma_wait3A_176 = tpu.memref_slice %arg11[%dma_wait3A_174, %dma_wait3A_175] : memref<10000x128xbf16, #tpu.memory_space<vmem_shared>> -> memref<10000x128xbf16, #tpu.memory_space<vmem_shared>>
      tpu.wait_indirect_dma semaphore(%arg13 : memref<!tpu.dma_semaphore, #tpu.memory_space<semaphore_mem>>) src(%dma_wait3A_176 : memref<10000x128xbf16, #tpu.memory_space<vmem_shared>>) dst(%dma_wait3A_170 : memref<128x128xbf16, #tpu.memory_space<vmem>>)
      %dma_wait3A_177 = arith.constant 1 : i32
      %dma_wait3A_178 = arith.constant 0 : i32
      %dma_wait3A_179 = arith.constant 0 : i32
      %dma_wait3A_180 = tpu.memref_slice %arg10[%dma_wait3A_177, %dma_wait3A_178, %dma_wait3A_179] : memref<5x128x128xbf16, #tpu.memory_space<vmem>> -> memref<1x128x128xbf16, #tpu.memory_space<vmem>>
      %dma_wait3A_181 = tpu.memref_squeeze %dma_wait3A_180 : memref<1x128x128xbf16, #tpu.memory_space<vmem>> -> memref<128x128xbf16, #tpu.memory_space<vmem>>
      %dma_wait3A_182 = arith.constant 0 : i32
      %dma_wait3A_183 = tpu.memref_slice %arg8[%add3A_116, %dma_wait3A_182] : memref<20x128xi32, #tpu.memory_space<vmem>> -> memref<1x128xi32, #tpu.memory_space<vmem>>
      %dma_wait3A_184 = tpu.memref_squeeze %dma_wait3A_183 : memref<1x128xi32, #tpu.memory_space<vmem>> -> memref<128xi32, #tpu.memory_space<vmem>>
      %dma_wait3A_185 = arith.constant 0 : i32
      %dma_wait3A_186 = arith.constant 0 : i32
      %dma_wait3A_187 = tpu.memref_slice %arg11[%dma_wait3A_185, %dma_wait3A_186] : memref<10000x128xbf16, #tpu.memory_space<vmem_shared>> -> memref<10000x128xbf16, #tpu.memory_space<vmem_shared>>
      tpu.wait_indirect_dma semaphore(%arg13 : memref<!tpu.dma_semaphore, #tpu.memory_space<semaphore_mem>>) src(%dma_wait3A_187 : memref<10000x128xbf16, #tpu.memory_space<vmem_shared>>) dst(%dma_wait3A_181 : memref<128x128xbf16, #tpu.memory_space<vmem>>)
      %dma_wait3A_188 = arith.constant 2 : i32
      %dma_wait3A_189 = arith.constant 0 : i32
      %dma_wait3A_190 = arith.constant 0 : i32
      %dma_wait3A_191 = tpu.memref_slice %arg10[%dma_wait3A_188, %dma_wait3A_189, %dma_wait3A_190] : memref<5x128x128xbf16, #tpu.memory_space<vmem>> -> memref<1x128x128xbf16, #tpu.memory_space<vmem>>
      %dma_wait3A_192 = tpu.memref_squeeze %dma_wait3A_191 : memref<1x128x128xbf16, #tpu.memory_space<vmem>> -> memref<128x128xbf16, #tpu.memory_space<vmem>>
      %dma_wait3A_193 = arith.constant 0 : i32
      %dma_wait3A_194 = tpu.memref_slice %arg8[%add3A_129, %dma_wait3A_193] : memref<20x128xi32, #tpu.memory_space<vmem>> -> memref<1x128xi32, #tpu.memory_space<vmem>>
      %dma_wait3A_195 = tpu.memref_squeeze %dma_wait3A_194 : memref<1x128xi32, #tpu.memory_space<vmem>> -> memref<128xi32, #tpu.memory_space<vmem>>
      %dma_wait3A_196 = arith.constant 0 : i32
      %dma_wait3A_197 = arith.constant 0 : i32
      %dma_wait3A_198 = tpu.memref_slice %arg11[%dma_wait3A_196, %dma_wait3A_197] : memref<10000x128xbf16, #tpu.memory_space<vmem_shared>> -> memref<10000x128xbf16, #tpu.memory_space<vmem_shared>>
      tpu.wait_indirect_dma semaphore(%arg13 : memref<!tpu.dma_semaphore, #tpu.memory_space<semaphore_mem>>) src(%dma_wait3A_198 : memref<10000x128xbf16, #tpu.memory_space<vmem_shared>>) dst(%dma_wait3A_192 : memref<128x128xbf16, #tpu.memory_space<vmem>>)
      %dma_wait3A_199 = arith.constant 3 : i32
      %dma_wait3A_200 = arith.constant 0 : i32
      %dma_wait3A_201 = arith.constant 0 : i32
      %dma_wait3A_202 = tpu.memref_slice %arg10[%dma_wait3A_199, %dma_wait3A_200, %dma_wait3A_201] : memref<5x128x128xbf16, #tpu.memory_space<vmem>> -> memref<1x128x128xbf16, #tpu.memory_space<vmem>>
      %dma_wait3A_203 = tpu.memref_squeeze %dma_wait3A_202 : memref<1x128x128xbf16, #tpu.memory_space<vmem>> -> memref<128x128xbf16, #tpu.memory_space<vmem>>
      %dma_wait3A_204 = arith.constant 0 : i32
      %dma_wait3A_205 = tpu.memref_slice %arg8[%add3A_142, %dma_wait3A_204] : memref<20x128xi32, #tpu.memory_space<vmem>> -> memref<1x128xi32, #tpu.memory_space<vmem>>
      %dma_wait3A_206 = tpu.memref_squeeze %dma_wait3A_205 : memref<1x128xi32, #tpu.memory_space<vmem>> -> memref<128xi32, #tpu.memory_space<vmem>>
      %dma_wait3A_207 = arith.constant 0 : i32
      %dma_wait3A_208 = arith.constant 0 : i32
      %dma_wait3A_209 = tpu.memref_slice %arg11[%dma_wait3A_207, %dma_wait3A_208] : memref<10000x128xbf16, #tpu.memory_space<vmem_shared>> -> memref<10000x128xbf16, #tpu.memory_space<vmem_shared>>
      tpu.wait_indirect_dma semaphore(%arg13 : memref<!tpu.dma_semaphore, #tpu.memory_space<semaphore_mem>>) src(%dma_wait3A_209 : memref<10000x128xbf16, #tpu.memory_space<vmem_shared>>) dst(%dma_wait3A_203 : memref<128x128xbf16, #tpu.memory_space<vmem>>)
      %dma_wait3A_210 = arith.constant 4 : i32
      %dma_wait3A_211 = arith.constant 0 : i32
      %dma_wait3A_212 = arith.constant 0 : i32
      %dma_wait3A_213 = tpu.memref_slice %arg10[%dma_wait3A_210, %dma_wait3A_211, %dma_wait3A_212] : memref<5x128x128xbf16, #tpu.memory_space<vmem>> -> memref<1x128x128xbf16, #tpu.memory_space<vmem>>
      %dma_wait3A_214 = tpu.memref_squeeze %dma_wait3A_213 : memref<1x128x128xbf16, #tpu.memory_space<vmem>> -> memref<128x128xbf16, #tpu.memory_space<vmem>>
      %dma_wait3A_215 = arith.constant 0 : i32
      %dma_wait3A_216 = tpu.memref_slice %arg8[%add3A_155, %dma_wait3A_215] : memref<20x128xi32, #tpu.memory_space<vmem>> -> memref<1x128xi32, #tpu.memory_space<vmem>>
      %dma_wait3A_217 = tpu.memref_squeeze %dma_wait3A_216 : memref<1x128xi32, #tpu.memory_space<vmem>> -> memref<128xi32, #tpu.memory_space<vmem>>
      %dma_wait3A_218 = arith.constant 0 : i32
      %dma_wait3A_219 = arith.constant 0 : i32
      %dma_wait3A_220 = tpu.memref_slice %arg11[%dma_wait3A_218, %dma_wait3A_219] : memref<10000x128xbf16, #tpu.memory_space<vmem_shared>> -> memref<10000x128xbf16, #tpu.memory_space<vmem_shared>>
      tpu.wait_indirect_dma semaphore(%arg13 : memref<!tpu.dma_semaphore, #tpu.memory_space<semaphore_mem>>) src(%dma_wait3A_220 : memref<10000x128xbf16, #tpu.memory_space<vmem_shared>>) dst(%dma_wait3A_214 : memref<128x128xbf16, #tpu.memory_space<vmem>>)
      %add3A_221 = arith.constant 0 : i32
      %add3A_222 = arith.addi %mul3A_102, %add3A_221 : i32
      %dma_start3A_223 = arith.constant 0 : i32
      %dma_start3A_224 = arith.constant 0 : i32
      %dma_start3A_225 = arith.constant 0 : i32
      %dma_start3A_226 = tpu.memref_slice %arg10[%dma_start3A_223, %dma_start3A_224, %dma_start3A_225] : memref<5x128x128xbf16, #tpu.memory_space<vmem>> -> memref<1x128x128xbf16, #tpu.memory_space<vmem>>
      %dma_start3A_227 = tpu.memref_squeeze %dma_start3A_226 : memref<1x128x128xbf16, #tpu.memory_space<vmem>> -> memref<128x128xbf16, #tpu.memory_space<vmem>>
      %dma_start3A_228 = arith.constant 0 : i32
      %dma_start3A_229 = tpu.memref_slice %arg9[%add3A_222, %dma_start3A_228] : memref<20x128xi32, #tpu.memory_space<vmem>> -> memref<1x128xi32, #tpu.memory_space<vmem>>
      %dma_start3A_230 = tpu.memref_squeeze %dma_start3A_229 : memref<1x128xi32, #tpu.memory_space<vmem>> -> memref<128xi32, #tpu.memory_space<vmem>>
      %dma_start3A_231 = arith.constant 0 : i32
      %dma_start3A_232 = arith.constant 0 : i32
      %dma_start3A_233 = tpu.memref_slice %arg12[%dma_start3A_231, %dma_start3A_232] : memref<10112x128xbf16, #tpu.memory_space<vmem_shared>> -> memref<10112x128xbf16, #tpu.memory_space<vmem_shared>>
      tpu.enqueue_indirect_dma source(%dma_start3A_227 : memref<128x128xbf16, #tpu.memory_space<vmem>>) target(%dma_start3A_233 : memref<10112x128xbf16, #tpu.memory_space<vmem_shared>>) offsets(%dma_start3A_230 : memref<128xi32, #tpu.memory_space<vmem>>) semaphore(%arg14 : memref<!tpu.dma_semaphore, #tpu.memory_space<semaphore_mem>>) {add = true}
      %add3A_234 = arith.constant 1 : i32
      %add3A_235 = arith.addi %mul3A_102, %add3A_234 : i32
      %dma_start3A_236 = arith.constant 1 : i32
      %dma_start3A_237 = arith.constant 0 : i32
      %dma_start3A_238 = arith.constant 0 : i32
      %dma_start3A_239 = tpu.memref_slice %arg10[%dma_start3A_236, %dma_start3A_237, %dma_start3A_238] : memref<5x128x128xbf16, #tpu.memory_space<vmem>> -> memref<1x128x128xbf16, #tpu.memory_space<vmem>>
      %dma_start3A_240 = tpu.memref_squeeze %dma_start3A_239 : memref<1x128x128xbf16, #tpu.memory_space<vmem>> -> memref<128x128xbf16, #tpu.memory_space<vmem>>
      %dma_start3A_241 = arith.constant 0 : i32
      %dma_start3A_242 = tpu.memref_slice %arg9[%add3A_235, %dma_start3A_241] : memref<20x128xi32, #tpu.memory_space<vmem>> -> memref<1x128xi32, #tpu.memory_space<vmem>>
      %dma_start3A_243 = tpu.memref_squeeze %dma_start3A_242 : memref<1x128xi32, #tpu.memory_space<vmem>> -> memref<128xi32, #tpu.memory_space<vmem>>
      %dma_start3A_244 = arith.constant 0 : i32
      %dma_start3A_245 = arith.constant 0 : i32
      %dma_start3A_246 = tpu.memref_slice %arg12[%dma_start3A_244, %dma_start3A_245] : memref<10112x128xbf16, #tpu.memory_space<vmem_shared>> -> memref<10112x128xbf16, #tpu.memory_space<vmem_shared>>
      tpu.enqueue_indirect_dma source(%dma_start3A_240 : memref<128x128xbf16, #tpu.memory_space<vmem>>) target(%dma_start3A_246 : memref<10112x128xbf16, #tpu.memory_space<vmem_shared>>) offsets(%dma_start3A_243 : memref<128xi32, #tpu.memory_space<vmem>>) semaphore(%arg14 : memref<!tpu.dma_semaphore, #tpu.memory_space<semaphore_mem>>) {add = true}
      %add3A_247 = arith.constant 2 : i32
      %add3A_248 = arith.addi %mul3A_102, %add3A_247 : i32
      %dma_start3A_249 = arith.constant 2 : i32
      %dma_start3A_250 = arith.constant 0 : i32
      %dma_start3A_251 = arith.constant 0 : i32
      %dma_start3A_252 = tpu.memref_slice %arg10[%dma_start3A_249, %dma_start3A_250, %dma_start3A_251] : memref<5x128x128xbf16, #tpu.memory_space<vmem>> -> memref<1x128x128xbf16, #tpu.memory_space<vmem>>
      %dma_start3A_253 = tpu.memref_squeeze %dma_start3A_252 : memref<1x128x128xbf16, #tpu.memory_space<vmem>> -> memref<128x128xbf16, #tpu.memory_space<vmem>>
      %dma_start3A_254 = arith.constant 0 : i32
      %dma_start3A_255 = tpu.memref_slice %arg9[%add3A_248, %dma_start3A_254] : memref<20x128xi32, #tpu.memory_space<vmem>> -> memref<1x128xi32, #tpu.memory_space<vmem>>
      %dma_start3A_256 = tpu.memref_squeeze %dma_start3A_255 : memref<1x128xi32, #tpu.memory_space<vmem>> -> memref<128xi32, #tpu.memory_space<vmem>>
      %dma_start3A_257 = arith.constant 0 : i32
      %dma_start3A_258 = arith.constant 0 : i32
      %dma_start3A_259 = tpu.memref_slice %arg12[%dma_start3A_257, %dma_start3A_258] : memref<10112x128xbf16, #tpu.memory_space<vmem_shared>> -> memref<10112x128xbf16, #tpu.memory_space<vmem_shared>>
      tpu.enqueue_indirect_dma source(%dma_start3A_253 : memref<128x128xbf16, #tpu.memory_space<vmem>>) target(%dma_start3A_259 : memref<10112x128xbf16, #tpu.memory_space<vmem_shared>>) offsets(%dma_start3A_256 : memref<128xi32, #tpu.memory_space<vmem>>) semaphore(%arg14 : memref<!tpu.dma_semaphore, #tpu.memory_space<semaphore_mem>>) {add = true}
      %add3A_260 = arith.constant 3 : i32
      %add3A_261 = arith.addi %mul3A_102, %add3A_260 : i32
      %dma_start3A_262 = arith.constant 3 : i32
      %dma_start3A_263 = arith.constant 0 : i32
      %dma_start3A_264 = arith.constant 0 : i32
      %dma_start3A_265 = tpu.memref_slice %arg10[%dma_start3A_262, %dma_start3A_263, %dma_start3A_264] : memref<5x128x128xbf16, #tpu.memory_space<vmem>> -> memref<1x128x128xbf16, #tpu.memory_space<vmem>>
      %dma_start3A_266 = tpu.memref_squeeze %dma_start3A_265 : memref<1x128x128xbf16, #tpu.memory_space<vmem>> -> memref<128x128xbf16, #tpu.memory_space<vmem>>
      %dma_start3A_267 = arith.constant 0 : i32
      %dma_start3A_268 = tpu.memref_slice %arg9[%add3A_261, %dma_start3A_267] : memref<20x128xi32, #tpu.memory_space<vmem>> -> memref<1x128xi32, #tpu.memory_space<vmem>>
      %dma_start3A_269 = tpu.memref_squeeze %dma_start3A_268 : memref<1x128xi32, #tpu.memory_space<vmem>> -> memref<128xi32, #tpu.memory_space<vmem>>
      %dma_start3A_270 = arith.constant 0 : i32
      %dma_start3A_271 = arith.constant 0 : i32
      %dma_start3A_272 = tpu.memref_slice %arg12[%dma_start3A_270, %dma_start3A_271] : memref<10112x128xbf16, #tpu.memory_space<vmem_shared>> -> memref<10112x128xbf16, #tpu.memory_space<vmem_shared>>
      tpu.enqueue_indirect_dma source(%dma_start3A_266 : memref<128x128xbf16, #tpu.memory_space<vmem>>) target(%dma_start3A_272 : memref<10112x128xbf16, #tpu.memory_space<vmem_shared>>) offsets(%dma_start3A_269 : memref<128xi32, #tpu.memory_space<vmem>>) semaphore(%arg14 : memref<!tpu.dma_semaphore, #tpu.memory_space<semaphore_mem>>) {add = true}
      %add3A_273 = arith.constant 4 : i32
      %add3A_274 = arith.addi %mul3A_102, %add3A_273 : i32
      %dma_start3A_275 = arith.constant 4 : i32
      %dma_start3A_276 = arith.constant 0 : i32
      %dma_start3A_277 = arith.constant 0 : i32
      %dma_start3A_278 = tpu.memref_slice %arg10[%dma_start3A_275, %dma_start3A_276, %dma_start3A_277] : memref<5x128x128xbf16, #tpu.memory_space<vmem>> -> memref<1x128x128xbf16, #tpu.memory_space<vmem>>
      %dma_start3A_279 = tpu.memref_squeeze %dma_start3A_278 : memref<1x128x128xbf16, #tpu.memory_space<vmem>> -> memref<128x128xbf16, #tpu.memory_space<vmem>>
      %dma_start3A_280 = arith.constant 0 : i32
      %dma_start3A_281 = tpu.memref_slice %arg9[%add3A_274, %dma_start3A_280] : memref<20x128xi32, #tpu.memory_space<vmem>> -> memref<1x128xi32, #tpu.memory_space<vmem>>
      %dma_start3A_282 = tpu.memref_squeeze %dma_start3A_281 : memref<1x128xi32, #tpu.memory_space<vmem>> -> memref<128xi32, #tpu.memory_space<vmem>>
      %dma_start3A_283 = arith.constant 0 : i32
      %dma_start3A_284 = arith.constant 0 : i32
      %dma_start3A_285 = tpu.memref_slice %arg12[%dma_start3A_283, %dma_start3A_284] : memref<10112x128xbf16, #tpu.memory_space<vmem_shared>> -> memref<10112x128xbf16, #tpu.memory_space<vmem_shared>>
      tpu.enqueue_indirect_dma source(%dma_start3A_279 : memref<128x128xbf16, #tpu.memory_space<vmem>>) target(%dma_start3A_285 : memref<10112x128xbf16, #tpu.memory_space<vmem_shared>>) offsets(%dma_start3A_282 : memref<128xi32, #tpu.memory_space<vmem>>) semaphore(%arg14 : memref<!tpu.dma_semaphore, #tpu.memory_space<semaphore_mem>>) {add = true}
      %dma_wait3A_286 = arith.constant 0 : i32
      %dma_wait3A_287 = arith.constant 0 : i32
      %dma_wait3A_288 = arith.constant 0 : i32
      %dma_wait3A_289 = tpu.memref_slice %arg10[%dma_wait3A_286, %dma_wait3A_287, %dma_wait3A_288] : memref<5x128x128xbf16, #tpu.memory_space<vmem>> -> memref<1x128x128xbf16, #tpu.memory_space<vmem>>
      %dma_wait3A_290 = tpu.memref_squeeze %dma_wait3A_289 : memref<1x128x128xbf16, #tpu.memory_space<vmem>> -> memref<128x128xbf16, #tpu.memory_space<vmem>>
      %dma_wait3A_291 = arith.constant 0 : i32
      %dma_wait3A_292 = tpu.memref_slice %arg9[%add3A_222, %dma_wait3A_291] : memref<20x128xi32, #tpu.memory_space<vmem>> -> memref<1x128xi32, #tpu.memory_space<vmem>>
      %dma_wait3A_293 = tpu.memref_squeeze %dma_wait3A_292 : memref<1x128xi32, #tpu.memory_space<vmem>> -> memref<128xi32, #tpu.memory_space<vmem>>
      %dma_wait3A_294 = arith.constant 0 : i32
      %dma_wait3A_295 = arith.constant 0 : i32
      %dma_wait3A_296 = tpu.memref_slice %arg12[%dma_wait3A_294, %dma_wait3A_295] : memref<10112x128xbf16, #tpu.memory_space<vmem_shared>> -> memref<10112x128xbf16, #tpu.memory_space<vmem_shared>>
      tpu.wait_indirect_dma semaphore(%arg14 : memref<!tpu.dma_semaphore, #tpu.memory_space<semaphore_mem>>) src(%dma_wait3A_290 : memref<128x128xbf16, #tpu.memory_space<vmem>>) dst(%dma_wait3A_296 : memref<10112x128xbf16, #tpu.memory_space<vmem_shared>>)
      %dma_wait3A_297 = arith.constant 1 : i32
      %dma_wait3A_298 = arith.constant 0 : i32
      %dma_wait3A_299 = arith.constant 0 : i32
      %dma_wait3A_300 = tpu.memref_slice %arg10[%dma_wait3A_297, %dma_wait3A_298, %dma_wait3A_299] : memref<5x128x128xbf16, #tpu.memory_space<vmem>> -> memref<1x128x128xbf16, #tpu.memory_space<vmem>>
      %dma_wait3A_301 = tpu.memref_squeeze %dma_wait3A_300 : memref<1x128x128xbf16, #tpu.memory_space<vmem>> -> memref<128x128xbf16, #tpu.memory_space<vmem>>
      %dma_wait3A_302 = arith.constant 0 : i32
      %dma_wait3A_303 = tpu.memref_slice %arg9[%add3A_235, %dma_wait3A_302] : memref<20x128xi32, #tpu.memory_space<vmem>> -> memref<1x128xi32, #tpu.memory_space<vmem>>
      %dma_wait3A_304 = tpu.memref_squeeze %dma_wait3A_303 : memref<1x128xi32, #tpu.memory_space<vmem>> -> memref<128xi32, #tpu.memory_space<vmem>>
      %dma_wait3A_305 = arith.constant 0 : i32
      %dma_wait3A_306 = arith.constant 0 : i32
      %dma_wait3A_307 = tpu.memref_slice %arg12[%dma_wait3A_305, %dma_wait3A_306] : memref<10112x128xbf16, #tpu.memory_space<vmem_shared>> -> memref<10112x128xbf16, #tpu.memory_space<vmem_shared>>
      tpu.wait_indirect_dma semaphore(%arg14 : memref<!tpu.dma_semaphore, #tpu.memory_space<semaphore_mem>>) src(%dma_wait3A_301 : memref<128x128xbf16, #tpu.memory_space<vmem>>) dst(%dma_wait3A_307 : memref<10112x128xbf16, #tpu.memory_space<vmem_shared>>)
      %dma_wait3A_308 = arith.constant 2 : i32
      %dma_wait3A_309 = arith.constant 0 : i32
      %dma_wait3A_310 = arith.constant 0 : i32
      %dma_wait3A_311 = tpu.memref_slice %arg10[%dma_wait3A_308, %dma_wait3A_309, %dma_wait3A_310] : memref<5x128x128xbf16, #tpu.memory_space<vmem>> -> memref<1x128x128xbf16, #tpu.memory_space<vmem>>
      %dma_wait3A_312 = tpu.memref_squeeze %dma_wait3A_311 : memref<1x128x128xbf16, #tpu.memory_space<vmem>> -> memref<128x128xbf16, #tpu.memory_space<vmem>>
      %dma_wait3A_313 = arith.constant 0 : i32
      %dma_wait3A_314 = tpu.memref_slice %arg9[%add3A_248, %dma_wait3A_313] : memref<20x128xi32, #tpu.memory_space<vmem>> -> memref<1x128xi32, #tpu.memory_space<vmem>>
      %dma_wait3A_315 = tpu.memref_squeeze %dma_wait3A_314 : memref<1x128xi32, #tpu.memory_space<vmem>> -> memref<128xi32, #tpu.memory_space<vmem>>
      %dma_wait3A_316 = arith.constant 0 : i32
      %dma_wait3A_317 = arith.constant 0 : i32
      %dma_wait3A_318 = tpu.memref_slice %arg12[%dma_wait3A_316, %dma_wait3A_317] : memref<10112x128xbf16, #tpu.memory_space<vmem_shared>> -> memref<10112x128xbf16, #tpu.memory_space<vmem_shared>>
      tpu.wait_indirect_dma semaphore(%arg14 : memref<!tpu.dma_semaphore, #tpu.memory_space<semaphore_mem>>) src(%dma_wait3A_312 : memref<128x128xbf16, #tpu.memory_space<vmem>>) dst(%dma_wait3A_318 : memref<10112x128xbf16, #tpu.memory_space<vmem_shared>>)
      %dma_wait3A_319 = arith.constant 3 : i32
      %dma_wait3A_320 = arith.constant 0 : i32
      %dma_wait3A_321 = arith.constant 0 : i32
      %dma_wait3A_322 = tpu.memref_slice %arg10[%dma_wait3A_319, %dma_wait3A_320, %dma_wait3A_321] : memref<5x128x128xbf16, #tpu.memory_space<vmem>> -> memref<1x128x128xbf16, #tpu.memory_space<vmem>>
      %dma_wait3A_323 = tpu.memref_squeeze %dma_wait3A_322 : memref<1x128x128xbf16, #tpu.memory_space<vmem>> -> memref<128x128xbf16, #tpu.memory_space<vmem>>
      %dma_wait3A_324 = arith.constant 0 : i32
      %dma_wait3A_325 = tpu.memref_slice %arg9[%add3A_261, %dma_wait3A_324] : memref<20x128xi32, #tpu.memory_space<vmem>> -> memref<1x128xi32, #tpu.memory_space<vmem>>
      %dma_wait3A_326 = tpu.memref_squeeze %dma_wait3A_325 : memref<1x128xi32, #tpu.memory_space<vmem>> -> memref<128xi32, #tpu.memory_space<vmem>>
      %dma_wait3A_327 = arith.constant 0 : i32
      %dma_wait3A_328 = arith.constant 0 : i32
      %dma_wait3A_329 = tpu.memref_slice %arg12[%dma_wait3A_327, %dma_wait3A_328] : memref<10112x128xbf16, #tpu.memory_space<vmem_shared>> -> memref<10112x128xbf16, #tpu.memory_space<vmem_shared>>
      tpu.wait_indirect_dma semaphore(%arg14 : memref<!tpu.dma_semaphore, #tpu.memory_space<semaphore_mem>>) src(%dma_wait3A_323 : memref<128x128xbf16, #tpu.memory_space<vmem>>) dst(%dma_wait3A_329 : memref<10112x128xbf16, #tpu.memory_space<vmem_shared>>)
      %dma_wait3A_330 = arith.constant 4 : i32
      %dma_wait3A_331 = arith.constant 0 : i32
      %dma_wait3A_332 = arith.constant 0 : i32
      %dma_wait3A_333 = tpu.memref_slice %arg10[%dma_wait3A_330, %dma_wait3A_331, %dma_wait3A_332] : memref<5x128x128xbf16, #tpu.memory_space<vmem>> -> memref<1x128x128xbf16, #tpu.memory_space<vmem>>
      %dma_wait3A_334 = tpu.memref_squeeze %dma_wait3A_333 : memref<1x128x128xbf16, #tpu.memory_space<vmem>> -> memref<128x128xbf16, #tpu.memory_space<vmem>>
      %dma_wait3A_335 = arith.constant 0 : i32
      %dma_wait3A_336 = tpu.memref_slice %arg9[%add3A_274, %dma_wait3A_335] : memref<20x128xi32, #tpu.memory_space<vmem>> -> memref<1x128xi32, #tpu.memory_space<vmem>>
      %dma_wait3A_337 = tpu.memref_squeeze %dma_wait3A_336 : memref<1x128xi32, #tpu.memory_space<vmem>> -> memref<128xi32, #tpu.memory_space<vmem>>
      %dma_wait3A_338 = arith.constant 0 : i32
      %dma_wait3A_339 = arith.constant 0 : i32
      %dma_wait3A_340 = tpu.memref_slice %arg12[%dma_wait3A_338, %dma_wait3A_339] : memref<10112x128xbf16, #tpu.memory_space<vmem_shared>> -> memref<10112x128xbf16, #tpu.memory_space<vmem_shared>>
      tpu.wait_indirect_dma semaphore(%arg14 : memref<!tpu.dma_semaphore, #tpu.memory_space<semaphore_mem>>) src(%dma_wait3A_334 : memref<128x128xbf16, #tpu.memory_space<vmem>>) dst(%dma_wait3A_340 : memref<10112x128xbf16, #tpu.memory_space<vmem_shared>>)
    }
    %scan3A_77 = arith.constant 4 : i32
    %mul3A_78 = arith.constant 4 : i32
    %mul3A_79 = arith.muli %arg1, %mul3A_78 : i32
    %add3A_80 = arith.constant 3 : i32
    %add3A_81 = arith.addi %mul3A_79, %add3A_80 : i32
    "tpu.region"() ({
      %run_scoped3A = tpu.sem_alloc : memref<!tpu.dma_semaphore, #tpu.memory_space<semaphore_mem>>
      %dma_start3A = arith.constant 0 : i32
      %dma_start3A_100 = arith.constant 0 : i32
      %dma_start3A_101 = tpu.memref_slice %arg2[%add3A_81, %dma_start3A, %dma_start3A_100] : memref<64x20x128xi32, #tpu.memory_space<hbm>> -> memref<1x20x128xi32, #tpu.memory_space<hbm>>
      %dma_start3A_102 = tpu.memref_squeeze %dma_start3A_101 : memref<1x20x128xi32, #tpu.memory_space<hbm>> -> memref<20x128xi32, #tpu.memory_space<hbm>>
      %dma_start3A_103 = arith.constant 0 : i32
      %dma_start3A_104 = arith.constant 0 : i32
      %dma_start3A_105 = tpu.memref_slice %arg2[%add3A_81, %dma_start3A_103, %dma_start3A_104] : memref<64x20x128xi32, #tpu.memory_space<hbm>> -> memref<1x20x128xi32, #tpu.memory_space<hbm>>
      %dma_start3A_106 = tpu.memref_squeeze %dma_start3A_105 : memref<1x20x128xi32, #tpu.memory_space<hbm>> -> memref<20x128xi32, #tpu.memory_space<hbm>>
      tpu.enqueue_dma source(%dma_start3A_106 : memref<20x128xi32, #tpu.memory_space<hbm>>) target(%arg8 : memref<20x128xi32, #tpu.memory_space<vmem>>) target_semaphore(%run_scoped3A : memref<!tpu.dma_semaphore, #tpu.memory_space<semaphore_mem>>)
      %dma_wait3A = arith.constant 0 : i32
      %dma_wait3A_107 = arith.constant 0 : i32
      %dma_wait3A_108 = tpu.memref_slice %arg2[%add3A_81, %dma_wait3A, %dma_wait3A_107] : memref<64x20x128xi32, #tpu.memory_space<hbm>> -> memref<1x20x128xi32, #tpu.memory_space<hbm>>
      %dma_wait3A_109 = tpu.memref_squeeze %dma_wait3A_108 : memref<1x20x128xi32, #tpu.memory_space<hbm>> -> memref<20x128xi32, #tpu.memory_space<hbm>>
      %dma_wait3A_110 = arith.constant 0 : i32
      %dma_wait3A_111 = arith.constant 0 : i32
      %dma_wait3A_112 = tpu.memref_slice %arg2[%add3A_81, %dma_wait3A_110, %dma_wait3A_111] : memref<64x20x128xi32, #tpu.memory_space<hbm>> -> memref<1x20x128xi32, #tpu.memory_space<hbm>>
      %dma_wait3A_113 = tpu.memref_squeeze %dma_wait3A_112 : memref<1x20x128xi32, #tpu.memory_space<hbm>> -> memref<20x128xi32, #tpu.memory_space<hbm>>
      tpu.wait_dma2 semaphore(%run_scoped3A : memref<!tpu.dma_semaphore, #tpu.memory_space<semaphore_mem>>) src(%dma_wait3A_113 : memref<20x128xi32, #tpu.memory_space<hbm>>) dst(%arg8 : memref<20x128xi32, #tpu.memory_space<vmem>>)
      tpu.yield
    }) : () -> ()
    %mul3A_82 = arith.constant 4 : i32
    %mul3A_83 = arith.muli %arg1, %mul3A_82 : i32
    %add3A_84 = arith.constant 3 : i32
    %add3A_85 = arith.addi %mul3A_83, %add3A_84 : i32
    "tpu.region"() ({
      %run_scoped3A = tpu.sem_alloc : memref<!tpu.dma_semaphore, #tpu.memory_space<semaphore_mem>>
      %dma_start3A = arith.constant 0 : i32
      %dma_start3A_100 = arith.constant 0 : i32
      %dma_start3A_101 = tpu.memref_slice %arg3[%add3A_85, %dma_start3A, %dma_start3A_100] : memref<64x20x128xi32, #tpu.memory_space<hbm>> -> memref<1x20x128xi32, #tpu.memory_space<hbm>>
      %dma_start3A_102 = tpu.memref_squeeze %dma_start3A_101 : memref<1x20x128xi32, #tpu.memory_space<hbm>> -> memref<20x128xi32, #tpu.memory_space<hbm>>
      %dma_start3A_103 = arith.constant 0 : i32
      %dma_start3A_104 = arith.constant 0 : i32
      %dma_start3A_105 = tpu.memref_slice %arg3[%add3A_85, %dma_start3A_103, %dma_start3A_104] : memref<64x20x128xi32, #tpu.memory_space<hbm>> -> memref<1x20x128xi32, #tpu.memory_space<hbm>>
      %dma_start3A_106 = tpu.memref_squeeze %dma_start3A_105 : memref<1x20x128xi32, #tpu.memory_space<hbm>> -> memref<20x128xi32, #tpu.memory_space<hbm>>
      tpu.enqueue_dma source(%dma_start3A_106 : memref<20x128xi32, #tpu.memory_space<hbm>>) target(%arg9 : memref<20x128xi32, #tpu.memory_space<vmem>>) target_semaphore(%run_scoped3A : memref<!tpu.dma_semaphore, #tpu.memory_space<semaphore_mem>>)
      %dma_wait3A = arith.constant 0 : i32
      %dma_wait3A_107 = arith.constant 0 : i32
      %dma_wait3A_108 = tpu.memref_slice %arg3[%add3A_85, %dma_wait3A, %dma_wait3A_107] : memref<64x20x128xi32, #tpu.memory_space<hbm>> -> memref<1x20x128xi32, #tpu.memory_space<hbm>>
      %dma_wait3A_109 = tpu.memref_squeeze %dma_wait3A_108 : memref<1x20x128xi32, #tpu.memory_space<hbm>> -> memref<20x128xi32, #tpu.memory_space<hbm>>
      %dma_wait3A_110 = arith.constant 0 : i32
      %dma_wait3A_111 = arith.constant 0 : i32
      %dma_wait3A_112 = tpu.memref_slice %arg3[%add3A_85, %dma_wait3A_110, %dma_wait3A_111] : memref<64x20x128xi32, #tpu.memory_space<hbm>> -> memref<1x20x128xi32, #tpu.memory_space<hbm>>
      %dma_wait3A_113 = tpu.memref_squeeze %dma_wait3A_112 : memref<1x20x128xi32, #tpu.memory_space<hbm>> -> memref<20x128xi32, #tpu.memory_space<hbm>>
      tpu.wait_dma2 semaphore(%run_scoped3A : memref<!tpu.dma_semaphore, #tpu.memory_space<semaphore_mem>>) src(%dma_wait3A_113 : memref<20x128xi32, #tpu.memory_space<hbm>>) dst(%arg9 : memref<20x128xi32, #tpu.memory_space<vmem>>)
      tpu.yield
    }) : () -> ()
    %scan3A_86 = arith.constant 0 : i32
    %scan3A_87 = arith.constant 0 : i32
    %scan3A_88 = arith.constant 4 : i32
    %scan3A_89 = arith.addi %scan3A_87, %scan3A_88 : i32
    %scan3A_90 = arith.constant 1 : i32
    scf.for %scan3A_100 = %scan3A_87 to %scan3A_89 step %scan3A_90  : i32 {
      %mul3A_101 = arith.constant 5 : i32
      %mul3A_102 = arith.muli %mul3A_101, %scan3A_100 : i32
      %add3A_103 = arith.constant 0 : i32
      %add3A_104 = arith.addi %mul3A_102, %add3A_103 : i32
      %dma_start3A = arith.constant 0 : i32
      %dma_start3A_105 = arith.constant 0 : i32
      %dma_start3A_106 = arith.constant 0 : i32
      %dma_start3A_107 = tpu.memref_slice %arg10[%dma_start3A, %dma_start3A_105, %dma_start3A_106] : memref<5x128x128xbf16, #tpu.memory_space<vmem>> -> memref<1x128x128xbf16, #tpu.memory_space<vmem>>
      %dma_start3A_108 = tpu.memref_squeeze %dma_start3A_107 : memref<1x128x128xbf16, #tpu.memory_space<vmem>> -> memref<128x128xbf16, #tpu.memory_space<vmem>>
      %dma_start3A_109 = arith.constant 0 : i32
      %dma_start3A_110 = tpu.memref_slice %arg8[%add3A_104, %dma_start3A_109] : memref<20x128xi32, #tpu.memory_space<vmem>> -> memref<1x128xi32, #tpu.memory_space<vmem>>
      %dma_start3A_111 = tpu.memref_squeeze %dma_start3A_110 : memref<1x128xi32, #tpu.memory_space<vmem>> -> memref<128xi32, #tpu.memory_space<vmem>>
      %dma_start3A_112 = arith.constant 0 : i32
      %dma_start3A_113 = arith.constant 0 : i32
      %dma_start3A_114 = tpu.memref_slice %arg11[%dma_start3A_112, %dma_start3A_113] : memref<10000x128xbf16, #tpu.memory_space<vmem_shared>> -> memref<10000x128xbf16, #tpu.memory_space<vmem_shared>>
      tpu.enqueue_indirect_dma source(%dma_start3A_114 : memref<10000x128xbf16, #tpu.memory_space<vmem_shared>>) target(%dma_start3A_108 : memref<128x128xbf16, #tpu.memory_space<vmem>>) offsets(%dma_start3A_111 : memref<128xi32, #tpu.memory_space<vmem>>) semaphore(%arg13 : memref<!tpu.dma_semaphore, #tpu.memory_space<semaphore_mem>>)
      %add3A_115 = arith.constant 1 : i32
      %add3A_116 = arith.addi %mul3A_102, %add3A_115 : i32
      %dma_start3A_117 = arith.constant 1 : i32
      %dma_start3A_118 = arith.constant 0 : i32
      %dma_start3A_119 = arith.constant 0 : i32
      %dma_start3A_120 = tpu.memref_slice %arg10[%dma_start3A_117, %dma_start3A_118, %dma_start3A_119] : memref<5x128x128xbf16, #tpu.memory_space<vmem>> -> memref<1x128x128xbf16, #tpu.memory_space<vmem>>
      %dma_start3A_121 = tpu.memref_squeeze %dma_start3A_120 : memref<1x128x128xbf16, #tpu.memory_space<vmem>> -> memref<128x128xbf16, #tpu.memory_space<vmem>>
      %dma_start3A_122 = arith.constant 0 : i32
      %dma_start3A_123 = tpu.memref_slice %arg8[%add3A_116, %dma_start3A_122] : memref<20x128xi32, #tpu.memory_space<vmem>> -> memref<1x128xi32, #tpu.memory_space<vmem>>
      %dma_start3A_124 = tpu.memref_squeeze %dma_start3A_123 : memref<1x128xi32, #tpu.memory_space<vmem>> -> memref<128xi32, #tpu.memory_space<vmem>>
      %dma_start3A_125 = arith.constant 0 : i32
      %dma_start3A_126 = arith.constant 0 : i32
      %dma_start3A_127 = tpu.memref_slice %arg11[%dma_start3A_125, %dma_start3A_126] : memref<10000x128xbf16, #tpu.memory_space<vmem_shared>> -> memref<10000x128xbf16, #tpu.memory_space<vmem_shared>>
      tpu.enqueue_indirect_dma source(%dma_start3A_127 : memref<10000x128xbf16, #tpu.memory_space<vmem_shared>>) target(%dma_start3A_121 : memref<128x128xbf16, #tpu.memory_space<vmem>>) offsets(%dma_start3A_124 : memref<128xi32, #tpu.memory_space<vmem>>) semaphore(%arg13 : memref<!tpu.dma_semaphore, #tpu.memory_space<semaphore_mem>>)
      %add3A_128 = arith.constant 2 : i32
      %add3A_129 = arith.addi %mul3A_102, %add3A_128 : i32
      %dma_start3A_130 = arith.constant 2 : i32
      %dma_start3A_131 = arith.constant 0 : i32
      %dma_start3A_132 = arith.constant 0 : i32
      %dma_start3A_133 = tpu.memref_slice %arg10[%dma_start3A_130, %dma_start3A_131, %dma_start3A_132] : memref<5x128x128xbf16, #tpu.memory_space<vmem>> -> memref<1x128x128xbf16, #tpu.memory_space<vmem>>
      %dma_start3A_134 = tpu.memref_squeeze %dma_start3A_133 : memref<1x128x128xbf16, #tpu.memory_space<vmem>> -> memref<128x128xbf16, #tpu.memory_space<vmem>>
      %dma_start3A_135 = arith.constant 0 : i32
      %dma_start3A_136 = tpu.memref_slice %arg8[%add3A_129, %dma_start3A_135] : memref<20x128xi32, #tpu.memory_space<vmem>> -> memref<1x128xi32, #tpu.memory_space<vmem>>
      %dma_start3A_137 = tpu.memref_squeeze %dma_start3A_136 : memref<1x128xi32, #tpu.memory_space<vmem>> -> memref<128xi32, #tpu.memory_space<vmem>>
      %dma_start3A_138 = arith.constant 0 : i32
      %dma_start3A_139 = arith.constant 0 : i32
      %dma_start3A_140 = tpu.memref_slice %arg11[%dma_start3A_138, %dma_start3A_139] : memref<10000x128xbf16, #tpu.memory_space<vmem_shared>> -> memref<10000x128xbf16, #tpu.memory_space<vmem_shared>>
      tpu.enqueue_indirect_dma source(%dma_start3A_140 : memref<10000x128xbf16, #tpu.memory_space<vmem_shared>>) target(%dma_start3A_134 : memref<128x128xbf16, #tpu.memory_space<vmem>>) offsets(%dma_start3A_137 : memref<128xi32, #tpu.memory_space<vmem>>) semaphore(%arg13 : memref<!tpu.dma_semaphore, #tpu.memory_space<semaphore_mem>>)
      %add3A_141 = arith.constant 3 : i32
      %add3A_142 = arith.addi %mul3A_102, %add3A_141 : i32
      %dma_start3A_143 = arith.constant 3 : i32
      %dma_start3A_144 = arith.constant 0 : i32
      %dma_start3A_145 = arith.constant 0 : i32
      %dma_start3A_146 = tpu.memref_slice %arg10[%dma_start3A_143, %dma_start3A_144, %dma_start3A_145] : memref<5x128x128xbf16, #tpu.memory_space<vmem>> -> memref<1x128x128xbf16, #tpu.memory_space<vmem>>
      %dma_start3A_147 = tpu.memref_squeeze %dma_start3A_146 : memref<1x128x128xbf16, #tpu.memory_space<vmem>> -> memref<128x128xbf16, #tpu.memory_space<vmem>>
      %dma_start3A_148 = arith.constant 0 : i32
      %dma_start3A_149 = tpu.memref_slice %arg8[%add3A_142, %dma_start3A_148] : memref<20x128xi32, #tpu.memory_space<vmem>> -> memref<1x128xi32, #tpu.memory_space<vmem>>
      %dma_start3A_150 = tpu.memref_squeeze %dma_start3A_149 : memref<1x128xi32, #tpu.memory_space<vmem>> -> memref<128xi32, #tpu.memory_space<vmem>>
      %dma_start3A_151 = arith.constant 0 : i32
      %dma_start3A_152 = arith.constant 0 : i32
      %dma_start3A_153 = tpu.memref_slice %arg11[%dma_start3A_151, %dma_start3A_152] : memref<10000x128xbf16, #tpu.memory_space<vmem_shared>> -> memref<10000x128xbf16, #tpu.memory_space<vmem_shared>>
      tpu.enqueue_indirect_dma source(%dma_start3A_153 : memref<10000x128xbf16, #tpu.memory_space<vmem_shared>>) target(%dma_start3A_147 : memref<128x128xbf16, #tpu.memory_space<vmem>>) offsets(%dma_start3A_150 : memref<128xi32, #tpu.memory_space<vmem>>) semaphore(%arg13 : memref<!tpu.dma_semaphore, #tpu.memory_space<semaphore_mem>>)
      %add3A_154 = arith.constant 4 : i32
      %add3A_155 = arith.addi %mul3A_102, %add3A_154 : i32
      %dma_start3A_156 = arith.constant 4 : i32
      %dma_start3A_157 = arith.constant 0 : i32
      %dma_start3A_158 = arith.constant 0 : i32
      %dma_start3A_159 = tpu.memref_slice %arg10[%dma_start3A_156, %dma_start3A_157, %dma_start3A_158] : memref<5x128x128xbf16, #tpu.memory_space<vmem>> -> memref<1x128x128xbf16, #tpu.memory_space<vmem>>
      %dma_start3A_160 = tpu.memref_squeeze %dma_start3A_159 : memref<1x128x128xbf16, #tpu.memory_space<vmem>> -> memref<128x128xbf16, #tpu.memory_space<vmem>>
      %dma_start3A_161 = arith.constant 0 : i32
      %dma_start3A_162 = tpu.memref_slice %arg8[%add3A_155, %dma_start3A_161] : memref<20x128xi32, #tpu.memory_space<vmem>> -> memref<1x128xi32, #tpu.memory_space<vmem>>
      %dma_start3A_163 = tpu.memref_squeeze %dma_start3A_162 : memref<1x128xi32, #tpu.memory_space<vmem>> -> memref<128xi32, #tpu.memory_space<vmem>>
      %dma_start3A_164 = arith.constant 0 : i32
      %dma_start3A_165 = arith.constant 0 : i32
      %dma_start3A_166 = tpu.memref_slice %arg11[%dma_start3A_164, %dma_start3A_165] : memref<10000x128xbf16, #tpu.memory_space<vmem_shared>> -> memref<10000x128xbf16, #tpu.memory_space<vmem_shared>>
      tpu.enqueue_indirect_dma source(%dma_start3A_166 : memref<10000x128xbf16, #tpu.memory_space<vmem_shared>>) target(%dma_start3A_160 : memref<128x128xbf16, #tpu.memory_space<vmem>>) offsets(%dma_start3A_163 : memref<128xi32, #tpu.memory_space<vmem>>) semaphore(%arg13 : memref<!tpu.dma_semaphore, #tpu.memory_space<semaphore_mem>>)
      %dma_wait3A = arith.constant 0 : i32
      %dma_wait3A_167 = arith.constant 0 : i32
      %dma_wait3A_168 = arith.constant 0 : i32
      %dma_wait3A_169 = tpu.memref_slice %arg10[%dma_wait3A, %dma_wait3A_167, %dma_wait3A_168] : memref<5x128x128xbf16, #tpu.memory_space<vmem>> -> memref<1x128x128xbf16, #tpu.memory_space<vmem>>
      %dma_wait3A_170 = tpu.memref_squeeze %dma_wait3A_169 : memref<1x128x128xbf16, #tpu.memory_space<vmem>> -> memref<128x128xbf16, #tpu.memory_space<vmem>>
      %dma_wait3A_171 = arith.constant 0 : i32
      %dma_wait3A_172 = tpu.memref_slice %arg8[%add3A_104, %dma_wait3A_171] : memref<20x128xi32, #tpu.memory_space<vmem>> -> memref<1x128xi32, #tpu.memory_space<vmem>>
      %dma_wait3A_173 = tpu.memref_squeeze %dma_wait3A_172 : memref<1x128xi32, #tpu.memory_space<vmem>> -> memref<128xi32, #tpu.memory_space<vmem>>
      %dma_wait3A_174 = arith.constant 0 : i32
      %dma_wait3A_175 = arith.constant 0 : i32
      %dma_wait3A_176 = tpu.memref_slice %arg11[%dma_wait3A_174, %dma_wait3A_175] : memref<10000x128xbf16, #tpu.memory_space<vmem_shared>> -> memref<10000x128xbf16, #tpu.memory_space<vmem_shared>>
      tpu.wait_indirect_dma semaphore(%arg13 : memref<!tpu.dma_semaphore, #tpu.memory_space<semaphore_mem>>) src(%dma_wait3A_176 : memref<10000x128xbf16, #tpu.memory_space<vmem_shared>>) dst(%dma_wait3A_170 : memref<128x128xbf16, #tpu.memory_space<vmem>>)
      %dma_wait3A_177 = arith.constant 1 : i32
      %dma_wait3A_178 = arith.constant 0 : i32
      %dma_wait3A_179 = arith.constant 0 : i32
      %dma_wait3A_180 = tpu.memref_slice %arg10[%dma_wait3A_177, %dma_wait3A_178, %dma_wait3A_179] : memref<5x128x128xbf16, #tpu.memory_space<vmem>> -> memref<1x128x128xbf16, #tpu.memory_space<vmem>>
      %dma_wait3A_181 = tpu.memref_squeeze %dma_wait3A_180 : memref<1x128x128xbf16, #tpu.memory_space<vmem>> -> memref<128x128xbf16, #tpu.memory_space<vmem>>
      %dma_wait3A_182 = arith.constant 0 : i32
      %dma_wait3A_183 = tpu.memref_slice %arg8[%add3A_116, %dma_wait3A_182] : memref<20x128xi32, #tpu.memory_space<vmem>> -> memref<1x128xi32, #tpu.memory_space<vmem>>
      %dma_wait3A_184 = tpu.memref_squeeze %dma_wait3A_183 : memref<1x128xi32, #tpu.memory_space<vmem>> -> memref<128xi32, #tpu.memory_space<vmem>>
      %dma_wait3A_185 = arith.constant 0 : i32
      %dma_wait3A_186 = arith.constant 0 : i32
      %dma_wait3A_187 = tpu.memref_slice %arg11[%dma_wait3A_185, %dma_wait3A_186] : memref<10000x128xbf16, #tpu.memory_space<vmem_shared>> -> memref<10000x128xbf16, #tpu.memory_space<vmem_shared>>
      tpu.wait_indirect_dma semaphore(%arg13 : memref<!tpu.dma_semaphore, #tpu.memory_space<semaphore_mem>>) src(%dma_wait3A_187 : memref<10000x128xbf16, #tpu.memory_space<vmem_shared>>) dst(%dma_wait3A_181 : memref<128x128xbf16, #tpu.memory_space<vmem>>)
      %dma_wait3A_188 = arith.constant 2 : i32
      %dma_wait3A_189 = arith.constant 0 : i32
      %dma_wait3A_190 = arith.constant 0 : i32
      %dma_wait3A_191 = tpu.memref_slice %arg10[%dma_wait3A_188, %dma_wait3A_189, %dma_wait3A_190] : memref<5x128x128xbf16, #tpu.memory_space<vmem>> -> memref<1x128x128xbf16, #tpu.memory_space<vmem>>
      %dma_wait3A_192 = tpu.memref_squeeze %dma_wait3A_191 : memref<1x128x128xbf16, #tpu.memory_space<vmem>> -> memref<128x128xbf16, #tpu.memory_space<vmem>>
      %dma_wait3A_193 = arith.constant 0 : i32
      %dma_wait3A_194 = tpu.memref_slice %arg8[%add3A_129, %dma_wait3A_193] : memref<20x128xi32, #tpu.memory_space<vmem>> -> memref<1x128xi32, #tpu.memory_space<vmem>>
      %dma_wait3A_195 = tpu.memref_squeeze %dma_wait3A_194 : memref<1x128xi32, #tpu.memory_space<vmem>> -> memref<128xi32, #tpu.memory_space<vmem>>
      %dma_wait3A_196 = arith.constant 0 : i32
      %dma_wait3A_197 = arith.constant 0 : i32
      %dma_wait3A_198 = tpu.memref_slice %arg11[%dma_wait3A_196, %dma_wait3A_197] : memref<10000x128xbf16, #tpu.memory_space<vmem_shared>> -> memref<10000x128xbf16, #tpu.memory_space<vmem_shared>>
      tpu.wait_indirect_dma semaphore(%arg13 : memref<!tpu.dma_semaphore, #tpu.memory_space<semaphore_mem>>) src(%dma_wait3A_198 : memref<10000x128xbf16, #tpu.memory_space<vmem_shared>>) dst(%dma_wait3A_192 : memref<128x128xbf16, #tpu.memory_space<vmem>>)
      %dma_wait3A_199 = arith.constant 3 : i32
      %dma_wait3A_200 = arith.constant 0 : i32
      %dma_wait3A_201 = arith.constant 0 : i32
      %dma_wait3A_202 = tpu.memref_slice %arg10[%dma_wait3A_199, %dma_wait3A_200, %dma_wait3A_201] : memref<5x128x128xbf16, #tpu.memory_space<vmem>> -> memref<1x128x128xbf16, #tpu.memory_space<vmem>>
      %dma_wait3A_203 = tpu.memref_squeeze %dma_wait3A_202 : memref<1x128x128xbf16, #tpu.memory_space<vmem>> -> memref<128x128xbf16, #tpu.memory_space<vmem>>
      %dma_wait3A_204 = arith.constant 0 : i32
      %dma_wait3A_205 = tpu.memref_slice %arg8[%add3A_142, %dma_wait3A_204] : memref<20x128xi32, #tpu.memory_space<vmem>> -> memref<1x128xi32, #tpu.memory_space<vmem>>
      %dma_wait3A_206 = tpu.memref_squeeze %dma_wait3A_205 : memref<1x128xi32, #tpu.memory_space<vmem>> -> memref<128xi32, #tpu.memory_space<vmem>>
      %dma_wait3A_207 = arith.constant 0 : i32
      %dma_wait3A_208 = arith.constant 0 : i32
      %dma_wait3A_209 = tpu.memref_slice %arg11[%dma_wait3A_207, %dma_wait3A_208] : memref<10000x128xbf16, #tpu.memory_space<vmem_shared>> -> memref<10000x128xbf16, #tpu.memory_space<vmem_shared>>
      tpu.wait_indirect_dma semaphore(%arg13 : memref<!tpu.dma_semaphore, #tpu.memory_space<semaphore_mem>>) src(%dma_wait3A_209 : memref<10000x128xbf16, #tpu.memory_space<vmem_shared>>) dst(%dma_wait3A_203 : memref<128x128xbf16, #tpu.memory_space<vmem>>)
      %dma_wait3A_210 = arith.constant 4 : i32
      %dma_wait3A_211 = arith.constant 0 : i32
      %dma_wait3A_212 = arith.constant 0 : i32
      %dma_wait3A_213 = tpu.memref_slice %arg10[%dma_wait3A_210, %dma_wait3A_211, %dma_wait3A_212] : memref<5x128x128xbf16, #tpu.memory_space<vmem>> -> memref<1x128x128xbf16, #tpu.memory_space<vmem>>
      %dma_wait3A_214 = tpu.memref_squeeze %dma_wait3A_213 : memref<1x128x128xbf16, #tpu.memory_space<vmem>> -> memref<128x128xbf16, #tpu.memory_space<vmem>>
      %dma_wait3A_215 = arith.constant 0 : i32
      %dma_wait3A_216 = tpu.memref_slice %arg8[%add3A_155, %dma_wait3A_215] : memref<20x128xi32, #tpu.memory_space<vmem>> -> memref<1x128xi32, #tpu.memory_space<vmem>>
      %dma_wait3A_217 = tpu.memref_squeeze %dma_wait3A_216 : memref<1x128xi32, #tpu.memory_space<vmem>> -> memref<128xi32, #tpu.memory_space<vmem>>
      %dma_wait3A_218 = arith.constant 0 : i32
      %dma_wait3A_219 = arith.constant 0 : i32
      %dma_wait3A_220 = tpu.memref_slice %arg11[%dma_wait3A_218, %dma_wait3A_219] : memref<10000x128xbf16, #tpu.memory_space<vmem_shared>> -> memref<10000x128xbf16, #tpu.memory_space<vmem_shared>>
      tpu.wait_indirect_dma semaphore(%arg13 : memref<!tpu.dma_semaphore, #tpu.memory_space<semaphore_mem>>) src(%dma_wait3A_220 : memref<10000x128xbf16, #tpu.memory_space<vmem_shared>>) dst(%dma_wait3A_214 : memref<128x128xbf16, #tpu.memory_space<vmem>>)
      %add3A_221 = arith.constant 0 : i32
      %add3A_222 = arith.addi %mul3A_102, %add3A_221 : i32
      %dma_start3A_223 = arith.constant 0 : i32
      %dma_start3A_224 = arith.constant 0 : i32
      %dma_start3A_225 = arith.constant 0 : i32
      %dma_start3A_226 = tpu.memref_slice %arg10[%dma_start3A_223, %dma_start3A_224, %dma_start3A_225] : memref<5x128x128xbf16, #tpu.memory_space<vmem>> -> memref<1x128x128xbf16, #tpu.memory_space<vmem>>
      %dma_start3A_227 = tpu.memref_squeeze %dma_start3A_226 : memref<1x128x128xbf16, #tpu.memory_space<vmem>> -> memref<128x128xbf16, #tpu.memory_space<vmem>>
      %dma_start3A_228 = arith.constant 0 : i32
      %dma_start3A_229 = tpu.memref_slice %arg9[%add3A_222, %dma_start3A_228] : memref<20x128xi32, #tpu.memory_space<vmem>> -> memref<1x128xi32, #tpu.memory_space<vmem>>
      %dma_start3A_230 = tpu.memref_squeeze %dma_start3A_229 : memref<1x128xi32, #tpu.memory_space<vmem>> -> memref<128xi32, #tpu.memory_space<vmem>>
      %dma_start3A_231 = arith.constant 0 : i32
      %dma_start3A_232 = arith.constant 0 : i32
      %dma_start3A_233 = tpu.memref_slice %arg12[%dma_start3A_231, %dma_start3A_232] : memref<10112x128xbf16, #tpu.memory_space<vmem_shared>> -> memref<10112x128xbf16, #tpu.memory_space<vmem_shared>>
      tpu.enqueue_indirect_dma source(%dma_start3A_227 : memref<128x128xbf16, #tpu.memory_space<vmem>>) target(%dma_start3A_233 : memref<10112x128xbf16, #tpu.memory_space<vmem_shared>>) offsets(%dma_start3A_230 : memref<128xi32, #tpu.memory_space<vmem>>) semaphore(%arg14 : memref<!tpu.dma_semaphore, #tpu.memory_space<semaphore_mem>>) {add = true}
      %add3A_234 = arith.constant 1 : i32
      %add3A_235 = arith.addi %mul3A_102, %add3A_234 : i32
      %dma_start3A_236 = arith.constant 1 : i32
      %dma_start3A_237 = arith.constant 0 : i32
      %dma_start3A_238 = arith.constant 0 : i32
      %dma_start3A_239 = tpu.memref_slice %arg10[%dma_start3A_236, %dma_start3A_237, %dma_start3A_238] : memref<5x128x128xbf16, #tpu.memory_space<vmem>> -> memref<1x128x128xbf16, #tpu.memory_space<vmem>>
      %dma_start3A_240 = tpu.memref_squeeze %dma_start3A_239 : memref<1x128x128xbf16, #tpu.memory_space<vmem>> -> memref<128x128xbf16, #tpu.memory_space<vmem>>
      %dma_start3A_241 = arith.constant 0 : i32
      %dma_start3A_242 = tpu.memref_slice %arg9[%add3A_235, %dma_start3A_241] : memref<20x128xi32, #tpu.memory_space<vmem>> -> memref<1x128xi32, #tpu.memory_space<vmem>>
      %dma_start3A_243 = tpu.memref_squeeze %dma_start3A_242 : memref<1x128xi32, #tpu.memory_space<vmem>> -> memref<128xi32, #tpu.memory_space<vmem>>
      %dma_start3A_244 = arith.constant 0 : i32
      %dma_start3A_245 = arith.constant 0 : i32
      %dma_start3A_246 = tpu.memref_slice %arg12[%dma_start3A_244, %dma_start3A_245] : memref<10112x128xbf16, #tpu.memory_space<vmem_shared>> -> memref<10112x128xbf16, #tpu.memory_space<vmem_shared>>
      tpu.enqueue_indirect_dma source(%dma_start3A_240 : memref<128x128xbf16, #tpu.memory_space<vmem>>) target(%dma_start3A_246 : memref<10112x128xbf16, #tpu.memory_space<vmem_shared>>) offsets(%dma_start3A_243 : memref<128xi32, #tpu.memory_space<vmem>>) semaphore(%arg14 : memref<!tpu.dma_semaphore, #tpu.memory_space<semaphore_mem>>) {add = true}
      %add3A_247 = arith.constant 2 : i32
      %add3A_248 = arith.addi %mul3A_102, %add3A_247 : i32
      %dma_start3A_249 = arith.constant 2 : i32
      %dma_start3A_250 = arith.constant 0 : i32
      %dma_start3A_251 = arith.constant 0 : i32
      %dma_start3A_252 = tpu.memref_slice %arg10[%dma_start3A_249, %dma_start3A_250, %dma_start3A_251] : memref<5x128x128xbf16, #tpu.memory_space<vmem>> -> memref<1x128x128xbf16, #tpu.memory_space<vmem>>
      %dma_start3A_253 = tpu.memref_squeeze %dma_start3A_252 : memref<1x128x128xbf16, #tpu.memory_space<vmem>> -> memref<128x128xbf16, #tpu.memory_space<vmem>>
      %dma_start3A_254 = arith.constant 0 : i32
      %dma_start3A_255 = tpu.memref_slice %arg9[%add3A_248, %dma_start3A_254] : memref<20x128xi32, #tpu.memory_space<vmem>> -> memref<1x128xi32, #tpu.memory_space<vmem>>
      %dma_start3A_256 = tpu.memref_squeeze %dma_start3A_255 : memref<1x128xi32, #tpu.memory_space<vmem>> -> memref<128xi32, #tpu.memory_space<vmem>>
      %dma_start3A_257 = arith.constant 0 : i32
      %dma_start3A_258 = arith.constant 0 : i32
      %dma_start3A_259 = tpu.memref_slice %arg12[%dma_start3A_257, %dma_start3A_258] : memref<10112x128xbf16, #tpu.memory_space<vmem_shared>> -> memref<10112x128xbf16, #tpu.memory_space<vmem_shared>>
      tpu.enqueue_indirect_dma source(%dma_start3A_253 : memref<128x128xbf16, #tpu.memory_space<vmem>>) target(%dma_start3A_259 : memref<10112x128xbf16, #tpu.memory_space<vmem_shared>>) offsets(%dma_start3A_256 : memref<128xi32, #tpu.memory_space<vmem>>) semaphore(%arg14 : memref<!tpu.dma_semaphore, #tpu.memory_space<semaphore_mem>>) {add = true}
      %add3A_260 = arith.constant 3 : i32
      %add3A_261 = arith.addi %mul3A_102, %add3A_260 : i32
      %dma_start3A_262 = arith.constant 3 : i32
      %dma_start3A_263 = arith.constant 0 : i32
      %dma_start3A_264 = arith.constant 0 : i32
      %dma_start3A_265 = tpu.memref_slice %arg10[%dma_start3A_262, %dma_start3A_263, %dma_start3A_264] : memref<5x128x128xbf16, #tpu.memory_space<vmem>> -> memref<1x128x128xbf16, #tpu.memory_space<vmem>>
      %dma_start3A_266 = tpu.memref_squeeze %dma_start3A_265 : memref<1x128x128xbf16, #tpu.memory_space<vmem>> -> memref<128x128xbf16, #tpu.memory_space<vmem>>
      %dma_start3A_267 = arith.constant 0 : i32
      %dma_start3A_268 = tpu.memref_slice %arg9[%add3A_261, %dma_start3A_267] : memref<20x128xi32, #tpu.memory_space<vmem>> -> memref<1x128xi32, #tpu.memory_space<vmem>>
      %dma_start3A_269 = tpu.memref_squeeze %dma_start3A_268 : memref<1x128xi32, #tpu.memory_space<vmem>> -> memref<128xi32, #tpu.memory_space<vmem>>
      %dma_start3A_270 = arith.constant 0 : i32
      %dma_start3A_271 = arith.constant 0 : i32
      %dma_start3A_272 = tpu.memref_slice %arg12[%dma_start3A_270, %dma_start3A_271] : memref<10112x128xbf16, #tpu.memory_space<vmem_shared>> -> memref<10112x128xbf16, #tpu.memory_space<vmem_shared>>
      tpu.enqueue_indirect_dma source(%dma_start3A_266 : memref<128x128xbf16, #tpu.memory_space<vmem>>) target(%dma_start3A_272 : memref<10112x128xbf16, #tpu.memory_space<vmem_shared>>) offsets(%dma_start3A_269 : memref<128xi32, #tpu.memory_space<vmem>>) semaphore(%arg14 : memref<!tpu.dma_semaphore, #tpu.memory_space<semaphore_mem>>) {add = true}
      %add3A_273 = arith.constant 4 : i32
      %add3A_274 = arith.addi %mul3A_102, %add3A_273 : i32
      %dma_start3A_275 = arith.constant 4 : i32
      %dma_start3A_276 = arith.constant 0 : i32
      %dma_start3A_277 = arith.constant 0 : i32
      %dma_start3A_278 = tpu.memref_slice %arg10[%dma_start3A_275, %dma_start3A_276, %dma_start3A_277] : memref<5x128x128xbf16, #tpu.memory_space<vmem>> -> memref<1x128x128xbf16, #tpu.memory_space<vmem>>
      %dma_start3A_279 = tpu.memref_squeeze %dma_start3A_278 : memref<1x128x128xbf16, #tpu.memory_space<vmem>> -> memref<128x128xbf16, #tpu.memory_space<vmem>>
      %dma_start3A_280 = arith.constant 0 : i32
      %dma_start3A_281 = tpu.memref_slice %arg9[%add3A_274, %dma_start3A_280] : memref<20x128xi32, #tpu.memory_space<vmem>> -> memref<1x128xi32, #tpu.memory_space<vmem>>
      %dma_start3A_282 = tpu.memref_squeeze %dma_start3A_281 : memref<1x128xi32, #tpu.memory_space<vmem>> -> memref<128xi32, #tpu.memory_space<vmem>>
      %dma_start3A_283 = arith.constant 0 : i32
      %dma_start3A_284 = arith.constant 0 : i32
      %dma_start3A_285 = tpu.memref_slice %arg12[%dma_start3A_283, %dma_start3A_284] : memref<10112x128xbf16, #tpu.memory_space<vmem_shared>> -> memref<10112x128xbf16, #tpu.memory_space<vmem_shared>>
      tpu.enqueue_indirect_dma source(%dma_start3A_279 : memref<128x128xbf16, #tpu.memory_space<vmem>>) target(%dma_start3A_285 : memref<10112x128xbf16, #tpu.memory_space<vmem_shared>>) offsets(%dma_start3A_282 : memref<128xi32, #tpu.memory_space<vmem>>) semaphore(%arg14 : memref<!tpu.dma_semaphore, #tpu.memory_space<semaphore_mem>>) {add = true}
      %dma_wait3A_286 = arith.constant 0 : i32
      %dma_wait3A_287 = arith.constant 0 : i32
      %dma_wait3A_288 = arith.constant 0 : i32
      %dma_wait3A_289 = tpu.memref_slice %arg10[%dma_wait3A_286, %dma_wait3A_287, %dma_wait3A_288] : memref<5x128x128xbf16, #tpu.memory_space<vmem>> -> memref<1x128x128xbf16, #tpu.memory_space<vmem>>
      %dma_wait3A_290 = tpu.memref_squeeze %dma_wait3A_289 : memref<1x128x128xbf16, #tpu.memory_space<vmem>> -> memref<128x128xbf16, #tpu.memory_space<vmem>>
      %dma_wait3A_291 = arith.constant 0 : i32
      %dma_wait3A_292 = tpu.memref_slice %arg9[%add3A_222, %dma_wait3A_291] : memref<20x128xi32, #tpu.memory_space<vmem>> -> memref<1x128xi32, #tpu.memory_space<vmem>>
      %dma_wait3A_293 = tpu.memref_squeeze %dma_wait3A_292 : memref<1x128xi32, #tpu.memory_space<vmem>> -> memref<128xi32, #tpu.memory_space<vmem>>
      %dma_wait3A_294 = arith.constant 0 : i32
      %dma_wait3A_295 = arith.constant 0 : i32
      %dma_wait3A_296 = tpu.memref_slice %arg12[%dma_wait3A_294, %dma_wait3A_295] : memref<10112x128xbf16, #tpu.memory_space<vmem_shared>> -> memref<10112x128xbf16, #tpu.memory_space<vmem_shared>>
      tpu.wait_indirect_dma semaphore(%arg14 : memref<!tpu.dma_semaphore, #tpu.memory_space<semaphore_mem>>) src(%dma_wait3A_290 : memref<128x128xbf16, #tpu.memory_space<vmem>>) dst(%dma_wait3A_296 : memref<10112x128xbf16, #tpu.memory_space<vmem_shared>>)
      %dma_wait3A_297 = arith.constant 1 : i32
      %dma_wait3A_298 = arith.constant 0 : i32
      %dma_wait3A_299 = arith.constant 0 : i32
      %dma_wait3A_300 = tpu.memref_slice %arg10[%dma_wait3A_297, %dma_wait3A_298, %dma_wait3A_299] : memref<5x128x128xbf16, #tpu.memory_space<vmem>> -> memref<1x128x128xbf16, #tpu.memory_space<vmem>>
      %dma_wait3A_301 = tpu.memref_squeeze %dma_wait3A_300 : memref<1x128x128xbf16, #tpu.memory_space<vmem>> -> memref<128x128xbf16, #tpu.memory_space<vmem>>
      %dma_wait3A_302 = arith.constant 0 : i32
      %dma_wait3A_303 = tpu.memref_slice %arg9[%add3A_235, %dma_wait3A_302] : memref<20x128xi32, #tpu.memory_space<vmem>> -> memref<1x128xi32, #tpu.memory_space<vmem>>
      %dma_wait3A_304 = tpu.memref_squeeze %dma_wait3A_303 : memref<1x128xi32, #tpu.memory_space<vmem>> -> memref<128xi32, #tpu.memory_space<vmem>>
      %dma_wait3A_305 = arith.constant 0 : i32
      %dma_wait3A_306 = arith.constant 0 : i32
      %dma_wait3A_307 = tpu.memref_slice %arg12[%dma_wait3A_305, %dma_wait3A_306] : memref<10112x128xbf16, #tpu.memory_space<vmem_shared>> -> memref<10112x128xbf16, #tpu.memory_space<vmem_shared>>
      tpu.wait_indirect_dma semaphore(%arg14 : memref<!tpu.dma_semaphore, #tpu.memory_space<semaphore_mem>>) src(%dma_wait3A_301 : memref<128x128xbf16, #tpu.memory_space<vmem>>) dst(%dma_wait3A_307 : memref<10112x128xbf16, #tpu.memory_space<vmem_shared>>)
      %dma_wait3A_308 = arith.constant 2 : i32
      %dma_wait3A_309 = arith.constant 0 : i32
      %dma_wait3A_310 = arith.constant 0 : i32
      %dma_wait3A_311 = tpu.memref_slice %arg10[%dma_wait3A_308, %dma_wait3A_309, %dma_wait3A_310] : memref<5x128x128xbf16, #tpu.memory_space<vmem>> -> memref<1x128x128xbf16, #tpu.memory_space<vmem>>
      %dma_wait3A_312 = tpu.memref_squeeze %dma_wait3A_311 : memref<1x128x128xbf16, #tpu.memory_space<vmem>> -> memref<128x128xbf16, #tpu.memory_space<vmem>>
      %dma_wait3A_313 = arith.constant 0 : i32
      %dma_wait3A_314 = tpu.memref_slice %arg9[%add3A_248, %dma_wait3A_313] : memref<20x128xi32, #tpu.memory_space<vmem>> -> memref<1x128xi32, #tpu.memory_space<vmem>>
      %dma_wait3A_315 = tpu.memref_squeeze %dma_wait3A_314 : memref<1x128xi32, #tpu.memory_space<vmem>> -> memref<128xi32, #tpu.memory_space<vmem>>
      %dma_wait3A_316 = arith.constant 0 : i32
      %dma_wait3A_317 = arith.constant 0 : i32
      %dma_wait3A_318 = tpu.memref_slice %arg12[%dma_wait3A_316, %dma_wait3A_317] : memref<10112x128xbf16, #tpu.memory_space<vmem_shared>> -> memref<10112x128xbf16, #tpu.memory_space<vmem_shared>>
      tpu.wait_indirect_dma semaphore(%arg14 : memref<!tpu.dma_semaphore, #tpu.memory_space<semaphore_mem>>) src(%dma_wait3A_312 : memref<128x128xbf16, #tpu.memory_space<vmem>>) dst(%dma_wait3A_318 : memref<10112x128xbf16, #tpu.memory_space<vmem_shared>>)
      %dma_wait3A_319 = arith.constant 3 : i32
      %dma_wait3A_320 = arith.constant 0 : i32
      %dma_wait3A_321 = arith.constant 0 : i32
      %dma_wait3A_322 = tpu.memref_slice %arg10[%dma_wait3A_319, %dma_wait3A_320, %dma_wait3A_321] : memref<5x128x128xbf16, #tpu.memory_space<vmem>> -> memref<1x128x128xbf16, #tpu.memory_space<vmem>>
      %dma_wait3A_323 = tpu.memref_squeeze %dma_wait3A_322 : memref<1x128x128xbf16, #tpu.memory_space<vmem>> -> memref<128x128xbf16, #tpu.memory_space<vmem>>
      %dma_wait3A_324 = arith.constant 0 : i32
      %dma_wait3A_325 = tpu.memref_slice %arg9[%add3A_261, %dma_wait3A_324] : memref<20x128xi32, #tpu.memory_space<vmem>> -> memref<1x128xi32, #tpu.memory_space<vmem>>
      %dma_wait3A_326 = tpu.memref_squeeze %dma_wait3A_325 : memref<1x128xi32, #tpu.memory_space<vmem>> -> memref<128xi32, #tpu.memory_space<vmem>>
      %dma_wait3A_327 = arith.constant 0 : i32
      %dma_wait3A_328 = arith.constant 0 : i32
      %dma_wait3A_329 = tpu.memref_slice %arg12[%dma_wait3A_327, %dma_wait3A_328] : memref<10112x128xbf16, #tpu.memory_space<vmem_shared>> -> memref<10112x128xbf16, #tpu.memory_space<vmem_shared>>
      tpu.wait_indirect_dma semaphore(%arg14 : memref<!tpu.dma_semaphore, #tpu.memory_space<semaphore_mem>>) src(%dma_wait3A_323 : memref<128x128xbf16, #tpu.memory_space<vmem>>) dst(%dma_wait3A_329 : memref<10112x128xbf16, #tpu.memory_space<vmem_shared>>)
      %dma_wait3A_330 = arith.constant 4 : i32
      %dma_wait3A_331 = arith.constant 0 : i32
      %dma_wait3A_332 = arith.constant 0 : i32
      %dma_wait3A_333 = tpu.memref_slice %arg10[%dma_wait3A_330, %dma_wait3A_331, %dma_wait3A_332] : memref<5x128x128xbf16, #tpu.memory_space<vmem>> -> memref<1x128x128xbf16, #tpu.memory_space<vmem>>
      %dma_wait3A_334 = tpu.memref_squeeze %dma_wait3A_333 : memref<1x128x128xbf16, #tpu.memory_space<vmem>> -> memref<128x128xbf16, #tpu.memory_space<vmem>>
      %dma_wait3A_335 = arith.constant 0 : i32
      %dma_wait3A_336 = tpu.memref_slice %arg9[%add3A_274, %dma_wait3A_335] : memref<20x128xi32, #tpu.memory_space<vmem>> -> memref<1x128xi32, #tpu.memory_space<vmem>>
      %dma_wait3A_337 = tpu.memref_squeeze %dma_wait3A_336 : memref<1x128xi32, #tpu.memory_space<vmem>> -> memref<128xi32, #tpu.memory_space<vmem>>
      %dma_wait3A_338 = arith.constant 0 : i32
      %dma_wait3A_339 = arith.constant 0 : i32
      %dma_wait3A_340 = tpu.memref_slice %arg12[%dma_wait3A_338, %dma_wait3A_339] : memref<10112x128xbf16, #tpu.memory_space<vmem_shared>> -> memref<10112x128xbf16, #tpu.memory_space<vmem_shared>>
      tpu.wait_indirect_dma semaphore(%arg14 : memref<!tpu.dma_semaphore, #tpu.memory_space<semaphore_mem>>) src(%dma_wait3A_334 : memref<128x128xbf16, #tpu.memory_space<vmem>>) dst(%dma_wait3A_340 : memref<10112x128xbf16, #tpu.memory_space<vmem_shared>>)
    }
    %scan3A_91 = arith.constant 4 : i32
    %barrier3A_92 = arith.constant 0 : index
    tpu.barrier barrier_id(%barrier3A_92)
    %eq3A = arith.constant 0 : i32
    %eq3A_93 = arith.cmpi eq, %arg0, %eq3A : i32
    %convert_element_type3A = arith.extui %eq3A_93 : i1 to i32
    %cond3A = arith.constant 0 : i32
    %cond3A_94 = arith.cmpi ne, %convert_element_type3A, %cond3A : i32
    scf.if %cond3A_94 {
      %mul3A_100 = arith.constant 632 : i32
      %mul3A_101 = arith.muli %arg1, %mul3A_100 : i32
      %mul3A_102 = arith.constant 632 : i32
      %mul3A_103 = arith.muli %arg1, %mul3A_102 : i32
      "tpu.region"() ({
        %run_scoped3A = tpu.sem_alloc : memref<!tpu.dma_semaphore, #tpu.memory_space<semaphore_mem>>
        %dma_start3A = arith.constant 0 : i32
        %dma_start3A_104 = tpu.memref_slice %arg6[%mul3A_103, %dma_start3A] : memref<10112x128xbf16, #tpu.memory_space<hbm>> -> memref<632x128xbf16, #tpu.memory_space<hbm>>
        %dma_start3A_105 = arith.constant 0 : i32
        %dma_start3A_106 = tpu.memref_slice %arg12[%mul3A_101, %dma_start3A_105] : memref<10112x128xbf16, #tpu.memory_space<vmem_shared>> -> memref<632x128xbf16, #tpu.memory_space<vmem_shared>>
        tpu.enqueue_dma source(%dma_start3A_106 : memref<632x128xbf16, #tpu.memory_space<vmem_shared>>) target(%dma_start3A_104 : memref<632x128xbf16, #tpu.memory_space<hbm>>) target_semaphore(%run_scoped3A : memref<!tpu.dma_semaphore, #tpu.memory_space<semaphore_mem>>)
        %dma_wait3A = arith.constant 0 : i32
        %dma_wait3A_107 = tpu.memref_slice %arg6[%mul3A_103, %dma_wait3A] : memref<10112x128xbf16, #tpu.memory_space<hbm>> -> memref<632x128xbf16, #tpu.memory_space<hbm>>
        %dma_wait3A_108 = arith.constant 0 : i32
        %dma_wait3A_109 = tpu.memref_slice %arg12[%mul3A_101, %dma_wait3A_108] : memref<10112x128xbf16, #tpu.memory_space<vmem_shared>> -> memref<632x128xbf16, #tpu.memory_space<vmem_shared>>
        tpu.wait_dma2 semaphore(%run_scoped3A : memref<!tpu.dma_semaphore, #tpu.memory_space<semaphore_mem>>) src(%dma_wait3A_109 : memref<632x128xbf16, #tpu.memory_space<vmem_shared>>) dst(%dma_wait3A_107 : memref<632x128xbf16, #tpu.memory_space<hbm>>)
        tpu.yield
      }) : () -> ()
    } else {
    }
    %eq3A_95 = arith.constant 1 : i32
    %eq3A_96 = arith.cmpi eq, %arg0, %eq3A_95 : i32
    %convert_element_type3A_97 = arith.extui %eq3A_96 : i1 to i32
    %cond3A_98 = arith.constant 0 : i32
    %cond3A_99 = arith.cmpi ne, %convert_element_type3A_97, %cond3A_98 : i32
    scf.if %cond3A_99 {
      %mul3A_100 = arith.constant 632 : i32
      %mul3A_101 = arith.muli %arg1, %mul3A_100 : i32
      %mul3A_102 = arith.constant 632 : i32
      %mul3A_103 = arith.muli %arg1, %mul3A_102 : i32
      "tpu.region"() ({
        %run_scoped3A = tpu.sem_alloc : memref<!tpu.dma_semaphore, #tpu.memory_space<semaphore_mem>>
        %dma_start3A = arith.constant 0 : i32
        %dma_start3A_104 = tpu.memref_slice %arg7[%mul3A_103, %dma_start3A] : memref<10112x128xbf16, #tpu.memory_space<hbm>> -> memref<632x128xbf16, #tpu.memory_space<hbm>>
        %dma_start3A_105 = arith.constant 0 : i32
        %dma_start3A_106 = tpu.memref_slice %arg12[%mul3A_101, %dma_start3A_105] : memref<10112x128xbf16, #tpu.memory_space<vmem_shared>> -> memref<632x128xbf16, #tpu.memory_space<vmem_shared>>
        tpu.enqueue_dma source(%dma_start3A_106 : memref<632x128xbf16, #tpu.memory_space<vmem_shared>>) target(%dma_start3A_104 : memref<632x128xbf16, #tpu.memory_space<hbm>>) target_semaphore(%run_scoped3A : memref<!tpu.dma_semaphore, #tpu.memory_space<semaphore_mem>>)
        %dma_wait3A = arith.constant 0 : i32
        %dma_wait3A_107 = tpu.memref_slice %arg7[%mul3A_103, %dma_wait3A] : memref<10112x128xbf16, #tpu.memory_space<hbm>> -> memref<632x128xbf16, #tpu.memory_space<hbm>>
        %dma_wait3A_108 = arith.constant 0 : i32
        %dma_wait3A_109 = tpu.memref_slice %arg12[%mul3A_101, %dma_wait3A_108] : memref<10112x128xbf16, #tpu.memory_space<vmem_shared>> -> memref<632x128xbf16, #tpu.memory_space<vmem_shared>>
        tpu.wait_dma2 semaphore(%run_scoped3A : memref<!tpu.dma_semaphore, #tpu.memory_space<semaphore_mem>>) src(%dma_wait3A_109 : memref<632x128xbf16, #tpu.memory_space<vmem_shared>>) dst(%dma_wait3A_107 : memref<632x128xbf16, #tpu.memory_space<hbm>>)
        tpu.yield
      }) : () -> ()
    } else {
    }
    return
  }
}

module attributes {stable_mosaic.version = 14 : i64} {
  func.func @_tc_linear_body(%arg0: i32, %arg1: memref<1000x128xbf16, #tpu.memory_space<vmem>>, %arg2: memref<1000x128xbf16, #tpu.memory_space<vmem>>, %arg3: memref<128x256xf32, #tpu.memory_space<vmem>>, %arg4: memref<128x256xf32, #tpu.memory_space<vmem>>, %arg5: memref<1x256xf32, #tpu.memory_space<vmem>>, %arg6: memref<1000x256xf32, #tpu.memory_space<vmem>>) attributes {dimension_semantics = [#tpu.dimension_semantics<arbitrary>], iteration_bounds = array<i64: 10>, scalar_prefetch = 0 : i64, scratch_operands = 0 : i64, tpu.core_type = #tpu.core_type<tc>, window_params = [{transform_indices = @transform_0, window_bounds = array<i64: 1000, 128>}, {transform_indices = @transform_1, window_bounds = array<i64: 1000, 128>}, {pipeline_mode = #tpu.pipeline_mode<synchronous>, transform_indices = @transform_2, window_bounds = array<i64: 128, 256>}, {pipeline_mode = #tpu.pipeline_mode<synchronous>, transform_indices = @transform_3, window_bounds = array<i64: 128, 256>}, {pipeline_mode = #tpu.pipeline_mode<synchronous>, transform_indices = @transform_4, window_bounds = array<i64: 1, 256>}, {transform_indices = @transform_5, window_bounds = array<i64: 1000, 256>}]} {
    %get3A = arith.constant 0 : index
    %get3A_0 = arith.constant 0 : index
    %get3A_1 = vector.load %arg1[%get3A, %get3A_0] : memref<1000x128xbf16, #tpu.memory_space<vmem>>, vector<1000x128xbf16>
    %convert_element_type3A = arith.extf %get3A_1 : vector<1000x128xbf16> to vector<1000x128xf32>
    %get3A_2 = arith.constant 0 : index
    %get3A_3 = arith.constant 0 : index
    %get3A_4 = vector.load %arg3[%get3A_2, %get3A_3] : memref<128x256xf32, #tpu.memory_space<vmem>>, vector<128x256xf32>
    %dot_general3A = arith.constant dense<0.000000e+00> : vector<1000x256xf32>
    %dot_general3A_5 = tpu.matmul %convert_element_type3A, %get3A_4, %dot_general3A {dimension_numbers = #tpu.dot_dimension_numbers<[1], [0], [0], [1], [0, 0, 1, 1], [], []>, transpose_lhs_hint = false} : vector<1000x128xf32>, vector<128x256xf32>, vector<1000x256xf32> -> vector<1000x256xf32>
    %get3A_6 = arith.constant 0 : index
    %get3A_7 = arith.constant 0 : index
    %get3A_8 = vector.load %arg2[%get3A_6, %get3A_7] : memref<1000x128xbf16, #tpu.memory_space<vmem>>, vector<1000x128xbf16>
    %convert_element_type3A_9 = arith.extf %get3A_8 : vector<1000x128xbf16> to vector<1000x128xf32>
    %get3A_10 = arith.constant 0 : index
    %get3A_11 = arith.constant 0 : index
    %get3A_12 = vector.load %arg4[%get3A_10, %get3A_11] : memref<128x256xf32, #tpu.memory_space<vmem>>, vector<128x256xf32>
    %dot_general3A_13 = arith.constant dense<0.000000e+00> : vector<1000x256xf32>
    %dot_general3A_14 = tpu.matmul %convert_element_type3A_9, %get3A_12, %dot_general3A_13 {dimension_numbers = #tpu.dot_dimension_numbers<[1], [0], [0], [1], [0, 0, 1, 1], [], []>, transpose_lhs_hint = false} : vector<1000x128xf32>, vector<128x256xf32>, vector<1000x256xf32> -> vector<1000x256xf32>
    %add3A = arith.addf %dot_general3A_5, %dot_general3A_14 : vector<1000x256xf32>
    %get3A_15 = arith.constant 0 : index
    %get3A_16 = arith.constant 0 : index
    %get3A_17 = vector.load %arg5[%get3A_15, %get3A_16] : memref<1x256xf32, #tpu.memory_space<vmem>>, vector<1x256xf32>
    %add3A_18 = vector.broadcast %get3A_17 : vector<1x256xf32> to vector<1000x256xf32>
    %add3A_19 = arith.addf %add3A, %add3A_18 : vector<1000x256xf32>
    %swap3A = arith.constant 0 : index
    %swap3A_20 = arith.constant 0 : index
    %swap3A_21 = vector.load %arg6[%swap3A, %swap3A_20] : memref<1000x256xf32, #tpu.memory_space<vmem>>, vector<1000x256xf32>
    tpu.vector_store %arg6[%swap3A, %swap3A_20], %add3A_19 {strides = array<i32>} : memref<1000x256xf32, #tpu.memory_space<vmem>>, vector<1000x256xf32>,
    return
  }
  func.func @transform_0(%arg0: i32) -> (i32, i32) {
    %c0_i32 = arith.constant 0 : i32
    %c0_i32_0 = arith.constant 0 : i32
    return %arg0, %c0_i32 : i32, i32
  }
  func.func @transform_1(%arg0: i32) -> (i32, i32) {
    %c0_i32 = arith.constant 0 : i32
    %c0_i32_0 = arith.constant 0 : i32
    return %arg0, %c0_i32 : i32, i32
  }
  func.func @transform_2(%arg0: i32) -> (i32, i32) {
    %c0_i32 = arith.constant 0 : i32
    %c0_i32_0 = arith.constant 0 : i32
    %c0_i32_1 = arith.constant 0 : i32
    return %c0_i32, %c0_i32_0 : i32, i32
  }
  func.func @transform_3(%arg0: i32) -> (i32, i32) {
    %c0_i32 = arith.constant 0 : i32
    %c0_i32_0 = arith.constant 0 : i32
    %c0_i32_1 = arith.constant 0 : i32
    return %c0_i32, %c0_i32_0 : i32, i32
  }
  func.func @transform_4(%arg0: i32) -> (i32, i32) {
    %c0_i32 = arith.constant 0 : i32
    %c0_i32_0 = arith.constant 0 : i32
    %c0_i32_1 = arith.constant 0 : i32
    return %c0_i32, %c0_i32_0 : i32, i32
  }
  func.func @transform_5(%arg0: i32) -> (i32, i32) {
    %c0_i32 = arith.constant 0 : i32
    %c0_i32_0 = arith.constant 0 : i32
    return %arg0, %c0_i32 : i32, i32
  }
}

</mosaic_0001>

<sc_bundles>
// kernel: kernel.4.cloned.1.call-start
scs
__scs_entry_jumppad:
0x0: {  	(pc) =	sbr.rel $0x88, $3  }
0x1: {  	(tag) =	ssettag $0x0;
	lr =	simm.s32 $0x1  }
0x2: {  	[smem:$0x3F9D] =	sst lr;
	_ =	strace $0xD0000000  }
0x3: {  	_ = 	snop  }
0x4: {  	_ = 	snop  }
0x5: {  	_ = 	snop  }
0x6: {  	_ = 	snop  }
0x7: {  	_ = 	snop  }
__scs_overlays_trampoline_lowered:
0x8: {  	[smem:$0x3FAC] =	sst s0  }
0x9: {  	[smem:$0x3FAD] =	sst s1  }
0xa: {  	[smem:$0x3FAE] =	sst s2  }
0xb: {  	[smem:$0x3FAF] =	sst s3  }
0xc: {  	[smem:$0x3FB0] =	sst s4  }
0xd: {  	[smem:$0x3FB1] =	sst s5  }
0xe: {  	[smem:$0x3FB2] =	sst s6  }
0xf: {  	[smem:$0x3FB3] =	sst s7  }
0x10: {  	[smem:$0x3FB4] =	sst s8  }
0x11: {  	[smem:$0x3FB5] =	sst s9;
	s0 =	simm.s32 @!p0 $0x0  }
0x12: {  	s1 =	sld [smem:$0x3F9B];
	s0 =	simm.s32 @p0 $0x1  }
0x13: {  	[smem:$0x3FB6] =	sst s0;
	s0 =	simm.s32 @!p1 $0x0  }
0x14: {  	s2 =	sld [smem:$0x3F9A];
	s0 =	simm.s32 @p1 $0x1  }
0x15: {  	[smem:$0x3FB7] =	sst s0;
	s0 =	simm.s32 @!p2 $0x0  }
0x16: {  	s3 =	sld [smem:$0x3FDB];
	s0 =	simm.s32 @p2 $0x1  }
0x17: {  	s4 =	simm.s32 $0x1BF5;
	[smem:$0x3FB9] =	sst s0  }
0x18: {  	s0 =	sld [smem:$0x3F9C];
	_ =	swait.ge [sflag:s4], $0x0  }
0x19: {  	s7 =	sld [smem:$0x3F9D]  }
0x1a: {  	s8 =	sadd.s32 $0xFFFFE003, lr  }
0x1b: {  	s9 =	sadd.s32 $0xFFFFFEF7, lr;
	s5 =	simm.s32 $0xFFFFFFFF;
	p2 =	slt.u32 s8, $0xFFFFF086  }
0x1c: {  	p1 =	slt.u32 s9, $0xF7A;
	s5 =	simm.s32 @!p2 $0x0  }
0x1d: {  	s5 =	simm.s32 @p1 $0x1;
	p0 =	seq.s32 s7, s2  }
0x1e: {  	s7 =	smul.u32 @!p0 $0xF7A, s2;
	p2 =	seq.s32 @!p0 s5, $0x0  }
0x1f: {  	s9 =	smul.u32 $0xF7A, s1;
	s8 =	simm.s32 @!p0 $0x1BF5;
	p2 =	por !p2, p0  }
0x20: {  	[sflag:s8] =	ssyncset.s32 @!p0 $0xFFFFF086;
	s6 =	sadd.s32 @!p0 s3, s7;
	s7 =	simm.s32 @!p0 $0x108  }
0x21: {  	s3 =	sadd.s32 s3, s9;
	s6 =	sadd.s32 @!p0 $0x88, s6;
	s7 =	simm.s32 @p2 $0x1082  }
0x22: {  	[simem:s7], [sflag:s8] =	dma.local @!p0 [hbm:s6], $0xF7A  }
0x23: {  	s9 =	sor.u32 $0xD0000000, s2;
	s6 =	simm.s32 $0x108;
	_ =	swait.ge @!p0 [sflag:s8], $0x0  }
0x24: {  	s3 =	sadd.s32 $0x88, s3;
	s6 =	simm.s32 @!p1 $0x1082;
	[sflag:s4] =	ssyncset.s32 $0xFFFFF086  }
0x25: {  	[simem:s6], [sflag:s4] =	dma.local [hbm:s3], $0xF7A  }
0x26: {  	[smem:$0x3F9D] =	sst s1;
	(tag) =	ssettag s2;
	_ =	strace s9  }
0x27: {  	s1 =	sld [smem:$0x3FAD]  }
0x28: {  	s2 =	sld [smem:$0x3FAE]  }
0x29: {  	s4 =	sld [smem:$0x3FB0]  }
0x2a: {  	p0 =	seq.s32 s5, $0x0;
	s5 =	sld [smem:$0x3FB1]  }
0x2b: {  	s6 =	sld [smem:$0x3FB2]  }
0x2c: {  	s7 =	sld [smem:$0x3FB3]  }
0x2d: {  	s3 =	simm.s32 $0x108;
	s8 =	sld [smem:$0x3FB4]  }
0x2e: {  	s3 =	simm.s32 @!p0 $0x1082;
	s9 =	sld [smem:$0x3FB5]  }
0x2f: {  	lr =	sadd.s32 s0, s3;
	s0 =	sld [smem:$0x3FAC]  }
0x30: {  	s3 =	sld [smem:$0x3FAF]  }
0x31: {  	[smem:$0x3FB8] =	sst s10  }
0x32: {  	s10 =	sld [smem:$0x3FB6];
	_ =	sdelay $0x3  }
0x33: {  	p0 =	seq.s32 s10, $0x1;
	s10 =	sld [smem:$0x3FB8];
	_ =	sdelay $0x3  }
0x34: {  	[smem:$0x3FB8] =	sst s10  }
0x35: {  	s10 =	sld [smem:$0x3FB7];
	_ =	sdelay $0x3  }
0x36: {  	p1 =	seq.s32 s10, $0x1;
	s10 =	sld [smem:$0x3FB8];
	_ =	sdelay $0x3  }
0x37: {  	[smem:$0x3FB8] =	sst s10  }
0x38: {  	s10 =	sld [smem:$0x3FB9]  }
0x39: {  	_ = 	snop;
	(pc) =	sbr.ind lr, $3  }
0x3a: {  	_ = 	snop  }
0x3b: {  	_ = 	snop  }
0x3c: {  	p2 =	seq.s32 s10, $0x1;
	s10 =	sld [smem:$0x3FB8]  }
0x3d: {  	_ =	shalt  }
0x3e: {  	_ =	shalt  }
0x3f: {  	_ =	shalt  }
0x40: {  	_ =	shalt  }
0x41: {  	_ =	shalt  }
0x42: {  	_ =	shalt  }
0x43: {  	_ =	shalt  }
0x44: {  	_ =	shalt  }
0x45: {  	_ =	shalt  }
0x46: {  	_ =	shalt  }
0x47: {  	_ =	shalt  }
0x48: {  	_ =	shalt  }
0x49: {  	_ =	shalt  }
0x4a: {  	_ =	shalt  }
0x4b: {  	_ =	shalt  }
0x4c: {  	_ =	shalt  }
0x4d: {  	_ =	shalt  }
0x4e: {  	_ =	shalt  }
0x4f: {  	_ =	shalt  }
0x50: {  	_ =	shalt  }
0x51: {  	_ =	shalt  }
0x52: {  	_ =	shalt  }
0x53: {  	_ =	shalt  }
0x54: {  	_ =	shalt  }
0x55: {  	_ =	shalt  }
0x56: {  	_ =	shalt  }
0x57: {  	_ =	shalt  }
0x58: {  	_ =	shalt  }
0x59: {  	_ =	shalt  }
0x5a: {  	_ =	shalt  }
0x5b: {  	_ =	shalt  }
0x5c: {  	_ =	shalt  }
0x5d: {  	_ =	shalt  }
0x5e: {  	_ =	shalt  }
0x5f: {  	_ =	shalt  }
0x60: {  	_ =	shalt  }
0x61: {  	_ =	shalt  }
0x62: {  	_ =	shalt  }
0x63: {  	_ =	shalt  }
0x64: {  	_ =	shalt  }
0x65: {  	_ =	shalt  }
0x66: {  	_ =	shalt  }
0x67: {  	_ =	shalt  }
0x68: {  	_ =	shalt  }
0x69: {  	_ =	shalt  }
0x6a: {  	_ =	shalt  }
0x6b: {  	_ =	shalt  }
0x6c: {  	_ =	shalt  }
0x6d: {  	_ =	shalt  }
0x6e: {  	_ =	shalt  }
0x6f: {  	_ =	shalt  }
0x70: {  	_ =	shalt  }
0x71: {  	_ =	shalt  }
0x72: {  	_ =	shalt  }
0x73: {  	_ =	shalt  }
0x74: {  	_ =	shalt  }
0x75: {  	_ =	shalt  }
0x76: {  	_ =	shalt  }
0x77: {  	_ =	shalt  }
0x78: {  	_ =	shalt  }
0x79: {  	_ =	shalt  }
0x7a: {  	_ =	shalt  }
0x7b: {  	_ =	shalt  }
0x7c: {  	_ =	shalt  }
0x7d: {  	_ =	shalt  }
0x7e: {  	_ =	shalt  }
0x7f: {  	_ =	shalt  }
0x80: {  	_ =	shalt  }
0x81: {  	_ =	shalt  }
0x82: {  	_ =	shalt  }
0x83: {  	_ =	shalt  }
0x84: {  	_ =	shalt  }
0x85: {  	_ =	shalt  }
0x86: {  	_ =	shalt  }
0x87: {  	_ =	shalt  }
.Lfunc_end0:
.L_simem_size_0:
called_computation_lowered:
.L_overlay_start_0:
0x88: {  	s2 =	sld [smem:$0x3FD9]  }
0x89: {  	s3 =	sld [smem:$0x3FFE];
	_ =	sdelay $0x1  }
0x8a: {  	s1 =	srdreg.scid  }
0x8b: {  	s0 =	sand.u32 $0x1, s1  }
0x8c: {  	s17 =	sshll.u32 s0, $0xA;
	s2 =	sadd.s32 s3, s2  }
0x8d: {  	s2 =	sadd.s32 s2, s17  }
0x8e: {  	[smem:$0x3FC4] =	sst s2  }
0x8f: {  	_ = 	snop  }
0x90: {  	s2 =	sld [smem:$0x3FD0];
	(tm) =	ssettm $0x1  }
0x91: {  	s18 =	sld [smem:$0x3FFB];
	_ =	sdelay $0x3  }
0x92: {  	_ =	strace s18  }
0x93: {  	s3 =	sld [smem:$0x3FFC];
	_ =	sdelay $0x3  }
0x94: {  	_ =	strace s3  }
0x95: {  	s3 =	sld [smem:$0x3FFD];
	_ =	sdelay $0x3  }
0x96: {  	_ =	strace s3  }
0x97: {  	_ =	strace $0x8FFFFFFF  }
0x98: {  	s19 =	sld [smem:$0x3FDB];
	_ =	sdelay $0x1  }
0x99: {  	s4 =	simm.s32 $_scs_section_size  }
0x9a: {  	s5 =	simm.s32 $_size__tile_overlayer_lowered;
	s6 =	simm.s32 $_tile_overlayer_lowered  }
0x9b: {  	s22 =	simm.s32 $0x1BFF;
	s21 =	sshll.u32 s6, $0x1;
	s3 =	sadd.s32 s4, s19  }
0x9c: {  	s7 =	simm.s32 $0x0;
	s20 =	sshll.u32 s5, $0x1;
	s5 =	sadd.s32 s21, s3  }
0x9d: {  	[timem:s7], [sflag:s22] =	dma.local [hbm:s5], s20  }
0x9e: {  	_ =	swait.ge [sflag:s22], s20  }
0x9f: {  	s4 =	ssub.s32 $0x0, s20;
	[sflag:s22] =	ssyncset.done $0x0  }
0xa0: {  	[sflag:s22] =	ssyncadd.s32 s4;
	_ =	sdelay $0x1  }
0xa1: {  	s23 =	simm.s32 $0x1B8B  }
0xa2: {  	_ =	swait.ge [sflag:s23], $0x1  }
0xa3: {  	[sflag:s23] =	ssyncset.done $0x0  }
0xa4: {  	s25 =	simm.s32 $0x1B8E;
	s24 =	sld [smem:$0x3FFE];
	[sflag:s23] =	ssyncadd.s32 $0xFFFFFFFF  }
0xa5: {  	s26 =	simm.s32 $execute0_lowered;
	[smem:$0x3FD2] =	sst s25  }
0xa6: {  	s5 =	sshll.u32 s26, $0x1;
	_ =	strace $0x80000046;
	[dreg:$0x1] =	wrdreg $0xFFFFFFFF  }
0xa7: {  	s28 =	simm.s32 $_size_execute0_lowered;
	s3 =	sadd.s32 s3, s5;
	[dreg:$0x0] =	wrdreg $0x0  }
0xa8: {  	s5 =	sshll.u32 s28, $0x1;
	[dreg:$0x2] =	wrdreg s3  }
0xa9: {  	[dreg:$0x3] =	wrdreg s5  }
0xaa: {  	[dreg:$0x4] =	wrdreg $0xC0  }
0xab: {  	_ =	task [dreg:s7], $0x5FFFF  }
0xac: {  	[dreg:$0x1] =	wrdreg $0xFFFFFFFF  }
0xad: {  	[dreg:$0x0] =	wrdreg $0x60  }
0xae: {  	[dreg:$0x2] =	wrdreg s24  }
0xaf: {  	[dreg:$0x3] =	wrdreg s2  }
0xb0: {  	[dreg:$0x4] =	wrdreg $0xB4000  }
0xb1: {  	[dreg:$0x5] =	wrdreg $0x150400  }
0xb2: {  	[dreg:$0x6] =	wrdreg $0x9  }
0xb3: {  	_ =	task.clear_ibuf [dreg:s7], $0x7FFFF;
	_ =	strace $0x90000046  }
0xb4: {  	s29 =	simm.s32 $0x9;
	_ =	strace $0x80000048  }
0xb5: {  	_ =	swait.ge [sflag:s29], $0x1  }
0xb6: {  	[sflag:s29] =	ssyncadd.s32 $0xFFFFFFFF  }
0xb7: {  	_ =	strace $0x90000048  }
0xb8: {  	_ =	sfence  }
0xb9: {  	s30 =	sld [smem:$0x0];
	_ =	sdelay $0x2  }
0xba: {  	s31 =	sshll.u32 s1, $0xD;
	s1 =	sshrl.u32 s1, $0x2  }
0xbb: {  	s3 =	sand.u32 $0x4000, s31;
	s1 =	sadd.s32 s1, s30  }
0xbc: {  	s0 =	sor.u32 s3, s0;
	s1 =	sshll.u32 s1, $0x11  }
0xbd: {  	s0 =	sor.u32 s1, s0  }
0xbe: {  	s0 =	sadd.s32 $0x8F2B, s0  }
0xbf: {  	[sflag:s0] =	ssyncadd.remote.s32 $0x1  }
0xc0: {  	_ =	sfence.sel $0xFFFF  }
0xc1: {  	[dreg:$0x0] =	wrdreg $0xFFFFFFFF;
	(pc) =	sbr.abs _section_cstart, $3  }
0xc2: {  	[dreg:$0x1] =	wrdreg $0xFFFFFFFF  }
0xc3: {  	_ =	task.clear_ibuf [dreg:s7], $0x2FFFF;
	_ =	strace $0x9FFFFFFF  }
0xc4: {  	(tm) =	ssettm $0x7FFFFFFF  }
0xc5: {  	_ =	shalt  }
tec
execute0_lowered:
.L_overlay_start_1:
0x0: {  	(tag) =	ssettag $0x1  }
0x1: {  	s0 =	rddreg [dreg:$0x0]  }
0x2: {  	s1 =	rddreg [dreg:$0x1]  }
0x3: {  	s4 =	rddreg [dreg:$0x2]  }
0x4: {  	s2 =	rddreg [dreg:$0x3];
	s20 =	simm.s32 $0x0;
	s3 =	srdreg.scid  }
0x5: {  	s14 =	stileid.u32;
	s29 =	simm.s32 $0xE00;
	s30 =	simm.s32 $0xE80  }
0x6: {  	[smem:$0x7FF] =	sst s20;
	s5 =	sand.u32 $0x1, s3;
	s24 =	smul.u32 $0x27100, s14  }
0x7: {  	s6 =	sadd.s32 $0x5E00, s0;
	s9 =	sadd.s32 $0xE00, s0;
	s11 =	smul.u32 $0x1388, s14  }
0x8: {  	s17 =	sadd.s32 $0xA00, s0;
	s25 =	smul.u32 $0x500, s14;
	s26 =	sshll.u32 s14, $0x6  }
0x9: {  	s12 =	smul.u32 $0x2800, s14;
	_ =	strace $0x80000047;
	s7 =	ssub.s32 $0x2, s5  }
0xa: {  	s8 =	smul.u32 $0x13880, s5;
	s31 =	sor.u32 $0x1C03, s26;
	p0 =	seq.s32 s5, $0x1  }
0xb: {  	s5 =	simm.s32 $0x1EA00;
	s10 =	sshrl.u32 s7, $0x1;
	s3 =	sshrl.u32 s24, $0x2  }
0xc: {  	s12 =	sshrl.u32 s12, $0x3;
	s15 =	sadd.s32 s9, s25;
	s5 =	simm.s32 @!p0 $0xAE00  }
0xd: {  	p0 =	por $0x0, $0x0;
	s7 =	ssub.s32 s7, s10;
	s10 =	smul.u32 $0x13C00, s14  }
0xe: {  	s8 =	sadd.s32 s11, s8;
	s13 =	sadd.s32 s3, s4;
	s3 =	sadd.s32 s6, s25  }
0xf: {  	s16 =	sadd.s32 $0x140, s12;
	s14 =	smul.u32 $0x27800, s14;
	[dreg:$0x7] =	wrdreg s15  }
0x10: {  	s21 =	sadd.s32 $0x280, s12;
	s25 =	sadd.s32 $0x3C0, s12;
	s0 =	sadd.s32 s5, s0  }
0x11: {  	s5 =	simm.s32 $0x3;
	s1 =	sadd.s32 s1, s8;
	[dreg:$0x6] =	wrdreg s3  }
0x12: {  	s11 =	simm.s32 $0x5400;
	s18 =	sadd.s32 s6, s16;
	[dreg:$0x5] =	wrdreg s1  }
0x13: {  	s12 =	simm.s32 $0x7400;
	s19 =	sadd.s32 s9, s16;
	[dreg:$0x8] =	wrdreg s18  }
0x14: {  	s22 =	sadd.s32 s6, s21;
	s23 =	sadd.s32 s9, s21;
	[dreg:$0x9] =	wrdreg s19  }
0x15: {  	s6 =	sadd.s32 s6, s25;
	s13 =	sshrl.u32 s13, $0x3;
	[dreg:$0xa] =	wrdreg s22  }
0x16: {  	s8 =	simm.s32 $0x80;
	s28 =	sshrl.u32 s10, $0x1;
	[dreg:$0xb] =	wrdreg s23  }
0x17: {  	s14 =	sshrl.u32 s14, $0x2;
	[dreg:$0xc] =	wrdreg s6;
	s3 =	sshrl.u32 s10, $0x4  }
0x18: {  	[dreg:$0xf] =	wrdreg s13;
	s18 =	smax.u32 s7, $0x1;
	s13 =	simm.s32 $0x9400  }
0x19: {  	s7 =	simm.s32 $0x2;
	s6 =	simm.s32 $0x400;
	s1 =	sadd.s32 s28, s2  }
0x1a: {  	s24 =	sadd.s32 s14, s2;
	s28 =	sadd.s32 s9, s25;
	s0 =	sadd.s32 s0, s3  }
0x1b: {  	p1 =	sne.s32 s18, $0x1;
	s3 =	simm.s32 $0x480;
	s26 =	sadd.s32 $0x13C0, s24  }
0x1c: {  	s9 =	sadd.s32 $0x2780, s24;
	[dreg:$0xd] =	wrdreg s28;
	s10 =	sadd.s32 $0x3B40, s24  }
0x1d: {  	[dreg:$0xe] =	wrdreg s0;
	s14 =	sadd.s32 $0x4F00, s24;
	s16 =	sadd.s32 $0x62C0, s24  }
0x1e: {  	s21 =	sadd.s32 $0x7680, s24;
	s23 =	sadd.s32 $0x8A40, s24;
	s1 =	sshrl.u32 s1, $0x3  }
0x1f: {  	s0 =	sadd.s32 $0xFFFFFFFF, s18;
	s15 =	sshrl.u32 s26, $0x3;
	[dreg:$0x17] =	wrdreg s1  }
0x20: {  	s19 =	sshrl.u32 s9, $0x3;
	s22 =	sshrl.u32 s10, $0x3;
	[dreg:$0x10] =	wrdreg s15  }
0x21: {  	s24 =	sshrl.u32 s14, $0x3;
	s25 =	sshrl.u32 s16, $0x3;
	[dreg:$0x11] =	wrdreg s19  }
0x22: {  	s26 =	sshrl.u32 s21, $0x3;
	s28 =	sshrl.u32 s23, $0x3;
	[dreg:$0x12] =	wrdreg s22  }
.Ltmp0:
0x23: {  	s1 =	simm.s32 $0xA00;
	[dreg:$0x13] =	wrdreg s24;
	(pc) =	sbr.rel @!p1 .LBB2_1-.Ltmp0, $4  }
0x24: {  	s9 =	simm.s32 $0x1400;
	s10 =	simm.s32 $0x3400;
	[dreg:$0x14] =	wrdreg s25  }
0x25: {  	s14 =	simm.s32 $0x1;
	s23 =	simm.s32 $0xD00;
	[dreg:$0x15] =	wrdreg s26  }
0x26: {  	[dreg:$0x16] =	wrdreg s28;
	s22 =	simm.s32 $0x300;
	s25 =	simm.s32 $0x380  }
0x27: {  	s15 =	simm.s32 $0xC80;
	s24 =	simm.s32 $0xD80;
	s19 =	rddreg [dreg:$0x5]  }
0x28: {  	s18 =	rddreg [dreg:$0xf]  }
0x29: {  	[spmem:s18], [sflag:s31] =	dma.local [hbm:s19], $0x1388  }
0x2a: {  	_ =	swait.ge [sflag:s5], $0x1388  }
0x2b: {  	[sflag:s5] =	ssyncset.done $0x0  }
0x2c: {  	s16 =	rddreg [dreg:$0x17];
	[sflag:s5] =	ssyncadd.s32 $0xFFFFEC78  }
0x2d: {  	[spmem:s16], [sflag:s31] =	dma.local [hbm:s17], $0x278  }
0x2e: {  	_ =	swait.ge [sflag:s5], $0x278  }
0x2f: {  	[sflag:s5] =	ssyncset.done $0x0  }
0x30: {  	s16 =	rddreg [dreg:$0x10];
	[sflag:s5] =	ssyncadd.s32 $0xFFFFFD88  }
0x31: {  	[spmem:s16], [sflag:s31] =	dma.local [hbm:s17], $0x278  }
0x32: {  	_ =	swait.ge [sflag:s5], $0x278  }
0x33: {  	[sflag:s5] =	ssyncset.done $0x0  }
0x34: {  	s16 =	rddreg [dreg:$0x11];
	[sflag:s5] =	ssyncadd.s32 $0xFFFFFD88  }
0x35: {  	[spmem:s16], [sflag:s31] =	dma.local [hbm:s17], $0x278  }
0x36: {  	_ =	swait.ge [sflag:s5], $0x278  }
0x37: {  	[sflag:s5] =	ssyncset.done $0x0  }
0x38: {  	s16 =	rddreg [dreg:$0x12];
	[sflag:s5] =	ssyncadd.s32 $0xFFFFFD88  }
0x39: {  	[spmem:s16], [sflag:s31] =	dma.local [hbm:s17], $0x278  }
0x3a: {  	_ =	swait.ge [sflag:s5], $0x278  }
0x3b: {  	[sflag:s5] =	ssyncset.done $0x0  }
0x3c: {  	s16 =	rddreg [dreg:$0x13];
	[sflag:s5] =	ssyncadd.s32 $0xFFFFFD88  }
0x3d: {  	[spmem:s16], [sflag:s31] =	dma.local [hbm:s17], $0x278  }
0x3e: {  	_ =	swait.ge [sflag:s5], $0x278  }
0x3f: {  	[sflag:s5] =	ssyncset.done $0x0  }
0x40: {  	s16 =	rddreg [dreg:$0x14];
	[sflag:s5] =	ssyncadd.s32 $0xFFFFFD88  }
0x41: {  	[spmem:s16], [sflag:s31] =	dma.local [hbm:s17], $0x278  }
0x42: {  	_ =	swait.ge [sflag:s5], $0x278  }
0x43: {  	[sflag:s5] =	ssyncset.done $0x0  }
0x44: {  	s16 =	rddreg [dreg:$0x15];
	[sflag:s5] =	ssyncadd.s32 $0xFFFFFD88  }
0x45: {  	[spmem:s16], [sflag:s31] =	dma.local [hbm:s17], $0x278  }
0x46: {  	_ =	swait.ge [sflag:s5], $0x278  }
0x47: {  	[sflag:s5] =	ssyncset.done $0x0  }
0x48: {  	s16 =	rddreg [dreg:$0x16];
	[sflag:s5] =	ssyncadd.s32 $0xFFFFFD88  }
0x49: {  	[spmem:s16], [sflag:s31] =	dma.local [hbm:s17], $0x278  }
0x4a: {  	_ =	swait.ge [sflag:s5], $0x278  }
0x4b: {  	[sflag:s5] =	ssyncset.done $0x0  }
0x4c: {  	[sflag:s5] =	ssyncadd.s32 $0xFFFFFD88  }
0x4d: {  	[bflag:$0x0] =	sbarrier.arrive $0xFFFF  }
0x4e: {  	s16 =	rddreg [dreg:$0x6]  }
0x4f: {  	[tilespmem:s20], [sflag:$0x3] =	stream.linear.gather [hbm4b:s16+s20], $0xA00, $0x38;
	[tilespmem:$0x1EE40] =	vst v63  }
0x50: {  	_ =	swait.ge [sflag:s5], $0xA00  }
0x51: {  	[sflag:s5] =	ssyncset.done $0x0  }
0x52: {  	s16 =	rddreg [dreg:$0x7];
	[sflag:s5] =	ssyncadd.s32 $0xFFFFF600  }
0x53: {  	[tilespmem:s1], [sflag:$0x3] =	stream.linear.gather [hbm4b:s16+s20], $0xA00, $0x38;
	[tilespmem:$0x1EE40] =	vst v63  }
0x54: {  	_ =	swait.ge [sflag:s5], $0xA00  }
0x55: {  	[sflag:s5] =	ssyncset.done $0x0  }
0x56: {  	[sflag:s5] =	ssyncadd.s32 $0xFFFFF600  }
0x57: {  	[tilespmem:s9], [sflag:$0x1] =	stream.indirect.gather [spmem:s4], $0x40, s20, s8, $0xb8;
	[tilespmem:$0x1EE40] =	vst v63  }
0x58: {  	_ = 	snop  }
0x59: {  	[tilespmem:s10], [sflag:$0x1] =	stream.indirect.gather [spmem:s4], $0x40, s8, s8, $0xb8;
	[tilespmem:$0x1EE40] =	vst v63  }
0x5a: {  	s20 =	simm.s32 $0x100  }
0x5b: {  	[tilespmem:s11], [sflag:$0x1] =	stream.indirect.gather [spmem:s4], $0x40, s20, s8, $0xb8;
	[tilespmem:$0x1EE40] =	vst v63  }
0x5c: {  	s18 =	simm.s32 $0x180  }
0x5d: {  	[tilespmem:s12], [sflag:$0x1] =	stream.indirect.gather [spmem:s4], $0x40, s18, s8, $0xb8;
	[tilespmem:$0x1EE40] =	vst v63  }
0x5e: {  	s20 =	simm.s32 $0x200  }
0x5f: {  	[tilespmem:s13], [sflag:$0x1] =	stream.indirect.gather [spmem:s4], $0x40, s20, s8, $0xb8;
	[tilespmem:$0x1EE40] =	vst v63  }
0x60: {  	_ =	swait.ge [sflag:s14], $0x2000  }
0x61: {  	[sflag:s14] =	ssyncset.done $0x0  }
0x62: {  	[sflag:s14] =	ssyncadd.s32 $0xFFFFE000  }
0x63: {  	_ =	swait.ge [sflag:s14], $0x2000  }
0x64: {  	[sflag:s14] =	ssyncset.done $0x0  }
0x65: {  	[sflag:s14] =	ssyncadd.s32 $0xFFFFE000  }
0x66: {  	_ =	swait.ge [sflag:s14], $0x2000  }
0x67: {  	[sflag:s14] =	ssyncset.done $0x0  }
0x68: {  	[sflag:s14] =	ssyncadd.s32 $0xFFFFE000  }
0x69: {  	_ =	swait.ge [sflag:s14], $0x2000  }
0x6a: {  	[sflag:s14] =	ssyncset.done $0x0  }
0x6b: {  	[sflag:s14] =	ssyncadd.s32 $0xFFFFE000  }
0x6c: {  	_ =	swait.ge [sflag:s14], $0x2000  }
0x6d: {  	[sflag:s14] =	ssyncset.done $0x0  }
0x6e: {  	[sflag:s14] =	ssyncadd.s32 $0xFFFFE000  }
0x6f: {  	[spmem:s2] =	stream.indirect.scatter.add.bf16 [tilespmem:s9], [sflag:$0x2], $0x40, s1, s8, $0xb8;
	[tilespmem:$0x1EE40] =	vst v63  }
0x70: {  	s16 =	simm.s32 $0xA80  }
0x71: {  	[spmem:s2] =	stream.indirect.scatter.add.bf16 [tilespmem:s10], [sflag:$0x2], $0x40, s16, s8, $0xb8;
	[tilespmem:$0x1EE40] =	vst v63  }
0x72: {  	s18 =	simm.s32 $0xB00  }
0x73: {  	[spmem:s2] =	stream.indirect.scatter.add.bf16 [tilespmem:s11], [sflag:$0x2], $0x40, s18, s8, $0xb8;
	[tilespmem:$0x1EE40] =	vst v63  }
0x74: {  	s20 =	simm.s32 $0xB80  }
0x75: {  	[spmem:s2] =	stream.indirect.scatter.add.bf16 [tilespmem:s12], [sflag:$0x2], $0x40, s20, s8, $0xb8;
	[tilespmem:$0x1EE40] =	vst v63  }
0x76: {  	[dreg:$0x18] =	wrdreg s0;
	s16 =	simm.s32 $0xC00  }
0x77: {  	[spmem:s2] =	stream.indirect.scatter.add.bf16 [tilespmem:s13], [sflag:$0x2], $0x40, s16, s8, $0xb8;
	[tilespmem:$0x1EE40] =	vst v63  }
0x78: {  	_ =	swait.ge [sflag:s7], $0x2000  }
0x79: {  	[sflag:s7] =	ssyncset.done $0x0  }
0x7a: {  	[sflag:s7] =	ssyncadd.s32 $0xFFFFE000  }
0x7b: {  	_ =	swait.ge [sflag:s7], $0x2000  }
0x7c: {  	[sflag:s7] =	ssyncset.done $0x0  }
0x7d: {  	[sflag:s7] =	ssyncadd.s32 $0xFFFFE000  }
0x7e: {  	_ =	swait.ge [sflag:s7], $0x2000  }
0x7f: {  	[sflag:s7] =	ssyncset.done $0x0  }
0x80: {  	[sflag:s7] =	ssyncadd.s32 $0xFFFFE000  }
0x81: {  	_ =	swait.ge [sflag:s7], $0x2000  }
0x82: {  	[sflag:s7] =	ssyncset.done $0x0  }
0x83: {  	[sflag:s7] =	ssyncadd.s32 $0xFFFFE000  }
0x84: {  	_ =	swait.ge [sflag:s7], $0x2000  }
0x85: {  	[sflag:s7] =	ssyncset.done $0x0  }
0x86: {  	s28 =	simm.s32 $0x280;
	[sflag:s7] =	ssyncadd.s32 $0xFFFFE000  }
0x87: {  	[tilespmem:s9], [sflag:$0x1] =	stream.indirect.gather [spmem:s4], $0x40, s28, s8, $0xb8;
	[tilespmem:$0x1EE40] =	vst v63  }
0x88: {  	_ = 	snop  }
0x89: {  	[tilespmem:s10], [sflag:$0x1] =	stream.indirect.gather [spmem:s4], $0x40, s22, s8, $0xb8;
	[tilespmem:$0x1EE40] =	vst v63  }
0x8a: {  	_ = 	snop  }
0x8b: {  	[tilespmem:s11], [sflag:$0x1] =	stream.indirect.gather [spmem:s4], $0x40, s25, s8, $0xb8;
	[tilespmem:$0x1EE40] =	vst v63  }
0x8c: {  	_ = 	snop  }
0x8d: {  	[tilespmem:s12], [sflag:$0x1] =	stream.indirect.gather [spmem:s4], $0x40, s6, s8, $0xb8;
	[tilespmem:$0x1EE40] =	vst v63  }
0x8e: {  	_ = 	snop  }
0x8f: {  	[tilespmem:s13], [sflag:$0x1] =	stream.indirect.gather [spmem:s4], $0x40, s3, s8, $0xb8;
	[tilespmem:$0x1EE40] =	vst v63  }
0x90: {  	_ =	swait.ge [sflag:s14], $0x2000  }
0x91: {  	[sflag:s14] =	ssyncset.done $0x0  }
0x92: {  	[sflag:s14] =	ssyncadd.s32 $0xFFFFE000  }
0x93: {  	_ =	swait.ge [sflag:s14], $0x2000  }
0x94: {  	[sflag:s14] =	ssyncset.done $0x0  }
0x95: {  	[sflag:s14] =	ssyncadd.s32 $0xFFFFE000  }
0x96: {  	_ =	swait.ge [sflag:s14], $0x2000  }
0x97: {  	[sflag:s14] =	ssyncset.done $0x0  }
0x98: {  	[sflag:s14] =	ssyncadd.s32 $0xFFFFE000  }
0x99: {  	_ =	swait.ge [sflag:s14], $0x2000  }
0x9a: {  	[sflag:s14] =	ssyncset.done $0x0  }
0x9b: {  	[sflag:s14] =	ssyncadd.s32 $0xFFFFE000  }
0x9c: {  	_ =	swait.ge [sflag:s14], $0x2000  }
0x9d: {  	[sflag:s14] =	ssyncset.done $0x0  }
0x9e: {  	[sflag:s14] =	ssyncadd.s32 $0xFFFFE000  }
0x9f: {  	[spmem:s2] =	stream.indirect.scatter.add.bf16 [tilespmem:s9], [sflag:$0x2], $0x40, s15, s8, $0xb8;
	[tilespmem:$0x1EE40] =	vst v63  }
0xa0: {  	_ = 	snop  }
0xa1: {  	[spmem:s2] =	stream.indirect.scatter.add.bf16 [tilespmem:s10], [sflag:$0x2], $0x40, s23, s8, $0xb8;
	[tilespmem:$0x1EE40] =	vst v63  }
0xa2: {  	_ = 	snop  }
0xa3: {  	[spmem:s2] =	stream.indirect.scatter.add.bf16 [tilespmem:s11], [sflag:$0x2], $0x40, s24, s8, $0xb8;
	[tilespmem:$0x1EE40] =	vst v63  }
0xa4: {  	_ = 	snop  }
0xa5: {  	[spmem:s2] =	stream.indirect.scatter.add.bf16 [tilespmem:s12], [sflag:$0x2], $0x40, s29, s8, $0xb8;
	[tilespmem:$0x1EE40] =	vst v63  }
0xa6: {  	_ = 	snop  }
0xa7: {  	[spmem:s2] =	stream.indirect.scatter.add.bf16 [tilespmem:s13], [sflag:$0x2], $0x40, s30, s8, $0xb8;
	[tilespmem:$0x1EE40] =	vst v63  }
0xa8: {  	_ =	swait.ge [sflag:s7], $0x2000  }
0xa9: {  	[sflag:s7] =	ssyncset.done $0x0  }
0xaa: {  	[sflag:s7] =	ssyncadd.s32 $0xFFFFE000  }
0xab: {  	_ =	swait.ge [sflag:s7], $0x2000  }
0xac: {  	[sflag:s7] =	ssyncset.done $0x0  }
0xad: {  	[sflag:s7] =	ssyncadd.s32 $0xFFFFE000  }
0xae: {  	_ =	swait.ge [sflag:s7], $0x2000  }
0xaf: {  	[sflag:s7] =	ssyncset.done $0x0  }
0xb0: {  	[sflag:s7] =	ssyncadd.s32 $0xFFFFE000  }
0xb1: {  	_ =	swait.ge [sflag:s7], $0x2000  }
0xb2: {  	[sflag:s7] =	ssyncset.done $0x0  }
0xb3: {  	[sflag:s7] =	ssyncadd.s32 $0xFFFFE000  }
0xb4: {  	_ =	swait.ge [sflag:s7], $0x2000  }
0xb5: {  	[sflag:s7] =	ssyncset.done $0x0  }
0xb6: {  	s18 =	simm.s32 $0x500;
	[sflag:s7] =	ssyncadd.s32 $0xFFFFE000  }
0xb7: {  	[tilespmem:s9], [sflag:$0x1] =	stream.indirect.gather [spmem:s4], $0x40, s18, s8, $0xb8;
	[tilespmem:$0x1EE40] =	vst v63  }
0xb8: {  	s20 =	simm.s32 $0x580  }
0xb9: {  	[tilespmem:s10], [sflag:$0x1] =	stream.indirect.gather [spmem:s4], $0x40, s20, s8, $0xb8;
	[tilespmem:$0x1EE40] =	vst v63  }
0xba: {  	s21 =	simm.s32 $0x600  }
0xbb: {  	[tilespmem:s11], [sflag:$0x1] =	stream.indirect.gather [spmem:s4], $0x40, s21, s8, $0xb8;
	[tilespmem:$0x1EE40] =	vst v63  }
0xbc: {  	s26 =	simm.s32 $0x680  }
0xbd: {  	[tilespmem:s12], [sflag:$0x1] =	stream.indirect.gather [spmem:s4], $0x40, s26, s8, $0xb8;
	[tilespmem:$0x1EE40] =	vst v63  }
0xbe: {  	s19 =	simm.s32 $0x700  }
0xbf: {  	[tilespmem:s13], [sflag:$0x1] =	stream.indirect.gather [spmem:s4], $0x40, s19, s8, $0xb8;
	[tilespmem:$0x1EE40] =	vst v63  }
0xc0: {  	_ =	swait.ge [sflag:s14], $0x2000  }
0xc1: {  	[sflag:s14] =	ssyncset.done $0x0  }
0xc2: {  	[sflag:s14] =	ssyncadd.s32 $0xFFFFE000  }
0xc3: {  	_ =	swait.ge [sflag:s14], $0x2000  }
0xc4: {  	[sflag:s14] =	ssyncset.done $0x0  }
0xc5: {  	[sflag:s14] =	ssyncadd.s32 $0xFFFFE000  }
0xc6: {  	_ =	swait.ge [sflag:s14], $0x2000  }
0xc7: {  	[sflag:s14] =	ssyncset.done $0x0  }
0xc8: {  	[sflag:s14] =	ssyncadd.s32 $0xFFFFE000  }
0xc9: {  	_ =	swait.ge [sflag:s14], $0x2000  }
0xca: {  	[sflag:s14] =	ssyncset.done $0x0  }
0xcb: {  	[sflag:s14] =	ssyncadd.s32 $0xFFFFE000  }
0xcc: {  	_ =	swait.ge [sflag:s14], $0x2000  }
0xcd: {  	[sflag:s14] =	ssyncset.done $0x0  }
0xce: {  	s28 =	simm.s32 $0xF00;
	[sflag:s14] =	ssyncadd.s32 $0xFFFFE000  }
0xcf: {  	[spmem:s2] =	stream.indirect.scatter.add.bf16 [tilespmem:s9], [sflag:$0x2], $0x40, s28, s8, $0xb8;
	[tilespmem:$0x1EE40] =	vst v63  }
0xd0: {  	s1 =	simm.s32 $0xF80  }
0xd1: {  	[spmem:s2] =	stream.indirect.scatter.add.bf16 [tilespmem:s10], [sflag:$0x2], $0x40, s1, s8, $0xb8;
	[tilespmem:$0x1EE40] =	vst v63  }
0xd2: {  	s19 =	simm.s32 $0x1000  }
0xd3: {  	[spmem:s2] =	stream.indirect.scatter.add.bf16 [tilespmem:s11], [sflag:$0x2], $0x40, s19, s8, $0xb8;
	[tilespmem:$0x1EE40] =	vst v63  }
0xd4: {  	s26 =	simm.s32 $0x1080  }
0xd5: {  	[spmem:s2] =	stream.indirect.scatter.add.bf16 [tilespmem:s12], [sflag:$0x2], $0x40, s26, s8, $0xb8;
	[tilespmem:$0x1EE40] =	vst v63  }
0xd6: {  	s28 =	simm.s32 $0x1100  }
0xd7: {  	[spmem:s2] =	stream.indirect.scatter.add.bf16 [tilespmem:s13], [sflag:$0x2], $0x40, s28, s8, $0xb8;
	[tilespmem:$0x1EE40] =	vst v63  }
0xd8: {  	_ =	swait.ge [sflag:s7], $0x2000  }
0xd9: {  	[sflag:s7] =	ssyncset.done $0x0  }
0xda: {  	[sflag:s7] =	ssyncadd.s32 $0xFFFFE000  }
0xdb: {  	_ =	swait.ge [sflag:s7], $0x2000  }
0xdc: {  	[sflag:s7] =	ssyncset.done $0x0  }
0xdd: {  	[sflag:s7] =	ssyncadd.s32 $0xFFFFE000  }
0xde: {  	_ =	swait.ge [sflag:s7], $0x2000  }
0xdf: {  	[sflag:s7] =	ssyncset.done $0x0  }
0xe0: {  	[sflag:s7] =	ssyncadd.s32 $0xFFFFE000  }
0xe1: {  	_ =	swait.ge [sflag:s7], $0x2000  }
0xe2: {  	[sflag:s7] =	ssyncset.done $0x0  }
0xe3: {  	[sflag:s7] =	ssyncadd.s32 $0xFFFFE000  }
0xe4: {  	_ =	swait.ge [sflag:s7], $0x2000  }
0xe5: {  	[sflag:s7] =	ssyncset.done $0x0  }
0xe6: {  	s1 =	simm.s32 $0x780;
	[sflag:s7] =	ssyncadd.s32 $0xFFFFE000  }
0xe7: {  	[tilespmem:s9], [sflag:$0x1] =	stream.indirect.gather [spmem:s4], $0x40, s1, s8, $0xb8;
	[tilespmem:$0x1EE40] =	vst v63  }
0xe8: {  	s18 =	simm.s32 $0x800  }
0xe9: {  	[tilespmem:s10], [sflag:$0x1] =	stream.indirect.gather [spmem:s4], $0x40, s18, s8, $0xb8;
	[tilespmem:$0x1EE40] =	vst v63  }
0xea: {  	s19 =	simm.s32 $0x880  }
0xeb: {  	[tilespmem:s11], [sflag:$0x1] =	stream.indirect.gather [spmem:s4], $0x40, s19, s8, $0xb8;
	[tilespmem:$0x1EE40] =	vst v63  }
0xec: {  	s28 =	simm.s32 $0x900  }
0xed: {  	[tilespmem:s12], [sflag:$0x1] =	stream.indirect.gather [spmem:s4], $0x40, s28, s8, $0xb8;
	[tilespmem:$0x1EE40] =	vst v63  }
0xee: {  	s1 =	simm.s32 $0x980  }
0xef: {  	[tilespmem:s13], [sflag:$0x1] =	stream.indirect.gather [spmem:s4], $0x40, s1, s8, $0xb8;
	[tilespmem:$0x1EE40] =	vst v63  }
0xf0: {  	_ =	swait.ge [sflag:s14], $0x2000  }
0xf1: {  	[sflag:s14] =	ssyncset.done $0x0  }
0xf2: {  	[sflag:s14] =	ssyncadd.s32 $0xFFFFE000  }
0xf3: {  	_ =	swait.ge [sflag:s14], $0x2000  }
0xf4: {  	[sflag:s14] =	ssyncset.done $0x0  }
0xf5: {  	[sflag:s14] =	ssyncadd.s32 $0xFFFFE000  }
0xf6: {  	_ =	swait.ge [sflag:s14], $0x2000  }
0xf7: {  	[sflag:s14] =	ssyncset.done $0x0  }
0xf8: {  	[sflag:s14] =	ssyncadd.s32 $0xFFFFE000  }
0xf9: {  	_ =	swait.ge [sflag:s14], $0x2000  }
0xfa: {  	[sflag:s14] =	ssyncset.done $0x0  }
0xfb: {  	[sflag:s14] =	ssyncadd.s32 $0xFFFFE000  }
0xfc: {  	_ =	swait.ge [sflag:s14], $0x2000  }
0xfd: {  	[sflag:s14] =	ssyncset.done $0x0  }
0xfe: {  	s19 =	simm.s32 $0x1180;
	[sflag:s14] =	ssyncadd.s32 $0xFFFFE000  }
0xff: {  	[spmem:s2] =	stream.indirect.scatter.add.bf16 [tilespmem:s9], [sflag:$0x2], $0x40, s19, s8, $0xb8;
	[tilespmem:$0x1EE40] =	vst v63  }
0x100: {  	s28 =	simm.s32 $0x1200  }
0x101: {  	[spmem:s2] =	stream.indirect.scatter.add.bf16 [tilespmem:s10], [sflag:$0x2], $0x40, s28, s8, $0xb8;
	[tilespmem:$0x1EE40] =	vst v63  }
0x102: {  	s1 =	simm.s32 $0x1280  }
0x103: {  	[spmem:s2] =	stream.indirect.scatter.add.bf16 [tilespmem:s11], [sflag:$0x2], $0x40, s1, s8, $0xb8;
	[tilespmem:$0x1EE40] =	vst v63  }
0x104: {  	s19 =	simm.s32 $0x1300  }
0x105: {  	[spmem:s2] =	stream.indirect.scatter.add.bf16 [tilespmem:s12], [sflag:$0x2], $0x40, s19, s8, $0xb8;
	[tilespmem:$0x1EE40] =	vst v63  }
0x106: {  	s28 =	simm.s32 $0x1380  }
0x107: {  	[spmem:s2] =	stream.indirect.scatter.add.bf16 [tilespmem:s13], [sflag:$0x2], $0x40, s28, s8, $0xb8;
	[tilespmem:$0x1EE40] =	vst v63  }
0x108: {  	_ =	swait.ge [sflag:s7], $0x2000  }
0x109: {  	[sflag:s7] =	ssyncset.done $0x0  }
0x10a: {  	[sflag:s7] =	ssyncadd.s32 $0xFFFFE000  }
0x10b: {  	_ =	swait.ge [sflag:s7], $0x2000  }
0x10c: {  	[sflag:s7] =	ssyncset.done $0x0  }
0x10d: {  	[sflag:s7] =	ssyncadd.s32 $0xFFFFE000  }
0x10e: {  	_ =	swait.ge [sflag:s7], $0x2000  }
0x10f: {  	[sflag:s7] =	ssyncset.done $0x0  }
0x110: {  	[sflag:s7] =	ssyncadd.s32 $0xFFFFE000  }
0x111: {  	_ =	swait.ge [sflag:s7], $0x2000  }
0x112: {  	[sflag:s7] =	ssyncset.done $0x0  }
0x113: {  	[sflag:s7] =	ssyncadd.s32 $0xFFFFE000  }
0x114: {  	_ =	swait.ge [sflag:s7], $0x2000  }
0x115: {  	[sflag:s7] =	ssyncset.done $0x0  }
0x116: {  	s0 =	simm.s32 $0x0;
	s1 =	rddreg [dreg:$0x8];
	[sflag:s7] =	ssyncadd.s32 $0xFFFFE000  }
0x117: {  	[tilespmem:s0], [sflag:$0x3] =	stream.linear.gather [hbm4b:s1+s0], $0xA00, $0x38;
	[tilespmem:$0x1EE40] =	vst v63  }
0x118: {  	_ =	swait.ge [sflag:s5], $0xA00  }
0x119: {  	[sflag:s5] =	ssyncset.done $0x0  }
0x11a: {  	s28 =	simm.s32 $0xA00;
	s19 =	rddreg [dreg:$0x9];
	[sflag:s5] =	ssyncadd.s32 $0xFFFFF600  }
0x11b: {  	[tilespmem:s28], [sflag:$0x3] =	stream.linear.gather [hbm4b:s19+s0], $0xA00, $0x38;
	[tilespmem:$0x1EE40] =	vst v63  }
0x11c: {  	_ =	swait.ge [sflag:s5], $0xA00  }
0x11d: {  	[sflag:s5] =	ssyncset.done $0x0  }
0x11e: {  	[sflag:s5] =	ssyncadd.s32 $0xFFFFF600  }
0x11f: {  	[tilespmem:s9], [sflag:$0x1] =	stream.indirect.gather [spmem:s4], $0x40, s0, s8, $0xb8;
	[tilespmem:$0x1EE40] =	vst v63  }
0x120: {  	_ = 	snop  }
0x121: {  	[tilespmem:s10], [sflag:$0x1] =	stream.indirect.gather [spmem:s4], $0x40, s8, s8, $0xb8;
	[tilespmem:$0x1EE40] =	vst v63  }
0x122: {  	s18 =	simm.s32 $0x100  }
0x123: {  	[tilespmem:s11], [sflag:$0x1] =	stream.indirect.gather [spmem:s4], $0x40, s18, s8, $0xb8;
	[tilespmem:$0x1EE40] =	vst v63  }
0x124: {  	s19 =	simm.s32 $0x180  }
0x125: {  	[tilespmem:s12], [sflag:$0x1] =	stream.indirect.gather [spmem:s4], $0x40, s19, s8, $0xb8;
	[tilespmem:$0x1EE40] =	vst v63  }
0x126: {  	s28 =	simm.s32 $0x200  }
0x127: {  	[tilespmem:s13], [sflag:$0x1] =	stream.indirect.gather [spmem:s4], $0x40, s28, s8, $0xb8;
	[tilespmem:$0x1EE40] =	vst v63  }
0x128: {  	_ =	swait.ge [sflag:s14], $0x2000  }
0x129: {  	[sflag:s14] =	ssyncset.done $0x0  }
0x12a: {  	[sflag:s14] =	ssyncadd.s32 $0xFFFFE000  }
0x12b: {  	_ =	swait.ge [sflag:s14], $0x2000  }
0x12c: {  	[sflag:s14] =	ssyncset.done $0x0  }
0x12d: {  	[sflag:s14] =	ssyncadd.s32 $0xFFFFE000  }
0x12e: {  	_ =	swait.ge [sflag:s14], $0x2000  }
0x12f: {  	[sflag:s14] =	ssyncset.done $0x0  }
0x130: {  	[sflag:s14] =	ssyncadd.s32 $0xFFFFE000  }
0x131: {  	_ =	swait.ge [sflag:s14], $0x2000  }
0x132: {  	[sflag:s14] =	ssyncset.done $0x0  }
0x133: {  	[sflag:s14] =	ssyncadd.s32 $0xFFFFE000  }
0x134: {  	_ =	swait.ge [sflag:s14], $0x2000  }
0x135: {  	[sflag:s14] =	ssyncset.done $0x0  }
0x136: {  	s1 =	simm.s32 $0xA00;
	[sflag:s14] =	ssyncadd.s32 $0xFFFFE000  }
0x137: {  	[spmem:s2] =	stream.indirect.scatter.add.bf16 [tilespmem:s9], [sflag:$0x2], $0x40, s1, s8, $0xb8;
	[tilespmem:$0x1EE40] =	vst v63  }
0x138: {  	s18 =	simm.s32 $0xA80  }
0x139: {  	[spmem:s2] =	stream.indirect.scatter.add.bf16 [tilespmem:s10], [sflag:$0x2], $0x40, s18, s8, $0xb8;
	[tilespmem:$0x1EE40] =	vst v63  }
0x13a: {  	s19 =	simm.s32 $0xB00  }
0x13b: {  	[spmem:s2] =	stream.indirect.scatter.add.bf16 [tilespmem:s11], [sflag:$0x2], $0x40, s19, s8, $0xb8;
	[tilespmem:$0x1EE40] =	vst v63  }
0x13c: {  	s28 =	simm.s32 $0xB80  }
0x13d: {  	[spmem:s2] =	stream.indirect.scatter.add.bf16 [tilespmem:s12], [sflag:$0x2], $0x40, s28, s8, $0xb8;
	[tilespmem:$0x1EE40] =	vst v63  }
0x13e: {  	s16 =	simm.s32 $0xC00  }
0x13f: {  	[spmem:s2] =	stream.indirect.scatter.add.bf16 [tilespmem:s13], [sflag:$0x2], $0x40, s16, s8, $0xb8;
	[tilespmem:$0x1EE40] =	vst v63  }
0x140: {  	_ =	swait.ge [sflag:s7], $0x2000  }
0x141: {  	[sflag:s7] =	ssyncset.done $0x0  }
0x142: {  	[sflag:s7] =	ssyncadd.s32 $0xFFFFE000  }
0x143: {  	_ =	swait.ge [sflag:s7], $0x2000  }
0x144: {  	[sflag:s7] =	ssyncset.done $0x0  }
0x145: {  	[sflag:s7] =	ssyncadd.s32 $0xFFFFE000  }
0x146: {  	_ =	swait.ge [sflag:s7], $0x2000  }
0x147: {  	[sflag:s7] =	ssyncset.done $0x0  }
0x148: {  	[sflag:s7] =	ssyncadd.s32 $0xFFFFE000  }
0x149: {  	_ =	swait.ge [sflag:s7], $0x2000  }
0x14a: {  	[sflag:s7] =	ssyncset.done $0x0  }
0x14b: {  	[sflag:s7] =	ssyncadd.s32 $0xFFFFE000  }
0x14c: {  	_ =	swait.ge [sflag:s7], $0x2000  }
0x14d: {  	[sflag:s7] =	ssyncset.done $0x0  }
0x14e: {  	s28 =	simm.s32 $0x280;
	[sflag:s7] =	ssyncadd.s32 $0xFFFFE000  }
0x14f: {  	[tilespmem:s9], [sflag:$0x1] =	stream.indirect.gather [spmem:s4], $0x40, s28, s8, $0xb8;
	[tilespmem:$0x1EE40] =	vst v63  }
0x150: {  	_ = 	snop  }
0x151: {  	[tilespmem:s10], [sflag:$0x1] =	stream.indirect.gather [spmem:s4], $0x40, s22, s8, $0xb8;
	[tilespmem:$0x1EE40] =	vst v63  }
0x152: {  	_ = 	snop  }
0x153: {  	[tilespmem:s11], [sflag:$0x1] =	stream.indirect.gather [spmem:s4], $0x40, s25, s8, $0xb8;
	[tilespmem:$0x1EE40] =	vst v63  }
0x154: {  	_ = 	snop  }
0x155: {  	[tilespmem:s12], [sflag:$0x1] =	stream.indirect.gather [spmem:s4], $0x40, s6, s8, $0xb8;
	[tilespmem:$0x1EE40] =	vst v63  }
0x156: {  	_ = 	snop  }
0x157: {  	[tilespmem:s13], [sflag:$0x1] =	stream.indirect.gather [spmem:s4], $0x40, s3, s8, $0xb8;
	[tilespmem:$0x1EE40] =	vst v63  }
0x158: {  	_ =	swait.ge [sflag:s14], $0x2000  }
0x159: {  	[sflag:s14] =	ssyncset.done $0x0  }
0x15a: {  	[sflag:s14] =	ssyncadd.s32 $0xFFFFE000  }
0x15b: {  	_ =	swait.ge [sflag:s14], $0x2000  }
0x15c: {  	[sflag:s14] =	ssyncset.done $0x0  }
0x15d: {  	[sflag:s14] =	ssyncadd.s32 $0xFFFFE000  }
0x15e: {  	_ =	swait.ge [sflag:s14], $0x2000  }
0x15f: {  	[sflag:s14] =	ssyncset.done $0x0  }
0x160: {  	[sflag:s14] =	ssyncadd.s32 $0xFFFFE000  }
0x161: {  	_ =	swait.ge [sflag:s14], $0x2000  }
0x162: {  	[sflag:s14] =	ssyncset.done $0x0  }
0x163: {  	[sflag:s14] =	ssyncadd.s32 $0xFFFFE000  }
0x164: {  	_ =	swait.ge [sflag:s14], $0x2000  }
0x165: {  	[sflag:s14] =	ssyncset.done $0x0  }
0x166: {  	[sflag:s14] =	ssyncadd.s32 $0xFFFFE000  }
0x167: {  	[spmem:s2] =	stream.indirect.scatter.add.bf16 [tilespmem:s9], [sflag:$0x2], $0x40, s15, s8, $0xb8;
	[tilespmem:$0x1EE40] =	vst v63  }
0x168: {  	_ = 	snop  }
0x169: {  	[spmem:s2] =	stream.indirect.scatter.add.bf16 [tilespmem:s10], [sflag:$0x2], $0x40, s23, s8, $0xb8;
	[tilespmem:$0x1EE40] =	vst v63  }
0x16a: {  	_ = 	snop  }
0x16b: {  	[spmem:s2] =	stream.indirect.scatter.add.bf16 [tilespmem:s11], [sflag:$0x2], $0x40, s24, s8, $0xb8;
	[tilespmem:$0x1EE40] =	vst v63  }
0x16c: {  	_ = 	snop  }
0x16d: {  	[spmem:s2] =	stream.indirect.scatter.add.bf16 [tilespmem:s12], [sflag:$0x2], $0x40, s29, s8, $0xb8;
	[tilespmem:$0x1EE40] =	vst v63  }
0x16e: {  	_ = 	snop  }
0x16f: {  	[spmem:s2] =	stream.indirect.scatter.add.bf16 [tilespmem:s13], [sflag:$0x2], $0x40, s30, s8, $0xb8;
	[tilespmem:$0x1EE40] =	vst v63  }
0x170: {  	_ =	swait.ge [sflag:s7], $0x2000  }
0x171: {  	[sflag:s7] =	ssyncset.done $0x0  }
0x172: {  	[sflag:s7] =	ssyncadd.s32 $0xFFFFE000  }
0x173: {  	_ =	swait.ge [sflag:s7], $0x2000  }
0x174: {  	[sflag:s7] =	ssyncset.done $0x0  }
0x175: {  	[sflag:s7] =	ssyncadd.s32 $0xFFFFE000  }
0x176: {  	_ =	swait.ge [sflag:s7], $0x2000  }
0x177: {  	[sflag:s7] =	ssyncset.done $0x0  }
0x178: {  	[sflag:s7] =	ssyncadd.s32 $0xFFFFE000  }
0x179: {  	_ =	swait.ge [sflag:s7], $0x2000  }
0x17a: {  	[sflag:s7] =	ssyncset.done $0x0  }
0x17b: {  	[sflag:s7] =	ssyncadd.s32 $0xFFFFE000  }
0x17c: {  	_ =	swait.ge [sflag:s7], $0x2000  }
0x17d: {  	[sflag:s7] =	ssyncset.done $0x0  }
0x17e: {  	s19 =	simm.s32 $0x500;
	[sflag:s7] =	ssyncadd.s32 $0xFFFFE000  }
0x17f: {  	[tilespmem:s9], [sflag:$0x1] =	stream.indirect.gather [spmem:s4], $0x40, s19, s8, $0xb8;
	[tilespmem:$0x1EE40] =	vst v63  }
0x180: {  	s26 =	simm.s32 $0x580  }
0x181: {  	[tilespmem:s10], [sflag:$0x1] =	stream.indirect.gather [spmem:s4], $0x40, s26, s8, $0xb8;
	[tilespmem:$0x1EE40] =	vst v63  }
0x182: {  	s26 =	simm.s32 $0x600  }
0x183: {  	[tilespmem:s11], [sflag:$0x1] =	stream.indirect.gather [spmem:s4], $0x40, s26, s8, $0xb8;
	[tilespmem:$0x1EE40] =	vst v63  }
0x184: {  	s20 =	simm.s32 $0x680  }
0x185: {  	[tilespmem:s12], [sflag:$0x1] =	stream.indirect.gather [spmem:s4], $0x40, s20, s8, $0xb8;
	[tilespmem:$0x1EE40] =	vst v63  }
0x186: {  	s20 =	simm.s32 $0x700  }
0x187: {  	[tilespmem:s13], [sflag:$0x1] =	stream.indirect.gather [spmem:s4], $0x40, s20, s8, $0xb8;
	[tilespmem:$0x1EE40] =	vst v63  }
0x188: {  	_ =	swait.ge [sflag:s14], $0x2000  }
0x189: {  	[sflag:s14] =	ssyncset.done $0x0  }
0x18a: {  	[sflag:s14] =	ssyncadd.s32 $0xFFFFE000  }
0x18b: {  	_ =	swait.ge [sflag:s14], $0x2000  }
0x18c: {  	[sflag:s14] =	ssyncset.done $0x0  }
0x18d: {  	[sflag:s14] =	ssyncadd.s32 $0xFFFFE000  }
0x18e: {  	_ =	swait.ge [sflag:s14], $0x2000  }
0x18f: {  	[sflag:s14] =	ssyncset.done $0x0  }
0x190: {  	[sflag:s14] =	ssyncadd.s32 $0xFFFFE000  }
0x191: {  	_ =	swait.ge [sflag:s14], $0x2000  }
0x192: {  	[sflag:s14] =	ssyncset.done $0x0  }
0x193: {  	[sflag:s14] =	ssyncadd.s32 $0xFFFFE000  }
0x194: {  	_ =	swait.ge [sflag:s14], $0x2000  }
0x195: {  	[sflag:s14] =	ssyncset.done $0x0  }
0x196: {  	s16 =	simm.s32 $0xF00;
	[sflag:s14] =	ssyncadd.s32 $0xFFFFE000  }
0x197: {  	[spmem:s2] =	stream.indirect.scatter.add.bf16 [tilespmem:s9], [sflag:$0x2], $0x40, s16, s8, $0xb8;
	[tilespmem:$0x1EE40] =	vst v63  }
0x198: {  	s21 =	simm.s32 $0xF80  }
0x199: {  	[spmem:s2] =	stream.indirect.scatter.add.bf16 [tilespmem:s10], [sflag:$0x2], $0x40, s21, s8, $0xb8;
	[tilespmem:$0x1EE40] =	vst v63  }
0x19a: {  	s18 =	simm.s32 $0x1000  }
0x19b: {  	[spmem:s2] =	stream.indirect.scatter.add.bf16 [tilespmem:s11], [sflag:$0x2], $0x40, s18, s8, $0xb8;
	[tilespmem:$0x1EE40] =	vst v63  }
0x19c: {  	s21 =	simm.s32 $0x1080  }
0x19d: {  	[spmem:s2] =	stream.indirect.scatter.add.bf16 [tilespmem:s12], [sflag:$0x2], $0x40, s21, s8, $0xb8;
	[tilespmem:$0x1EE40] =	vst v63  }
0x19e: {  	s1 =	simm.s32 $0x1100  }
0x19f: {  	[spmem:s2] =	stream.indirect.scatter.add.bf16 [tilespmem:s13], [sflag:$0x2], $0x40, s1, s8, $0xb8;
	[tilespmem:$0x1EE40] =	vst v63  }
0x1a0: {  	_ =	swait.ge [sflag:s7], $0x2000  }
0x1a1: {  	[sflag:s7] =	ssyncset.done $0x0  }
0x1a2: {  	[sflag:s7] =	ssyncadd.s32 $0xFFFFE000  }
0x1a3: {  	_ =	swait.ge [sflag:s7], $0x2000  }
0x1a4: {  	[sflag:s7] =	ssyncset.done $0x0  }
0x1a5: {  	[sflag:s7] =	ssyncadd.s32 $0xFFFFE000  }
0x1a6: {  	_ =	swait.ge [sflag:s7], $0x2000  }
0x1a7: {  	[sflag:s7] =	ssyncset.done $0x0  }
0x1a8: {  	[sflag:s7] =	ssyncadd.s32 $0xFFFFE000  }
0x1a9: {  	_ =	swait.ge [sflag:s7], $0x2000  }
0x1aa: {  	[sflag:s7] =	ssyncset.done $0x0  }
0x1ab: {  	[sflag:s7] =	ssyncadd.s32 $0xFFFFE000  }
0x1ac: {  	_ =	swait.ge [sflag:s7], $0x2000  }
0x1ad: {  	[sflag:s7] =	ssyncset.done $0x0  }
0x1ae: {  	s16 =	simm.s32 $0x780;
	[sflag:s7] =	ssyncadd.s32 $0xFFFFE000  }
0x1af: {  	[tilespmem:s9], [sflag:$0x1] =	stream.indirect.gather [spmem:s4], $0x40, s16, s8, $0xb8;
	[tilespmem:$0x1EE40] =	vst v63  }
0x1b0: {  	s21 =	simm.s32 $0x800  }
0x1b1: {  	[tilespmem:s10], [sflag:$0x1] =	stream.indirect.gather [spmem:s4], $0x40, s21, s8, $0xb8;
	[tilespmem:$0x1EE40] =	vst v63  }
0x1b2: {  	s18 =	simm.s32 $0x880  }
0x1b3: {  	[tilespmem:s11], [sflag:$0x1] =	stream.indirect.gather [spmem:s4], $0x40, s18, s8, $0xb8;
	[tilespmem:$0x1EE40] =	vst v63  }
0x1b4: {  	s21 =	simm.s32 $0x900  }
0x1b5: {  	[tilespmem:s12], [sflag:$0x1] =	stream.indirect.gather [spmem:s4], $0x40, s21, s8, $0xb8;
	[tilespmem:$0x1EE40] =	vst v63  }
0x1b6: {  	s18 =	simm.s32 $0x980  }
0x1b7: {  	[tilespmem:s13], [sflag:$0x1] =	stream.indirect.gather [spmem:s4], $0x40, s18, s8, $0xb8;
	[tilespmem:$0x1EE40] =	vst v63  }
0x1b8: {  	_ =	swait.ge [sflag:s14], $0x2000  }
0x1b9: {  	[sflag:s14] =	ssyncset.done $0x0  }
0x1ba: {  	[sflag:s14] =	ssyncadd.s32 $0xFFFFE000  }
0x1bb: {  	_ =	swait.ge [sflag:s14], $0x2000  }
0x1bc: {  	[sflag:s14] =	ssyncset.done $0x0  }
0x1bd: {  	[sflag:s14] =	ssyncadd.s32 $0xFFFFE000  }
0x1be: {  	_ =	swait.ge [sflag:s14], $0x2000  }
0x1bf: {  	[sflag:s14] =	ssyncset.done $0x0  }
0x1c0: {  	[sflag:s14] =	ssyncadd.s32 $0xFFFFE000  }
0x1c1: {  	_ =	swait.ge [sflag:s14], $0x2000  }
0x1c2: {  	[sflag:s14] =	ssyncset.done $0x0  }
0x1c3: {  	[sflag:s14] =	ssyncadd.s32 $0xFFFFE000  }
0x1c4: {  	_ =	swait.ge [sflag:s14], $0x2000  }
0x1c5: {  	[sflag:s14] =	ssyncset.done $0x0  }
0x1c6: {  	s21 =	simm.s32 $0x1180;
	[sflag:s14] =	ssyncadd.s32 $0xFFFFE000  }
0x1c7: {  	[spmem:s2] =	stream.indirect.scatter.add.bf16 [tilespmem:s9], [sflag:$0x2], $0x40, s21, s8, $0xb8;
	[tilespmem:$0x1EE40] =	vst v63  }
0x1c8: {  	s18 =	simm.s32 $0x1200  }
0x1c9: {  	[spmem:s2] =	stream.indirect.scatter.add.bf16 [tilespmem:s10], [sflag:$0x2], $0x40, s18, s8, $0xb8;
	[tilespmem:$0x1EE40] =	vst v63  }
0x1ca: {  	s21 =	simm.s32 $0x1280  }
0x1cb: {  	[spmem:s2] =	stream.indirect.scatter.add.bf16 [tilespmem:s11], [sflag:$0x2], $0x40, s21, s8, $0xb8;
	[tilespmem:$0x1EE40] =	vst v63  }
0x1cc: {  	s18 =	simm.s32 $0x1300  }
0x1cd: {  	[spmem:s2] =	stream.indirect.scatter.add.bf16 [tilespmem:s12], [sflag:$0x2], $0x40, s18, s8, $0xb8;
	[tilespmem:$0x1EE40] =	vst v63  }
0x1ce: {  	s16 =	simm.s32 $0x1380  }
0x1cf: {  	[spmem:s2] =	stream.indirect.scatter.add.bf16 [tilespmem:s13], [sflag:$0x2], $0x40, s16, s8, $0xb8;
	[tilespmem:$0x1EE40] =	vst v63  }
0x1d0: {  	_ =	swait.ge [sflag:s7], $0x2000  }
0x1d1: {  	[sflag:s7] =	ssyncset.done $0x0  }
0x1d2: {  	[sflag:s7] =	ssyncadd.s32 $0xFFFFE000  }
0x1d3: {  	_ =	swait.ge [sflag:s7], $0x2000  }
0x1d4: {  	[sflag:s7] =	ssyncset.done $0x0  }
0x1d5: {  	[sflag:s7] =	ssyncadd.s32 $0xFFFFE000  }
0x1d6: {  	_ =	swait.ge [sflag:s7], $0x2000  }
0x1d7: {  	[sflag:s7] =	ssyncset.done $0x0  }
0x1d8: {  	[sflag:s7] =	ssyncadd.s32 $0xFFFFE000  }
0x1d9: {  	_ =	swait.ge [sflag:s7], $0x2000  }
0x1da: {  	[sflag:s7] =	ssyncset.done $0x0  }
0x1db: {  	[sflag:s7] =	ssyncadd.s32 $0xFFFFE000  }
0x1dc: {  	_ =	swait.ge [sflag:s7], $0x2000  }
0x1dd: {  	[sflag:s7] =	ssyncset.done $0x0  }
0x1de: {  	s21 =	rddreg [dreg:$0xa];
	[sflag:s7] =	ssyncadd.s32 $0xFFFFE000  }
0x1df: {  	[tilespmem:s0], [sflag:$0x3] =	stream.linear.gather [hbm4b:s21+s0], $0xA00, $0x38;
	[tilespmem:$0x1EE40] =	vst v63  }
0x1e0: {  	_ =	swait.ge [sflag:s5], $0xA00  }
0x1e1: {  	[sflag:s5] =	ssyncset.done $0x0  }
0x1e2: {  	s21 =	simm.s32 $0xA00;
	s18 =	rddreg [dreg:$0xb];
	[sflag:s5] =	ssyncadd.s32 $0xFFFFF600  }
0x1e3: {  	[tilespmem:s21], [sflag:$0x3] =	stream.linear.gather [hbm4b:s18+s0], $0xA00, $0x38;
	[tilespmem:$0x1EE40] =	vst v63  }
0x1e4: {  	_ =	swait.ge [sflag:s5], $0xA00  }
0x1e5: {  	[sflag:s5] =	ssyncset.done $0x0  }
0x1e6: {  	[sflag:s5] =	ssyncadd.s32 $0xFFFFF600  }
0x1e7: {  	[tilespmem:s9], [sflag:$0x1] =	stream.indirect.gather [spmem:s4], $0x40, s0, s8, $0xb8;
	[tilespmem:$0x1EE40] =	vst v63  }
0x1e8: {  	_ = 	snop  }
0x1e9: {  	[tilespmem:s10], [sflag:$0x1] =	stream.indirect.gather [spmem:s4], $0x40, s8, s8, $0xb8;
	[tilespmem:$0x1EE40] =	vst v63  }
0x1ea: {  	s21 =	simm.s32 $0x100  }
0x1eb: {  	[tilespmem:s11], [sflag:$0x1] =	stream.indirect.gather [spmem:s4], $0x40, s21, s8, $0xb8;
	[tilespmem:$0x1EE40] =	vst v63  }
0x1ec: {  	s21 =	simm.s32 $0x180  }
0x1ed: {  	[tilespmem:s12], [sflag:$0x1] =	stream.indirect.gather [spmem:s4], $0x40, s21, s8, $0xb8;
	[tilespmem:$0x1EE40] =	vst v63  }
0x1ee: {  	s21 =	simm.s32 $0x200  }
0x1ef: {  	[tilespmem:s13], [sflag:$0x1] =	stream.indirect.gather [spmem:s4], $0x40, s21, s8, $0xb8;
	[tilespmem:$0x1EE40] =	vst v63  }
0x1f0: {  	_ =	swait.ge [sflag:s14], $0x2000  }
0x1f1: {  	[sflag:s14] =	ssyncset.done $0x0  }
0x1f2: {  	[sflag:s14] =	ssyncadd.s32 $0xFFFFE000  }
0x1f3: {  	_ =	swait.ge [sflag:s14], $0x2000  }
0x1f4: {  	[sflag:s14] =	ssyncset.done $0x0  }
0x1f5: {  	[sflag:s14] =	ssyncadd.s32 $0xFFFFE000  }
0x1f6: {  	_ =	swait.ge [sflag:s14], $0x2000  }
0x1f7: {  	[sflag:s14] =	ssyncset.done $0x0  }
0x1f8: {  	[sflag:s14] =	ssyncadd.s32 $0xFFFFE000  }
0x1f9: {  	_ =	swait.ge [sflag:s14], $0x2000  }
0x1fa: {  	[sflag:s14] =	ssyncset.done $0x0  }
0x1fb: {  	[sflag:s14] =	ssyncadd.s32 $0xFFFFE000  }
0x1fc: {  	_ =	swait.ge [sflag:s14], $0x2000  }
0x1fd: {  	[sflag:s14] =	ssyncset.done $0x0  }
0x1fe: {  	s21 =	simm.s32 $0xA00;
	[sflag:s14] =	ssyncadd.s32 $0xFFFFE000  }
0x1ff: {  	[spmem:s2] =	stream.indirect.scatter.add.bf16 [tilespmem:s9], [sflag:$0x2], $0x40, s21, s8, $0xb8;
	[tilespmem:$0x1EE40] =	vst v63  }
0x200: {  	s21 =	simm.s32 $0xA80  }
0x201: {  	[spmem:s2] =	stream.indirect.scatter.add.bf16 [tilespmem:s10], [sflag:$0x2], $0x40, s21, s8, $0xb8;
	[tilespmem:$0x1EE40] =	vst v63  }
0x202: {  	s21 =	simm.s32 $0xB00  }
0x203: {  	[spmem:s2] =	stream.indirect.scatter.add.bf16 [tilespmem:s11], [sflag:$0x2], $0x40, s21, s8, $0xb8;
	[tilespmem:$0x1EE40] =	vst v63  }
0x204: {  	s21 =	simm.s32 $0xB80  }
0x205: {  	[spmem:s2] =	stream.indirect.scatter.add.bf16 [tilespmem:s12], [sflag:$0x2], $0x40, s21, s8, $0xb8;
	[tilespmem:$0x1EE40] =	vst v63  }
0x206: {  	s21 =	simm.s32 $0xC00  }
0x207: {  	[spmem:s2] =	stream.indirect.scatter.add.bf16 [tilespmem:s13], [sflag:$0x2], $0x40, s21, s8, $0xb8;
	[tilespmem:$0x1EE40] =	vst v63  }
0x208: {  	_ =	swait.ge [sflag:s7], $0x2000  }
0x209: {  	[sflag:s7] =	ssyncset.done $0x0  }
0x20a: {  	[sflag:s7] =	ssyncadd.s32 $0xFFFFE000  }
0x20b: {  	_ =	swait.ge [sflag:s7], $0x2000  }
0x20c: {  	[sflag:s7] =	ssyncset.done $0x0  }
0x20d: {  	[sflag:s7] =	ssyncadd.s32 $0xFFFFE000  }
0x20e: {  	_ =	swait.ge [sflag:s7], $0x2000  }
0x20f: {  	[sflag:s7] =	ssyncset.done $0x0  }
0x210: {  	[sflag:s7] =	ssyncadd.s32 $0xFFFFE000  }
0x211: {  	_ =	swait.ge [sflag:s7], $0x2000  }
0x212: {  	[sflag:s7] =	ssyncset.done $0x0  }
0x213: {  	[sflag:s7] =	ssyncadd.s32 $0xFFFFE000  }
0x214: {  	_ =	swait.ge [sflag:s7], $0x2000  }
0x215: {  	[sflag:s7] =	ssyncset.done $0x0  }
0x216: {  	[sflag:s7] =	ssyncadd.s32 $0xFFFFE000  }
0x217: {  	[tilespmem:s9], [sflag:$0x1] =	stream.indirect.gather [spmem:s4], $0x40, s28, s8, $0xb8;
	[tilespmem:$0x1EE40] =	vst v63  }
0x218: {  	_ = 	snop  }
0x219: {  	[tilespmem:s10], [sflag:$0x1] =	stream.indirect.gather [spmem:s4], $0x40, s22, s8, $0xb8;
	[tilespmem:$0x1EE40] =	vst v63  }
0x21a: {  	_ = 	snop  }
0x21b: {  	[tilespmem:s11], [sflag:$0x1] =	stream.indirect.gather [spmem:s4], $0x40, s25, s8, $0xb8;
	[tilespmem:$0x1EE40] =	vst v63  }
0x21c: {  	_ = 	snop  }
0x21d: {  	[tilespmem:s12], [sflag:$0x1] =	stream.indirect.gather [spmem:s4], $0x40, s6, s8, $0xb8;
	[tilespmem:$0x1EE40] =	vst v63  }
0x21e: {  	_ = 	snop  }
0x21f: {  	[tilespmem:s13], [sflag:$0x1] =	stream.indirect.gather [spmem:s4], $0x40, s3, s8, $0xb8;
	[tilespmem:$0x1EE40] =	vst v63  }
0x220: {  	_ =	swait.ge [sflag:s14], $0x2000  }
0x221: {  	[sflag:s14] =	ssyncset.done $0x0  }
0x222: {  	[sflag:s14] =	ssyncadd.s32 $0xFFFFE000  }
0x223: {  	_ =	swait.ge [sflag:s14], $0x2000  }
0x224: {  	[sflag:s14] =	ssyncset.done $0x0  }
0x225: {  	[sflag:s14] =	ssyncadd.s32 $0xFFFFE000  }
0x226: {  	_ =	swait.ge [sflag:s14], $0x2000  }
0x227: {  	[sflag:s14] =	ssyncset.done $0x0  }
0x228: {  	[sflag:s14] =	ssyncadd.s32 $0xFFFFE000  }
0x229: {  	_ =	swait.ge [sflag:s14], $0x2000  }
0x22a: {  	[sflag:s14] =	ssyncset.done $0x0  }
0x22b: {  	[sflag:s14] =	ssyncadd.s32 $0xFFFFE000  }
0x22c: {  	_ =	swait.ge [sflag:s14], $0x2000  }
0x22d: {  	[sflag:s14] =	ssyncset.done $0x0  }
0x22e: {  	[sflag:s14] =	ssyncadd.s32 $0xFFFFE000  }
0x22f: {  	[spmem:s2] =	stream.indirect.scatter.add.bf16 [tilespmem:s9], [sflag:$0x2], $0x40, s15, s8, $0xb8;
	[tilespmem:$0x1EE40] =	vst v63  }
0x230: {  	_ = 	snop  }
0x231: {  	[spmem:s2] =	stream.indirect.scatter.add.bf16 [tilespmem:s10], [sflag:$0x2], $0x40, s23, s8, $0xb8;
	[tilespmem:$0x1EE40] =	vst v63  }
0x232: {  	_ = 	snop  }
0x233: {  	[spmem:s2] =	stream.indirect.scatter.add.bf16 [tilespmem:s11], [sflag:$0x2], $0x40, s24, s8, $0xb8;
	[tilespmem:$0x1EE40] =	vst v63  }
0x234: {  	_ = 	snop  }
0x235: {  	[spmem:s2] =	stream.indirect.scatter.add.bf16 [tilespmem:s12], [sflag:$0x2], $0x40, s29, s8, $0xb8;
	[tilespmem:$0x1EE40] =	vst v63  }
0x236: {  	_ = 	snop  }
0x237: {  	[spmem:s2] =	stream.indirect.scatter.add.bf16 [tilespmem:s13], [sflag:$0x2], $0x40, s30, s8, $0xb8;
	[tilespmem:$0x1EE40] =	vst v63  }
0x238: {  	_ =	swait.ge [sflag:s7], $0x2000  }
0x239: {  	[sflag:s7] =	ssyncset.done $0x0  }
0x23a: {  	[sflag:s7] =	ssyncadd.s32 $0xFFFFE000  }
0x23b: {  	_ =	swait.ge [sflag:s7], $0x2000  }
0x23c: {  	[sflag:s7] =	ssyncset.done $0x0  }
0x23d: {  	[sflag:s7] =	ssyncadd.s32 $0xFFFFE000  }
0x23e: {  	_ =	swait.ge [sflag:s7], $0x2000  }
0x23f: {  	[sflag:s7] =	ssyncset.done $0x0  }
0x240: {  	[sflag:s7] =	ssyncadd.s32 $0xFFFFE000  }
0x241: {  	_ =	swait.ge [sflag:s7], $0x2000  }
0x242: {  	[sflag:s7] =	ssyncset.done $0x0  }
0x243: {  	[sflag:s7] =	ssyncadd.s32 $0xFFFFE000  }
0x244: {  	_ =	swait.ge [sflag:s7], $0x2000  }
0x245: {  	[sflag:s7] =	ssyncset.done $0x0  }
0x246: {  	[sflag:s7] =	ssyncadd.s32 $0xFFFFE000  }
0x247: {  	[tilespmem:s9], [sflag:$0x1] =	stream.indirect.gather [spmem:s4], $0x40, s19, s8, $0xb8;
	[tilespmem:$0x1EE40] =	vst v63  }
0x248: {  	s21 =	simm.s32 $0x580  }
0x249: {  	[tilespmem:s10], [sflag:$0x1] =	stream.indirect.gather [spmem:s4], $0x40, s21, s8, $0xb8;
	[tilespmem:$0x1EE40] =	vst v63  }
0x24a: {  	_ = 	snop  }
0x24b: {  	[tilespmem:s11], [sflag:$0x1] =	stream.indirect.gather [spmem:s4], $0x40, s26, s8, $0xb8;
	[tilespmem:$0x1EE40] =	vst v63  }
0x24c: {  	s19 =	simm.s32 $0x680  }
0x24d: {  	[tilespmem:s12], [sflag:$0x1] =	stream.indirect.gather [spmem:s4], $0x40, s19, s8, $0xb8;
	[tilespmem:$0x1EE40] =	vst v63  }
0x24e: {  	_ = 	snop  }
0x24f: {  	[tilespmem:s13], [sflag:$0x1] =	stream.indirect.gather [spmem:s4], $0x40, s20, s8, $0xb8;
	[tilespmem:$0x1EE40] =	vst v63  }
0x250: {  	_ =	swait.ge [sflag:s14], $0x2000  }
0x251: {  	[sflag:s14] =	ssyncset.done $0x0  }
0x252: {  	[sflag:s14] =	ssyncadd.s32 $0xFFFFE000  }
0x253: {  	_ =	swait.ge [sflag:s14], $0x2000  }
0x254: {  	[sflag:s14] =	ssyncset.done $0x0  }
0x255: {  	[sflag:s14] =	ssyncadd.s32 $0xFFFFE000  }
0x256: {  	_ =	swait.ge [sflag:s14], $0x2000  }
0x257: {  	[sflag:s14] =	ssyncset.done $0x0  }
0x258: {  	[sflag:s14] =	ssyncadd.s32 $0xFFFFE000  }
0x259: {  	_ =	swait.ge [sflag:s14], $0x2000  }
0x25a: {  	[sflag:s14] =	ssyncset.done $0x0  }
0x25b: {  	[sflag:s14] =	ssyncadd.s32 $0xFFFFE000  }
0x25c: {  	_ =	swait.ge [sflag:s14], $0x2000  }
0x25d: {  	[sflag:s14] =	ssyncset.done $0x0  }
0x25e: {  	s20 =	simm.s32 $0xF00;
	[sflag:s14] =	ssyncadd.s32 $0xFFFFE000  }
0x25f: {  	[spmem:s2] =	stream.indirect.scatter.add.bf16 [tilespmem:s9], [sflag:$0x2], $0x40, s20, s8, $0xb8;
	[tilespmem:$0x1EE40] =	vst v63  }
0x260: {  	s20 =	simm.s32 $0xF80  }
0x261: {  	[spmem:s2] =	stream.indirect.scatter.add.bf16 [tilespmem:s10], [sflag:$0x2], $0x40, s20, s8, $0xb8;
	[tilespmem:$0x1EE40] =	vst v63  }
0x262: {  	s20 =	simm.s32 $0x1000  }
0x263: {  	[spmem:s2] =	stream.indirect.scatter.add.bf16 [tilespmem:s11], [sflag:$0x2], $0x40, s20, s8, $0xb8;
	[tilespmem:$0x1EE40] =	vst v63  }
0x264: {  	s20 =	simm.s32 $0x1080  }
0x265: {  	[spmem:s2] =	stream.indirect.scatter.add.bf16 [tilespmem:s12], [sflag:$0x2], $0x40, s20, s8, $0xb8;
	[tilespmem:$0x1EE40] =	vst v63  }
0x266: {  	_ = 	snop  }
0x267: {  	[spmem:s2] =	stream.indirect.scatter.add.bf16 [tilespmem:s13], [sflag:$0x2], $0x40, s1, s8, $0xb8;
	[tilespmem:$0x1EE40] =	vst v63  }
0x268: {  	_ =	swait.ge [sflag:s7], $0x2000  }
0x269: {  	[sflag:s7] =	ssyncset.done $0x0  }
0x26a: {  	[sflag:s7] =	ssyncadd.s32 $0xFFFFE000  }
0x26b: {  	_ =	swait.ge [sflag:s7], $0x2000  }
0x26c: {  	[sflag:s7] =	ssyncset.done $0x0  }
0x26d: {  	[sflag:s7] =	ssyncadd.s32 $0xFFFFE000  }
0x26e: {  	_ =	swait.ge [sflag:s7], $0x2000  }
0x26f: {  	[sflag:s7] =	ssyncset.done $0x0  }
0x270: {  	[sflag:s7] =	ssyncadd.s32 $0xFFFFE000  }
0x271: {  	_ =	swait.ge [sflag:s7], $0x2000  }
0x272: {  	[sflag:s7] =	ssyncset.done $0x0  }
0x273: {  	[sflag:s7] =	ssyncadd.s32 $0xFFFFE000  }
0x274: {  	_ =	swait.ge [sflag:s7], $0x2000  }
0x275: {  	[sflag:s7] =	ssyncset.done $0x0  }
0x276: {  	s1 =	simm.s32 $0x780;
	[sflag:s7] =	ssyncadd.s32 $0xFFFFE000  }
0x277: {  	[tilespmem:s9], [sflag:$0x1] =	stream.indirect.gather [spmem:s4], $0x40, s1, s8, $0xb8;
	[tilespmem:$0x1EE40] =	vst v63  }
0x278: {  	s18 =	simm.s32 $0x800  }
0x279: {  	[tilespmem:s10], [sflag:$0x1] =	stream.indirect.gather [spmem:s4], $0x40, s18, s8, $0xb8;
	[tilespmem:$0x1EE40] =	vst v63  }
0x27a: {  	s20 =	simm.s32 $0x880  }
0x27b: {  	[tilespmem:s11], [sflag:$0x1] =	stream.indirect.gather [spmem:s4], $0x40, s20, s8, $0xb8;
	[tilespmem:$0x1EE40] =	vst v63  }
0x27c: {  	s18 =	simm.s32 $0x900  }
0x27d: {  	[tilespmem:s12], [sflag:$0x1] =	stream.indirect.gather [spmem:s4], $0x40, s18, s8, $0xb8;
	[tilespmem:$0x1EE40] =	vst v63  }
0x27e: {  	s20 =	simm.s32 $0x980  }
0x27f: {  	[tilespmem:s13], [sflag:$0x1] =	stream.indirect.gather [spmem:s4], $0x40, s20, s8, $0xb8;
	[tilespmem:$0x1EE40] =	vst v63  }
0x280: {  	_ =	swait.ge [sflag:s14], $0x2000  }
0x281: {  	[sflag:s14] =	ssyncset.done $0x0  }
0x282: {  	[sflag:s14] =	ssyncadd.s32 $0xFFFFE000  }
0x283: {  	_ =	swait.ge [sflag:s14], $0x2000  }
0x284: {  	[sflag:s14] =	ssyncset.done $0x0  }
0x285: {  	[sflag:s14] =	ssyncadd.s32 $0xFFFFE000  }
0x286: {  	_ =	swait.ge [sflag:s14], $0x2000  }
0x287: {  	[sflag:s14] =	ssyncset.done $0x0  }
0x288: {  	[sflag:s14] =	ssyncadd.s32 $0xFFFFE000  }
0x289: {  	_ =	swait.ge [sflag:s14], $0x2000  }
0x28a: {  	[sflag:s14] =	ssyncset.done $0x0  }
0x28b: {  	[sflag:s14] =	ssyncadd.s32 $0xFFFFE000  }
0x28c: {  	_ =	swait.ge [sflag:s14], $0x2000  }
0x28d: {  	[sflag:s14] =	ssyncset.done $0x0  }
0x28e: {  	s18 =	simm.s32 $0x1180;
	[sflag:s14] =	ssyncadd.s32 $0xFFFFE000  }
0x28f: {  	[spmem:s2] =	stream.indirect.scatter.add.bf16 [tilespmem:s9], [sflag:$0x2], $0x40, s18, s8, $0xb8;
	[tilespmem:$0x1EE40] =	vst v63  }
0x290: {  	s20 =	simm.s32 $0x1200  }
0x291: {  	[spmem:s2] =	stream.indirect.scatter.add.bf16 [tilespmem:s10], [sflag:$0x2], $0x40, s20, s8, $0xb8;
	[tilespmem:$0x1EE40] =	vst v63  }
0x292: {  	s18 =	simm.s32 $0x1280  }
0x293: {  	[spmem:s2] =	stream.indirect.scatter.add.bf16 [tilespmem:s11], [sflag:$0x2], $0x40, s18, s8, $0xb8;
	[tilespmem:$0x1EE40] =	vst v63  }
0x294: {  	s20 =	simm.s32 $0x1300  }
0x295: {  	[spmem:s2] =	stream.indirect.scatter.add.bf16 [tilespmem:s12], [sflag:$0x2], $0x40, s20, s8, $0xb8;
	[tilespmem:$0x1EE40] =	vst v63  }
0x296: {  	_ = 	snop  }
0x297: {  	[spmem:s2] =	stream.indirect.scatter.add.bf16 [tilespmem:s13], [sflag:$0x2], $0x40, s16, s8, $0xb8;
	[tilespmem:$0x1EE40] =	vst v63  }
0x298: {  	_ =	swait.ge [sflag:s7], $0x2000  }
0x299: {  	[sflag:s7] =	ssyncset.done $0x0  }
0x29a: {  	[sflag:s7] =	ssyncadd.s32 $0xFFFFE000  }
0x29b: {  	_ =	swait.ge [sflag:s7], $0x2000  }
0x29c: {  	[sflag:s7] =	ssyncset.done $0x0  }
0x29d: {  	[sflag:s7] =	ssyncadd.s32 $0xFFFFE000  }
0x29e: {  	_ =	swait.ge [sflag:s7], $0x2000  }
0x29f: {  	[sflag:s7] =	ssyncset.done $0x0  }
0x2a0: {  	[sflag:s7] =	ssyncadd.s32 $0xFFFFE000  }
0x2a1: {  	_ =	swait.ge [sflag:s7], $0x2000  }
0x2a2: {  	[sflag:s7] =	ssyncset.done $0x0  }
0x2a3: {  	[sflag:s7] =	ssyncadd.s32 $0xFFFFE000  }
0x2a4: {  	_ =	swait.ge [sflag:s7], $0x2000  }
0x2a5: {  	[sflag:s7] =	ssyncset.done $0x0  }
0x2a6: {  	s1 =	rddreg [dreg:$0xc];
	[sflag:s7] =	ssyncadd.s32 $0xFFFFE000  }
0x2a7: {  	[tilespmem:s0], [sflag:$0x3] =	stream.linear.gather [hbm4b:s1+s0], $0xA00, $0x38;
	[tilespmem:$0x1EE40] =	vst v63  }
0x2a8: {  	_ =	swait.ge [sflag:s5], $0xA00  }
0x2a9: {  	[sflag:s5] =	ssyncset.done $0x0  }
0x2aa: {  	s1 =	simm.s32 $0xA00;
	s20 =	rddreg [dreg:$0xd];
	[sflag:s5] =	ssyncadd.s32 $0xFFFFF600  }
0x2ab: {  	[tilespmem:s1], [sflag:$0x3] =	stream.linear.gather [hbm4b:s20+s0], $0xA00, $0x38;
	[tilespmem:$0x1EE40] =	vst v63  }
0x2ac: {  	_ =	swait.ge [sflag:s5], $0xA00  }
0x2ad: {  	[sflag:s5] =	ssyncset.done $0x0  }
0x2ae: {  	[sflag:s5] =	ssyncadd.s32 $0xFFFFF600  }
0x2af: {  	[tilespmem:s9], [sflag:$0x1] =	stream.indirect.gather [spmem:s4], $0x40, s0, s8, $0xb8;
	[tilespmem:$0x1EE40] =	vst v63  }
0x2b0: {  	_ = 	snop  }
0x2b1: {  	[tilespmem:s10], [sflag:$0x1] =	stream.indirect.gather [spmem:s4], $0x40, s8, s8, $0xb8;
	[tilespmem:$0x1EE40] =	vst v63  }
0x2b2: {  	s20 =	simm.s32 $0x100  }
0x2b3: {  	[tilespmem:s11], [sflag:$0x1] =	stream.indirect.gather [spmem:s4], $0x40, s20, s8, $0xb8;
	[tilespmem:$0x1EE40] =	vst v63  }
0x2b4: {  	s1 =	simm.s32 $0x180  }
0x2b5: {  	[tilespmem:s12], [sflag:$0x1] =	stream.indirect.gather [spmem:s4], $0x40, s1, s8, $0xb8;
	[tilespmem:$0x1EE40] =	vst v63  }
0x2b6: {  	s18 =	simm.s32 $0x200  }
0x2b7: {  	[tilespmem:s13], [sflag:$0x1] =	stream.indirect.gather [spmem:s4], $0x40, s18, s8, $0xb8;
	[tilespmem:$0x1EE40] =	vst v63  }
0x2b8: {  	_ =	swait.ge [sflag:s14], $0x2000  }
0x2b9: {  	[sflag:s14] =	ssyncset.done $0x0  }
0x2ba: {  	[sflag:s14] =	ssyncadd.s32 $0xFFFFE000  }
0x2bb: {  	_ =	swait.ge [sflag:s14], $0x2000  }
0x2bc: {  	[sflag:s14] =	ssyncset.done $0x0  }
0x2bd: {  	[sflag:s14] =	ssyncadd.s32 $0xFFFFE000  }
0x2be: {  	_ =	swait.ge [sflag:s14], $0x2000  }
0x2bf: {  	[sflag:s14] =	ssyncset.done $0x0  }
0x2c0: {  	[sflag:s14] =	ssyncadd.s32 $0xFFFFE000  }
0x2c1: {  	_ =	swait.ge [sflag:s14], $0x2000  }
0x2c2: {  	[sflag:s14] =	ssyncset.done $0x0  }
0x2c3: {  	[sflag:s14] =	ssyncadd.s32 $0xFFFFE000  }
0x2c4: {  	_ =	swait.ge [sflag:s14], $0x2000  }
0x2c5: {  	[sflag:s14] =	ssyncset.done $0x0  }
0x2c6: {  	s20 =	simm.s32 $0xA00;
	[sflag:s14] =	ssyncadd.s32 $0xFFFFE000  }
0x2c7: {  	[spmem:s2] =	stream.indirect.scatter.add.bf16 [tilespmem:s9], [sflag:$0x2], $0x40, s20, s8, $0xb8;
	[tilespmem:$0x1EE40] =	vst v63  }
0x2c8: {  	s1 =	simm.s32 $0xA80  }
0x2c9: {  	[spmem:s2] =	stream.indirect.scatter.add.bf16 [tilespmem:s10], [sflag:$0x2], $0x40, s1, s8, $0xb8;
	[tilespmem:$0x1EE40] =	vst v63  }
0x2ca: {  	s18 =	simm.s32 $0xB00  }
0x2cb: {  	[spmem:s2] =	stream.indirect.scatter.add.bf16 [tilespmem:s11], [sflag:$0x2], $0x40, s18, s8, $0xb8;
	[tilespmem:$0x1EE40] =	vst v63  }
0x2cc: {  	s18 =	simm.s32 $0xB80  }
0x2cd: {  	[spmem:s2] =	stream.indirect.scatter.add.bf16 [tilespmem:s12], [sflag:$0x2], $0x40, s18, s8, $0xb8;
	[tilespmem:$0x1EE40] =	vst v63  }
0x2ce: {  	s18 =	simm.s32 $0xC00  }
0x2cf: {  	[spmem:s2] =	stream.indirect.scatter.add.bf16 [tilespmem:s13], [sflag:$0x2], $0x40, s18, s8, $0xb8;
	[tilespmem:$0x1EE40] =	vst v63  }
0x2d0: {  	_ =	swait.ge [sflag:s7], $0x2000  }
0x2d1: {  	[sflag:s7] =	ssyncset.done $0x0  }
0x2d2: {  	[sflag:s7] =	ssyncadd.s32 $0xFFFFE000  }
0x2d3: {  	_ =	swait.ge [sflag:s7], $0x2000  }
0x2d4: {  	[sflag:s7] =	ssyncset.done $0x0  }
0x2d5: {  	[sflag:s7] =	ssyncadd.s32 $0xFFFFE000  }
0x2d6: {  	_ =	swait.ge [sflag:s7], $0x2000  }
0x2d7: {  	[sflag:s7] =	ssyncset.done $0x0  }
0x2d8: {  	[sflag:s7] =	ssyncadd.s32 $0xFFFFE000  }
0x2d9: {  	_ =	swait.ge [sflag:s7], $0x2000  }
0x2da: {  	[sflag:s7] =	ssyncset.done $0x0  }
0x2db: {  	[sflag:s7] =	ssyncadd.s32 $0xFFFFE000  }
0x2dc: {  	_ =	swait.ge [sflag:s7], $0x2000  }
0x2dd: {  	[sflag:s7] =	ssyncset.done $0x0  }
0x2de: {  	s28 =	simm.s32 $0x280;
	[sflag:s7] =	ssyncadd.s32 $0xFFFFE000  }
0x2df: {  	[tilespmem:s9], [sflag:$0x1] =	stream.indirect.gather [spmem:s4], $0x40, s28, s8, $0xb8;
	[tilespmem:$0x1EE40] =	vst v63  }
0x2e0: {  	_ = 	snop  }
0x2e1: {  	[tilespmem:s10], [sflag:$0x1] =	stream.indirect.gather [spmem:s4], $0x40, s22, s8, $0xb8;
	[tilespmem:$0x1EE40] =	vst v63  }
0x2e2: {  	_ = 	snop  }
0x2e3: {  	[tilespmem:s11], [sflag:$0x1] =	stream.indirect.gather [spmem:s4], $0x40, s25, s8, $0xb8;
	[tilespmem:$0x1EE40] =	vst v63  }
0x2e4: {  	_ = 	snop  }
0x2e5: {  	[tilespmem:s12], [sflag:$0x1] =	stream.indirect.gather [spmem:s4], $0x40, s6, s8, $0xb8;
	[tilespmem:$0x1EE40] =	vst v63  }
0x2e6: {  	_ = 	snop  }
0x2e7: {  	[tilespmem:s13], [sflag:$0x1] =	stream.indirect.gather [spmem:s4], $0x40, s3, s8, $0xb8;
	[tilespmem:$0x1EE40] =	vst v63  }
0x2e8: {  	_ =	swait.ge [sflag:s14], $0x2000  }
0x2e9: {  	[sflag:s14] =	ssyncset.done $0x0  }
0x2ea: {  	[sflag:s14] =	ssyncadd.s32 $0xFFFFE000  }
0x2eb: {  	_ =	swait.ge [sflag:s14], $0x2000  }
0x2ec: {  	[sflag:s14] =	ssyncset.done $0x0  }
0x2ed: {  	[sflag:s14] =	ssyncadd.s32 $0xFFFFE000  }
0x2ee: {  	_ =	swait.ge [sflag:s14], $0x2000  }
0x2ef: {  	[sflag:s14] =	ssyncset.done $0x0  }
0x2f0: {  	[sflag:s14] =	ssyncadd.s32 $0xFFFFE000  }
0x2f1: {  	_ =	swait.ge [sflag:s14], $0x2000  }
0x2f2: {  	[sflag:s14] =	ssyncset.done $0x0  }
0x2f3: {  	[sflag:s14] =	ssyncadd.s32 $0xFFFFE000  }
0x2f4: {  	_ =	swait.ge [sflag:s14], $0x2000  }
0x2f5: {  	[sflag:s14] =	ssyncset.done $0x0  }
0x2f6: {  	[sflag:s14] =	ssyncadd.s32 $0xFFFFE000  }
0x2f7: {  	[spmem:s2] =	stream.indirect.scatter.add.bf16 [tilespmem:s9], [sflag:$0x2], $0x40, s15, s8, $0xb8;
	[tilespmem:$0x1EE40] =	vst v63  }
0x2f8: {  	_ = 	snop  }
0x2f9: {  	[spmem:s2] =	stream.indirect.scatter.add.bf16 [tilespmem:s10], [sflag:$0x2], $0x40, s23, s8, $0xb8;
	[tilespmem:$0x1EE40] =	vst v63  }
0x2fa: {  	_ = 	snop  }
0x2fb: {  	[spmem:s2] =	stream.indirect.scatter.add.bf16 [tilespmem:s11], [sflag:$0x2], $0x40, s24, s8, $0xb8;
	[tilespmem:$0x1EE40] =	vst v63  }
0x2fc: {  	_ = 	snop  }
0x2fd: {  	[spmem:s2] =	stream.indirect.scatter.add.bf16 [tilespmem:s12], [sflag:$0x2], $0x40, s29, s8, $0xb8;
	[tilespmem:$0x1EE40] =	vst v63  }
0x2fe: {  	_ = 	snop  }
0x2ff: {  	[spmem:s2] =	stream.indirect.scatter.add.bf16 [tilespmem:s13], [sflag:$0x2], $0x40, s30, s8, $0xb8;
	[tilespmem:$0x1EE40] =	vst v63  }
0x300: {  	_ =	swait.ge [sflag:s7], $0x2000  }
0x301: {  	[sflag:s7] =	ssyncset.done $0x0  }
0x302: {  	[sflag:s7] =	ssyncadd.s32 $0xFFFFE000  }
0x303: {  	_ =	swait.ge [sflag:s7], $0x2000  }
0x304: {  	[sflag:s7] =	ssyncset.done $0x0  }
0x305: {  	[sflag:s7] =	ssyncadd.s32 $0xFFFFE000  }
0x306: {  	_ =	swait.ge [sflag:s7], $0x2000  }
0x307: {  	[sflag:s7] =	ssyncset.done $0x0  }
0x308: {  	[sflag:s7] =	ssyncadd.s32 $0xFFFFE000  }
0x309: {  	_ =	swait.ge [sflag:s7], $0x2000  }
0x30a: {  	[sflag:s7] =	ssyncset.done $0x0  }
0x30b: {  	[sflag:s7] =	ssyncadd.s32 $0xFFFFE000  }
0x30c: {  	_ =	swait.ge [sflag:s7], $0x2000  }
0x30d: {  	[sflag:s7] =	ssyncset.done $0x0  }
0x30e: {  	s25 =	simm.s32 $0x500;
	[sflag:s7] =	ssyncadd.s32 $0xFFFFE000  }
0x30f: {  	[tilespmem:s9], [sflag:$0x1] =	stream.indirect.gather [spmem:s4], $0x40, s25, s8, $0xb8;
	[tilespmem:$0x1EE40] =	vst v63  }
0x310: {  	_ = 	snop  }
0x311: {  	[tilespmem:s10], [sflag:$0x1] =	stream.indirect.gather [spmem:s4], $0x40, s21, s8, $0xb8;
	[tilespmem:$0x1EE40] =	vst v63  }
0x312: {  	s26 =	simm.s32 $0x600  }
0x313: {  	[tilespmem:s11], [sflag:$0x1] =	stream.indirect.gather [spmem:s4], $0x40, s26, s8, $0xb8;
	[tilespmem:$0x1EE40] =	vst v63  }
0x314: {  	_ = 	snop  }
0x315: {  	[tilespmem:s12], [sflag:$0x1] =	stream.indirect.gather [spmem:s4], $0x40, s19, s8, $0xb8;
	[tilespmem:$0x1EE40] =	vst v63  }
0x316: {  	s28 =	simm.s32 $0x700  }
0x317: {  	[tilespmem:s13], [sflag:$0x1] =	stream.indirect.gather [spmem:s4], $0x40, s28, s8, $0xb8;
	[tilespmem:$0x1EE40] =	vst v63  }
0x318: {  	_ =	swait.ge [sflag:s14], $0x2000  }
0x319: {  	[sflag:s14] =	ssyncset.done $0x0  }
0x31a: {  	[sflag:s14] =	ssyncadd.s32 $0xFFFFE000  }
0x31b: {  	_ =	swait.ge [sflag:s14], $0x2000  }
0x31c: {  	[sflag:s14] =	ssyncset.done $0x0  }
0x31d: {  	[sflag:s14] =	ssyncadd.s32 $0xFFFFE000  }
0x31e: {  	_ =	swait.ge [sflag:s14], $0x2000  }
0x31f: {  	[sflag:s14] =	ssyncset.done $0x0  }
0x320: {  	[sflag:s14] =	ssyncadd.s32 $0xFFFFE000  }
0x321: {  	_ =	swait.ge [sflag:s14], $0x2000  }
0x322: {  	[sflag:s14] =	ssyncset.done $0x0  }
0x323: {  	[sflag:s14] =	ssyncadd.s32 $0xFFFFE000  }
0x324: {  	_ =	swait.ge [sflag:s14], $0x2000  }
0x325: {  	[sflag:s14] =	ssyncset.done $0x0  }
0x326: {  	s29 =	simm.s32 $0xF00;
	[sflag:s14] =	ssyncadd.s32 $0xFFFFE000  }
0x327: {  	[spmem:s2] =	stream.indirect.scatter.add.bf16 [tilespmem:s9], [sflag:$0x2], $0x40, s29, s8, $0xb8;
	[tilespmem:$0x1EE40] =	vst v63  }
0x328: {  	s30 =	simm.s32 $0xF80  }
0x329: {  	[spmem:s2] =	stream.indirect.scatter.add.bf16 [tilespmem:s10], [sflag:$0x2], $0x40, s30, s8, $0xb8;
	[tilespmem:$0x1EE40] =	vst v63  }
0x32a: {  	s3 =	simm.s32 $0x1000  }
0x32b: {  	[spmem:s2] =	stream.indirect.scatter.add.bf16 [tilespmem:s11], [sflag:$0x2], $0x40, s3, s8, $0xb8;
	[tilespmem:$0x1EE40] =	vst v63  }
0x32c: {  	s6 =	simm.s32 $0x1080  }
0x32d: {  	[spmem:s2] =	stream.indirect.scatter.add.bf16 [tilespmem:s12], [sflag:$0x2], $0x40, s6, s8, $0xb8;
	[tilespmem:$0x1EE40] =	vst v63  }
0x32e: {  	s15 =	simm.s32 $0x1100  }
0x32f: {  	[spmem:s2] =	stream.indirect.scatter.add.bf16 [tilespmem:s13], [sflag:$0x2], $0x40, s15, s8, $0xb8;
	[tilespmem:$0x1EE40] =	vst v63  }
0x330: {  	_ =	swait.ge [sflag:s7], $0x2000  }
0x331: {  	[sflag:s7] =	ssyncset.done $0x0  }
0x332: {  	[sflag:s7] =	ssyncadd.s32 $0xFFFFE000  }
0x333: {  	_ =	swait.ge [sflag:s7], $0x2000  }
0x334: {  	[sflag:s7] =	ssyncset.done $0x0  }
0x335: {  	[sflag:s7] =	ssyncadd.s32 $0xFFFFE000  }
0x336: {  	_ =	swait.ge [sflag:s7], $0x2000  }
0x337: {  	[sflag:s7] =	ssyncset.done $0x0  }
0x338: {  	[sflag:s7] =	ssyncadd.s32 $0xFFFFE000  }
0x339: {  	_ =	swait.ge [sflag:s7], $0x2000  }
0x33a: {  	[sflag:s7] =	ssyncset.done $0x0  }
0x33b: {  	[sflag:s7] =	ssyncadd.s32 $0xFFFFE000  }
0x33c: {  	_ =	swait.ge [sflag:s7], $0x2000  }
0x33d: {  	[sflag:s7] =	ssyncset.done $0x0  }
0x33e: {  	s18 =	simm.s32 $0x780;
	[sflag:s7] =	ssyncadd.s32 $0xFFFFE000  }
0x33f: {  	[tilespmem:s9], [sflag:$0x1] =	stream.indirect.gather [spmem:s4], $0x40, s18, s8, $0xb8;
	[tilespmem:$0x1EE40] =	vst v63  }
0x340: {  	s19 =	simm.s32 $0x800  }
0x341: {  	[tilespmem:s10], [sflag:$0x1] =	stream.indirect.gather [spmem:s4], $0x40, s19, s8, $0xb8;
	[tilespmem:$0x1EE40] =	vst v63  }
0x342: {  	s21 =	simm.s32 $0x880  }
0x343: {  	[tilespmem:s11], [sflag:$0x1] =	stream.indirect.gather [spmem:s4], $0x40, s21, s8, $0xb8;
	[tilespmem:$0x1EE40] =	vst v63  }
0x344: {  	s22 =	simm.s32 $0x900  }
0x345: {  	[tilespmem:s12], [sflag:$0x1] =	stream.indirect.gather [spmem:s4], $0x40, s22, s8, $0xb8;
	[tilespmem:$0x1EE40] =	vst v63  }
0x346: {  	s23 =	simm.s32 $0x980  }
0x347: {  	[tilespmem:s13], [sflag:$0x1] =	stream.indirect.gather [spmem:s4], $0x40, s23, s8, $0xb8;
	[tilespmem:$0x1EE40] =	vst v63  }
0x348: {  	_ =	swait.ge [sflag:s14], $0x2000  }
0x349: {  	[sflag:s14] =	ssyncset.done $0x0  }
0x34a: {  	[sflag:s14] =	ssyncadd.s32 $0xFFFFE000  }
0x34b: {  	_ =	swait.ge [sflag:s14], $0x2000  }
0x34c: {  	[sflag:s14] =	ssyncset.done $0x0  }
0x34d: {  	[sflag:s14] =	ssyncadd.s32 $0xFFFFE000  }
0x34e: {  	_ =	swait.ge [sflag:s14], $0x2000  }
0x34f: {  	[sflag:s14] =	ssyncset.done $0x0  }
0x350: {  	[sflag:s14] =	ssyncadd.s32 $0xFFFFE000  }
0x351: {  	_ =	swait.ge [sflag:s14], $0x2000  }
0x352: {  	[sflag:s14] =	ssyncset.done $0x0  }
0x353: {  	[sflag:s14] =	ssyncadd.s32 $0xFFFFE000  }
0x354: {  	_ =	swait.ge [sflag:s14], $0x2000  }
0x355: {  	[sflag:s14] =	ssyncset.done $0x0  }
0x356: {  	s24 =	simm.s32 $0x1180;
	[sflag:s14] =	ssyncadd.s32 $0xFFFFE000  }
0x357: {  	[spmem:s2] =	stream.indirect.scatter.add.bf16 [tilespmem:s9], [sflag:$0x2], $0x40, s24, s8, $0xb8;
	[tilespmem:$0x1EE40] =	vst v63  }
0x358: {  	s25 =	simm.s32 $0x1200  }
0x359: {  	[spmem:s2] =	stream.indirect.scatter.add.bf16 [tilespmem:s10], [sflag:$0x2], $0x40, s25, s8, $0xb8;
	[tilespmem:$0x1EE40] =	vst v63  }
0x35a: {  	s26 =	simm.s32 $0x1280  }
0x35b: {  	[spmem:s2] =	stream.indirect.scatter.add.bf16 [tilespmem:s11], [sflag:$0x2], $0x40, s26, s8, $0xb8;
	[tilespmem:$0x1EE40] =	vst v63  }
0x35c: {  	s28 =	simm.s32 $0x1300  }
0x35d: {  	[spmem:s2] =	stream.indirect.scatter.add.bf16 [tilespmem:s12], [sflag:$0x2], $0x40, s28, s8, $0xb8;
	[tilespmem:$0x1EE40] =	vst v63  }
0x35e: {  	s16 =	simm.s32 $0x1380  }
0x35f: {  	[spmem:s2] =	stream.indirect.scatter.add.bf16 [tilespmem:s13], [sflag:$0x2], $0x40, s16, s8, $0xb8;
	[tilespmem:$0x1EE40] =	vst v63  }
0x360: {  	_ =	swait.ge [sflag:s7], $0x2000  }
0x361: {  	[sflag:s7] =	ssyncset.done $0x0  }
0x362: {  	[sflag:s7] =	ssyncadd.s32 $0xFFFFE000  }
0x363: {  	_ =	swait.ge [sflag:s7], $0x2000  }
0x364: {  	[sflag:s7] =	ssyncset.done $0x0  }
0x365: {  	[sflag:s7] =	ssyncadd.s32 $0xFFFFE000  }
0x366: {  	_ =	swait.ge [sflag:s7], $0x2000  }
0x367: {  	[sflag:s7] =	ssyncset.done $0x0  }
0x368: {  	[sflag:s7] =	ssyncadd.s32 $0xFFFFE000  }
0x369: {  	_ =	swait.ge [sflag:s7], $0x2000  }
0x36a: {  	[sflag:s7] =	ssyncset.done $0x0  }
0x36b: {  	[sflag:s7] =	ssyncadd.s32 $0xFFFFE000  }
0x36c: {  	_ =	swait.ge [sflag:s7], $0x2000  }
0x36d: {  	[sflag:s7] =	ssyncset.done $0x0  }
0x36e: {  	[sflag:s7] =	ssyncadd.s32 $0xFFFFE000  }
0x36f: {  	[bflag:$0x0] =	sbarrier.arrive $0xFFFF  }
0x370: {  	s29 =	rddreg [dreg:$0xe]  }
0x371: {  	s30 =	rddreg [dreg:$0x17]  }
0x372: {  	[hbm:s29], [sflag:s31] =	dma.local [spmem:s30], $0x13C0  }
0x373: {  	s0 =	rddreg [dreg:$0x18]  }
0x374: {  	p1 =	sne.s32 s0, $0x1  }
.Ltmp1:
0x375: {  	_ = 	snop;
	(pc) =	sbr.rel @!p1 .LBB2_3-.Ltmp1, $4  }
0x376: {  	_ = 	snop  }
0x377: {  	p0 =	por $0x1, $0x1  }
0x378: {  	s20 =	simm.s32 $0x0;
	s1 =	simm.s32 $0xA00;
	_ =	swait.ge [sflag:s5], $0x13C0  }
0x379: {  	s18 =	sadd.s32 $0xFFFFFFFF, s0;
	s19 =	rddreg [dreg:$0x5];
	[sflag:s5] =	ssyncset.done $0x0  }
.LBB2_4:
0x37a: {  	s21 =	rddreg [dreg:$0xf];
	[sflag:s5] =	ssyncadd.s32 $0xFFFFEC40  }
0x37b: {  	[spmem:s21], [sflag:s31] =	dma.local [hbm:s19], $0x1388  }
0x37c: {  	_ =	swait.ge [sflag:s5], $0x1388  }
0x37d: {  	[sflag:s5] =	ssyncset.done $0x0  }
0x37e: {  	s0 =	rddreg [dreg:$0x17];
	[sflag:s5] =	ssyncadd.s32 $0xFFFFEC78  }
0x37f: {  	[spmem:s0], [sflag:s31] =	dma.local [hbm:s17], $0x278  }
0x380: {  	_ =	swait.ge [sflag:s5], $0x278  }
0x381: {  	[sflag:s5] =	ssyncset.done $0x0  }
0x382: {  	s15 =	rddreg [dreg:$0x10];
	[sflag:s5] =	ssyncadd.s32 $0xFFFFFD88  }
0x383: {  	[spmem:s15], [sflag:s31] =	dma.local [hbm:s17], $0x278  }
0x384: {  	_ =	swait.ge [sflag:s5], $0x278  }
0x385: {  	[sflag:s5] =	ssyncset.done $0x0  }
0x386: {  	s16 =	rddreg [dreg:$0x11];
	[sflag:s5] =	ssyncadd.s32 $0xFFFFFD88  }
0x387: {  	[spmem:s16], [sflag:s31] =	dma.local [hbm:s17], $0x278  }
0x388: {  	_ =	swait.ge [sflag:s5], $0x278  }
0x389: {  	[sflag:s5] =	ssyncset.done $0x0  }
0x38a: {  	s21 =	rddreg [dreg:$0x12];
	[sflag:s5] =	ssyncadd.s32 $0xFFFFFD88  }
0x38b: {  	[spmem:s21], [sflag:s31] =	dma.local [hbm:s17], $0x278  }
0x38c: {  	_ =	swait.ge [sflag:s5], $0x278  }
0x38d: {  	[sflag:s5] =	ssyncset.done $0x0  }
0x38e: {  	s22 =	rddreg [dreg:$0x13];
	[sflag:s5] =	ssyncadd.s32 $0xFFFFFD88  }
0x38f: {  	[spmem:s22], [sflag:s31] =	dma.local [hbm:s17], $0x278  }
0x390: {  	_ =	swait.ge [sflag:s5], $0x278  }
0x391: {  	[sflag:s5] =	ssyncset.done $0x0  }
0x392: {  	s23 =	rddreg [dreg:$0x14];
	[sflag:s5] =	ssyncadd.s32 $0xFFFFFD88  }
0x393: {  	[spmem:s23], [sflag:s31] =	dma.local [hbm:s17], $0x278  }
0x394: {  	_ =	swait.ge [sflag:s5], $0x278  }
0x395: {  	[sflag:s5] =	ssyncset.done $0x0  }
0x396: {  	s24 =	rddreg [dreg:$0x15];
	[sflag:s5] =	ssyncadd.s32 $0xFFFFFD88  }
0x397: {  	[spmem:s24], [sflag:s31] =	dma.local [hbm:s17], $0x278  }
0x398: {  	_ =	swait.ge [sflag:s5], $0x278  }
0x399: {  	[sflag:s5] =	ssyncset.done $0x0  }
0x39a: {  	s25 =	rddreg [dreg:$0x16];
	[sflag:s5] =	ssyncadd.s32 $0xFFFFFD88  }
0x39b: {  	[spmem:s25], [sflag:s31] =	dma.local [hbm:s17], $0x278  }
0x39c: {  	_ =	swait.ge [sflag:s5], $0x278  }
0x39d: {  	[sflag:s5] =	ssyncset.done $0x0  }
0x39e: {  	[sflag:s5] =	ssyncadd.s32 $0xFFFFFD88  }
0x39f: {  	[bflag:$0x0] =	sbarrier.arrive $0xFFFF  }
0x3a0: {  	s26 =	rddreg [dreg:$0x6]  }
0x3a1: {  	[tilespmem:s20], [sflag:$0x3] =	stream.linear.gather [hbm4b:s26+s20], $0xA00, $0x38;
	[tilespmem:$0x1EE40] =	vst v63  }
0x3a2: {  	_ =	swait.ge [sflag:s5], $0xA00  }
0x3a3: {  	[sflag:s5] =	ssyncset.done $0x0  }
0x3a4: {  	s28 =	rddreg [dreg:$0x7];
	[sflag:s5] =	ssyncadd.s32 $0xFFFFF600  }
0x3a5: {  	[tilespmem:s1], [sflag:$0x3] =	stream.linear.gather [hbm4b:s28+s20], $0xA00, $0x38;
	[tilespmem:$0x1EE40] =	vst v63  }
0x3a6: {  	_ =	swait.ge [sflag:s5], $0xA00  }
0x3a7: {  	[sflag:s5] =	ssyncset.done $0x0  }
0x3a8: {  	[sflag:s5] =	ssyncadd.s32 $0xFFFFF600  }
0x3a9: {  	[tilespmem:s9], [sflag:$0x1] =	stream.indirect.gather [spmem:s4], $0x40, s20, s8, $0xb8;
	[tilespmem:$0x1EE40] =	vst v63  }
0x3aa: {  	_ = 	snop  }
0x3ab: {  	[tilespmem:s10], [sflag:$0x1] =	stream.indirect.gather [spmem:s4], $0x40, s8, s8, $0xb8;
	[tilespmem:$0x1EE40] =	vst v63  }
0x3ac: {  	s29 =	simm.s32 $0x100  }
0x3ad: {  	[tilespmem:s11], [sflag:$0x1] =	stream.indirect.gather [spmem:s4], $0x40, s29, s8, $0xb8;
	[tilespmem:$0x1EE40] =	vst v63  }
0x3ae: {  	s30 =	simm.s32 $0x180  }
0x3af: {  	[tilespmem:s12], [sflag:$0x1] =	stream.indirect.gather [spmem:s4], $0x40, s30, s8, $0xb8;
	[tilespmem:$0x1EE40] =	vst v63  }
0x3b0: {  	s3 =	simm.s32 $0x200  }
0x3b1: {  	[tilespmem:s13], [sflag:$0x1] =	stream.indirect.gather [spmem:s4], $0x40, s3, s8, $0xb8;
	[tilespmem:$0x1EE40] =	vst v63  }
0x3b2: {  	_ =	swait.ge [sflag:s14], $0x2000  }
0x3b3: {  	[sflag:s14] =	ssyncset.done $0x0  }
0x3b4: {  	[sflag:s14] =	ssyncadd.s32 $0xFFFFE000  }
0x3b5: {  	_ =	swait.ge [sflag:s14], $0x2000  }
0x3b6: {  	[sflag:s14] =	ssyncset.done $0x0  }
0x3b7: {  	[sflag:s14] =	ssyncadd.s32 $0xFFFFE000  }
0x3b8: {  	_ =	swait.ge [sflag:s14], $0x2000  }
0x3b9: {  	[sflag:s14] =	ssyncset.done $0x0  }
0x3ba: {  	[sflag:s14] =	ssyncadd.s32 $0xFFFFE000  }
0x3bb: {  	_ =	swait.ge [sflag:s14], $0x2000  }
0x3bc: {  	[sflag:s14] =	ssyncset.done $0x0  }
0x3bd: {  	[sflag:s14] =	ssyncadd.s32 $0xFFFFE000  }
0x3be: {  	_ =	swait.ge [sflag:s14], $0x2000  }
0x3bf: {  	[sflag:s14] =	ssyncset.done $0x0  }
0x3c0: {  	s20 =	simm.s32 $0xA00;
	[sflag:s14] =	ssyncadd.s32 $0xFFFFE000  }
0x3c1: {  	[spmem:s2] =	stream.indirect.scatter.add.bf16 [tilespmem:s9], [sflag:$0x2], $0x40, s20, s8, $0xb8;
	[tilespmem:$0x1EE40] =	vst v63  }
0x3c2: {  	s6 =	simm.s32 $0xA80  }
0x3c3: {  	[spmem:s2] =	stream.indirect.scatter.add.bf16 [tilespmem:s10], [sflag:$0x2], $0x40, s6, s8, $0xb8;
	[tilespmem:$0x1EE40] =	vst v63  }
0x3c4: {  	s15 =	simm.s32 $0xB00  }
0x3c5: {  	[spmem:s2] =	stream.indirect.scatter.add.bf16 [tilespmem:s11], [sflag:$0x2], $0x40, s15, s8, $0xb8;
	[tilespmem:$0x1EE40] =	vst v63  }
0x3c6: {  	s16 =	simm.s32 $0xB80  }
0x3c7: {  	[spmem:s2] =	stream.indirect.scatter.add.bf16 [tilespmem:s12], [sflag:$0x2], $0x40, s16, s8, $0xb8;
	[tilespmem:$0x1EE40] =	vst v63  }
0x3c8: {  	s19 =	simm.s32 $0xC00  }
0x3c9: {  	[spmem:s2] =	stream.indirect.scatter.add.bf16 [tilespmem:s13], [sflag:$0x2], $0x40, s19, s8, $0xb8;
	[tilespmem:$0x1EE40] =	vst v63  }
0x3ca: {  	_ =	swait.ge [sflag:s7], $0x2000  }
0x3cb: {  	[sflag:s7] =	ssyncset.done $0x0  }
0x3cc: {  	[sflag:s7] =	ssyncadd.s32 $0xFFFFE000  }
0x3cd: {  	_ =	swait.ge [sflag:s7], $0x2000  }
0x3ce: {  	[sflag:s7] =	ssyncset.done $0x0  }
0x3cf: {  	[sflag:s7] =	ssyncadd.s32 $0xFFFFE000  }
0x3d0: {  	_ =	swait.ge [sflag:s7], $0x2000  }
0x3d1: {  	[sflag:s7] =	ssyncset.done $0x0  }
0x3d2: {  	[sflag:s7] =	ssyncadd.s32 $0xFFFFE000  }
0x3d3: {  	_ =	swait.ge [sflag:s7], $0x2000  }
0x3d4: {  	[sflag:s7] =	ssyncset.done $0x0  }
0x3d5: {  	[sflag:s7] =	ssyncadd.s32 $0xFFFFE000  }
0x3d6: {  	_ =	swait.ge [sflag:s7], $0x2000  }
0x3d7: {  	[sflag:s7] =	ssyncset.done $0x0  }
0x3d8: {  	s6 =	simm.s32 $0x280;
	[sflag:s7] =	ssyncadd.s32 $0xFFFFE000  }
0x3d9: {  	[tilespmem:s9], [sflag:$0x1] =	stream.indirect.gather [spmem:s4], $0x40, s6, s8, $0xb8;
	[tilespmem:$0x1EE40] =	vst v63  }
0x3da: {  	s22 =	simm.s32 $0x300  }
0x3db: {  	[tilespmem:s10], [sflag:$0x1] =	stream.indirect.gather [spmem:s4], $0x40, s22, s8, $0xb8;
	[tilespmem:$0x1EE40] =	vst v63  }
0x3dc: {  	s23 =	simm.s32 $0x380  }
0x3dd: {  	[tilespmem:s11], [sflag:$0x1] =	stream.indirect.gather [spmem:s4], $0x40, s23, s8, $0xb8;
	[tilespmem:$0x1EE40] =	vst v63  }
0x3de: {  	s29 =	simm.s32 $0x400  }
0x3df: {  	[tilespmem:s12], [sflag:$0x1] =	stream.indirect.gather [spmem:s4], $0x40, s29, s8, $0xb8;
	[tilespmem:$0x1EE40] =	vst v63  }
0x3e0: {  	s1 =	simm.s32 $0x480  }
0x3e1: {  	[tilespmem:s13], [sflag:$0x1] =	stream.indirect.gather [spmem:s4], $0x40, s1, s8, $0xb8;
	[tilespmem:$0x1EE40] =	vst v63  }
0x3e2: {  	_ =	swait.ge [sflag:s14], $0x2000  }
0x3e3: {  	[sflag:s14] =	ssyncset.done $0x0  }
0x3e4: {  	[sflag:s14] =	ssyncadd.s32 $0xFFFFE000  }
0x3e5: {  	_ =	swait.ge [sflag:s14], $0x2000  }
0x3e6: {  	[sflag:s14] =	ssyncset.done $0x0  }
0x3e7: {  	[sflag:s14] =	ssyncadd.s32 $0xFFFFE000  }
0x3e8: {  	_ =	swait.ge [sflag:s14], $0x2000  }
0x3e9: {  	[sflag:s14] =	ssyncset.done $0x0  }
0x3ea: {  	[sflag:s14] =	ssyncadd.s32 $0xFFFFE000  }
0x3eb: {  	_ =	swait.ge [sflag:s14], $0x2000  }
0x3ec: {  	[sflag:s14] =	ssyncset.done $0x0  }
0x3ed: {  	[sflag:s14] =	ssyncadd.s32 $0xFFFFE000  }
0x3ee: {  	_ =	swait.ge [sflag:s14], $0x2000  }
0x3ef: {  	[sflag:s14] =	ssyncset.done $0x0  }
0x3f0: {  	s3 =	simm.s32 $0xC80;
	[sflag:s14] =	ssyncadd.s32 $0xFFFFE000  }
0x3f1: {  	[spmem:s2] =	stream.indirect.scatter.add.bf16 [tilespmem:s9], [sflag:$0x2], $0x40, s3, s8, $0xb8;
	[tilespmem:$0x1EE40] =	vst v63  }
0x3f2: {  	s19 =	simm.s32 $0xD00  }
0x3f3: {  	[spmem:s2] =	stream.indirect.scatter.add.bf16 [tilespmem:s10], [sflag:$0x2], $0x40, s19, s8, $0xb8;
	[tilespmem:$0x1EE40] =	vst v63  }
0x3f4: {  	s22 =	simm.s32 $0xD80  }
0x3f5: {  	[spmem:s2] =	stream.indirect.scatter.add.bf16 [tilespmem:s11], [sflag:$0x2], $0x40, s22, s8, $0xb8;
	[tilespmem:$0x1EE40] =	vst v63  }
0x3f6: {  	s29 =	simm.s32 $0xE00  }
0x3f7: {  	[spmem:s2] =	stream.indirect.scatter.add.bf16 [tilespmem:s12], [sflag:$0x2], $0x40, s29, s8, $0xb8;
	[tilespmem:$0x1EE40] =	vst v63  }
0x3f8: {  	s1 =	simm.s32 $0xE80  }
0x3f9: {  	[spmem:s2] =	stream.indirect.scatter.add.bf16 [tilespmem:s13], [sflag:$0x2], $0x40, s1, s8, $0xb8;
	[tilespmem:$0x1EE40] =	vst v63  }
0x3fa: {  	_ =	swait.ge [sflag:s7], $0x2000  }
0x3fb: {  	[sflag:s7] =	ssyncset.done $0x0  }
0x3fc: {  	[sflag:s7] =	ssyncadd.s32 $0xFFFFE000  }
0x3fd: {  	_ =	swait.ge [sflag:s7], $0x2000  }
0x3fe: {  	[sflag:s7] =	ssyncset.done $0x0  }
0x3ff: {  	[sflag:s7] =	ssyncadd.s32 $0xFFFFE000  }
0x400: {  	_ =	swait.ge [sflag:s7], $0x2000  }
0x401: {  	[sflag:s7] =	ssyncset.done $0x0  }
0x402: {  	[sflag:s7] =	ssyncadd.s32 $0xFFFFE000  }
0x403: {  	_ =	swait.ge [sflag:s7], $0x2000  }
0x404: {  	[sflag:s7] =	ssyncset.done $0x0  }
0x405: {  	[sflag:s7] =	ssyncadd.s32 $0xFFFFE000  }
0x406: {  	_ =	swait.ge [sflag:s7], $0x2000  }
0x407: {  	[sflag:s7] =	ssyncset.done $0x0  }
0x408: {  	s6 =	simm.s32 $0x500;
	[sflag:s7] =	ssyncadd.s32 $0xFFFFE000  }
0x409: {  	[tilespmem:s9], [sflag:$0x1] =	stream.indirect.gather [spmem:s4], $0x40, s6, s8, $0xb8;
	[tilespmem:$0x1EE40] =	vst v63  }
0x40a: {  	s19 =	simm.s32 $0x580  }
0x40b: {  	[tilespmem:s10], [sflag:$0x1] =	stream.indirect.gather [spmem:s4], $0x40, s19, s8, $0xb8;
	[tilespmem:$0x1EE40] =	vst v63  }
0x40c: {  	s1 =	simm.s32 $0x600  }
0x40d: {  	[tilespmem:s11], [sflag:$0x1] =	stream.indirect.gather [spmem:s4], $0x40, s1, s8, $0xb8;
	[tilespmem:$0x1EE40] =	vst v63  }
0x40e: {  	s19 =	simm.s32 $0x680  }
0x40f: {  	[tilespmem:s12], [sflag:$0x1] =	stream.indirect.gather [spmem:s4], $0x40, s19, s8, $0xb8;
	[tilespmem:$0x1EE40] =	vst v63  }
0x410: {  	s1 =	simm.s32 $0x700  }
0x411: {  	[tilespmem:s13], [sflag:$0x1] =	stream.indirect.gather [spmem:s4], $0x40, s1, s8, $0xb8;
	[tilespmem:$0x1EE40] =	vst v63  }
0x412: {  	_ =	swait.ge [sflag:s14], $0x2000  }
0x413: {  	[sflag:s14] =	ssyncset.done $0x0  }
0x414: {  	[sflag:s14] =	ssyncadd.s32 $0xFFFFE000  }
0x415: {  	_ =	swait.ge [sflag:s14], $0x2000  }
0x416: {  	[sflag:s14] =	ssyncset.done $0x0  }
0x417: {  	[sflag:s14] =	ssyncadd.s32 $0xFFFFE000  }
0x418: {  	_ =	swait.ge [sflag:s14], $0x2000  }
0x419: {  	[sflag:s14] =	ssyncset.done $0x0  }
0x41a: {  	[sflag:s14] =	ssyncadd.s32 $0xFFFFE000  }
0x41b: {  	_ =	swait.ge [sflag:s14], $0x2000  }
0x41c: {  	[sflag:s14] =	ssyncset.done $0x0  }
0x41d: {  	[sflag:s14] =	ssyncadd.s32 $0xFFFFE000  }
0x41e: {  	_ =	swait.ge [sflag:s14], $0x2000  }
0x41f: {  	[sflag:s14] =	ssyncset.done $0x0  }
0x420: {  	s19 =	simm.s32 $0xF00;
	[sflag:s14] =	ssyncadd.s32 $0xFFFFE000  }
0x421: {  	[spmem:s2] =	stream.indirect.scatter.add.bf16 [tilespmem:s9], [sflag:$0x2], $0x40, s19, s8, $0xb8;
	[tilespmem:$0x1EE40] =	vst v63  }
0x422: {  	s6 =	simm.s32 $0xF80  }
0x423: {  	[spmem:s2] =	stream.indirect.scatter.add.bf16 [tilespmem:s10], [sflag:$0x2], $0x40, s6, s8, $0xb8;
	[tilespmem:$0x1EE40] =	vst v63  }
0x424: {  	s19 =	simm.s32 $0x1000  }
0x425: {  	[spmem:s2] =	stream.indirect.scatter.add.bf16 [tilespmem:s11], [sflag:$0x2], $0x40, s19, s8, $0xb8;
	[tilespmem:$0x1EE40] =	vst v63  }
0x426: {  	s6 =	simm.s32 $0x1080  }
0x427: {  	[spmem:s2] =	stream.indirect.scatter.add.bf16 [tilespmem:s12], [sflag:$0x2], $0x40, s6, s8, $0xb8;
	[tilespmem:$0x1EE40] =	vst v63  }
0x428: {  	s1 =	simm.s32 $0x1100  }
0x429: {  	[spmem:s2] =	stream.indirect.scatter.add.bf16 [tilespmem:s13], [sflag:$0x2], $0x40, s1, s8, $0xb8;
	[tilespmem:$0x1EE40] =	vst v63  }
0x42a: {  	_ =	swait.ge [sflag:s7], $0x2000  }
0x42b: {  	[sflag:s7] =	ssyncset.done $0x0  }
0x42c: {  	[sflag:s7] =	ssyncadd.s32 $0xFFFFE000  }
0x42d: {  	_ =	swait.ge [sflag:s7], $0x2000  }
0x42e: {  	[sflag:s7] =	ssyncset.done $0x0  }
0x42f: {  	[sflag:s7] =	ssyncadd.s32 $0xFFFFE000  }
0x430: {  	_ =	swait.ge [sflag:s7], $0x2000  }
0x431: {  	[sflag:s7] =	ssyncset.done $0x0  }
0x432: {  	[sflag:s7] =	ssyncadd.s32 $0xFFFFE000  }
0x433: {  	_ =	swait.ge [sflag:s7], $0x2000  }
0x434: {  	[sflag:s7] =	ssyncset.done $0x0  }
0x435: {  	[sflag:s7] =	ssyncadd.s32 $0xFFFFE000  }
0x436: {  	_ =	swait.ge [sflag:s7], $0x2000  }
0x437: {  	[sflag:s7] =	ssyncset.done $0x0  }
0x438: {  	s6 =	simm.s32 $0x780;
	[sflag:s7] =	ssyncadd.s32 $0xFFFFE000  }
0x439: {  	[tilespmem:s9], [sflag:$0x1] =	stream.indirect.gather [spmem:s4], $0x40, s6, s8, $0xb8;
	[tilespmem:$0x1EE40] =	vst v63  }
0x43a: {  	s19 =	simm.s32 $0x800  }
0x43b: {  	[tilespmem:s10], [sflag:$0x1] =	stream.indirect.gather [spmem:s4], $0x40, s19, s8, $0xb8;
	[tilespmem:$0x1EE40] =	vst v63  }
0x43c: {  	s1 =	simm.s32 $0x880  }
0x43d: {  	[tilespmem:s11], [sflag:$0x1] =	stream.indirect.gather [spmem:s4], $0x40, s1, s8, $0xb8;
	[tilespmem:$0x1EE40] =	vst v63  }
0x43e: {  	s6 =	simm.s32 $0x900  }
0x43f: {  	[tilespmem:s12], [sflag:$0x1] =	stream.indirect.gather [spmem:s4], $0x40, s6, s8, $0xb8;
	[tilespmem:$0x1EE40] =	vst v63  }
0x440: {  	s1 =	simm.s32 $0x980  }
0x441: {  	[tilespmem:s13], [sflag:$0x1] =	stream.indirect.gather [spmem:s4], $0x40, s1, s8, $0xb8;
	[tilespmem:$0x1EE40] =	vst v63  }
0x442: {  	_ =	swait.ge [sflag:s14], $0x2000  }
0x443: {  	[sflag:s14] =	ssyncset.done $0x0  }
0x444: {  	[sflag:s14] =	ssyncadd.s32 $0xFFFFE000  }
0x445: {  	_ =	swait.ge [sflag:s14], $0x2000  }
0x446: {  	[sflag:s14] =	ssyncset.done $0x0  }
0x447: {  	[sflag:s14] =	ssyncadd.s32 $0xFFFFE000  }
0x448: {  	_ =	swait.ge [sflag:s14], $0x2000  }
0x449: {  	[sflag:s14] =	ssyncset.done $0x0  }
0x44a: {  	[sflag:s14] =	ssyncadd.s32 $0xFFFFE000  }
0x44b: {  	_ =	swait.ge [sflag:s14], $0x2000  }
0x44c: {  	[sflag:s14] =	ssyncset.done $0x0  }
0x44d: {  	[sflag:s14] =	ssyncadd.s32 $0xFFFFE000  }
0x44e: {  	_ =	swait.ge [sflag:s14], $0x2000  }
0x44f: {  	[sflag:s14] =	ssyncset.done $0x0  }
0x450: {  	s6 =	simm.s32 $0x1180;
	[sflag:s14] =	ssyncadd.s32 $0xFFFFE000  }
0x451: {  	[spmem:s2] =	stream.indirect.scatter.add.bf16 [tilespmem:s9], [sflag:$0x2], $0x40, s6, s8, $0xb8;
	[tilespmem:$0x1EE40] =	vst v63  }
0x452: {  	s1 =	simm.s32 $0x1200  }
0x453: {  	[spmem:s2] =	stream.indirect.scatter.add.bf16 [tilespmem:s10], [sflag:$0x2], $0x40, s1, s8, $0xb8;
	[tilespmem:$0x1EE40] =	vst v63  }
0x454: {  	s6 =	simm.s32 $0x1280  }
0x455: {  	[spmem:s2] =	stream.indirect.scatter.add.bf16 [tilespmem:s11], [sflag:$0x2], $0x40, s6, s8, $0xb8;
	[tilespmem:$0x1EE40] =	vst v63  }
0x456: {  	s1 =	simm.s32 $0x1300  }
0x457: {  	[spmem:s2] =	stream.indirect.scatter.add.bf16 [tilespmem:s12], [sflag:$0x2], $0x40, s1, s8, $0xb8;
	[tilespmem:$0x1EE40] =	vst v63  }
0x458: {  	s6 =	simm.s32 $0x1380  }
0x459: {  	[spmem:s2] =	stream.indirect.scatter.add.bf16 [tilespmem:s13], [sflag:$0x2], $0x40, s6, s8, $0xb8;
	[tilespmem:$0x1EE40] =	vst v63  }
0x45a: {  	_ =	swait.ge [sflag:s7], $0x2000  }
0x45b: {  	[sflag:s7] =	ssyncset.done $0x0  }
0x45c: {  	[sflag:s7] =	ssyncadd.s32 $0xFFFFE000  }
0x45d: {  	_ =	swait.ge [sflag:s7], $0x2000  }
0x45e: {  	[sflag:s7] =	ssyncset.done $0x0  }
0x45f: {  	[sflag:s7] =	ssyncadd.s32 $0xFFFFE000  }
0x460: {  	_ =	swait.ge [sflag:s7], $0x2000  }
0x461: {  	[sflag:s7] =	ssyncset.done $0x0  }
0x462: {  	[sflag:s7] =	ssyncadd.s32 $0xFFFFE000  }
0x463: {  	_ =	swait.ge [sflag:s7], $0x2000  }
0x464: {  	[sflag:s7] =	ssyncset.done $0x0  }
0x465: {  	[sflag:s7] =	ssyncadd.s32 $0xFFFFE000  }
0x466: {  	_ =	swait.ge [sflag:s7], $0x2000  }
0x467: {  	[sflag:s7] =	ssyncset.done $0x0  }
0x468: {  	s0 =	simm.s32 $0x0;
	s1 =	rddreg [dreg:$0x8];
	[sflag:s7] =	ssyncadd.s32 $0xFFFFE000  }
0x469: {  	[tilespmem:s0], [sflag:$0x3] =	stream.linear.gather [hbm4b:s1+s0], $0xA00, $0x38;
	[tilespmem:$0x1EE40] =	vst v63  }
0x46a: {  	_ =	swait.ge [sflag:s5], $0xA00  }
0x46b: {  	[sflag:s5] =	ssyncset.done $0x0  }
0x46c: {  	s6 =	rddreg [dreg:$0x9];
	[sflag:s5] =	ssyncadd.s32 $0xFFFFF600  }
0x46d: {  	[tilespmem:s20], [sflag:$0x3] =	stream.linear.gather [hbm4b:s6+s0], $0xA00, $0x38;
	[tilespmem:$0x1EE40] =	vst v63  }
0x46e: {  	_ =	swait.ge [sflag:s5], $0xA00  }
0x46f: {  	[sflag:s5] =	ssyncset.done $0x0  }
0x470: {  	[sflag:s5] =	ssyncadd.s32 $0xFFFFF600  }
0x471: {  	[tilespmem:s9], [sflag:$0x1] =	stream.indirect.gather [spmem:s4], $0x40, s0, s8, $0xb8;
	[tilespmem:$0x1EE40] =	vst v63  }
0x472: {  	_ = 	snop  }
0x473: {  	[tilespmem:s10], [sflag:$0x1] =	stream.indirect.gather [spmem:s4], $0x40, s8, s8, $0xb8;
	[tilespmem:$0x1EE40] =	vst v63  }
0x474: {  	s21 =	simm.s32 $0x100  }
0x475: {  	[tilespmem:s11], [sflag:$0x1] =	stream.indirect.gather [spmem:s4], $0x40, s21, s8, $0xb8;
	[tilespmem:$0x1EE40] =	vst v63  }
0x476: {  	s26 =	simm.s32 $0x180  }
0x477: {  	[tilespmem:s12], [sflag:$0x1] =	stream.indirect.gather [spmem:s4], $0x40, s26, s8, $0xb8;
	[tilespmem:$0x1EE40] =	vst v63  }
0x478: {  	s28 =	simm.s32 $0x200  }
0x479: {  	[tilespmem:s13], [sflag:$0x1] =	stream.indirect.gather [spmem:s4], $0x40, s28, s8, $0xb8;
	[tilespmem:$0x1EE40] =	vst v63  }
0x47a: {  	_ =	swait.ge [sflag:s14], $0x2000  }
0x47b: {  	[sflag:s14] =	ssyncset.done $0x0  }
0x47c: {  	[sflag:s14] =	ssyncadd.s32 $0xFFFFE000  }
0x47d: {  	_ =	swait.ge [sflag:s14], $0x2000  }
0x47e: {  	[sflag:s14] =	ssyncset.done $0x0  }
0x47f: {  	[sflag:s14] =	ssyncadd.s32 $0xFFFFE000  }
0x480: {  	_ =	swait.ge [sflag:s14], $0x2000  }
0x481: {  	[sflag:s14] =	ssyncset.done $0x0  }
0x482: {  	[sflag:s14] =	ssyncadd.s32 $0xFFFFE000  }
0x483: {  	_ =	swait.ge [sflag:s14], $0x2000  }
0x484: {  	[sflag:s14] =	ssyncset.done $0x0  }
0x485: {  	[sflag:s14] =	ssyncadd.s32 $0xFFFFE000  }
0x486: {  	_ =	swait.ge [sflag:s14], $0x2000  }
0x487: {  	[sflag:s14] =	ssyncset.done $0x0  }
0x488: {  	[sflag:s14] =	ssyncadd.s32 $0xFFFFE000  }
0x489: {  	[spmem:s2] =	stream.indirect.scatter.add.bf16 [tilespmem:s9], [sflag:$0x2], $0x40, s20, s8, $0xb8;
	[tilespmem:$0x1EE40] =	vst v63  }
0x48a: {  	s25 =	simm.s32 $0xA80  }
0x48b: {  	[spmem:s2] =	stream.indirect.scatter.add.bf16 [tilespmem:s10], [sflag:$0x2], $0x40, s25, s8, $0xb8;
	[tilespmem:$0x1EE40] =	vst v63  }
0x48c: {  	s24 =	simm.s32 $0xB00  }
0x48d: {  	[spmem:s2] =	stream.indirect.scatter.add.bf16 [tilespmem:s11], [sflag:$0x2], $0x40, s24, s8, $0xb8;
	[tilespmem:$0x1EE40] =	vst v63  }
0x48e: {  	s30 =	simm.s32 $0xB80  }
0x48f: {  	[spmem:s2] =	stream.indirect.scatter.add.bf16 [tilespmem:s12], [sflag:$0x2], $0x40, s30, s8, $0xb8;
	[tilespmem:$0x1EE40] =	vst v63  }
0x490: {  	s21 =	smov.u32 s31;
	s31 =	simm.s32 $0xC00  }
0x491: {  	[spmem:s2] =	stream.indirect.scatter.add.bf16 [tilespmem:s13], [sflag:$0x2], $0x40, s31, s8, $0xb8;
	[tilespmem:$0x1EE40] =	vst v63  }
0x492: {  	_ =	swait.ge [sflag:s7], $0x2000  }
0x493: {  	[sflag:s7] =	ssyncset.done $0x0  }
0x494: {  	[sflag:s7] =	ssyncadd.s32 $0xFFFFE000  }
0x495: {  	_ =	swait.ge [sflag:s7], $0x2000  }
0x496: {  	[sflag:s7] =	ssyncset.done $0x0  }
0x497: {  	[sflag:s7] =	ssyncadd.s32 $0xFFFFE000  }
0x498: {  	_ =	swait.ge [sflag:s7], $0x2000  }
0x499: {  	[sflag:s7] =	ssyncset.done $0x0  }
0x49a: {  	[sflag:s7] =	ssyncadd.s32 $0xFFFFE000  }
0x49b: {  	_ =	swait.ge [sflag:s7], $0x2000  }
0x49c: {  	[sflag:s7] =	ssyncset.done $0x0  }
0x49d: {  	[sflag:s7] =	ssyncadd.s32 $0xFFFFE000  }
0x49e: {  	_ =	swait.ge [sflag:s7], $0x2000  }
0x49f: {  	[sflag:s7] =	ssyncset.done $0x0  }
0x4a0: {  	s15 =	simm.s32 $0x280;
	[sflag:s7] =	ssyncadd.s32 $0xFFFFE000  }
0x4a1: {  	[tilespmem:s9], [sflag:$0x1] =	stream.indirect.gather [spmem:s4], $0x40, s15, s8, $0xb8;
	[tilespmem:$0x1EE40] =	vst v63  }
0x4a2: {  	s15 =	simm.s32 $0x300  }
0x4a3: {  	[tilespmem:s10], [sflag:$0x1] =	stream.indirect.gather [spmem:s4], $0x40, s15, s8, $0xb8;
	[tilespmem:$0x1EE40] =	vst v63  }
0x4a4: {  	s16 =	simm.s32 $0x380  }
0x4a5: {  	[tilespmem:s11], [sflag:$0x1] =	stream.indirect.gather [spmem:s4], $0x40, s16, s8, $0xb8;
	[tilespmem:$0x1EE40] =	vst v63  }
0x4a6: {  	s16 =	simm.s32 $0x400  }
0x4a7: {  	[tilespmem:s12], [sflag:$0x1] =	stream.indirect.gather [spmem:s4], $0x40, s16, s8, $0xb8;
	[tilespmem:$0x1EE40] =	vst v63  }
0x4a8: {  	s28 =	simm.s32 $0x480  }
0x4a9: {  	[tilespmem:s13], [sflag:$0x1] =	stream.indirect.gather [spmem:s4], $0x40, s28, s8, $0xb8;
	[tilespmem:$0x1EE40] =	vst v63  }
0x4aa: {  	_ =	swait.ge [sflag:s14], $0x2000  }
0x4ab: {  	[sflag:s14] =	ssyncset.done $0x0  }
0x4ac: {  	[sflag:s14] =	ssyncadd.s32 $0xFFFFE000  }
0x4ad: {  	_ =	swait.ge [sflag:s14], $0x2000  }
0x4ae: {  	[sflag:s14] =	ssyncset.done $0x0  }
0x4af: {  	[sflag:s14] =	ssyncadd.s32 $0xFFFFE000  }
0x4b0: {  	_ =	swait.ge [sflag:s14], $0x2000  }
0x4b1: {  	[sflag:s14] =	ssyncset.done $0x0  }
0x4b2: {  	[sflag:s14] =	ssyncadd.s32 $0xFFFFE000  }
0x4b3: {  	_ =	swait.ge [sflag:s14], $0x2000  }
0x4b4: {  	[sflag:s14] =	ssyncset.done $0x0  }
0x4b5: {  	[sflag:s14] =	ssyncadd.s32 $0xFFFFE000  }
0x4b6: {  	_ =	swait.ge [sflag:s14], $0x2000  }
0x4b7: {  	[sflag:s14] =	ssyncset.done $0x0  }
0x4b8: {  	s3 =	simm.s32 $0xC80;
	[sflag:s14] =	ssyncadd.s32 $0xFFFFE000  }
0x4b9: {  	[spmem:s2] =	stream.indirect.scatter.add.bf16 [tilespmem:s9], [sflag:$0x2], $0x40, s3, s8, $0xb8;
	[tilespmem:$0x1EE40] =	vst v63  }
0x4ba: {  	s23 =	simm.s32 $0xD00  }
0x4bb: {  	[spmem:s2] =	stream.indirect.scatter.add.bf16 [tilespmem:s10], [sflag:$0x2], $0x40, s23, s8, $0xb8;
	[tilespmem:$0x1EE40] =	vst v63  }
0x4bc: {  	s23 =	simm.s32 $0xD80  }
0x4bd: {  	[spmem:s2] =	stream.indirect.scatter.add.bf16 [tilespmem:s11], [sflag:$0x2], $0x40, s23, s8, $0xb8;
	[tilespmem:$0x1EE40] =	vst v63  }
0x4be: {  	s22 =	simm.s32 $0xE00  }
0x4bf: {  	[spmem:s2] =	stream.indirect.scatter.add.bf16 [tilespmem:s12], [sflag:$0x2], $0x40, s22, s8, $0xb8;
	[tilespmem:$0x1EE40] =	vst v63  }
0x4c0: {  	s22 =	simm.s32 $0xE80  }
0x4c1: {  	[spmem:s2] =	stream.indirect.scatter.add.bf16 [tilespmem:s13], [sflag:$0x2], $0x40, s22, s8, $0xb8;
	[tilespmem:$0x1EE40] =	vst v63  }
0x4c2: {  	_ =	swait.ge [sflag:s7], $0x2000  }
0x4c3: {  	[sflag:s7] =	ssyncset.done $0x0  }
0x4c4: {  	[sflag:s7] =	ssyncadd.s32 $0xFFFFE000  }
0x4c5: {  	_ =	swait.ge [sflag:s7], $0x2000  }
0x4c6: {  	[sflag:s7] =	ssyncset.done $0x0  }
0x4c7: {  	[sflag:s7] =	ssyncadd.s32 $0xFFFFE000  }
0x4c8: {  	_ =	swait.ge [sflag:s7], $0x2000  }
0x4c9: {  	[sflag:s7] =	ssyncset.done $0x0  }
0x4ca: {  	[sflag:s7] =	ssyncadd.s32 $0xFFFFE000  }
0x4cb: {  	_ =	swait.ge [sflag:s7], $0x2000  }
0x4cc: {  	[sflag:s7] =	ssyncset.done $0x0  }
0x4cd: {  	[sflag:s7] =	ssyncadd.s32 $0xFFFFE000  }
0x4ce: {  	_ =	swait.ge [sflag:s7], $0x2000  }
0x4cf: {  	[sflag:s7] =	ssyncset.done $0x0  }
0x4d0: {  	s29 =	simm.s32 $0x500;
	[sflag:s7] =	ssyncadd.s32 $0xFFFFE000  }
0x4d1: {  	[tilespmem:s9], [sflag:$0x1] =	stream.indirect.gather [spmem:s4], $0x40, s29, s8, $0xb8;
	[tilespmem:$0x1EE40] =	vst v63  }
0x4d2: {  	s1 =	simm.s32 $0x580  }
0x4d3: {  	[tilespmem:s10], [sflag:$0x1] =	stream.indirect.gather [spmem:s4], $0x40, s1, s8, $0xb8;
	[tilespmem:$0x1EE40] =	vst v63  }
0x4d4: {  	s3 =	simm.s32 $0x600  }
0x4d5: {  	[tilespmem:s11], [sflag:$0x1] =	stream.indirect.gather [spmem:s4], $0x40, s3, s8, $0xb8;
	[tilespmem:$0x1EE40] =	vst v63  }
0x4d6: {  	s6 =	simm.s32 $0x680  }
0x4d7: {  	[tilespmem:s12], [sflag:$0x1] =	stream.indirect.gather [spmem:s4], $0x40, s6, s8, $0xb8;
	[tilespmem:$0x1EE40] =	vst v63  }
0x4d8: {  	s24 =	simm.s32 $0x700  }
0x4d9: {  	[tilespmem:s13], [sflag:$0x1] =	stream.indirect.gather [spmem:s4], $0x40, s24, s8, $0xb8;
	[tilespmem:$0x1EE40] =	vst v63  }
0x4da: {  	_ =	swait.ge [sflag:s14], $0x2000  }
0x4db: {  	[sflag:s14] =	ssyncset.done $0x0  }
0x4dc: {  	[sflag:s14] =	ssyncadd.s32 $0xFFFFE000  }
0x4dd: {  	_ =	swait.ge [sflag:s14], $0x2000  }
0x4de: {  	[sflag:s14] =	ssyncset.done $0x0  }
0x4df: {  	[sflag:s14] =	ssyncadd.s32 $0xFFFFE000  }
0x4e0: {  	_ =	swait.ge [sflag:s14], $0x2000  }
0x4e1: {  	[sflag:s14] =	ssyncset.done $0x0  }
0x4e2: {  	[sflag:s14] =	ssyncadd.s32 $0xFFFFE000  }
0x4e3: {  	_ =	swait.ge [sflag:s14], $0x2000  }
0x4e4: {  	[sflag:s14] =	ssyncset.done $0x0  }
0x4e5: {  	[sflag:s14] =	ssyncadd.s32 $0xFFFFE000  }
0x4e6: {  	_ =	swait.ge [sflag:s14], $0x2000  }
0x4e7: {  	[sflag:s14] =	ssyncset.done $0x0  }
0x4e8: {  	s26 =	simm.s32 $0xF00;
	[sflag:s14] =	ssyncadd.s32 $0xFFFFE000  }
0x4e9: {  	[spmem:s2] =	stream.indirect.scatter.add.bf16 [tilespmem:s9], [sflag:$0x2], $0x40, s26, s8, $0xb8;
	[tilespmem:$0x1EE40] =	vst v63  }
0x4ea: {  	s29 =	simm.s32 $0xF80  }
0x4eb: {  	[spmem:s2] =	stream.indirect.scatter.add.bf16 [tilespmem:s10], [sflag:$0x2], $0x40, s29, s8, $0xb8;
	[tilespmem:$0x1EE40] =	vst v63  }
0x4ec: {  	s25 =	simm.s32 $0x1000  }
0x4ed: {  	[spmem:s2] =	stream.indirect.scatter.add.bf16 [tilespmem:s11], [sflag:$0x2], $0x40, s25, s8, $0xb8;
	[tilespmem:$0x1EE40] =	vst v63  }
0x4ee: {  	s30 =	simm.s32 $0x1080  }
0x4ef: {  	[spmem:s2] =	stream.indirect.scatter.add.bf16 [tilespmem:s12], [sflag:$0x2], $0x40, s30, s8, $0xb8;
	[tilespmem:$0x1EE40] =	vst v63  }
0x4f0: {  	s30 =	simm.s32 $0x1100  }
0x4f1: {  	[spmem:s2] =	stream.indirect.scatter.add.bf16 [tilespmem:s13], [sflag:$0x2], $0x40, s30, s8, $0xb8;
	[tilespmem:$0x1EE40] =	vst v63  }
0x4f2: {  	_ =	swait.ge [sflag:s7], $0x2000  }
0x4f3: {  	[sflag:s7] =	ssyncset.done $0x0  }
0x4f4: {  	[sflag:s7] =	ssyncadd.s32 $0xFFFFE000  }
0x4f5: {  	_ =	swait.ge [sflag:s7], $0x2000  }
0x4f6: {  	[sflag:s7] =	ssyncset.done $0x0  }
0x4f7: {  	[sflag:s7] =	ssyncadd.s32 $0xFFFFE000  }
0x4f8: {  	_ =	swait.ge [sflag:s7], $0x2000  }
0x4f9: {  	[sflag:s7] =	ssyncset.done $0x0  }
0x4fa: {  	[sflag:s7] =	ssyncadd.s32 $0xFFFFE000  }
0x4fb: {  	_ =	swait.ge [sflag:s7], $0x2000  }
0x4fc: {  	[sflag:s7] =	ssyncset.done $0x0  }
0x4fd: {  	[sflag:s7] =	ssyncadd.s32 $0xFFFFE000  }
0x4fe: {  	_ =	swait.ge [sflag:s7], $0x2000  }
0x4ff: {  	[sflag:s7] =	ssyncset.done $0x0  }
0x500: {  	s30 =	simm.s32 $0x780;
	[sflag:s7] =	ssyncadd.s32 $0xFFFFE000  }
0x501: {  	[tilespmem:s9], [sflag:$0x1] =	stream.indirect.gather [spmem:s4], $0x40, s30, s8, $0xb8;
	[tilespmem:$0x1EE40] =	vst v63  }
0x502: {  	s19 =	simm.s32 $0x800  }
0x503: {  	[tilespmem:s10], [sflag:$0x1] =	stream.indirect.gather [spmem:s4], $0x40, s19, s8, $0xb8;
	[tilespmem:$0x1EE40] =	vst v63  }
0x504: {  	s19 =	simm.s32 $0x880  }
0x505: {  	[tilespmem:s11], [sflag:$0x1] =	stream.indirect.gather [spmem:s4], $0x40, s19, s8, $0xb8;
	[tilespmem:$0x1EE40] =	vst v63  }
0x506: {  	s19 =	simm.s32 $0x900  }
0x507: {  	[tilespmem:s12], [sflag:$0x1] =	stream.indirect.gather [spmem:s4], $0x40, s19, s8, $0xb8;
	[tilespmem:$0x1EE40] =	vst v63  }
0x508: {  	s19 =	simm.s32 $0x980  }
0x509: {  	[tilespmem:s13], [sflag:$0x1] =	stream.indirect.gather [spmem:s4], $0x40, s19, s8, $0xb8;
	[tilespmem:$0x1EE40] =	vst v63  }
0x50a: {  	_ =	swait.ge [sflag:s14], $0x2000  }
0x50b: {  	[sflag:s14] =	ssyncset.done $0x0  }
0x50c: {  	[sflag:s14] =	ssyncadd.s32 $0xFFFFE000  }
0x50d: {  	_ =	swait.ge [sflag:s14], $0x2000  }
0x50e: {  	[sflag:s14] =	ssyncset.done $0x0  }
0x50f: {  	[sflag:s14] =	ssyncadd.s32 $0xFFFFE000  }
0x510: {  	_ =	swait.ge [sflag:s14], $0x2000  }
0x511: {  	[sflag:s14] =	ssyncset.done $0x0  }
0x512: {  	[sflag:s14] =	ssyncadd.s32 $0xFFFFE000  }
0x513: {  	_ =	swait.ge [sflag:s14], $0x2000  }
0x514: {  	[sflag:s14] =	ssyncset.done $0x0  }
0x515: {  	[sflag:s14] =	ssyncadd.s32 $0xFFFFE000  }
0x516: {  	_ =	swait.ge [sflag:s14], $0x2000  }
0x517: {  	[sflag:s14] =	ssyncset.done $0x0  }
0x518: {  	s19 =	simm.s32 $0x1180;
	[sflag:s14] =	ssyncadd.s32 $0xFFFFE000  }
0x519: {  	[spmem:s2] =	stream.indirect.scatter.add.bf16 [tilespmem:s9], [sflag:$0x2], $0x40, s19, s8, $0xb8;
	[tilespmem:$0x1EE40] =	vst v63  }
0x51a: {  	s19 =	simm.s32 $0x1200  }
0x51b: {  	[spmem:s2] =	stream.indirect.scatter.add.bf16 [tilespmem:s10], [sflag:$0x2], $0x40, s19, s8, $0xb8;
	[tilespmem:$0x1EE40] =	vst v63  }
0x51c: {  	s19 =	simm.s32 $0x1280  }
0x51d: {  	[spmem:s2] =	stream.indirect.scatter.add.bf16 [tilespmem:s11], [sflag:$0x2], $0x40, s19, s8, $0xb8;
	[tilespmem:$0x1EE40] =	vst v63  }
0x51e: {  	s19 =	simm.s32 $0x1300  }
0x51f: {  	[spmem:s2] =	stream.indirect.scatter.add.bf16 [tilespmem:s12], [sflag:$0x2], $0x40, s19, s8, $0xb8;
	[tilespmem:$0x1EE40] =	vst v63  }
0x520: {  	s19 =	simm.s32 $0x1380  }
0x521: {  	[spmem:s2] =	stream.indirect.scatter.add.bf16 [tilespmem:s13], [sflag:$0x2], $0x40, s19, s8, $0xb8;
	[tilespmem:$0x1EE40] =	vst v63  }
0x522: {  	_ =	swait.ge [sflag:s7], $0x2000  }
0x523: {  	[sflag:s7] =	ssyncset.done $0x0  }
0x524: {  	[sflag:s7] =	ssyncadd.s32 $0xFFFFE000  }
0x525: {  	_ =	swait.ge [sflag:s7], $0x2000  }
0x526: {  	[sflag:s7] =	ssyncset.done $0x0  }
0x527: {  	[sflag:s7] =	ssyncadd.s32 $0xFFFFE000  }
0x528: {  	_ =	swait.ge [sflag:s7], $0x2000  }
0x529: {  	[sflag:s7] =	ssyncset.done $0x0  }
0x52a: {  	[sflag:s7] =	ssyncadd.s32 $0xFFFFE000  }
0x52b: {  	_ =	swait.ge [sflag:s7], $0x2000  }
0x52c: {  	[sflag:s7] =	ssyncset.done $0x0  }
0x52d: {  	[sflag:s7] =	ssyncadd.s32 $0xFFFFE000  }
0x52e: {  	_ =	swait.ge [sflag:s7], $0x2000  }
0x52f: {  	[sflag:s7] =	ssyncset.done $0x0  }
0x530: {  	s19 =	rddreg [dreg:$0xa];
	[sflag:s7] =	ssyncadd.s32 $0xFFFFE000  }
0x531: {  	[tilespmem:s0], [sflag:$0x3] =	stream.linear.gather [hbm4b:s19+s0], $0xA00, $0x38;
	[tilespmem:$0x1EE40] =	vst v63  }
0x532: {  	_ =	swait.ge [sflag:s5], $0xA00  }
0x533: {  	[sflag:s5] =	ssyncset.done $0x0  }
0x534: {  	s19 =	rddreg [dreg:$0xb];
	[sflag:s5] =	ssyncadd.s32 $0xFFFFF600  }
0x535: {  	[tilespmem:s20], [sflag:$0x3] =	stream.linear.gather [hbm4b:s19+s0], $0xA00, $0x38;
	[tilespmem:$0x1EE40] =	vst v63  }
0x536: {  	_ =	swait.ge [sflag:s5], $0xA00  }
0x537: {  	[sflag:s5] =	ssyncset.done $0x0  }
0x538: {  	[sflag:s5] =	ssyncadd.s32 $0xFFFFF600  }
0x539: {  	[tilespmem:s9], [sflag:$0x1] =	stream.indirect.gather [spmem:s4], $0x40, s0, s8, $0xb8;
	[tilespmem:$0x1EE40] =	vst v63  }
0x53a: {  	_ = 	snop  }
0x53b: {  	[tilespmem:s10], [sflag:$0x1] =	stream.indirect.gather [spmem:s4], $0x40, s8, s8, $0xb8;
	[tilespmem:$0x1EE40] =	vst v63  }
0x53c: {  	s19 =	simm.s32 $0x100  }
0x53d: {  	[tilespmem:s11], [sflag:$0x1] =	stream.indirect.gather [spmem:s4], $0x40, s19, s8, $0xb8;
	[tilespmem:$0x1EE40] =	vst v63  }
0x53e: {  	s19 =	simm.s32 $0x180  }
0x53f: {  	[tilespmem:s12], [sflag:$0x1] =	stream.indirect.gather [spmem:s4], $0x40, s19, s8, $0xb8;
	[tilespmem:$0x1EE40] =	vst v63  }
0x540: {  	s19 =	simm.s32 $0x200  }
0x541: {  	[tilespmem:s13], [sflag:$0x1] =	stream.indirect.gather [spmem:s4], $0x40, s19, s8, $0xb8;
	[tilespmem:$0x1EE40] =	vst v63  }
0x542: {  	_ =	swait.ge [sflag:s14], $0x2000  }
0x543: {  	[sflag:s14] =	ssyncset.done $0x0  }
0x544: {  	[sflag:s14] =	ssyncadd.s32 $0xFFFFE000  }
0x545: {  	_ =	swait.ge [sflag:s14], $0x2000  }
0x546: {  	[sflag:s14] =	ssyncset.done $0x0  }
0x547: {  	[sflag:s14] =	ssyncadd.s32 $0xFFFFE000  }
0x548: {  	_ =	swait.ge [sflag:s14], $0x2000  }
0x549: {  	[sflag:s14] =	ssyncset.done $0x0  }
0x54a: {  	[sflag:s14] =	ssyncadd.s32 $0xFFFFE000  }
0x54b: {  	_ =	swait.ge [sflag:s14], $0x2000  }
0x54c: {  	[sflag:s14] =	ssyncset.done $0x0  }
0x54d: {  	[sflag:s14] =	ssyncadd.s32 $0xFFFFE000  }
0x54e: {  	_ =	swait.ge [sflag:s14], $0x2000  }
0x54f: {  	[sflag:s14] =	ssyncset.done $0x0  }
0x550: {  	[sflag:s14] =	ssyncadd.s32 $0xFFFFE000  }
0x551: {  	[spmem:s2] =	stream.indirect.scatter.add.bf16 [tilespmem:s9], [sflag:$0x2], $0x40, s20, s8, $0xb8;
	[tilespmem:$0x1EE40] =	vst v63  }
0x552: {  	s19 =	simm.s32 $0xA80  }
0x553: {  	[spmem:s2] =	stream.indirect.scatter.add.bf16 [tilespmem:s10], [sflag:$0x2], $0x40, s19, s8, $0xb8;
	[tilespmem:$0x1EE40] =	vst v63  }
0x554: {  	s19 =	simm.s32 $0xB00  }
0x555: {  	[spmem:s2] =	stream.indirect.scatter.add.bf16 [tilespmem:s11], [sflag:$0x2], $0x40, s19, s8, $0xb8;
	[tilespmem:$0x1EE40] =	vst v63  }
0x556: {  	s19 =	simm.s32 $0xB80  }
0x557: {  	[spmem:s2] =	stream.indirect.scatter.add.bf16 [tilespmem:s12], [sflag:$0x2], $0x40, s19, s8, $0xb8;
	[tilespmem:$0x1EE40] =	vst v63  }
0x558: {  	_ = 	snop  }
0x559: {  	[spmem:s2] =	stream.indirect.scatter.add.bf16 [tilespmem:s13], [sflag:$0x2], $0x40, s31, s8, $0xb8;
	[tilespmem:$0x1EE40] =	vst v63  }
0x55a: {  	_ =	swait.ge [sflag:s7], $0x2000  }
0x55b: {  	[sflag:s7] =	ssyncset.done $0x0  }
0x55c: {  	[sflag:s7] =	ssyncadd.s32 $0xFFFFE000  }
0x55d: {  	_ =	swait.ge [sflag:s7], $0x2000  }
0x55e: {  	[sflag:s7] =	ssyncset.done $0x0  }
0x55f: {  	[sflag:s7] =	ssyncadd.s32 $0xFFFFE000  }
0x560: {  	_ =	swait.ge [sflag:s7], $0x2000  }
0x561: {  	[sflag:s7] =	ssyncset.done $0x0  }
0x562: {  	[sflag:s7] =	ssyncadd.s32 $0xFFFFE000  }
0x563: {  	_ =	swait.ge [sflag:s7], $0x2000  }
0x564: {  	[sflag:s7] =	ssyncset.done $0x0  }
0x565: {  	[sflag:s7] =	ssyncadd.s32 $0xFFFFE000  }
0x566: {  	_ =	swait.ge [sflag:s7], $0x2000  }
0x567: {  	[sflag:s7] =	ssyncset.done $0x0  }
0x568: {  	s19 =	simm.s32 $0x280;
	[sflag:s7] =	ssyncadd.s32 $0xFFFFE000  }
0x569: {  	[tilespmem:s9], [sflag:$0x1] =	stream.indirect.gather [spmem:s4], $0x40, s19, s8, $0xb8;
	[tilespmem:$0x1EE40] =	vst v63  }
0x56a: {  	_ = 	snop  }
0x56b: {  	[tilespmem:s10], [sflag:$0x1] =	stream.indirect.gather [spmem:s4], $0x40, s15, s8, $0xb8;
	[tilespmem:$0x1EE40] =	vst v63  }
0x56c: {  	s19 =	simm.s32 $0x380  }
0x56d: {  	[tilespmem:s11], [sflag:$0x1] =	stream.indirect.gather [spmem:s4], $0x40, s19, s8, $0xb8;
	[tilespmem:$0x1EE40] =	vst v63  }
0x56e: {  	_ = 	snop  }
0x56f: {  	[tilespmem:s12], [sflag:$0x1] =	stream.indirect.gather [spmem:s4], $0x40, s16, s8, $0xb8;
	[tilespmem:$0x1EE40] =	vst v63  }
0x570: {  	_ = 	snop  }
0x571: {  	[tilespmem:s13], [sflag:$0x1] =	stream.indirect.gather [spmem:s4], $0x40, s28, s8, $0xb8;
	[tilespmem:$0x1EE40] =	vst v63  }
0x572: {  	_ =	swait.ge [sflag:s14], $0x2000  }
0x573: {  	[sflag:s14] =	ssyncset.done $0x0  }
0x574: {  	[sflag:s14] =	ssyncadd.s32 $0xFFFFE000  }
0x575: {  	_ =	swait.ge [sflag:s14], $0x2000  }
0x576: {  	[sflag:s14] =	ssyncset.done $0x0  }
0x577: {  	[sflag:s14] =	ssyncadd.s32 $0xFFFFE000  }
0x578: {  	_ =	swait.ge [sflag:s14], $0x2000  }
0x579: {  	[sflag:s14] =	ssyncset.done $0x0  }
0x57a: {  	[sflag:s14] =	ssyncadd.s32 $0xFFFFE000  }
0x57b: {  	_ =	swait.ge [sflag:s14], $0x2000  }
0x57c: {  	[sflag:s14] =	ssyncset.done $0x0  }
0x57d: {  	[sflag:s14] =	ssyncadd.s32 $0xFFFFE000  }
0x57e: {  	_ =	swait.ge [sflag:s14], $0x2000  }
0x57f: {  	[sflag:s14] =	ssyncset.done $0x0  }
0x580: {  	s28 =	simm.s32 $0xC80;
	[sflag:s14] =	ssyncadd.s32 $0xFFFFE000  }
0x581: {  	[spmem:s2] =	stream.indirect.scatter.add.bf16 [tilespmem:s9], [sflag:$0x2], $0x40, s28, s8, $0xb8;
	[tilespmem:$0x1EE40] =	vst v63  }
0x582: {  	s28 =	simm.s32 $0xD00  }
0x583: {  	[spmem:s2] =	stream.indirect.scatter.add.bf16 [tilespmem:s10], [sflag:$0x2], $0x40, s28, s8, $0xb8;
	[tilespmem:$0x1EE40] =	vst v63  }
0x584: {  	_ = 	snop  }
0x585: {  	[spmem:s2] =	stream.indirect.scatter.add.bf16 [tilespmem:s11], [sflag:$0x2], $0x40, s23, s8, $0xb8;
	[tilespmem:$0x1EE40] =	vst v63  }
0x586: {  	s23 =	simm.s32 $0xE00  }
0x587: {  	[spmem:s2] =	stream.indirect.scatter.add.bf16 [tilespmem:s12], [sflag:$0x2], $0x40, s23, s8, $0xb8;
	[tilespmem:$0x1EE40] =	vst v63  }
0x588: {  	_ = 	snop  }
0x589: {  	[spmem:s2] =	stream.indirect.scatter.add.bf16 [tilespmem:s13], [sflag:$0x2], $0x40, s22, s8, $0xb8;
	[tilespmem:$0x1EE40] =	vst v63  }
0x58a: {  	_ =	swait.ge [sflag:s7], $0x2000  }
0x58b: {  	[sflag:s7] =	ssyncset.done $0x0  }
0x58c: {  	[sflag:s7] =	ssyncadd.s32 $0xFFFFE000  }
0x58d: {  	_ =	swait.ge [sflag:s7], $0x2000  }
0x58e: {  	[sflag:s7] =	ssyncset.done $0x0  }
0x58f: {  	[sflag:s7] =	ssyncadd.s32 $0xFFFFE000  }
0x590: {  	_ =	swait.ge [sflag:s7], $0x2000  }
0x591: {  	[sflag:s7] =	ssyncset.done $0x0  }
0x592: {  	[sflag:s7] =	ssyncadd.s32 $0xFFFFE000  }
0x593: {  	_ =	swait.ge [sflag:s7], $0x2000  }
0x594: {  	[sflag:s7] =	ssyncset.done $0x0  }
0x595: {  	[sflag:s7] =	ssyncadd.s32 $0xFFFFE000  }
0x596: {  	_ =	swait.ge [sflag:s7], $0x2000  }
0x597: {  	[sflag:s7] =	ssyncset.done $0x0  }
0x598: {  	s23 =	simm.s32 $0x500;
	[sflag:s7] =	ssyncadd.s32 $0xFFFFE000  }
0x599: {  	[tilespmem:s9], [sflag:$0x1] =	stream.indirect.gather [spmem:s4], $0x40, s23, s8, $0xb8;
	[tilespmem:$0x1EE40] =	vst v63  }
0x59a: {  	_ = 	snop  }
0x59b: {  	[tilespmem:s10], [sflag:$0x1] =	stream.indirect.gather [spmem:s4], $0x40, s1, s8, $0xb8;
	[tilespmem:$0x1EE40] =	vst v63  }
0x59c: {  	_ = 	snop  }
0x59d: {  	[tilespmem:s11], [sflag:$0x1] =	stream.indirect.gather [spmem:s4], $0x40, s3, s8, $0xb8;
	[tilespmem:$0x1EE40] =	vst v63  }
0x59e: {  	_ = 	snop  }
0x59f: {  	[tilespmem:s12], [sflag:$0x1] =	stream.indirect.gather [spmem:s4], $0x40, s6, s8, $0xb8;
	[tilespmem:$0x1EE40] =	vst v63  }
0x5a0: {  	_ = 	snop  }
0x5a1: {  	[tilespmem:s13], [sflag:$0x1] =	stream.indirect.gather [spmem:s4], $0x40, s24, s8, $0xb8;
	[tilespmem:$0x1EE40] =	vst v63  }
0x5a2: {  	_ =	swait.ge [sflag:s14], $0x2000  }
0x5a3: {  	[sflag:s14] =	ssyncset.done $0x0  }
0x5a4: {  	[sflag:s14] =	ssyncadd.s32 $0xFFFFE000  }
0x5a5: {  	_ =	swait.ge [sflag:s14], $0x2000  }
0x5a6: {  	[sflag:s14] =	ssyncset.done $0x0  }
0x5a7: {  	[sflag:s14] =	ssyncadd.s32 $0xFFFFE000  }
0x5a8: {  	_ =	swait.ge [sflag:s14], $0x2000  }
0x5a9: {  	[sflag:s14] =	ssyncset.done $0x0  }
0x5aa: {  	[sflag:s14] =	ssyncadd.s32 $0xFFFFE000  }
0x5ab: {  	_ =	swait.ge [sflag:s14], $0x2000  }
0x5ac: {  	[sflag:s14] =	ssyncset.done $0x0  }
0x5ad: {  	[sflag:s14] =	ssyncadd.s32 $0xFFFFE000  }
0x5ae: {  	_ =	swait.ge [sflag:s14], $0x2000  }
0x5af: {  	[sflag:s14] =	ssyncset.done $0x0  }
0x5b0: {  	[sflag:s14] =	ssyncadd.s32 $0xFFFFE000  }
0x5b1: {  	[spmem:s2] =	stream.indirect.scatter.add.bf16 [tilespmem:s9], [sflag:$0x2], $0x40, s26, s8, $0xb8;
	[tilespmem:$0x1EE40] =	vst v63  }
0x5b2: {  	_ = 	snop  }
0x5b3: {  	[spmem:s2] =	stream.indirect.scatter.add.bf16 [tilespmem:s10], [sflag:$0x2], $0x40, s29, s8, $0xb8;
	[tilespmem:$0x1EE40] =	vst v63  }
0x5b4: {  	_ = 	snop  }
0x5b5: {  	[spmem:s2] =	stream.indirect.scatter.add.bf16 [tilespmem:s11], [sflag:$0x2], $0x40, s25, s8, $0xb8;
	[tilespmem:$0x1EE40] =	vst v63  }
0x5b6: {  	s19 =	simm.s32 $0x1080  }
0x5b7: {  	[spmem:s2] =	stream.indirect.scatter.add.bf16 [tilespmem:s12], [sflag:$0x2], $0x40, s19, s8, $0xb8;
	[tilespmem:$0x1EE40] =	vst v63  }
0x5b8: {  	s19 =	simm.s32 $0x1100  }
0x5b9: {  	[spmem:s2] =	stream.indirect.scatter.add.bf16 [tilespmem:s13], [sflag:$0x2], $0x40, s19, s8, $0xb8;
	[tilespmem:$0x1EE40] =	vst v63  }
0x5ba: {  	_ =	swait.ge [sflag:s7], $0x2000  }
0x5bb: {  	[sflag:s7] =	ssyncset.done $0x0  }
0x5bc: {  	[sflag:s7] =	ssyncadd.s32 $0xFFFFE000  }
0x5bd: {  	_ =	swait.ge [sflag:s7], $0x2000  }
0x5be: {  	[sflag:s7] =	ssyncset.done $0x0  }
0x5bf: {  	[sflag:s7] =	ssyncadd.s32 $0xFFFFE000  }
0x5c0: {  	_ =	swait.ge [sflag:s7], $0x2000  }
0x5c1: {  	[sflag:s7] =	ssyncset.done $0x0  }
0x5c2: {  	[sflag:s7] =	ssyncadd.s32 $0xFFFFE000  }
0x5c3: {  	_ =	swait.ge [sflag:s7], $0x2000  }
0x5c4: {  	[sflag:s7] =	ssyncset.done $0x0  }
0x5c5: {  	[sflag:s7] =	ssyncadd.s32 $0xFFFFE000  }
0x5c6: {  	_ =	swait.ge [sflag:s7], $0x2000  }
0x5c7: {  	[sflag:s7] =	ssyncset.done $0x0  }
0x5c8: {  	[sflag:s7] =	ssyncadd.s32 $0xFFFFE000  }
0x5c9: {  	[tilespmem:s9], [sflag:$0x1] =	stream.indirect.gather [spmem:s4], $0x40, s30, s8, $0xb8;
	[tilespmem:$0x1EE40] =	vst v63  }
0x5ca: {  	s19 =	simm.s32 $0x800  }
0x5cb: {  	[tilespmem:s10], [sflag:$0x1] =	stream.indirect.gather [spmem:s4], $0x40, s19, s8, $0xb8;
	[tilespmem:$0x1EE40] =	vst v63  }
0x5cc: {  	s19 =	simm.s32 $0x880  }
0x5cd: {  	[tilespmem:s11], [sflag:$0x1] =	stream.indirect.gather [spmem:s4], $0x40, s19, s8, $0xb8;
	[tilespmem:$0x1EE40] =	vst v63  }
0x5ce: {  	s19 =	simm.s32 $0x900  }
0x5cf: {  	[tilespmem:s12], [sflag:$0x1] =	stream.indirect.gather [spmem:s4], $0x40, s19, s8, $0xb8;
	[tilespmem:$0x1EE40] =	vst v63  }
0x5d0: {  	s19 =	simm.s32 $0x980  }
0x5d1: {  	[tilespmem:s13], [sflag:$0x1] =	stream.indirect.gather [spmem:s4], $0x40, s19, s8, $0xb8;
	[tilespmem:$0x1EE40] =	vst v63  }
0x5d2: {  	_ =	swait.ge [sflag:s14], $0x2000  }
0x5d3: {  	[sflag:s14] =	ssyncset.done $0x0  }
0x5d4: {  	[sflag:s14] =	ssyncadd.s32 $0xFFFFE000  }
0x5d5: {  	_ =	swait.ge [sflag:s14], $0x2000  }
0x5d6: {  	[sflag:s14] =	ssyncset.done $0x0  }
0x5d7: {  	[sflag:s14] =	ssyncadd.s32 $0xFFFFE000  }
0x5d8: {  	_ =	swait.ge [sflag:s14], $0x2000  }
0x5d9: {  	[sflag:s14] =	ssyncset.done $0x0  }
0x5da: {  	[sflag:s14] =	ssyncadd.s32 $0xFFFFE000  }
0x5db: {  	_ =	swait.ge [sflag:s14], $0x2000  }
0x5dc: {  	[sflag:s14] =	ssyncset.done $0x0  }
0x5dd: {  	[sflag:s14] =	ssyncadd.s32 $0xFFFFE000  }
0x5de: {  	_ =	swait.ge [sflag:s14], $0x2000  }
0x5df: {  	[sflag:s14] =	ssyncset.done $0x0  }
0x5e0: {  	s19 =	simm.s32 $0x1180;
	[sflag:s14] =	ssyncadd.s32 $0xFFFFE000  }
0x5e1: {  	[spmem:s2] =	stream.indirect.scatter.add.bf16 [tilespmem:s9], [sflag:$0x2], $0x40, s19, s8, $0xb8;
	[tilespmem:$0x1EE40] =	vst v63  }
0x5e2: {  	s19 =	simm.s32 $0x1200  }
0x5e3: {  	[spmem:s2] =	stream.indirect.scatter.add.bf16 [tilespmem:s10], [sflag:$0x2], $0x40, s19, s8, $0xb8;
	[tilespmem:$0x1EE40] =	vst v63  }
0x5e4: {  	s19 =	simm.s32 $0x1280  }
0x5e5: {  	[spmem:s2] =	stream.indirect.scatter.add.bf16 [tilespmem:s11], [sflag:$0x2], $0x40, s19, s8, $0xb8;
	[tilespmem:$0x1EE40] =	vst v63  }
0x5e6: {  	s19 =	simm.s32 $0x1300  }
0x5e7: {  	[spmem:s2] =	stream.indirect.scatter.add.bf16 [tilespmem:s12], [sflag:$0x2], $0x40, s19, s8, $0xb8;
	[tilespmem:$0x1EE40] =	vst v63  }
0x5e8: {  	s19 =	simm.s32 $0x1380  }
0x5e9: {  	[spmem:s2] =	stream.indirect.scatter.add.bf16 [tilespmem:s13], [sflag:$0x2], $0x40, s19, s8, $0xb8;
	[tilespmem:$0x1EE40] =	vst v63  }
0x5ea: {  	_ =	swait.ge [sflag:s7], $0x2000  }
0x5eb: {  	[sflag:s7] =	ssyncset.done $0x0  }
0x5ec: {  	[sflag:s7] =	ssyncadd.s32 $0xFFFFE000  }
0x5ed: {  	_ =	swait.ge [sflag:s7], $0x2000  }
0x5ee: {  	[sflag:s7] =	ssyncset.done $0x0  }
0x5ef: {  	[sflag:s7] =	ssyncadd.s32 $0xFFFFE000  }
0x5f0: {  	_ =	swait.ge [sflag:s7], $0x2000  }
0x5f1: {  	[sflag:s7] =	ssyncset.done $0x0  }
0x5f2: {  	[sflag:s7] =	ssyncadd.s32 $0xFFFFE000  }
0x5f3: {  	_ =	swait.ge [sflag:s7], $0x2000  }
0x5f4: {  	[sflag:s7] =	ssyncset.done $0x0  }
0x5f5: {  	[sflag:s7] =	ssyncadd.s32 $0xFFFFE000  }
0x5f6: {  	_ =	swait.ge [sflag:s7], $0x2000  }
0x5f7: {  	[sflag:s7] =	ssyncset.done $0x0  }
0x5f8: {  	s1 =	rddreg [dreg:$0xc];
	[sflag:s7] =	ssyncadd.s32 $0xFFFFE000  }
0x5f9: {  	[tilespmem:s0], [sflag:$0x3] =	stream.linear.gather [hbm4b:s1+s0], $0xA00, $0x38;
	[tilespmem:$0x1EE40] =	vst v63  }
0x5fa: {  	_ =	swait.ge [sflag:s5], $0xA00  }
0x5fb: {  	[sflag:s5] =	ssyncset.done $0x0  }
0x5fc: {  	s1 =	rddreg [dreg:$0xd];
	[sflag:s5] =	ssyncadd.s32 $0xFFFFF600  }
0x5fd: {  	[tilespmem:s20], [sflag:$0x3] =	stream.linear.gather [hbm4b:s1+s0], $0xA00, $0x38;
	[tilespmem:$0x1EE40] =	vst v63  }
0x5fe: {  	_ =	swait.ge [sflag:s5], $0xA00  }
0x5ff: {  	[sflag:s5] =	ssyncset.done $0x0  }
0x600: {  	s20 =	simm.s32 $0x0;
	[sflag:s5] =	ssyncadd.s32 $0xFFFFF600  }
0x601: {  	[tilespmem:s9], [sflag:$0x1] =	stream.indirect.gather [spmem:s4], $0x40, s20, s8, $0xb8;
	[tilespmem:$0x1EE40] =	vst v63  }
0x602: {  	_ = 	snop  }
0x603: {  	[tilespmem:s10], [sflag:$0x1] =	stream.indirect.gather [spmem:s4], $0x40, s8, s8, $0xb8;
	[tilespmem:$0x1EE40] =	vst v63  }
0x604: {  	s1 =	simm.s32 $0x100  }
0x605: {  	[tilespmem:s11], [sflag:$0x1] =	stream.indirect.gather [spmem:s4], $0x40, s1, s8, $0xb8;
	[tilespmem:$0x1EE40] =	vst v63  }
0x606: {  	s19 =	simm.s32 $0x180  }
0x607: {  	[tilespmem:s12], [sflag:$0x1] =	stream.indirect.gather [spmem:s4], $0x40, s19, s8, $0xb8;
	[tilespmem:$0x1EE40] =	vst v63  }
0x608: {  	s19 =	simm.s32 $0x200  }
0x609: {  	[tilespmem:s13], [sflag:$0x1] =	stream.indirect.gather [spmem:s4], $0x40, s19, s8, $0xb8;
	[tilespmem:$0x1EE40] =	vst v63  }
0x60a: {  	_ =	swait.ge [sflag:s14], $0x2000  }
0x60b: {  	[sflag:s14] =	ssyncset.done $0x0  }
0x60c: {  	[sflag:s14] =	ssyncadd.s32 $0xFFFFE000  }
0x60d: {  	_ =	swait.ge [sflag:s14], $0x2000  }
0x60e: {  	[sflag:s14] =	ssyncset.done $0x0  }
0x60f: {  	[sflag:s14] =	ssyncadd.s32 $0xFFFFE000  }
0x610: {  	_ =	swait.ge [sflag:s14], $0x2000  }
0x611: {  	[sflag:s14] =	ssyncset.done $0x0  }
0x612: {  	[sflag:s14] =	ssyncadd.s32 $0xFFFFE000  }
0x613: {  	_ =	swait.ge [sflag:s14], $0x2000  }
0x614: {  	[sflag:s14] =	ssyncset.done $0x0  }
0x615: {  	[sflag:s14] =	ssyncadd.s32 $0xFFFFE000  }
0x616: {  	_ =	swait.ge [sflag:s14], $0x2000  }
0x617: {  	[sflag:s14] =	ssyncset.done $0x0  }
0x618: {  	s1 =	simm.s32 $0xA00;
	[sflag:s14] =	ssyncadd.s32 $0xFFFFE000  }
0x619: {  	[spmem:s2] =	stream.indirect.scatter.add.bf16 [tilespmem:s9], [sflag:$0x2], $0x40, s1, s8, $0xb8;
	[tilespmem:$0x1EE40] =	vst v63  }
0x61a: {  	s19 =	simm.s32 $0xA80  }
0x61b: {  	[spmem:s2] =	stream.indirect.scatter.add.bf16 [tilespmem:s10], [sflag:$0x2], $0x40, s19, s8, $0xb8;
	[tilespmem:$0x1EE40] =	vst v63  }
0x61c: {  	s19 =	simm.s32 $0xB00  }
0x61d: {  	[spmem:s2] =	stream.indirect.scatter.add.bf16 [tilespmem:s11], [sflag:$0x2], $0x40, s19, s8, $0xb8;
	[tilespmem:$0x1EE40] =	vst v63  }
0x61e: {  	s19 =	simm.s32 $0xB80  }
0x61f: {  	[spmem:s2] =	stream.indirect.scatter.add.bf16 [tilespmem:s12], [sflag:$0x2], $0x40, s19, s8, $0xb8;
	[tilespmem:$0x1EE40] =	vst v63  }
0x620: {  	s31 =	simm.s32 $0xC00  }
0x621: {  	[spmem:s2] =	stream.indirect.scatter.add.bf16 [tilespmem:s13], [sflag:$0x2], $0x40, s31, s8, $0xb8;
	[tilespmem:$0x1EE40] =	vst v63  }
0x622: {  	_ =	swait.ge [sflag:s7], $0x2000  }
0x623: {  	[sflag:s7] =	ssyncset.done $0x0  }
0x624: {  	[sflag:s7] =	ssyncadd.s32 $0xFFFFE000  }
0x625: {  	_ =	swait.ge [sflag:s7], $0x2000  }
0x626: {  	[sflag:s7] =	ssyncset.done $0x0  }
0x627: {  	[sflag:s7] =	ssyncadd.s32 $0xFFFFE000  }
0x628: {  	_ =	swait.ge [sflag:s7], $0x2000  }
0x629: {  	[sflag:s7] =	ssyncset.done $0x0  }
0x62a: {  	[sflag:s7] =	ssyncadd.s32 $0xFFFFE000  }
0x62b: {  	_ =	swait.ge [sflag:s7], $0x2000  }
0x62c: {  	[sflag:s7] =	ssyncset.done $0x0  }
0x62d: {  	[sflag:s7] =	ssyncadd.s32 $0xFFFFE000  }
0x62e: {  	_ =	swait.ge [sflag:s7], $0x2000  }
0x62f: {  	[sflag:s7] =	ssyncset.done $0x0  }
0x630: {  	s19 =	simm.s32 $0x280;
	[sflag:s7] =	ssyncadd.s32 $0xFFFFE000  }
0x631: {  	[tilespmem:s9], [sflag:$0x1] =	stream.indirect.gather [spmem:s4], $0x40, s19, s8, $0xb8;
	[tilespmem:$0x1EE40] =	vst v63  }
0x632: {  	s15 =	simm.s32 $0x300  }
0x633: {  	[tilespmem:s10], [sflag:$0x1] =	stream.indirect.gather [spmem:s4], $0x40, s15, s8, $0xb8;
	[tilespmem:$0x1EE40] =	vst v63  }
0x634: {  	s15 =	simm.s32 $0x380  }
0x635: {  	[tilespmem:s11], [sflag:$0x1] =	stream.indirect.gather [spmem:s4], $0x40, s15, s8, $0xb8;
	[tilespmem:$0x1EE40] =	vst v63  }
0x636: {  	s16 =	simm.s32 $0x400  }
0x637: {  	[tilespmem:s12], [sflag:$0x1] =	stream.indirect.gather [spmem:s4], $0x40, s16, s8, $0xb8;
	[tilespmem:$0x1EE40] =	vst v63  }
0x638: {  	s19 =	simm.s32 $0x480  }
0x639: {  	[tilespmem:s13], [sflag:$0x1] =	stream.indirect.gather [spmem:s4], $0x40, s19, s8, $0xb8;
	[tilespmem:$0x1EE40] =	vst v63  }
0x63a: {  	_ =	swait.ge [sflag:s14], $0x2000  }
0x63b: {  	[sflag:s14] =	ssyncset.done $0x0  }
0x63c: {  	[sflag:s14] =	ssyncadd.s32 $0xFFFFE000  }
0x63d: {  	_ =	swait.ge [sflag:s14], $0x2000  }
0x63e: {  	[sflag:s14] =	ssyncset.done $0x0  }
0x63f: {  	[sflag:s14] =	ssyncadd.s32 $0xFFFFE000  }
0x640: {  	_ =	swait.ge [sflag:s14], $0x2000  }
0x641: {  	[sflag:s14] =	ssyncset.done $0x0  }
0x642: {  	[sflag:s14] =	ssyncadd.s32 $0xFFFFE000  }
0x643: {  	_ =	swait.ge [sflag:s14], $0x2000  }
0x644: {  	[sflag:s14] =	ssyncset.done $0x0  }
0x645: {  	[sflag:s14] =	ssyncadd.s32 $0xFFFFE000  }
0x646: {  	_ =	swait.ge [sflag:s14], $0x2000  }
0x647: {  	[sflag:s14] =	ssyncset.done $0x0  }
0x648: {  	s15 =	simm.s32 $0xC80;
	[sflag:s14] =	ssyncadd.s32 $0xFFFFE000  }
0x649: {  	[spmem:s2] =	stream.indirect.scatter.add.bf16 [tilespmem:s9], [sflag:$0x2], $0x40, s15, s8, $0xb8;
	[tilespmem:$0x1EE40] =	vst v63  }
0x64a: {  	s16 =	simm.s32 $0xD00  }
0x64b: {  	[spmem:s2] =	stream.indirect.scatter.add.bf16 [tilespmem:s10], [sflag:$0x2], $0x40, s16, s8, $0xb8;
	[tilespmem:$0x1EE40] =	vst v63  }
0x64c: {  	s28 =	simm.s32 $0xD80  }
0x64d: {  	[spmem:s2] =	stream.indirect.scatter.add.bf16 [tilespmem:s11], [sflag:$0x2], $0x40, s28, s8, $0xb8;
	[tilespmem:$0x1EE40] =	vst v63  }
0x64e: {  	s19 =	simm.s32 $0xE00  }
0x64f: {  	[spmem:s2] =	stream.indirect.scatter.add.bf16 [tilespmem:s12], [sflag:$0x2], $0x40, s19, s8, $0xb8;
	[tilespmem:$0x1EE40] =	vst v63  }
0x650: {  	s22 =	simm.s32 $0xE80  }
0x651: {  	[spmem:s2] =	stream.indirect.scatter.add.bf16 [tilespmem:s13], [sflag:$0x2], $0x40, s22, s8, $0xb8;
	[tilespmem:$0x1EE40] =	vst v63  }
0x652: {  	_ =	swait.ge [sflag:s7], $0x2000  }
0x653: {  	[sflag:s7] =	ssyncset.done $0x0  }
0x654: {  	[sflag:s7] =	ssyncadd.s32 $0xFFFFE000  }
0x655: {  	_ =	swait.ge [sflag:s7], $0x2000  }
0x656: {  	[sflag:s7] =	ssyncset.done $0x0  }
0x657: {  	[sflag:s7] =	ssyncadd.s32 $0xFFFFE000  }
0x658: {  	_ =	swait.ge [sflag:s7], $0x2000  }
0x659: {  	[sflag:s7] =	ssyncset.done $0x0  }
0x65a: {  	[sflag:s7] =	ssyncadd.s32 $0xFFFFE000  }
0x65b: {  	_ =	swait.ge [sflag:s7], $0x2000  }
0x65c: {  	[sflag:s7] =	ssyncset.done $0x0  }
0x65d: {  	[sflag:s7] =	ssyncadd.s32 $0xFFFFE000  }
0x65e: {  	_ =	swait.ge [sflag:s7], $0x2000  }
0x65f: {  	[sflag:s7] =	ssyncset.done $0x0  }
0x660: {  	s28 =	simm.s32 $0x500;
	[sflag:s7] =	ssyncadd.s32 $0xFFFFE000  }
0x661: {  	[tilespmem:s9], [sflag:$0x1] =	stream.indirect.gather [spmem:s4], $0x40, s28, s8, $0xb8;
	[tilespmem:$0x1EE40] =	vst v63  }
0x662: {  	s23 =	simm.s32 $0x580  }
0x663: {  	[tilespmem:s10], [sflag:$0x1] =	stream.indirect.gather [spmem:s4], $0x40, s23, s8, $0xb8;
	[tilespmem:$0x1EE40] =	vst v63  }
0x664: {  	s3 =	simm.s32 $0x600  }
0x665: {  	[tilespmem:s11], [sflag:$0x1] =	stream.indirect.gather [spmem:s4], $0x40, s3, s8, $0xb8;
	[tilespmem:$0x1EE40] =	vst v63  }
0x666: {  	s6 =	simm.s32 $0x680  }
0x667: {  	[tilespmem:s12], [sflag:$0x1] =	stream.indirect.gather [spmem:s4], $0x40, s6, s8, $0xb8;
	[tilespmem:$0x1EE40] =	vst v63  }
0x668: {  	s24 =	simm.s32 $0x700  }
0x669: {  	[tilespmem:s13], [sflag:$0x1] =	stream.indirect.gather [spmem:s4], $0x40, s24, s8, $0xb8;
	[tilespmem:$0x1EE40] =	vst v63  }
0x66a: {  	_ =	swait.ge [sflag:s14], $0x2000  }
0x66b: {  	[sflag:s14] =	ssyncset.done $0x0  }
0x66c: {  	[sflag:s14] =	ssyncadd.s32 $0xFFFFE000  }
0x66d: {  	_ =	swait.ge [sflag:s14], $0x2000  }
0x66e: {  	[sflag:s14] =	ssyncset.done $0x0  }
0x66f: {  	[sflag:s14] =	ssyncadd.s32 $0xFFFFE000  }
0x670: {  	_ =	swait.ge [sflag:s14], $0x2000  }
0x671: {  	[sflag:s14] =	ssyncset.done $0x0  }
0x672: {  	[sflag:s14] =	ssyncadd.s32 $0xFFFFE000  }
0x673: {  	_ =	swait.ge [sflag:s14], $0x2000  }
0x674: {  	[sflag:s14] =	ssyncset.done $0x0  }
0x675: {  	[sflag:s14] =	ssyncadd.s32 $0xFFFFE000  }
0x676: {  	_ =	swait.ge [sflag:s14], $0x2000  }
0x677: {  	[sflag:s14] =	ssyncset.done $0x0  }
0x678: {  	s26 =	simm.s32 $0xF00;
	[sflag:s14] =	ssyncadd.s32 $0xFFFFE000  }
0x679: {  	[spmem:s2] =	stream.indirect.scatter.add.bf16 [tilespmem:s9], [sflag:$0x2], $0x40, s26, s8, $0xb8;
	[tilespmem:$0x1EE40] =	vst v63  }
0x67a: {  	s29 =	simm.s32 $0xF80  }
0x67b: {  	[spmem:s2] =	stream.indirect.scatter.add.bf16 [tilespmem:s10], [sflag:$0x2], $0x40, s29, s8, $0xb8;
	[tilespmem:$0x1EE40] =	vst v63  }
0x67c: {  	s25 =	simm.s32 $0x1000  }
0x67d: {  	[spmem:s2] =	stream.indirect.scatter.add.bf16 [tilespmem:s11], [sflag:$0x2], $0x40, s25, s8, $0xb8;
	[tilespmem:$0x1EE40] =	vst v63  }
0x67e: {  	s3 =	simm.s32 $0x1080  }
0x67f: {  	[spmem:s2] =	stream.indirect.scatter.add.bf16 [tilespmem:s12], [sflag:$0x2], $0x40, s3, s8, $0xb8;
	[tilespmem:$0x1EE40] =	vst v63  }
0x680: {  	s6 =	simm.s32 $0x1100  }
0x681: {  	[spmem:s2] =	stream.indirect.scatter.add.bf16 [tilespmem:s13], [sflag:$0x2], $0x40, s6, s8, $0xb8;
	[tilespmem:$0x1EE40] =	vst v63  }
0x682: {  	_ =	swait.ge [sflag:s7], $0x2000  }
0x683: {  	[sflag:s7] =	ssyncset.done $0x0  }
0x684: {  	[sflag:s7] =	ssyncadd.s32 $0xFFFFE000  }
0x685: {  	_ =	swait.ge [sflag:s7], $0x2000  }
0x686: {  	[sflag:s7] =	ssyncset.done $0x0  }
0x687: {  	[sflag:s7] =	ssyncadd.s32 $0xFFFFE000  }
0x688: {  	_ =	swait.ge [sflag:s7], $0x2000  }
0x689: {  	[sflag:s7] =	ssyncset.done $0x0  }
0x68a: {  	[sflag:s7] =	ssyncadd.s32 $0xFFFFE000  }
0x68b: {  	_ =	swait.ge [sflag:s7], $0x2000  }
0x68c: {  	[sflag:s7] =	ssyncset.done $0x0  }
0x68d: {  	[sflag:s7] =	ssyncadd.s32 $0xFFFFE000  }
0x68e: {  	_ =	swait.ge [sflag:s7], $0x2000  }
0x68f: {  	[sflag:s7] =	ssyncset.done $0x0  }
0x690: {  	s30 =	simm.s32 $0x780;
	[sflag:s7] =	ssyncadd.s32 $0xFFFFE000  }
0x691: {  	[tilespmem:s9], [sflag:$0x1] =	stream.indirect.gather [spmem:s4], $0x40, s30, s8, $0xb8;
	[tilespmem:$0x1EE40] =	vst v63  }
0x692: {  	s15 =	simm.s32 $0x800  }
0x693: {  	[tilespmem:s10], [sflag:$0x1] =	stream.indirect.gather [spmem:s4], $0x40, s15, s8, $0xb8;
	[tilespmem:$0x1EE40] =	vst v63  }
0x694: {  	s16 =	simm.s32 $0x880  }
0x695: {  	[tilespmem:s11], [sflag:$0x1] =	stream.indirect.gather [spmem:s4], $0x40, s16, s8, $0xb8;
	[tilespmem:$0x1EE40] =	vst v63  }
0x696: {  	s19 =	simm.s32 $0x900  }
0x697: {  	[tilespmem:s12], [sflag:$0x1] =	stream.indirect.gather [spmem:s4], $0x40, s19, s8, $0xb8;
	[tilespmem:$0x1EE40] =	vst v63  }
0x698: {  	s22 =	simm.s32 $0x980  }
0x699: {  	[tilespmem:s13], [sflag:$0x1] =	stream.indirect.gather [spmem:s4], $0x40, s22, s8, $0xb8;
	[tilespmem:$0x1EE40] =	vst v63  }
0x69a: {  	_ =	swait.ge [sflag:s14], $0x2000  }
0x69b: {  	[sflag:s14] =	ssyncset.done $0x0  }
0x69c: {  	[sflag:s14] =	ssyncadd.s32 $0xFFFFE000  }
0x69d: {  	_ =	swait.ge [sflag:s14], $0x2000  }
0x69e: {  	[sflag:s14] =	ssyncset.done $0x0  }
0x69f: {  	[sflag:s14] =	ssyncadd.s32 $0xFFFFE000  }
0x6a0: {  	_ =	swait.ge [sflag:s14], $0x2000  }
0x6a1: {  	[sflag:s14] =	ssyncset.done $0x0  }
0x6a2: {  	[sflag:s14] =	ssyncadd.s32 $0xFFFFE000  }
0x6a3: {  	_ =	swait.ge [sflag:s14], $0x2000  }
0x6a4: {  	[sflag:s14] =	ssyncset.done $0x0  }
0x6a5: {  	[sflag:s14] =	ssyncadd.s32 $0xFFFFE000  }
0x6a6: {  	_ =	swait.ge [sflag:s14], $0x2000  }
0x6a7: {  	[sflag:s14] =	ssyncset.done $0x0  }
0x6a8: {  	s23 =	simm.s32 $0x1180;
	[sflag:s14] =	ssyncadd.s32 $0xFFFFE000  }
0x6a9: {  	[spmem:s2] =	stream.indirect.scatter.add.bf16 [tilespmem:s9], [sflag:$0x2], $0x40, s23, s8, $0xb8;
	[tilespmem:$0x1EE40] =	vst v63  }
0x6aa: {  	s24 =	simm.s32 $0x1200  }
0x6ab: {  	[spmem:s2] =	stream.indirect.scatter.add.bf16 [tilespmem:s10], [sflag:$0x2], $0x40, s24, s8, $0xb8;
	[tilespmem:$0x1EE40] =	vst v63  }
0x6ac: {  	s25 =	simm.s32 $0x1280  }
0x6ad: {  	[spmem:s2] =	stream.indirect.scatter.add.bf16 [tilespmem:s11], [sflag:$0x2], $0x40, s25, s8, $0xb8;
	[tilespmem:$0x1EE40] =	vst v63  }
0x6ae: {  	s26 =	simm.s32 $0x1300  }
0x6af: {  	[spmem:s2] =	stream.indirect.scatter.add.bf16 [tilespmem:s12], [sflag:$0x2], $0x40, s26, s8, $0xb8;
	[tilespmem:$0x1EE40] =	vst v63  }
0x6b0: {  	s28 =	simm.s32 $0x1380  }
0x6b1: {  	[spmem:s2] =	stream.indirect.scatter.add.bf16 [tilespmem:s13], [sflag:$0x2], $0x40, s28, s8, $0xb8;
	[tilespmem:$0x1EE40] =	vst v63  }
0x6b2: {  	_ =	swait.ge [sflag:s7], $0x2000  }
0x6b3: {  	[sflag:s7] =	ssyncset.done $0x0  }
0x6b4: {  	[sflag:s7] =	ssyncadd.s32 $0xFFFFE000  }
0x6b5: {  	_ =	swait.ge [sflag:s7], $0x2000  }
0x6b6: {  	[sflag:s7] =	ssyncset.done $0x0  }
0x6b7: {  	[sflag:s7] =	ssyncadd.s32 $0xFFFFE000  }
0x6b8: {  	_ =	swait.ge [sflag:s7], $0x2000  }
0x6b9: {  	[sflag:s7] =	ssyncset.done $0x0  }
0x6ba: {  	[sflag:s7] =	ssyncadd.s32 $0xFFFFE000  }
0x6bb: {  	_ =	swait.ge [sflag:s7], $0x2000  }
0x6bc: {  	[sflag:s7] =	ssyncset.done $0x0  }
0x6bd: {  	[sflag:s7] =	ssyncadd.s32 $0xFFFFE000  }
0x6be: {  	_ =	swait.ge [sflag:s7], $0x2000  }
0x6bf: {  	[sflag:s7] =	ssyncset.done $0x0  }
0x6c0: {  	[sflag:s7] =	ssyncadd.s32 $0xFFFFE000  }
0x6c1: {  	p1 =	sne.s32 s18, $0x1;
	[bflag:$0x0] =	sbarrier.arrive $0xFFFF  }
.Ltmp2:
0x6c2: {  	s29 =	rddreg [dreg:$0xe];
	(pc) =	sbr.rel @p1 .LBB2_4-.Ltmp2, $4  }
0x6c3: {  	s30 =	rddreg [dreg:$0x17]  }
0x6c4: {  	[hbm:s29], [sflag:s21] =	dma.local [spmem:s30], $0x13C0  }
0x6c5: {  	s18 =	sadd.s32 $0xFFFFFFFF, s18;
	_ =	swait.ge [sflag:s5], $0x13C0  }
0x6c6: {  	s31 =	smov.u32 s21;
	s19 =	rddreg [dreg:$0x5];
	[sflag:s5] =	ssyncset.done $0x0  }
0x6c7: {  	s0 =	rddreg [dreg:$0x17]  }
0x6c8: {  	s15 =	simm.s32 $0xC80;
	s23 =	simm.s32 $0xD00;
	s24 =	simm.s32 $0xD80  }
0x6c9: {  	s29 =	simm.s32 $0xE00;
	s30 =	simm.s32 $0xE80;
	s22 =	simm.s32 $0x300  }
0x6ca: {  	s25 =	simm.s32 $0x380;
	s6 =	simm.s32 $0x400;
	s3 =	simm.s32 $0x480  }
.LBB2_6:
0x6cb: {  	s18 =	rddreg [dreg:$0xf];
	[sflag:s5] =	ssyncadd.s32 @p0 $0xFFFFEC40  }
0x6cc: {  	[spmem:s18], [sflag:s31] =	dma.local [hbm:s19], $0x1388  }
0x6cd: {  	_ =	swait.ge [sflag:s5], $0x1388  }
0x6ce: {  	[sflag:s5] =	ssyncset.done $0x0  }
0x6cf: {  	[sflag:s5] =	ssyncadd.s32 $0xFFFFEC78  }
0x6d0: {  	[spmem:s0], [sflag:s31] =	dma.local [hbm:s17], $0x278  }
0x6d1: {  	_ =	swait.ge [sflag:s5], $0x278  }
0x6d2: {  	[sflag:s5] =	ssyncset.done $0x0  }
0x6d3: {  	s26 =	rddreg [dreg:$0x10];
	[sflag:s5] =	ssyncadd.s32 $0xFFFFFD88  }
0x6d4: {  	[spmem:s26], [sflag:s31] =	dma.local [hbm:s17], $0x278  }
0x6d5: {  	_ =	swait.ge [sflag:s5], $0x278  }
0x6d6: {  	[sflag:s5] =	ssyncset.done $0x0  }
0x6d7: {  	s28 =	rddreg [dreg:$0x11];
	[sflag:s5] =	ssyncadd.s32 $0xFFFFFD88  }
0x6d8: {  	[spmem:s28], [sflag:s31] =	dma.local [hbm:s17], $0x278  }
0x6d9: {  	_ =	swait.ge [sflag:s5], $0x278  }
0x6da: {  	[sflag:s5] =	ssyncset.done $0x0  }
0x6db: {  	s0 =	rddreg [dreg:$0x12];
	[sflag:s5] =	ssyncadd.s32 $0xFFFFFD88  }
0x6dc: {  	[spmem:s0], [sflag:s31] =	dma.local [hbm:s17], $0x278  }
0x6dd: {  	_ =	swait.ge [sflag:s5], $0x278  }
0x6de: {  	[sflag:s5] =	ssyncset.done $0x0  }
0x6df: {  	s16 =	rddreg [dreg:$0x13];
	[sflag:s5] =	ssyncadd.s32 $0xFFFFFD88  }
0x6e0: {  	[spmem:s16], [sflag:s31] =	dma.local [hbm:s17], $0x278  }
0x6e1: {  	_ =	swait.ge [sflag:s5], $0x278  }
0x6e2: {  	[sflag:s5] =	ssyncset.done $0x0  }
0x6e3: {  	s19 =	rddreg [dreg:$0x14];
	[sflag:s5] =	ssyncadd.s32 $0xFFFFFD88  }
0x6e4: {  	[spmem:s19], [sflag:s31] =	dma.local [hbm:s17], $0x278  }
0x6e5: {  	_ =	swait.ge [sflag:s5], $0x278  }
0x6e6: {  	[sflag:s5] =	ssyncset.done $0x0  }
0x6e7: {  	s21 =	rddreg [dreg:$0x15];
	[sflag:s5] =	ssyncadd.s32 $0xFFFFFD88  }
0x6e8: {  	[spmem:s21], [sflag:s31] =	dma.local [hbm:s17], $0x278  }
0x6e9: {  	_ =	swait.ge [sflag:s5], $0x278  }
0x6ea: {  	[sflag:s5] =	ssyncset.done $0x0  }
0x6eb: {  	s26 =	rddreg [dreg:$0x16];
	[sflag:s5] =	ssyncadd.s32 $0xFFFFFD88  }
0x6ec: {  	[spmem:s26], [sflag:s31] =	dma.local [hbm:s17], $0x278  }
0x6ed: {  	_ =	swait.ge [sflag:s5], $0x278  }
0x6ee: {  	[sflag:s5] =	ssyncset.done $0x0  }
0x6ef: {  	[sflag:s5] =	ssyncadd.s32 $0xFFFFFD88  }
0x6f0: {  	[bflag:$0x0] =	sbarrier.arrive $0xFFFF  }
0x6f1: {  	s28 =	rddreg [dreg:$0x6]  }
0x6f2: {  	[tilespmem:s20], [sflag:$0x3] =	stream.linear.gather [hbm4b:s28+s20], $0xA00, $0x38;
	[tilespmem:$0x1EE40] =	vst v63  }
0x6f3: {  	_ =	swait.ge [sflag:s5], $0xA00  }
0x6f4: {  	[sflag:s5] =	ssyncset.done $0x0  }
0x6f5: {  	s0 =	rddreg [dreg:$0x7];
	[sflag:s5] =	ssyncadd.s32 $0xFFFFF600  }
0x6f6: {  	[tilespmem:s1], [sflag:$0x3] =	stream.linear.gather [hbm4b:s0+s20], $0xA00, $0x38;
	[tilespmem:$0x1EE40] =	vst v63  }
0x6f7: {  	_ =	swait.ge [sflag:s5], $0xA00  }
0x6f8: {  	[sflag:s5] =	ssyncset.done $0x0  }
0x6f9: {  	[sflag:s5] =	ssyncadd.s32 $0xFFFFF600  }
0x6fa: {  	[tilespmem:s9], [sflag:$0x1] =	stream.indirect.gather [spmem:s4], $0x40, s20, s8, $0xb8;
	[tilespmem:$0x1EE40] =	vst v63  }
0x6fb: {  	_ = 	snop  }
0x6fc: {  	[tilespmem:s10], [sflag:$0x1] =	stream.indirect.gather [spmem:s4], $0x40, s8, s8, $0xb8;
	[tilespmem:$0x1EE40] =	vst v63  }
0x6fd: {  	s16 =	simm.s32 $0x100  }
0x6fe: {  	[tilespmem:s11], [sflag:$0x1] =	stream.indirect.gather [spmem:s4], $0x40, s16, s8, $0xb8;
	[tilespmem:$0x1EE40] =	vst v63  }
0x6ff: {  	s17 =	simm.s32 $0x180  }
0x700: {  	[tilespmem:s12], [sflag:$0x1] =	stream.indirect.gather [spmem:s4], $0x40, s17, s8, $0xb8;
	[tilespmem:$0x1EE40] =	vst v63  }
0x701: {  	s18 =	simm.s32 $0x200  }
0x702: {  	[tilespmem:s13], [sflag:$0x1] =	stream.indirect.gather [spmem:s4], $0x40, s18, s8, $0xb8;
	[tilespmem:$0x1EE40] =	vst v63  }
0x703: {  	_ =	swait.ge [sflag:s14], $0x2000  }
0x704: {  	[sflag:s14] =	ssyncset.done $0x0  }
0x705: {  	[sflag:s14] =	ssyncadd.s32 $0xFFFFE000  }
0x706: {  	_ =	swait.ge [sflag:s14], $0x2000  }
0x707: {  	[sflag:s14] =	ssyncset.done $0x0  }
0x708: {  	[sflag:s14] =	ssyncadd.s32 $0xFFFFE000  }
0x709: {  	_ =	swait.ge [sflag:s14], $0x2000  }
0x70a: {  	[sflag:s14] =	ssyncset.done $0x0  }
0x70b: {  	[sflag:s14] =	ssyncadd.s32 $0xFFFFE000  }
0x70c: {  	_ =	swait.ge [sflag:s14], $0x2000  }
0x70d: {  	[sflag:s14] =	ssyncset.done $0x0  }
0x70e: {  	[sflag:s14] =	ssyncadd.s32 $0xFFFFE000  }
0x70f: {  	_ =	swait.ge [sflag:s14], $0x2000  }
0x710: {  	[sflag:s14] =	ssyncset.done $0x0  }
0x711: {  	[sflag:s14] =	ssyncadd.s32 $0xFFFFE000  }
0x712: {  	[spmem:s2] =	stream.indirect.scatter.add.bf16 [tilespmem:s9], [sflag:$0x2], $0x40, s1, s8, $0xb8;
	[tilespmem:$0x1EE40] =	vst v63  }
0x713: {  	s19 =	simm.s32 $0xA80  }
0x714: {  	[spmem:s2] =	stream.indirect.scatter.add.bf16 [tilespmem:s10], [sflag:$0x2], $0x40, s19, s8, $0xb8;
	[tilespmem:$0x1EE40] =	vst v63  }
0x715: {  	s20 =	simm.s32 $0xB00  }
0x716: {  	[spmem:s2] =	stream.indirect.scatter.add.bf16 [tilespmem:s11], [sflag:$0x2], $0x40, s20, s8, $0xb8;
	[tilespmem:$0x1EE40] =	vst v63  }
0x717: {  	s21 =	simm.s32 $0xB80  }
0x718: {  	[spmem:s2] =	stream.indirect.scatter.add.bf16 [tilespmem:s12], [sflag:$0x2], $0x40, s21, s8, $0xb8;
	[tilespmem:$0x1EE40] =	vst v63  }
0x719: {  	s26 =	simm.s32 $0xC00  }
0x71a: {  	[spmem:s2] =	stream.indirect.scatter.add.bf16 [tilespmem:s13], [sflag:$0x2], $0x40, s26, s8, $0xb8;
	[tilespmem:$0x1EE40] =	vst v63  }
0x71b: {  	_ =	swait.ge [sflag:s7], $0x2000  }
0x71c: {  	[sflag:s7] =	ssyncset.done $0x0  }
0x71d: {  	[sflag:s7] =	ssyncadd.s32 $0xFFFFE000  }
0x71e: {  	_ =	swait.ge [sflag:s7], $0x2000  }
0x71f: {  	[sflag:s7] =	ssyncset.done $0x0  }
0x720: {  	[sflag:s7] =	ssyncadd.s32 $0xFFFFE000  }
0x721: {  	_ =	swait.ge [sflag:s7], $0x2000  }
0x722: {  	[sflag:s7] =	ssyncset.done $0x0  }
0x723: {  	[sflag:s7] =	ssyncadd.s32 $0xFFFFE000  }
0x724: {  	_ =	swait.ge [sflag:s7], $0x2000  }
0x725: {  	[sflag:s7] =	ssyncset.done $0x0  }
0x726: {  	[sflag:s7] =	ssyncadd.s32 $0xFFFFE000  }
0x727: {  	_ =	swait.ge [sflag:s7], $0x2000  }
0x728: {  	[sflag:s7] =	ssyncset.done $0x0  }
0x729: {  	s1 =	simm.s32 $0x280;
	[sflag:s7] =	ssyncadd.s32 $0xFFFFE000  }
0x72a: {  	[tilespmem:s9], [sflag:$0x1] =	stream.indirect.gather [spmem:s4], $0x40, s1, s8, $0xb8;
	[tilespmem:$0x1EE40] =	vst v63  }
0x72b: {  	_ = 	snop  }
0x72c: {  	[tilespmem:s10], [sflag:$0x1] =	stream.indirect.gather [spmem:s4], $0x40, s22, s8, $0xb8;
	[tilespmem:$0x1EE40] =	vst v63  }
0x72d: {  	_ = 	snop  }
0x72e: {  	[tilespmem:s11], [sflag:$0x1] =	stream.indirect.gather [spmem:s4], $0x40, s25, s8, $0xb8;
	[tilespmem:$0x1EE40] =	vst v63  }
0x72f: {  	_ = 	snop  }
0x730: {  	[tilespmem:s12], [sflag:$0x1] =	stream.indirect.gather [spmem:s4], $0x40, s6, s8, $0xb8;
	[tilespmem:$0x1EE40] =	vst v63  }
0x731: {  	_ = 	snop  }
0x732: {  	[tilespmem:s13], [sflag:$0x1] =	stream.indirect.gather [spmem:s4], $0x40, s3, s8, $0xb8;
	[tilespmem:$0x1EE40] =	vst v63  }
0x733: {  	_ =	swait.ge [sflag:s14], $0x2000  }
0x734: {  	[sflag:s14] =	ssyncset.done $0x0  }
0x735: {  	[sflag:s14] =	ssyncadd.s32 $0xFFFFE000  }
0x736: {  	_ =	swait.ge [sflag:s14], $0x2000  }
0x737: {  	[sflag:s14] =	ssyncset.done $0x0  }
0x738: {  	[sflag:s14] =	ssyncadd.s32 $0xFFFFE000  }
0x739: {  	_ =	swait.ge [sflag:s14], $0x2000  }
0x73a: {  	[sflag:s14] =	ssyncset.done $0x0  }
0x73b: {  	[sflag:s14] =	ssyncadd.s32 $0xFFFFE000  }
0x73c: {  	_ =	swait.ge [sflag:s14], $0x2000  }
0x73d: {  	[sflag:s14] =	ssyncset.done $0x0  }
0x73e: {  	[sflag:s14] =	ssyncadd.s32 $0xFFFFE000  }
0x73f: {  	_ =	swait.ge [sflag:s14], $0x2000  }
0x740: {  	[sflag:s14] =	ssyncset.done $0x0  }
0x741: {  	[sflag:s14] =	ssyncadd.s32 $0xFFFFE000  }
0x742: {  	[spmem:s2] =	stream.indirect.scatter.add.bf16 [tilespmem:s9], [sflag:$0x2], $0x40, s15, s8, $0xb8;
	[tilespmem:$0x1EE40] =	vst v63  }
0x743: {  	_ = 	snop  }
0x744: {  	[spmem:s2] =	stream.indirect.scatter.add.bf16 [tilespmem:s10], [sflag:$0x2], $0x40, s23, s8, $0xb8;
	[tilespmem:$0x1EE40] =	vst v63  }
0x745: {  	_ = 	snop  }
0x746: {  	[spmem:s2] =	stream.indirect.scatter.add.bf16 [tilespmem:s11], [sflag:$0x2], $0x40, s24, s8, $0xb8;
	[tilespmem:$0x1EE40] =	vst v63  }
0x747: {  	_ = 	snop  }
0x748: {  	[spmem:s2] =	stream.indirect.scatter.add.bf16 [tilespmem:s12], [sflag:$0x2], $0x40, s29, s8, $0xb8;
	[tilespmem:$0x1EE40] =	vst v63  }
0x749: {  	_ = 	snop  }
0x74a: {  	[spmem:s2] =	stream.indirect.scatter.add.bf16 [tilespmem:s13], [sflag:$0x2], $0x40, s30, s8, $0xb8;
	[tilespmem:$0x1EE40] =	vst v63  }
0x74b: {  	_ =	swait.ge [sflag:s7], $0x2000  }
0x74c: {  	[sflag:s7] =	ssyncset.done $0x0  }
0x74d: {  	[sflag:s7] =	ssyncadd.s32 $0xFFFFE000  }
0x74e: {  	_ =	swait.ge [sflag:s7], $0x2000  }
0x74f: {  	[sflag:s7] =	ssyncset.done $0x0  }
0x750: {  	[sflag:s7] =	ssyncadd.s32 $0xFFFFE000  }
0x751: {  	_ =	swait.ge [sflag:s7], $0x2000  }
0x752: {  	[sflag:s7] =	ssyncset.done $0x0  }
0x753: {  	[sflag:s7] =	ssyncadd.s32 $0xFFFFE000  }
0x754: {  	_ =	swait.ge [sflag:s7], $0x2000  }
0x755: {  	[sflag:s7] =	ssyncset.done $0x0  }
0x756: {  	[sflag:s7] =	ssyncadd.s32 $0xFFFFE000  }
0x757: {  	_ =	swait.ge [sflag:s7], $0x2000  }
0x758: {  	[sflag:s7] =	ssyncset.done $0x0  }
0x759: {  	s17 =	simm.s32 $0x500;
	[sflag:s7] =	ssyncadd.s32 $0xFFFFE000  }
0x75a: {  	[tilespmem:s9], [sflag:$0x1] =	stream.indirect.gather [spmem:s4], $0x40, s17, s8, $0xb8;
	[tilespmem:$0x1EE40] =	vst v63  }
0x75b: {  	s18 =	simm.s32 $0x580  }
0x75c: {  	[tilespmem:s10], [sflag:$0x1] =	stream.indirect.gather [spmem:s4], $0x40, s18, s8, $0xb8;
	[tilespmem:$0x1EE40] =	vst v63  }
0x75d: {  	s20 =	simm.s32 $0x600  }
0x75e: {  	[tilespmem:s11], [sflag:$0x1] =	stream.indirect.gather [spmem:s4], $0x40, s20, s8, $0xb8;
	[tilespmem:$0x1EE40] =	vst v63  }
0x75f: {  	s21 =	simm.s32 $0x680  }
0x760: {  	[tilespmem:s12], [sflag:$0x1] =	stream.indirect.gather [spmem:s4], $0x40, s21, s8, $0xb8;
	[tilespmem:$0x1EE40] =	vst v63  }
0x761: {  	s22 =	simm.s32 $0x700  }
0x762: {  	[tilespmem:s13], [sflag:$0x1] =	stream.indirect.gather [spmem:s4], $0x40, s22, s8, $0xb8;
	[tilespmem:$0x1EE40] =	vst v63  }
0x763: {  	_ =	swait.ge [sflag:s14], $0x2000  }
0x764: {  	[sflag:s14] =	ssyncset.done $0x0  }
0x765: {  	[sflag:s14] =	ssyncadd.s32 $0xFFFFE000  }
0x766: {  	_ =	swait.ge [sflag:s14], $0x2000  }
0x767: {  	[sflag:s14] =	ssyncset.done $0x0  }
0x768: {  	[sflag:s14] =	ssyncadd.s32 $0xFFFFE000  }
0x769: {  	_ =	swait.ge [sflag:s14], $0x2000  }
0x76a: {  	[sflag:s14] =	ssyncset.done $0x0  }
0x76b: {  	[sflag:s14] =	ssyncadd.s32 $0xFFFFE000  }
0x76c: {  	_ =	swait.ge [sflag:s14], $0x2000  }
0x76d: {  	[sflag:s14] =	ssyncset.done $0x0  }
0x76e: {  	[sflag:s14] =	ssyncadd.s32 $0xFFFFE000  }
0x76f: {  	_ =	swait.ge [sflag:s14], $0x2000  }
0x770: {  	[sflag:s14] =	ssyncset.done $0x0  }
0x771: {  	s23 =	simm.s32 $0xF00;
	[sflag:s14] =	ssyncadd.s32 $0xFFFFE000  }
0x772: {  	[spmem:s2] =	stream.indirect.scatter.add.bf16 [tilespmem:s9], [sflag:$0x2], $0x40, s23, s8, $0xb8;
	[tilespmem:$0x1EE40] =	vst v63  }
0x773: {  	s25 =	simm.s32 $0xF80  }
0x774: {  	[spmem:s2] =	stream.indirect.scatter.add.bf16 [tilespmem:s10], [sflag:$0x2], $0x40, s25, s8, $0xb8;
	[tilespmem:$0x1EE40] =	vst v63  }
0x775: {  	s26 =	simm.s32 $0x1000  }
0x776: {  	[spmem:s2] =	stream.indirect.scatter.add.bf16 [tilespmem:s11], [sflag:$0x2], $0x40, s26, s8, $0xb8;
	[tilespmem:$0x1EE40] =	vst v63  }
0x777: {  	s29 =	simm.s32 $0x1080  }
0x778: {  	[spmem:s2] =	stream.indirect.scatter.add.bf16 [tilespmem:s12], [sflag:$0x2], $0x40, s29, s8, $0xb8;
	[tilespmem:$0x1EE40] =	vst v63  }
0x779: {  	s30 =	simm.s32 $0x1100  }
0x77a: {  	[spmem:s2] =	stream.indirect.scatter.add.bf16 [tilespmem:s13], [sflag:$0x2], $0x40, s30, s8, $0xb8;
	[tilespmem:$0x1EE40] =	vst v63  }
0x77b: {  	_ =	swait.ge [sflag:s7], $0x2000  }
0x77c: {  	[sflag:s7] =	ssyncset.done $0x0  }
0x77d: {  	[sflag:s7] =	ssyncadd.s32 $0xFFFFE000  }
0x77e: {  	_ =	swait.ge [sflag:s7], $0x2000  }
0x77f: {  	[sflag:s7] =	ssyncset.done $0x0  }
0x780: {  	[sflag:s7] =	ssyncadd.s32 $0xFFFFE000  }
0x781: {  	_ =	swait.ge [sflag:s7], $0x2000  }
0x782: {  	[sflag:s7] =	ssyncset.done $0x0  }
0x783: {  	[sflag:s7] =	ssyncadd.s32 $0xFFFFE000  }
0x784: {  	_ =	swait.ge [sflag:s7], $0x2000  }
0x785: {  	[sflag:s7] =	ssyncset.done $0x0  }
0x786: {  	[sflag:s7] =	ssyncadd.s32 $0xFFFFE000  }
0x787: {  	_ =	swait.ge [sflag:s7], $0x2000  }
0x788: {  	[sflag:s7] =	ssyncset.done $0x0  }
0x789: {  	s1 =	simm.s32 $0x780;
	[sflag:s7] =	ssyncadd.s32 $0xFFFFE000  }
0x78a: {  	[tilespmem:s9], [sflag:$0x1] =	stream.indirect.gather [spmem:s4], $0x40, s1, s8, $0xb8;
	[tilespmem:$0x1EE40] =	vst v63  }
0x78b: {  	s3 =	simm.s32 $0x800  }
0x78c: {  	[tilespmem:s10], [sflag:$0x1] =	stream.indirect.gather [spmem:s4], $0x40, s3, s8, $0xb8;
	[tilespmem:$0x1EE40] =	vst v63  }
0x78d: {  	s6 =	simm.s32 $0x880  }
0x78e: {  	[tilespmem:s11], [sflag:$0x1] =	stream.indirect.gather [spmem:s4], $0x40, s6, s8, $0xb8;
	[tilespmem:$0x1EE40] =	vst v63  }
0x78f: {  	s17 =	simm.s32 $0x900  }
0x790: {  	[tilespmem:s12], [sflag:$0x1] =	stream.indirect.gather [spmem:s4], $0x40, s17, s8, $0xb8;
	[tilespmem:$0x1EE40] =	vst v63  }
0x791: {  	s21 =	simm.s32 $0x980  }
0x792: {  	[tilespmem:s13], [sflag:$0x1] =	stream.indirect.gather [spmem:s4], $0x40, s21, s8, $0xb8;
	[tilespmem:$0x1EE40] =	vst v63  }
0x793: {  	_ =	swait.ge [sflag:s14], $0x2000  }
0x794: {  	[sflag:s14] =	ssyncset.done $0x0  }
0x795: {  	[sflag:s14] =	ssyncadd.s32 $0xFFFFE000  }
0x796: {  	_ =	swait.ge [sflag:s14], $0x2000  }
0x797: {  	[sflag:s14] =	ssyncset.done $0x0  }
0x798: {  	[sflag:s14] =	ssyncadd.s32 $0xFFFFE000  }
0x799: {  	_ =	swait.ge [sflag:s14], $0x2000  }
0x79a: {  	[sflag:s14] =	ssyncset.done $0x0  }
0x79b: {  	[sflag:s14] =	ssyncadd.s32 $0xFFFFE000  }
0x79c: {  	_ =	swait.ge [sflag:s14], $0x2000  }
0x79d: {  	[sflag:s14] =	ssyncset.done $0x0  }
0x79e: {  	[sflag:s14] =	ssyncadd.s32 $0xFFFFE000  }
0x79f: {  	_ =	swait.ge [sflag:s14], $0x2000  }
0x7a0: {  	[sflag:s14] =	ssyncset.done $0x0  }
0x7a1: {  	s1 =	simm.s32 $0x1180;
	[sflag:s14] =	ssyncadd.s32 $0xFFFFE000  }
0x7a2: {  	[spmem:s2] =	stream.indirect.scatter.add.bf16 [tilespmem:s9], [sflag:$0x2], $0x40, s1, s8, $0xb8;
	[tilespmem:$0x1EE40] =	vst v63  }
0x7a3: {  	s3 =	simm.s32 $0x1200  }
0x7a4: {  	[spmem:s2] =	stream.indirect.scatter.add.bf16 [tilespmem:s10], [sflag:$0x2], $0x40, s3, s8, $0xb8;
	[tilespmem:$0x1EE40] =	vst v63  }
0x7a5: {  	s6 =	simm.s32 $0x1280  }
0x7a6: {  	[spmem:s2] =	stream.indirect.scatter.add.bf16 [tilespmem:s11], [sflag:$0x2], $0x40, s6, s8, $0xb8;
	[tilespmem:$0x1EE40] =	vst v63  }
0x7a7: {  	s17 =	simm.s32 $0x1300  }
0x7a8: {  	[spmem:s2] =	stream.indirect.scatter.add.bf16 [tilespmem:s12], [sflag:$0x2], $0x40, s17, s8, $0xb8;
	[tilespmem:$0x1EE40] =	vst v63  }
0x7a9: {  	s21 =	simm.s32 $0x1380  }
0x7aa: {  	[spmem:s2] =	stream.indirect.scatter.add.bf16 [tilespmem:s13], [sflag:$0x2], $0x40, s21, s8, $0xb8;
	[tilespmem:$0x1EE40] =	vst v63  }
0x7ab: {  	_ =	swait.ge [sflag:s7], $0x2000  }
0x7ac: {  	[sflag:s7] =	ssyncset.done $0x0  }
0x7ad: {  	[sflag:s7] =	ssyncadd.s32 $0xFFFFE000  }
0x7ae: {  	_ =	swait.ge [sflag:s7], $0x2000  }
0x7af: {  	[sflag:s7] =	ssyncset.done $0x0  }
0x7b0: {  	[sflag:s7] =	ssyncadd.s32 $0xFFFFE000  }
0x7b1: {  	_ =	swait.ge [sflag:s7], $0x2000  }
0x7b2: {  	[sflag:s7] =	ssyncset.done $0x0  }
0x7b3: {  	[sflag:s7] =	ssyncadd.s32 $0xFFFFE000  }
0x7b4: {  	_ =	swait.ge [sflag:s7], $0x2000  }
0x7b5: {  	[sflag:s7] =	ssyncset.done $0x0  }
0x7b6: {  	[sflag:s7] =	ssyncadd.s32 $0xFFFFE000  }
0x7b7: {  	_ =	swait.ge [sflag:s7], $0x2000  }
0x7b8: {  	[sflag:s7] =	ssyncset.done $0x0  }
0x7b9: {  	s26 =	simm.s32 $0x0;
	s0 =	rddreg [dreg:$0x8];
	[sflag:s7] =	ssyncadd.s32 $0xFFFFE000  }
0x7ba: {  	[tilespmem:s26], [sflag:$0x3] =	stream.linear.gather [hbm4b:s0+s26], $0xA00, $0x38;
	[tilespmem:$0x1EE40] =	vst v63  }
0x7bb: {  	_ =	swait.ge [sflag:s5], $0xA00  }
0x7bc: {  	[sflag:s5] =	ssyncset.done $0x0  }
0x7bd: {  	s20 =	simm.s32 $0xA00;
	s21 =	rddreg [dreg:$0x9];
	[sflag:s5] =	ssyncadd.s32 $0xFFFFF600  }
0x7be: {  	[tilespmem:s20], [sflag:$0x3] =	stream.linear.gather [hbm4b:s21+s26], $0xA00, $0x38;
	[tilespmem:$0x1EE40] =	vst v63  }
0x7bf: {  	_ =	swait.ge [sflag:s5], $0xA00  }
0x7c0: {  	[sflag:s5] =	ssyncset.done $0x0  }
0x7c1: {  	[sflag:s5] =	ssyncadd.s32 $0xFFFFF600  }
0x7c2: {  	[tilespmem:s9], [sflag:$0x1] =	stream.indirect.gather [spmem:s4], $0x40, s26, s8, $0xb8;
	[tilespmem:$0x1EE40] =	vst v63  }
0x7c3: {  	_ = 	snop  }
0x7c4: {  	[tilespmem:s10], [sflag:$0x1] =	stream.indirect.gather [spmem:s4], $0x40, s8, s8, $0xb8;
	[tilespmem:$0x1EE40] =	vst v63  }
0x7c5: {  	s16 =	simm.s32 $0x100  }
0x7c6: {  	[tilespmem:s11], [sflag:$0x1] =	stream.indirect.gather [spmem:s4], $0x40, s16, s8, $0xb8;
	[tilespmem:$0x1EE40] =	vst v63  }
0x7c7: {  	s16 =	simm.s32 $0x180  }
0x7c8: {  	[tilespmem:s12], [sflag:$0x1] =	stream.indirect.gather [spmem:s4], $0x40, s16, s8, $0xb8;
	[tilespmem:$0x1EE40] =	vst v63  }
0x7c9: {  	s21 =	simm.s32 $0x200  }
0x7ca: {  	[tilespmem:s13], [sflag:$0x1] =	stream.indirect.gather [spmem:s4], $0x40, s21, s8, $0xb8;
	[tilespmem:$0x1EE40] =	vst v63  }
0x7cb: {  	_ =	swait.ge [sflag:s14], $0x2000  }
0x7cc: {  	[sflag:s14] =	ssyncset.done $0x0  }
0x7cd: {  	[sflag:s14] =	ssyncadd.s32 $0xFFFFE000  }
0x7ce: {  	_ =	swait.ge [sflag:s14], $0x2000  }
0x7cf: {  	[sflag:s14] =	ssyncset.done $0x0  }
0x7d0: {  	[sflag:s14] =	ssyncadd.s32 $0xFFFFE000  }
0x7d1: {  	_ =	swait.ge [sflag:s14], $0x2000  }
0x7d2: {  	[sflag:s14] =	ssyncset.done $0x0  }
0x7d3: {  	[sflag:s14] =	ssyncadd.s32 $0xFFFFE000  }
0x7d4: {  	_ =	swait.ge [sflag:s14], $0x2000  }
0x7d5: {  	[sflag:s14] =	ssyncset.done $0x0  }
0x7d6: {  	[sflag:s14] =	ssyncadd.s32 $0xFFFFE000  }
0x7d7: {  	_ =	swait.ge [sflag:s14], $0x2000  }
0x7d8: {  	[sflag:s14] =	ssyncset.done $0x0  }
0x7d9: {  	[sflag:s14] =	ssyncadd.s32 $0xFFFFE000  }
0x7da: {  	[spmem:s2] =	stream.indirect.scatter.add.bf16 [tilespmem:s9], [sflag:$0x2], $0x40, s20, s8, $0xb8;
	[tilespmem:$0x1EE40] =	vst v63  }
0x7db: {  	s28 =	simm.s32 $0xA80  }
0x7dc: {  	[spmem:s2] =	stream.indirect.scatter.add.bf16 [tilespmem:s10], [sflag:$0x2], $0x40, s28, s8, $0xb8;
	[tilespmem:$0x1EE40] =	vst v63  }
0x7dd: {  	s0 =	simm.s32 $0xB00  }
0x7de: {  	[spmem:s2] =	stream.indirect.scatter.add.bf16 [tilespmem:s11], [sflag:$0x2], $0x40, s0, s8, $0xb8;
	[tilespmem:$0x1EE40] =	vst v63  }
0x7df: {  	s28 =	simm.s32 $0xB80  }
0x7e0: {  	[spmem:s2] =	stream.indirect.scatter.add.bf16 [tilespmem:s12], [sflag:$0x2], $0x40, s28, s8, $0xb8;
	[tilespmem:$0x1EE40] =	vst v63  }
0x7e1: {  	s19 =	simm.s32 $0xC00  }
0x7e2: {  	[spmem:s2] =	stream.indirect.scatter.add.bf16 [tilespmem:s13], [sflag:$0x2], $0x40, s19, s8, $0xb8;
	[tilespmem:$0x1EE40] =	vst v63  }
0x7e3: {  	_ =	swait.ge [sflag:s7], $0x2000  }
0x7e4: {  	[sflag:s7] =	ssyncset.done $0x0  }
0x7e5: {  	[sflag:s7] =	ssyncadd.s32 $0xFFFFE000  }
0x7e6: {  	_ =	swait.ge [sflag:s7], $0x2000  }
0x7e7: {  	[sflag:s7] =	ssyncset.done $0x0  }
0x7e8: {  	[sflag:s7] =	ssyncadd.s32 $0xFFFFE000  }
0x7e9: {  	_ =	swait.ge [sflag:s7], $0x2000  }
0x7ea: {  	[sflag:s7] =	ssyncset.done $0x0  }
0x7eb: {  	[sflag:s7] =	ssyncadd.s32 $0xFFFFE000  }
0x7ec: {  	_ =	swait.ge [sflag:s7], $0x2000  }
0x7ed: {  	[sflag:s7] =	ssyncset.done $0x0  }
0x7ee: {  	[sflag:s7] =	ssyncadd.s32 $0xFFFFE000  }
0x7ef: {  	_ =	swait.ge [sflag:s7], $0x2000  }
0x7f0: {  	[sflag:s7] =	ssyncset.done $0x0  }
0x7f1: {  	s19 =	simm.s32 $0x280;
	[sflag:s7] =	ssyncadd.s32 $0xFFFFE000  }
0x7f2: {  	[tilespmem:s9], [sflag:$0x1] =	stream.indirect.gather [spmem:s4], $0x40, s19, s8, $0xb8;
	[tilespmem:$0x1EE40] =	vst v63  }
0x7f3: {  	s15 =	simm.s32 $0x300  }
0x7f4: {  	[tilespmem:s10], [sflag:$0x1] =	stream.indirect.gather [spmem:s4], $0x40, s15, s8, $0xb8;
	[tilespmem:$0x1EE40] =	vst v63  }
0x7f5: {  	s29 =	simm.s32 $0x380  }
0x7f6: {  	[tilespmem:s11], [sflag:$0x1] =	stream.indirect.gather [spmem:s4], $0x40, s29, s8, $0xb8;
	[tilespmem:$0x1EE40] =	vst v63  }
0x7f7: {  	s30 =	simm.s32 $0x400  }
0x7f8: {  	[tilespmem:s12], [sflag:$0x1] =	stream.indirect.gather [spmem:s4], $0x40, s30, s8, $0xb8;
	[tilespmem:$0x1EE40] =	vst v63  }
0x7f9: {  	s23 =	simm.s32 $0x480  }
0x7fa: {  	[tilespmem:s13], [sflag:$0x1] =	stream.indirect.gather [spmem:s4], $0x40, s23, s8, $0xb8;
	[tilespmem:$0x1EE40] =	vst v63  }
0x7fb: {  	_ =	swait.ge [sflag:s14], $0x2000  }
0x7fc: {  	[sflag:s14] =	ssyncset.done $0x0  }
0x7fd: {  	[sflag:s14] =	ssyncadd.s32 $0xFFFFE000  }
0x7fe: {  	_ =	swait.ge [sflag:s14], $0x2000  }
0x7ff: {  	[sflag:s14] =	ssyncset.done $0x0  }
0x800: {  	[sflag:s14] =	ssyncadd.s32 $0xFFFFE000  }
0x801: {  	_ =	swait.ge [sflag:s14], $0x2000  }
0x802: {  	[sflag:s14] =	ssyncset.done $0x0  }
0x803: {  	[sflag:s14] =	ssyncadd.s32 $0xFFFFE000  }
0x804: {  	_ =	swait.ge [sflag:s14], $0x2000  }
0x805: {  	[sflag:s14] =	ssyncset.done $0x0  }
0x806: {  	[sflag:s14] =	ssyncadd.s32 $0xFFFFE000  }
0x807: {  	_ =	swait.ge [sflag:s14], $0x2000  }
0x808: {  	[sflag:s14] =	ssyncset.done $0x0  }
0x809: {  	s3 =	simm.s32 $0xC80;
	[sflag:s14] =	ssyncadd.s32 $0xFFFFE000  }
0x80a: {  	[spmem:s2] =	stream.indirect.scatter.add.bf16 [tilespmem:s9], [sflag:$0x2], $0x40, s3, s8, $0xb8;
	[tilespmem:$0x1EE40] =	vst v63  }
0x80b: {  	s6 =	simm.s32 $0xD00  }
0x80c: {  	[spmem:s2] =	stream.indirect.scatter.add.bf16 [tilespmem:s10], [sflag:$0x2], $0x40, s6, s8, $0xb8;
	[tilespmem:$0x1EE40] =	vst v63  }
0x80d: {  	s1 =	simm.s32 $0xD80  }
0x80e: {  	[spmem:s2] =	stream.indirect.scatter.add.bf16 [tilespmem:s11], [sflag:$0x2], $0x40, s1, s8, $0xb8;
	[tilespmem:$0x1EE40] =	vst v63  }
0x80f: {  	s18 =	simm.s32 $0xE00  }
0x810: {  	[spmem:s2] =	stream.indirect.scatter.add.bf16 [tilespmem:s12], [sflag:$0x2], $0x40, s18, s8, $0xb8;
	[tilespmem:$0x1EE40] =	vst v63  }
0x811: {  	s22 =	simm.s32 $0xE80  }
0x812: {  	[spmem:s2] =	stream.indirect.scatter.add.bf16 [tilespmem:s13], [sflag:$0x2], $0x40, s22, s8, $0xb8;
	[tilespmem:$0x1EE40] =	vst v63  }
0x813: {  	_ =	swait.ge [sflag:s7], $0x2000  }
0x814: {  	[sflag:s7] =	ssyncset.done $0x0  }
0x815: {  	[sflag:s7] =	ssyncadd.s32 $0xFFFFE000  }
0x816: {  	_ =	swait.ge [sflag:s7], $0x2000  }
0x817: {  	[sflag:s7] =	ssyncset.done $0x0  }
0x818: {  	[sflag:s7] =	ssyncadd.s32 $0xFFFFE000  }
0x819: {  	_ =	swait.ge [sflag:s7], $0x2000  }
0x81a: {  	[sflag:s7] =	ssyncset.done $0x0  }
0x81b: {  	[sflag:s7] =	ssyncadd.s32 $0xFFFFE000  }
0x81c: {  	_ =	swait.ge [sflag:s7], $0x2000  }
0x81d: {  	[sflag:s7] =	ssyncset.done $0x0  }
0x81e: {  	[sflag:s7] =	ssyncadd.s32 $0xFFFFE000  }
0x81f: {  	_ =	swait.ge [sflag:s7], $0x2000  }
0x820: {  	[sflag:s7] =	ssyncset.done $0x0  }
0x821: {  	s22 =	simm.s32 $0x500;
	[sflag:s7] =	ssyncadd.s32 $0xFFFFE000  }
0x822: {  	[tilespmem:s9], [sflag:$0x1] =	stream.indirect.gather [spmem:s4], $0x40, s22, s8, $0xb8;
	[tilespmem:$0x1EE40] =	vst v63  }
0x823: {  	s23 =	simm.s32 $0x580  }
0x824: {  	[tilespmem:s10], [sflag:$0x1] =	stream.indirect.gather [spmem:s4], $0x40, s23, s8, $0xb8;
	[tilespmem:$0x1EE40] =	vst v63  }
0x825: {  	s23 =	simm.s32 $0x600  }
0x826: {  	[tilespmem:s11], [sflag:$0x1] =	stream.indirect.gather [spmem:s4], $0x40, s23, s8, $0xb8;
	[tilespmem:$0x1EE40] =	vst v63  }
0x827: {  	s29 =	simm.s32 $0x680  }
0x828: {  	[tilespmem:s12], [sflag:$0x1] =	stream.indirect.gather [spmem:s4], $0x40, s29, s8, $0xb8;
	[tilespmem:$0x1EE40] =	vst v63  }
0x829: {  	s24 =	simm.s32 $0x700  }
0x82a: {  	[tilespmem:s13], [sflag:$0x1] =	stream.indirect.gather [spmem:s4], $0x40, s24, s8, $0xb8;
	[tilespmem:$0x1EE40] =	vst v63  }
0x82b: {  	_ =	swait.ge [sflag:s14], $0x2000  }
0x82c: {  	[sflag:s14] =	ssyncset.done $0x0  }
0x82d: {  	[sflag:s14] =	ssyncadd.s32 $0xFFFFE000  }
0x82e: {  	_ =	swait.ge [sflag:s14], $0x2000  }
0x82f: {  	[sflag:s14] =	ssyncset.done $0x0  }
0x830: {  	[sflag:s14] =	ssyncadd.s32 $0xFFFFE000  }
0x831: {  	_ =	swait.ge [sflag:s14], $0x2000  }
0x832: {  	[sflag:s14] =	ssyncset.done $0x0  }
0x833: {  	[sflag:s14] =	ssyncadd.s32 $0xFFFFE000  }
0x834: {  	_ =	swait.ge [sflag:s14], $0x2000  }
0x835: {  	[sflag:s14] =	ssyncset.done $0x0  }
0x836: {  	[sflag:s14] =	ssyncadd.s32 $0xFFFFE000  }
0x837: {  	_ =	swait.ge [sflag:s14], $0x2000  }
0x838: {  	[sflag:s14] =	ssyncset.done $0x0  }
0x839: {  	s18 =	simm.s32 $0xF00;
	[sflag:s14] =	ssyncadd.s32 $0xFFFFE000  }
0x83a: {  	[spmem:s2] =	stream.indirect.scatter.add.bf16 [tilespmem:s9], [sflag:$0x2], $0x40, s18, s8, $0xb8;
	[tilespmem:$0x1EE40] =	vst v63  }
0x83b: {  	s22 =	simm.s32 $0xF80  }
0x83c: {  	[spmem:s2] =	stream.indirect.scatter.add.bf16 [tilespmem:s10], [sflag:$0x2], $0x40, s22, s8, $0xb8;
	[tilespmem:$0x1EE40] =	vst v63  }
0x83d: {  	s25 =	simm.s32 $0x1000  }
0x83e: {  	[spmem:s2] =	stream.indirect.scatter.add.bf16 [tilespmem:s11], [sflag:$0x2], $0x40, s25, s8, $0xb8;
	[tilespmem:$0x1EE40] =	vst v63  }
0x83f: {  	s3 =	simm.s32 $0x1080  }
0x840: {  	[spmem:s2] =	stream.indirect.scatter.add.bf16 [tilespmem:s12], [sflag:$0x2], $0x40, s3, s8, $0xb8;
	[tilespmem:$0x1EE40] =	vst v63  }
0x841: {  	s25 =	simm.s32 $0x1100  }
0x842: {  	[spmem:s2] =	stream.indirect.scatter.add.bf16 [tilespmem:s13], [sflag:$0x2], $0x40, s25, s8, $0xb8;
	[tilespmem:$0x1EE40] =	vst v63  }
0x843: {  	_ =	swait.ge [sflag:s7], $0x2000  }
0x844: {  	[sflag:s7] =	ssyncset.done $0x0  }
0x845: {  	[sflag:s7] =	ssyncadd.s32 $0xFFFFE000  }
0x846: {  	_ =	swait.ge [sflag:s7], $0x2000  }
0x847: {  	[sflag:s7] =	ssyncset.done $0x0  }
0x848: {  	[sflag:s7] =	ssyncadd.s32 $0xFFFFE000  }
0x849: {  	_ =	swait.ge [sflag:s7], $0x2000  }
0x84a: {  	[sflag:s7] =	ssyncset.done $0x0  }
0x84b: {  	[sflag:s7] =	ssyncadd.s32 $0xFFFFE000  }
0x84c: {  	_ =	swait.ge [sflag:s7], $0x2000  }
0x84d: {  	[sflag:s7] =	ssyncset.done $0x0  }
0x84e: {  	[sflag:s7] =	ssyncadd.s32 $0xFFFFE000  }
0x84f: {  	_ =	swait.ge [sflag:s7], $0x2000  }
0x850: {  	[sflag:s7] =	ssyncset.done $0x0  }
0x851: {  	s24 =	simm.s32 $0x780;
	[sflag:s7] =	ssyncadd.s32 $0xFFFFE000  }
0x852: {  	[tilespmem:s9], [sflag:$0x1] =	stream.indirect.gather [spmem:s4], $0x40, s24, s8, $0xb8;
	[tilespmem:$0x1EE40] =	vst v63  }
0x853: {  	s24 =	simm.s32 $0x800  }
0x854: {  	[tilespmem:s10], [sflag:$0x1] =	stream.indirect.gather [spmem:s4], $0x40, s24, s8, $0xb8;
	[tilespmem:$0x1EE40] =	vst v63  }
0x855: {  	s30 =	simm.s32 $0x880  }
0x856: {  	[tilespmem:s11], [sflag:$0x1] =	stream.indirect.gather [spmem:s4], $0x40, s30, s8, $0xb8;
	[tilespmem:$0x1EE40] =	vst v63  }
0x857: {  	s28 =	simm.s32 $0x900  }
0x858: {  	[tilespmem:s12], [sflag:$0x1] =	stream.indirect.gather [spmem:s4], $0x40, s28, s8, $0xb8;
	[tilespmem:$0x1EE40] =	vst v63  }
0x859: {  	s1 =	simm.s32 $0x980  }
0x85a: {  	[tilespmem:s13], [sflag:$0x1] =	stream.indirect.gather [spmem:s4], $0x40, s1, s8, $0xb8;
	[tilespmem:$0x1EE40] =	vst v63  }
0x85b: {  	_ =	swait.ge [sflag:s14], $0x2000  }
0x85c: {  	[sflag:s14] =	ssyncset.done $0x0  }
0x85d: {  	[sflag:s14] =	ssyncadd.s32 $0xFFFFE000  }
0x85e: {  	_ =	swait.ge [sflag:s14], $0x2000  }
0x85f: {  	[sflag:s14] =	ssyncset.done $0x0  }
0x860: {  	[sflag:s14] =	ssyncadd.s32 $0xFFFFE000  }
0x861: {  	_ =	swait.ge [sflag:s14], $0x2000  }
0x862: {  	[sflag:s14] =	ssyncset.done $0x0  }
0x863: {  	[sflag:s14] =	ssyncadd.s32 $0xFFFFE000  }
0x864: {  	_ =	swait.ge [sflag:s14], $0x2000  }
0x865: {  	[sflag:s14] =	ssyncset.done $0x0  }
0x866: {  	[sflag:s14] =	ssyncadd.s32 $0xFFFFE000  }
0x867: {  	_ =	swait.ge [sflag:s14], $0x2000  }
0x868: {  	[sflag:s14] =	ssyncset.done $0x0  }
0x869: {  	s6 =	simm.s32 $0x1180;
	[sflag:s14] =	ssyncadd.s32 $0xFFFFE000  }
0x86a: {  	[spmem:s2] =	stream.indirect.scatter.add.bf16 [tilespmem:s9], [sflag:$0x2], $0x40, s6, s8, $0xb8;
	[tilespmem:$0x1EE40] =	vst v63  }
0x86b: {  	s28 =	simm.s32 $0x1200  }
0x86c: {  	[spmem:s2] =	stream.indirect.scatter.add.bf16 [tilespmem:s10], [sflag:$0x2], $0x40, s28, s8, $0xb8;
	[tilespmem:$0x1EE40] =	vst v63  }
0x86d: {  	s15 =	simm.s32 $0x1280  }
0x86e: {  	[spmem:s2] =	stream.indirect.scatter.add.bf16 [tilespmem:s11], [sflag:$0x2], $0x40, s15, s8, $0xb8;
	[tilespmem:$0x1EE40] =	vst v63  }
0x86f: {  	s1 =	simm.s32 $0x1300  }
0x870: {  	[spmem:s2] =	stream.indirect.scatter.add.bf16 [tilespmem:s12], [sflag:$0x2], $0x40, s1, s8, $0xb8;
	[tilespmem:$0x1EE40] =	vst v63  }
0x871: {  	s17 =	simm.s32 $0x1380  }
0x872: {  	[spmem:s2] =	stream.indirect.scatter.add.bf16 [tilespmem:s13], [sflag:$0x2], $0x40, s17, s8, $0xb8;
	[tilespmem:$0x1EE40] =	vst v63  }
0x873: {  	_ =	swait.ge [sflag:s7], $0x2000  }
0x874: {  	[sflag:s7] =	ssyncset.done $0x0  }
0x875: {  	[sflag:s7] =	ssyncadd.s32 $0xFFFFE000  }
0x876: {  	_ =	swait.ge [sflag:s7], $0x2000  }
0x877: {  	[sflag:s7] =	ssyncset.done $0x0  }
0x878: {  	[sflag:s7] =	ssyncadd.s32 $0xFFFFE000  }
0x879: {  	_ =	swait.ge [sflag:s7], $0x2000  }
0x87a: {  	[sflag:s7] =	ssyncset.done $0x0  }
0x87b: {  	[sflag:s7] =	ssyncadd.s32 $0xFFFFE000  }
0x87c: {  	_ =	swait.ge [sflag:s7], $0x2000  }
0x87d: {  	[sflag:s7] =	ssyncset.done $0x0  }
0x87e: {  	[sflag:s7] =	ssyncadd.s32 $0xFFFFE000  }
0x87f: {  	_ =	swait.ge [sflag:s7], $0x2000  }
0x880: {  	[sflag:s7] =	ssyncset.done $0x0  }
0x881: {  	s6 =	rddreg [dreg:$0xa];
	[sflag:s7] =	ssyncadd.s32 $0xFFFFE000  }
0x882: {  	[tilespmem:s26], [sflag:$0x3] =	stream.linear.gather [hbm4b:s6+s26], $0xA00, $0x38;
	[tilespmem:$0x1EE40] =	vst v63  }
0x883: {  	_ =	swait.ge [sflag:s5], $0xA00  }
0x884: {  	[sflag:s5] =	ssyncset.done $0x0  }
0x885: {  	s15 =	rddreg [dreg:$0xb];
	[sflag:s5] =	ssyncadd.s32 $0xFFFFF600  }
0x886: {  	[tilespmem:s20], [sflag:$0x3] =	stream.linear.gather [hbm4b:s15+s26], $0xA00, $0x38;
	[tilespmem:$0x1EE40] =	vst v63  }
0x887: {  	_ =	swait.ge [sflag:s5], $0xA00  }
0x888: {  	[sflag:s5] =	ssyncset.done $0x0  }
0x889: {  	[sflag:s5] =	ssyncadd.s32 $0xFFFFF600  }
0x88a: {  	[tilespmem:s9], [sflag:$0x1] =	stream.indirect.gather [spmem:s4], $0x40, s26, s8, $0xb8;
	[tilespmem:$0x1EE40] =	vst v63  }
0x88b: {  	_ = 	snop  }
0x88c: {  	[tilespmem:s10], [sflag:$0x1] =	stream.indirect.gather [spmem:s4], $0x40, s8, s8, $0xb8;
	[tilespmem:$0x1EE40] =	vst v63  }
0x88d: {  	s17 =	simm.s32 $0x100  }
0x88e: {  	[tilespmem:s11], [sflag:$0x1] =	stream.indirect.gather [spmem:s4], $0x40, s17, s8, $0xb8;
	[tilespmem:$0x1EE40] =	vst v63  }
0x88f: {  	_ = 	snop  }
0x890: {  	[tilespmem:s12], [sflag:$0x1] =	stream.indirect.gather [spmem:s4], $0x40, s16, s8, $0xb8;
	[tilespmem:$0x1EE40] =	vst v63  }
0x891: {  	_ = 	snop  }
0x892: {  	[tilespmem:s13], [sflag:$0x1] =	stream.indirect.gather [spmem:s4], $0x40, s21, s8, $0xb8;
	[tilespmem:$0x1EE40] =	vst v63  }
0x893: {  	_ =	swait.ge [sflag:s14], $0x2000  }
0x894: {  	[sflag:s14] =	ssyncset.done $0x0  }
0x895: {  	[sflag:s14] =	ssyncadd.s32 $0xFFFFE000  }
0x896: {  	_ =	swait.ge [sflag:s14], $0x2000  }
0x897: {  	[sflag:s14] =	ssyncset.done $0x0  }
0x898: {  	[sflag:s14] =	ssyncadd.s32 $0xFFFFE000  }
0x899: {  	_ =	swait.ge [sflag:s14], $0x2000  }
0x89a: {  	[sflag:s14] =	ssyncset.done $0x0  }
0x89b: {  	[sflag:s14] =	ssyncadd.s32 $0xFFFFE000  }
0x89c: {  	_ =	swait.ge [sflag:s14], $0x2000  }
0x89d: {  	[sflag:s14] =	ssyncset.done $0x0  }
0x89e: {  	[sflag:s14] =	ssyncadd.s32 $0xFFFFE000  }
0x89f: {  	_ =	swait.ge [sflag:s14], $0x2000  }
0x8a0: {  	[sflag:s14] =	ssyncset.done $0x0  }
0x8a1: {  	[sflag:s14] =	ssyncadd.s32 $0xFFFFE000  }
0x8a2: {  	[spmem:s2] =	stream.indirect.scatter.add.bf16 [tilespmem:s9], [sflag:$0x2], $0x40, s20, s8, $0xb8;
	[tilespmem:$0x1EE40] =	vst v63  }
0x8a3: {  	s6 =	simm.s32 $0xA80  }
0x8a4: {  	[spmem:s2] =	stream.indirect.scatter.add.bf16 [tilespmem:s10], [sflag:$0x2], $0x40, s6, s8, $0xb8;
	[tilespmem:$0x1EE40] =	vst v63  }
0x8a5: {  	_ = 	snop  }
0x8a6: {  	[spmem:s2] =	stream.indirect.scatter.add.bf16 [tilespmem:s11], [sflag:$0x2], $0x40, s0, s8, $0xb8;
	[tilespmem:$0x1EE40] =	vst v63  }
0x8a7: {  	s15 =	simm.s32 $0xB80  }
0x8a8: {  	[spmem:s2] =	stream.indirect.scatter.add.bf16 [tilespmem:s12], [sflag:$0x2], $0x40, s15, s8, $0xb8;
	[tilespmem:$0x1EE40] =	vst v63  }
0x8a9: {  	s6 =	simm.s32 $0xC00  }
0x8aa: {  	[spmem:s2] =	stream.indirect.scatter.add.bf16 [tilespmem:s13], [sflag:$0x2], $0x40, s6, s8, $0xb8;
	[tilespmem:$0x1EE40] =	vst v63  }
0x8ab: {  	_ =	swait.ge [sflag:s7], $0x2000  }
0x8ac: {  	[sflag:s7] =	ssyncset.done $0x0  }
0x8ad: {  	[sflag:s7] =	ssyncadd.s32 $0xFFFFE000  }
0x8ae: {  	_ =	swait.ge [sflag:s7], $0x2000  }
0x8af: {  	[sflag:s7] =	ssyncset.done $0x0  }
0x8b0: {  	[sflag:s7] =	ssyncadd.s32 $0xFFFFE000  }
0x8b1: {  	_ =	swait.ge [sflag:s7], $0x2000  }
0x8b2: {  	[sflag:s7] =	ssyncset.done $0x0  }
0x8b3: {  	[sflag:s7] =	ssyncadd.s32 $0xFFFFE000  }
0x8b4: {  	_ =	swait.ge [sflag:s7], $0x2000  }
0x8b5: {  	[sflag:s7] =	ssyncset.done $0x0  }
0x8b6: {  	[sflag:s7] =	ssyncadd.s32 $0xFFFFE000  }
0x8b7: {  	_ =	swait.ge [sflag:s7], $0x2000  }
0x8b8: {  	[sflag:s7] =	ssyncset.done $0x0  }
0x8b9: {  	[sflag:s7] =	ssyncadd.s32 $0xFFFFE000  }
0x8ba: {  	[tilespmem:s9], [sflag:$0x1] =	stream.indirect.gather [spmem:s4], $0x40, s19, s8, $0xb8;
	[tilespmem:$0x1EE40] =	vst v63  }
0x8bb: {  	s17 =	simm.s32 $0x300  }
0x8bc: {  	[tilespmem:s10], [sflag:$0x1] =	stream.indirect.gather [spmem:s4], $0x40, s17, s8, $0xb8;
	[tilespmem:$0x1EE40] =	vst v63  }
0x8bd: {  	s15 =	simm.s32 $0x380  }
0x8be: {  	[tilespmem:s11], [sflag:$0x1] =	stream.indirect.gather [spmem:s4], $0x40, s15, s8, $0xb8;
	[tilespmem:$0x1EE40] =	vst v63  }
0x8bf: {  	s17 =	simm.s32 $0x400  }
0x8c0: {  	[tilespmem:s12], [sflag:$0x1] =	stream.indirect.gather [spmem:s4], $0x40, s17, s8, $0xb8;
	[tilespmem:$0x1EE40] =	vst v63  }
0x8c1: {  	s15 =	simm.s32 $0x480  }
0x8c2: {  	[tilespmem:s13], [sflag:$0x1] =	stream.indirect.gather [spmem:s4], $0x40, s15, s8, $0xb8;
	[tilespmem:$0x1EE40] =	vst v63  }
0x8c3: {  	_ =	swait.ge [sflag:s14], $0x2000  }
0x8c4: {  	[sflag:s14] =	ssyncset.done $0x0  }
0x8c5: {  	[sflag:s14] =	ssyncadd.s32 $0xFFFFE000  }
0x8c6: {  	_ =	swait.ge [sflag:s14], $0x2000  }
0x8c7: {  	[sflag:s14] =	ssyncset.done $0x0  }
0x8c8: {  	[sflag:s14] =	ssyncadd.s32 $0xFFFFE000  }
0x8c9: {  	_ =	swait.ge [sflag:s14], $0x2000  }
0x8ca: {  	[sflag:s14] =	ssyncset.done $0x0  }
0x8cb: {  	[sflag:s14] =	ssyncadd.s32 $0xFFFFE000  }
0x8cc: {  	_ =	swait.ge [sflag:s14], $0x2000  }
0x8cd: {  	[sflag:s14] =	ssyncset.done $0x0  }
0x8ce: {  	[sflag:s14] =	ssyncadd.s32 $0xFFFFE000  }
0x8cf: {  	_ =	swait.ge [sflag:s14], $0x2000  }
0x8d0: {  	[sflag:s14] =	ssyncset.done $0x0  }
0x8d1: {  	s17 =	simm.s32 $0xC80;
	[sflag:s14] =	ssyncadd.s32 $0xFFFFE000  }
0x8d2: {  	[spmem:s2] =	stream.indirect.scatter.add.bf16 [tilespmem:s9], [sflag:$0x2], $0x40, s17, s8, $0xb8;
	[tilespmem:$0x1EE40] =	vst v63  }
0x8d3: {  	s15 =	simm.s32 $0xD00  }
0x8d4: {  	[spmem:s2] =	stream.indirect.scatter.add.bf16 [tilespmem:s10], [sflag:$0x2], $0x40, s15, s8, $0xb8;
	[tilespmem:$0x1EE40] =	vst v63  }
0x8d5: {  	s17 =	simm.s32 $0xD80  }
0x8d6: {  	[spmem:s2] =	stream.indirect.scatter.add.bf16 [tilespmem:s11], [sflag:$0x2], $0x40, s17, s8, $0xb8;
	[tilespmem:$0x1EE40] =	vst v63  }
0x8d7: {  	s15 =	simm.s32 $0xE00  }
0x8d8: {  	[spmem:s2] =	stream.indirect.scatter.add.bf16 [tilespmem:s12], [sflag:$0x2], $0x40, s15, s8, $0xb8;
	[tilespmem:$0x1EE40] =	vst v63  }
0x8d9: {  	s17 =	simm.s32 $0xE80  }
0x8da: {  	[spmem:s2] =	stream.indirect.scatter.add.bf16 [tilespmem:s13], [sflag:$0x2], $0x40, s17, s8, $0xb8;
	[tilespmem:$0x1EE40] =	vst v63  }
0x8db: {  	_ =	swait.ge [sflag:s7], $0x2000  }
0x8dc: {  	[sflag:s7] =	ssyncset.done $0x0  }
0x8dd: {  	[sflag:s7] =	ssyncadd.s32 $0xFFFFE000  }
0x8de: {  	_ =	swait.ge [sflag:s7], $0x2000  }
0x8df: {  	[sflag:s7] =	ssyncset.done $0x0  }
0x8e0: {  	[sflag:s7] =	ssyncadd.s32 $0xFFFFE000  }
0x8e1: {  	_ =	swait.ge [sflag:s7], $0x2000  }
0x8e2: {  	[sflag:s7] =	ssyncset.done $0x0  }
0x8e3: {  	[sflag:s7] =	ssyncadd.s32 $0xFFFFE000  }
0x8e4: {  	_ =	swait.ge [sflag:s7], $0x2000  }
0x8e5: {  	[sflag:s7] =	ssyncset.done $0x0  }
0x8e6: {  	[sflag:s7] =	ssyncadd.s32 $0xFFFFE000  }
0x8e7: {  	_ =	swait.ge [sflag:s7], $0x2000  }
0x8e8: {  	[sflag:s7] =	ssyncset.done $0x0  }
0x8e9: {  	s15 =	simm.s32 $0x500;
	[sflag:s7] =	ssyncadd.s32 $0xFFFFE000  }
0x8ea: {  	[tilespmem:s9], [sflag:$0x1] =	stream.indirect.gather [spmem:s4], $0x40, s15, s8, $0xb8;
	[tilespmem:$0x1EE40] =	vst v63  }
0x8eb: {  	s17 =	simm.s32 $0x580  }
0x8ec: {  	[tilespmem:s10], [sflag:$0x1] =	stream.indirect.gather [spmem:s4], $0x40, s17, s8, $0xb8;
	[tilespmem:$0x1EE40] =	vst v63  }
0x8ed: {  	_ = 	snop  }
0x8ee: {  	[tilespmem:s11], [sflag:$0x1] =	stream.indirect.gather [spmem:s4], $0x40, s23, s8, $0xb8;
	[tilespmem:$0x1EE40] =	vst v63  }
0x8ef: {  	_ = 	snop  }
0x8f0: {  	[tilespmem:s12], [sflag:$0x1] =	stream.indirect.gather [spmem:s4], $0x40, s29, s8, $0xb8;
	[tilespmem:$0x1EE40] =	vst v63  }
0x8f1: {  	s0 =	simm.s32 $0x700  }
0x8f2: {  	[tilespmem:s13], [sflag:$0x1] =	stream.indirect.gather [spmem:s4], $0x40, s0, s8, $0xb8;
	[tilespmem:$0x1EE40] =	vst v63  }
0x8f3: {  	_ =	swait.ge [sflag:s14], $0x2000  }
0x8f4: {  	[sflag:s14] =	ssyncset.done $0x0  }
0x8f5: {  	[sflag:s14] =	ssyncadd.s32 $0xFFFFE000  }
0x8f6: {  	_ =	swait.ge [sflag:s14], $0x2000  }
0x8f7: {  	[sflag:s14] =	ssyncset.done $0x0  }
0x8f8: {  	[sflag:s14] =	ssyncadd.s32 $0xFFFFE000  }
0x8f9: {  	_ =	swait.ge [sflag:s14], $0x2000  }
0x8fa: {  	[sflag:s14] =	ssyncset.done $0x0  }
0x8fb: {  	[sflag:s14] =	ssyncadd.s32 $0xFFFFE000  }
0x8fc: {  	_ =	swait.ge [sflag:s14], $0x2000  }
0x8fd: {  	[sflag:s14] =	ssyncset.done $0x0  }
0x8fe: {  	[sflag:s14] =	ssyncadd.s32 $0xFFFFE000  }
0x8ff: {  	_ =	swait.ge [sflag:s14], $0x2000  }
0x900: {  	[sflag:s14] =	ssyncset.done $0x0  }
0x901: {  	[sflag:s14] =	ssyncadd.s32 $0xFFFFE000  }
0x902: {  	[spmem:s2] =	stream.indirect.scatter.add.bf16 [tilespmem:s9], [sflag:$0x2], $0x40, s18, s8, $0xb8;
	[tilespmem:$0x1EE40] =	vst v63  }
0x903: {  	_ = 	snop  }
0x904: {  	[spmem:s2] =	stream.indirect.scatter.add.bf16 [tilespmem:s10], [sflag:$0x2], $0x40, s22, s8, $0xb8;
	[tilespmem:$0x1EE40] =	vst v63  }
0x905: {  	s22 =	simm.s32 $0x1000  }
0x906: {  	[spmem:s2] =	stream.indirect.scatter.add.bf16 [tilespmem:s11], [sflag:$0x2], $0x40, s22, s8, $0xb8;
	[tilespmem:$0x1EE40] =	vst v63  }
0x907: {  	_ = 	snop  }
0x908: {  	[spmem:s2] =	stream.indirect.scatter.add.bf16 [tilespmem:s12], [sflag:$0x2], $0x40, s3, s8, $0xb8;
	[tilespmem:$0x1EE40] =	vst v63  }
0x909: {  	_ = 	snop  }
0x90a: {  	[spmem:s2] =	stream.indirect.scatter.add.bf16 [tilespmem:s13], [sflag:$0x2], $0x40, s25, s8, $0xb8;
	[tilespmem:$0x1EE40] =	vst v63  }
0x90b: {  	_ =	swait.ge [sflag:s7], $0x2000  }
0x90c: {  	[sflag:s7] =	ssyncset.done $0x0  }
0x90d: {  	[sflag:s7] =	ssyncadd.s32 $0xFFFFE000  }
0x90e: {  	_ =	swait.ge [sflag:s7], $0x2000  }
0x90f: {  	[sflag:s7] =	ssyncset.done $0x0  }
0x910: {  	[sflag:s7] =	ssyncadd.s32 $0xFFFFE000  }
0x911: {  	_ =	swait.ge [sflag:s7], $0x2000  }
0x912: {  	[sflag:s7] =	ssyncset.done $0x0  }
0x913: {  	[sflag:s7] =	ssyncadd.s32 $0xFFFFE000  }
0x914: {  	_ =	swait.ge [sflag:s7], $0x2000  }
0x915: {  	[sflag:s7] =	ssyncset.done $0x0  }
0x916: {  	[sflag:s7] =	ssyncadd.s32 $0xFFFFE000  }
0x917: {  	_ =	swait.ge [sflag:s7], $0x2000  }
0x918: {  	[sflag:s7] =	ssyncset.done $0x0  }
0x919: {  	s15 =	simm.s32 $0x780;
	[sflag:s7] =	ssyncadd.s32 $0xFFFFE000  }
0x91a: {  	[tilespmem:s9], [sflag:$0x1] =	stream.indirect.gather [spmem:s4], $0x40, s15, s8, $0xb8;
	[tilespmem:$0x1EE40] =	vst v63  }
0x91b: {  	_ = 	snop  }
0x91c: {  	[tilespmem:s10], [sflag:$0x1] =	stream.indirect.gather [spmem:s4], $0x40, s24, s8, $0xb8;
	[tilespmem:$0x1EE40] =	vst v63  }
0x91d: {  	_ = 	snop  }
0x91e: {  	[tilespmem:s11], [sflag:$0x1] =	stream.indirect.gather [spmem:s4], $0x40, s30, s8, $0xb8;
	[tilespmem:$0x1EE40] =	vst v63  }
0x91f: {  	s3 =	simm.s32 $0x900  }
0x920: {  	[tilespmem:s12], [sflag:$0x1] =	stream.indirect.gather [spmem:s4], $0x40, s3, s8, $0xb8;
	[tilespmem:$0x1EE40] =	vst v63  }
0x921: {  	s24 =	simm.s32 $0x980  }
0x922: {  	[tilespmem:s13], [sflag:$0x1] =	stream.indirect.gather [spmem:s4], $0x40, s24, s8, $0xb8;
	[tilespmem:$0x1EE40] =	vst v63  }
0x923: {  	_ =	swait.ge [sflag:s14], $0x2000  }
0x924: {  	[sflag:s14] =	ssyncset.done $0x0  }
0x925: {  	[sflag:s14] =	ssyncadd.s32 $0xFFFFE000  }
0x926: {  	_ =	swait.ge [sflag:s14], $0x2000  }
0x927: {  	[sflag:s14] =	ssyncset.done $0x0  }
0x928: {  	[sflag:s14] =	ssyncadd.s32 $0xFFFFE000  }
0x929: {  	_ =	swait.ge [sflag:s14], $0x2000  }
0x92a: {  	[sflag:s14] =	ssyncset.done $0x0  }
0x92b: {  	[sflag:s14] =	ssyncadd.s32 $0xFFFFE000  }
0x92c: {  	_ =	swait.ge [sflag:s14], $0x2000  }
0x92d: {  	[sflag:s14] =	ssyncset.done $0x0  }
0x92e: {  	[sflag:s14] =	ssyncadd.s32 $0xFFFFE000  }
0x92f: {  	_ =	swait.ge [sflag:s14], $0x2000  }
0x930: {  	[sflag:s14] =	ssyncset.done $0x0  }
0x931: {  	s3 =	simm.s32 $0x1180;
	[sflag:s14] =	ssyncadd.s32 $0xFFFFE000  }
0x932: {  	[spmem:s2] =	stream.indirect.scatter.add.bf16 [tilespmem:s9], [sflag:$0x2], $0x40, s3, s8, $0xb8;
	[tilespmem:$0x1EE40] =	vst v63  }
0x933: {  	_ = 	snop  }
0x934: {  	[spmem:s2] =	stream.indirect.scatter.add.bf16 [tilespmem:s10], [sflag:$0x2], $0x40, s28, s8, $0xb8;
	[tilespmem:$0x1EE40] =	vst v63  }
0x935: {  	s28 =	simm.s32 $0x1280  }
0x936: {  	[spmem:s2] =	stream.indirect.scatter.add.bf16 [tilespmem:s11], [sflag:$0x2], $0x40, s28, s8, $0xb8;
	[tilespmem:$0x1EE40] =	vst v63  }
0x937: {  	_ = 	snop  }
0x938: {  	[spmem:s2] =	stream.indirect.scatter.add.bf16 [tilespmem:s12], [sflag:$0x2], $0x40, s1, s8, $0xb8;
	[tilespmem:$0x1EE40] =	vst v63  }
0x939: {  	s17 =	simm.s32 $0x1380  }
0x93a: {  	[spmem:s2] =	stream.indirect.scatter.add.bf16 [tilespmem:s13], [sflag:$0x2], $0x40, s17, s8, $0xb8;
	[tilespmem:$0x1EE40] =	vst v63  }
0x93b: {  	_ =	swait.ge [sflag:s7], $0x2000  }
0x93c: {  	[sflag:s7] =	ssyncset.done $0x0  }
0x93d: {  	[sflag:s7] =	ssyncadd.s32 $0xFFFFE000  }
0x93e: {  	_ =	swait.ge [sflag:s7], $0x2000  }
0x93f: {  	[sflag:s7] =	ssyncset.done $0x0  }
0x940: {  	[sflag:s7] =	ssyncadd.s32 $0xFFFFE000  }
0x941: {  	_ =	swait.ge [sflag:s7], $0x2000  }
0x942: {  	[sflag:s7] =	ssyncset.done $0x0  }
0x943: {  	[sflag:s7] =	ssyncadd.s32 $0xFFFFE000  }
0x944: {  	_ =	swait.ge [sflag:s7], $0x2000  }
0x945: {  	[sflag:s7] =	ssyncset.done $0x0  }
0x946: {  	[sflag:s7] =	ssyncadd.s32 $0xFFFFE000  }
0x947: {  	_ =	swait.ge [sflag:s7], $0x2000  }
0x948: {  	[sflag:s7] =	ssyncset.done $0x0  }
0x949: {  	s17 =	rddreg [dreg:$0xc];
	[sflag:s7] =	ssyncadd.s32 $0xFFFFE000  }
0x94a: {  	[tilespmem:s26], [sflag:$0x3] =	stream.linear.gather [hbm4b:s17+s26], $0xA00, $0x38;
	[tilespmem:$0x1EE40] =	vst v63  }
0x94b: {  	_ =	swait.ge [sflag:s5], $0xA00  }
0x94c: {  	[sflag:s5] =	ssyncset.done $0x0  }
0x94d: {  	s17 =	rddreg [dreg:$0xd];
	[sflag:s5] =	ssyncadd.s32 $0xFFFFF600  }
0x94e: {  	[tilespmem:s20], [sflag:$0x3] =	stream.linear.gather [hbm4b:s17+s26], $0xA00, $0x38;
	[tilespmem:$0x1EE40] =	vst v63  }
0x94f: {  	_ =	swait.ge [sflag:s5], $0xA00  }
0x950: {  	[sflag:s5] =	ssyncset.done $0x0  }
0x951: {  	[sflag:s5] =	ssyncadd.s32 $0xFFFFF600  }
0x952: {  	[tilespmem:s9], [sflag:$0x1] =	stream.indirect.gather [spmem:s4], $0x40, s26, s8, $0xb8;
	[tilespmem:$0x1EE40] =	vst v63  }
0x953: {  	_ = 	snop  }
0x954: {  	[tilespmem:s10], [sflag:$0x1] =	stream.indirect.gather [spmem:s4], $0x40, s8, s8, $0xb8;
	[tilespmem:$0x1EE40] =	vst v63  }
0x955: {  	s26 =	simm.s32 $0x100  }
0x956: {  	[tilespmem:s11], [sflag:$0x1] =	stream.indirect.gather [spmem:s4], $0x40, s26, s8, $0xb8;
	[tilespmem:$0x1EE40] =	vst v63  }
0x957: {  	s26 =	simm.s32 $0x180  }
0x958: {  	[tilespmem:s12], [sflag:$0x1] =	stream.indirect.gather [spmem:s4], $0x40, s26, s8, $0xb8;
	[tilespmem:$0x1EE40] =	vst v63  }
0x959: {  	s21 =	simm.s32 $0x200  }
0x95a: {  	[tilespmem:s13], [sflag:$0x1] =	stream.indirect.gather [spmem:s4], $0x40, s21, s8, $0xb8;
	[tilespmem:$0x1EE40] =	vst v63  }
0x95b: {  	_ =	swait.ge [sflag:s14], $0x2000  }
0x95c: {  	[sflag:s14] =	ssyncset.done $0x0  }
0x95d: {  	[sflag:s14] =	ssyncadd.s32 $0xFFFFE000  }
0x95e: {  	_ =	swait.ge [sflag:s14], $0x2000  }
0x95f: {  	[sflag:s14] =	ssyncset.done $0x0  }
0x960: {  	[sflag:s14] =	ssyncadd.s32 $0xFFFFE000  }
0x961: {  	_ =	swait.ge [sflag:s14], $0x2000  }
0x962: {  	[sflag:s14] =	ssyncset.done $0x0  }
0x963: {  	[sflag:s14] =	ssyncadd.s32 $0xFFFFE000  }
0x964: {  	_ =	swait.ge [sflag:s14], $0x2000  }
0x965: {  	[sflag:s14] =	ssyncset.done $0x0  }
0x966: {  	[sflag:s14] =	ssyncadd.s32 $0xFFFFE000  }
0x967: {  	_ =	swait.ge [sflag:s14], $0x2000  }
0x968: {  	[sflag:s14] =	ssyncset.done $0x0  }
0x969: {  	[sflag:s14] =	ssyncadd.s32 $0xFFFFE000  }
0x96a: {  	[spmem:s2] =	stream.indirect.scatter.add.bf16 [tilespmem:s9], [sflag:$0x2], $0x40, s20, s8, $0xb8;
	[tilespmem:$0x1EE40] =	vst v63  }
0x96b: {  	s26 =	simm.s32 $0xA80  }
0x96c: {  	[spmem:s2] =	stream.indirect.scatter.add.bf16 [tilespmem:s10], [sflag:$0x2], $0x40, s26, s8, $0xb8;
	[tilespmem:$0x1EE40] =	vst v63  }
0x96d: {  	s16 =	simm.s32 $0xB00  }
0x96e: {  	[spmem:s2] =	stream.indirect.scatter.add.bf16 [tilespmem:s11], [sflag:$0x2], $0x40, s16, s8, $0xb8;
	[tilespmem:$0x1EE40] =	vst v63  }
0x96f: {  	s20 =	simm.s32 $0xB80  }
0x970: {  	[spmem:s2] =	stream.indirect.scatter.add.bf16 [tilespmem:s12], [sflag:$0x2], $0x40, s20, s8, $0xb8;
	[tilespmem:$0x1EE40] =	vst v63  }
0x971: {  	_ = 	snop  }
0x972: {  	[spmem:s2] =	stream.indirect.scatter.add.bf16 [tilespmem:s13], [sflag:$0x2], $0x40, s6, s8, $0xb8;
	[tilespmem:$0x1EE40] =	vst v63  }
0x973: {  	_ =	swait.ge [sflag:s7], $0x2000  }
0x974: {  	[sflag:s7] =	ssyncset.done $0x0  }
0x975: {  	[sflag:s7] =	ssyncadd.s32 $0xFFFFE000  }
0x976: {  	_ =	swait.ge [sflag:s7], $0x2000  }
0x977: {  	[sflag:s7] =	ssyncset.done $0x0  }
0x978: {  	[sflag:s7] =	ssyncadd.s32 $0xFFFFE000  }
0x979: {  	_ =	swait.ge [sflag:s7], $0x2000  }
0x97a: {  	[sflag:s7] =	ssyncset.done $0x0  }
0x97b: {  	[sflag:s7] =	ssyncadd.s32 $0xFFFFE000  }
0x97c: {  	_ =	swait.ge [sflag:s7], $0x2000  }
0x97d: {  	[sflag:s7] =	ssyncset.done $0x0  }
0x97e: {  	[sflag:s7] =	ssyncadd.s32 $0xFFFFE000  }
0x97f: {  	_ =	swait.ge [sflag:s7], $0x2000  }
0x980: {  	[sflag:s7] =	ssyncset.done $0x0  }
0x981: {  	s19 =	simm.s32 $0x280;
	[sflag:s7] =	ssyncadd.s32 $0xFFFFE000  }
0x982: {  	[tilespmem:s9], [sflag:$0x1] =	stream.indirect.gather [spmem:s4], $0x40, s19, s8, $0xb8;
	[tilespmem:$0x1EE40] =	vst v63  }
0x983: {  	s21 =	simm.s32 $0x300  }
0x984: {  	[tilespmem:s10], [sflag:$0x1] =	stream.indirect.gather [spmem:s4], $0x40, s21, s8, $0xb8;
	[tilespmem:$0x1EE40] =	vst v63  }
0x985: {  	s26 =	simm.s32 $0x380  }
0x986: {  	[tilespmem:s11], [sflag:$0x1] =	stream.indirect.gather [spmem:s4], $0x40, s26, s8, $0xb8;
	[tilespmem:$0x1EE40] =	vst v63  }
0x987: {  	s16 =	simm.s32 $0x400  }
0x988: {  	[tilespmem:s12], [sflag:$0x1] =	stream.indirect.gather [spmem:s4], $0x40, s16, s8, $0xb8;
	[tilespmem:$0x1EE40] =	vst v63  }
0x989: {  	s17 =	simm.s32 $0x480  }
0x98a: {  	[tilespmem:s13], [sflag:$0x1] =	stream.indirect.gather [spmem:s4], $0x40, s17, s8, $0xb8;
	[tilespmem:$0x1EE40] =	vst v63  }
0x98b: {  	_ =	swait.ge [sflag:s14], $0x2000  }
0x98c: {  	[sflag:s14] =	ssyncset.done $0x0  }
0x98d: {  	[sflag:s14] =	ssyncadd.s32 $0xFFFFE000  }
0x98e: {  	_ =	swait.ge [sflag:s14], $0x2000  }
0x98f: {  	[sflag:s14] =	ssyncset.done $0x0  }
0x990: {  	[sflag:s14] =	ssyncadd.s32 $0xFFFFE000  }
0x991: {  	_ =	swait.ge [sflag:s14], $0x2000  }
0x992: {  	[sflag:s14] =	ssyncset.done $0x0  }
0x993: {  	[sflag:s14] =	ssyncadd.s32 $0xFFFFE000  }
0x994: {  	_ =	swait.ge [sflag:s14], $0x2000  }
0x995: {  	[sflag:s14] =	ssyncset.done $0x0  }
0x996: {  	[sflag:s14] =	ssyncadd.s32 $0xFFFFE000  }
0x997: {  	_ =	swait.ge [sflag:s14], $0x2000  }
0x998: {  	[sflag:s14] =	ssyncset.done $0x0  }
0x999: {  	s19 =	simm.s32 $0xC80;
	[sflag:s14] =	ssyncadd.s32 $0xFFFFE000  }
0x99a: {  	[spmem:s2] =	stream.indirect.scatter.add.bf16 [tilespmem:s9], [sflag:$0x2], $0x40, s19, s8, $0xb8;
	[tilespmem:$0x1EE40] =	vst v63  }
0x99b: {  	s20 =	simm.s32 $0xD00  }
0x99c: {  	[spmem:s2] =	stream.indirect.scatter.add.bf16 [tilespmem:s10], [sflag:$0x2], $0x40, s20, s8, $0xb8;
	[tilespmem:$0x1EE40] =	vst v63  }
0x99d: {  	s21 =	simm.s32 $0xD80  }
0x99e: {  	[spmem:s2] =	stream.indirect.scatter.add.bf16 [tilespmem:s11], [sflag:$0x2], $0x40, s21, s8, $0xb8;
	[tilespmem:$0x1EE40] =	vst v63  }
0x99f: {  	s26 =	simm.s32 $0xE00  }
0x9a0: {  	[spmem:s2] =	stream.indirect.scatter.add.bf16 [tilespmem:s12], [sflag:$0x2], $0x40, s26, s8, $0xb8;
	[tilespmem:$0x1EE40] =	vst v63  }
0x9a1: {  	s16 =	simm.s32 $0xE80  }
0x9a2: {  	[spmem:s2] =	stream.indirect.scatter.add.bf16 [tilespmem:s13], [sflag:$0x2], $0x40, s16, s8, $0xb8;
	[tilespmem:$0x1EE40] =	vst v63  }
0x9a3: {  	_ =	swait.ge [sflag:s7], $0x2000  }
0x9a4: {  	[sflag:s7] =	ssyncset.done $0x0  }
0x9a5: {  	[sflag:s7] =	ssyncadd.s32 $0xFFFFE000  }
0x9a6: {  	_ =	swait.ge [sflag:s7], $0x2000  }
0x9a7: {  	[sflag:s7] =	ssyncset.done $0x0  }
0x9a8: {  	[sflag:s7] =	ssyncadd.s32 $0xFFFFE000  }
0x9a9: {  	_ =	swait.ge [sflag:s7], $0x2000  }
0x9aa: {  	[sflag:s7] =	ssyncset.done $0x0  }
0x9ab: {  	[sflag:s7] =	ssyncadd.s32 $0xFFFFE000  }
0x9ac: {  	_ =	swait.ge [sflag:s7], $0x2000  }
0x9ad: {  	[sflag:s7] =	ssyncset.done $0x0  }
0x9ae: {  	[sflag:s7] =	ssyncadd.s32 $0xFFFFE000  }
0x9af: {  	_ =	swait.ge [sflag:s7], $0x2000  }
0x9b0: {  	[sflag:s7] =	ssyncset.done $0x0  }
0x9b1: {  	s17 =	simm.s32 $0x500;
	[sflag:s7] =	ssyncadd.s32 $0xFFFFE000  }
0x9b2: {  	[tilespmem:s9], [sflag:$0x1] =	stream.indirect.gather [spmem:s4], $0x40, s17, s8, $0xb8;
	[tilespmem:$0x1EE40] =	vst v63  }
0x9b3: {  	s19 =	simm.s32 $0x580  }
0x9b4: {  	[tilespmem:s10], [sflag:$0x1] =	stream.indirect.gather [spmem:s4], $0x40, s19, s8, $0xb8;
	[tilespmem:$0x1EE40] =	vst v63  }
0x9b5: {  	s23 =	simm.s32 $0x600  }
0x9b6: {  	[tilespmem:s11], [sflag:$0x1] =	stream.indirect.gather [spmem:s4], $0x40, s23, s8, $0xb8;
	[tilespmem:$0x1EE40] =	vst v63  }
0x9b7: {  	s29 =	simm.s32 $0x680  }
0x9b8: {  	[tilespmem:s12], [sflag:$0x1] =	stream.indirect.gather [spmem:s4], $0x40, s29, s8, $0xb8;
	[tilespmem:$0x1EE40] =	vst v63  }
0x9b9: {  	_ = 	snop  }
0x9ba: {  	[tilespmem:s13], [sflag:$0x1] =	stream.indirect.gather [spmem:s4], $0x40, s0, s8, $0xb8;
	[tilespmem:$0x1EE40] =	vst v63  }
0x9bb: {  	_ =	swait.ge [sflag:s14], $0x2000  }
0x9bc: {  	[sflag:s14] =	ssyncset.done $0x0  }
0x9bd: {  	[sflag:s14] =	ssyncadd.s32 $0xFFFFE000  }
0x9be: {  	_ =	swait.ge [sflag:s14], $0x2000  }
0x9bf: {  	[sflag:s14] =	ssyncset.done $0x0  }
0x9c0: {  	[sflag:s14] =	ssyncadd.s32 $0xFFFFE000  }
0x9c1: {  	_ =	swait.ge [sflag:s14], $0x2000  }
0x9c2: {  	[sflag:s14] =	ssyncset.done $0x0  }
0x9c3: {  	[sflag:s14] =	ssyncadd.s32 $0xFFFFE000  }
0x9c4: {  	_ =	swait.ge [sflag:s14], $0x2000  }
0x9c5: {  	[sflag:s14] =	ssyncset.done $0x0  }
0x9c6: {  	[sflag:s14] =	ssyncadd.s32 $0xFFFFE000  }
0x9c7: {  	_ =	swait.ge [sflag:s14], $0x2000  }
0x9c8: {  	[sflag:s14] =	ssyncset.done $0x0  }
0x9c9: {  	s20 =	simm.s32 $0xF00;
	[sflag:s14] =	ssyncadd.s32 $0xFFFFE000  }
0x9ca: {  	[spmem:s2] =	stream.indirect.scatter.add.bf16 [tilespmem:s9], [sflag:$0x2], $0x40, s20, s8, $0xb8;
	[tilespmem:$0x1EE40] =	vst v63  }
0x9cb: {  	s18 =	simm.s32 $0xF80  }
0x9cc: {  	[spmem:s2] =	stream.indirect.scatter.add.bf16 [tilespmem:s10], [sflag:$0x2], $0x40, s18, s8, $0xb8;
	[tilespmem:$0x1EE40] =	vst v63  }
0x9cd: {  	s21 =	simm.s32 $0x1000  }
0x9ce: {  	[spmem:s2] =	stream.indirect.scatter.add.bf16 [tilespmem:s11], [sflag:$0x2], $0x40, s21, s8, $0xb8;
	[tilespmem:$0x1EE40] =	vst v63  }
0x9cf: {  	s23 =	simm.s32 $0x1080  }
0x9d0: {  	[spmem:s2] =	stream.indirect.scatter.add.bf16 [tilespmem:s12], [sflag:$0x2], $0x40, s23, s8, $0xb8;
	[tilespmem:$0x1EE40] =	vst v63  }
0x9d1: {  	s25 =	simm.s32 $0x1100  }
0x9d2: {  	[spmem:s2] =	stream.indirect.scatter.add.bf16 [tilespmem:s13], [sflag:$0x2], $0x40, s25, s8, $0xb8;
	[tilespmem:$0x1EE40] =	vst v63  }
0x9d3: {  	_ =	swait.ge [sflag:s7], $0x2000  }
0x9d4: {  	[sflag:s7] =	ssyncset.done $0x0  }
0x9d5: {  	[sflag:s7] =	ssyncadd.s32 $0xFFFFE000  }
0x9d6: {  	_ =	swait.ge [sflag:s7], $0x2000  }
0x9d7: {  	[sflag:s7] =	ssyncset.done $0x0  }
0x9d8: {  	[sflag:s7] =	ssyncadd.s32 $0xFFFFE000  }
0x9d9: {  	_ =	swait.ge [sflag:s7], $0x2000  }
0x9da: {  	[sflag:s7] =	ssyncset.done $0x0  }
0x9db: {  	[sflag:s7] =	ssyncadd.s32 $0xFFFFE000  }
0x9dc: {  	_ =	swait.ge [sflag:s7], $0x2000  }
0x9dd: {  	[sflag:s7] =	ssyncset.done $0x0  }
0x9de: {  	[sflag:s7] =	ssyncadd.s32 $0xFFFFE000  }
0x9df: {  	_ =	swait.ge [sflag:s7], $0x2000  }
0x9e0: {  	[sflag:s7] =	ssyncset.done $0x0  }
0x9e1: {  	[sflag:s7] =	ssyncadd.s32 $0xFFFFE000  }
0x9e2: {  	[tilespmem:s9], [sflag:$0x1] =	stream.indirect.gather [spmem:s4], $0x40, s15, s8, $0xb8;
	[tilespmem:$0x1EE40] =	vst v63  }
0x9e3: {  	s22 =	simm.s32 $0x800  }
0x9e4: {  	[tilespmem:s10], [sflag:$0x1] =	stream.indirect.gather [spmem:s4], $0x40, s22, s8, $0xb8;
	[tilespmem:$0x1EE40] =	vst v63  }
0x9e5: {  	s30 =	simm.s32 $0x880  }
0x9e6: {  	[tilespmem:s11], [sflag:$0x1] =	stream.indirect.gather [spmem:s4], $0x40, s30, s8, $0xb8;
	[tilespmem:$0x1EE40] =	vst v63  }
0x9e7: {  	s25 =	simm.s32 $0x900  }
0x9e8: {  	[tilespmem:s12], [sflag:$0x1] =	stream.indirect.gather [spmem:s4], $0x40, s25, s8, $0xb8;
	[tilespmem:$0x1EE40] =	vst v63  }
0x9e9: {  	s26 =	simm.s32 $0x980  }
0x9ea: {  	[tilespmem:s13], [sflag:$0x1] =	stream.indirect.gather [spmem:s4], $0x40, s26, s8, $0xb8;
	[tilespmem:$0x1EE40] =	vst v63  }
0x9eb: {  	_ =	swait.ge [sflag:s14], $0x2000  }
0x9ec: {  	[sflag:s14] =	ssyncset.done $0x0  }
0x9ed: {  	[sflag:s14] =	ssyncadd.s32 $0xFFFFE000  }
0x9ee: {  	_ =	swait.ge [sflag:s14], $0x2000  }
0x9ef: {  	[sflag:s14] =	ssyncset.done $0x0  }
0x9f0: {  	[sflag:s14] =	ssyncadd.s32 $0xFFFFE000  }
0x9f1: {  	_ =	swait.ge [sflag:s14], $0x2000  }
0x9f2: {  	[sflag:s14] =	ssyncset.done $0x0  }
0x9f3: {  	[sflag:s14] =	ssyncadd.s32 $0xFFFFE000  }
0x9f4: {  	_ =	swait.ge [sflag:s14], $0x2000  }
0x9f5: {  	[sflag:s14] =	ssyncset.done $0x0  }
0x9f6: {  	[sflag:s14] =	ssyncadd.s32 $0xFFFFE000  }
0x9f7: {  	_ =	swait.ge [sflag:s14], $0x2000  }
0x9f8: {  	[sflag:s14] =	ssyncset.done $0x0  }
0x9f9: {  	[sflag:s14] =	ssyncadd.s32 $0xFFFFE000  }
0x9fa: {  	[spmem:s2] =	stream.indirect.scatter.add.bf16 [tilespmem:s9], [sflag:$0x2], $0x40, s3, s8, $0xb8;
	[tilespmem:$0x1EE40] =	vst v63  }
0x9fb: {  	s24 =	simm.s32 $0x1200  }
0x9fc: {  	[spmem:s2] =	stream.indirect.scatter.add.bf16 [tilespmem:s10], [sflag:$0x2], $0x40, s24, s8, $0xb8;
	[tilespmem:$0x1EE40] =	vst v63  }
0x9fd: {  	s28 =	simm.s32 $0x1280  }
0x9fe: {  	[spmem:s2] =	stream.indirect.scatter.add.bf16 [tilespmem:s11], [sflag:$0x2], $0x40, s28, s8, $0xb8;
	[tilespmem:$0x1EE40] =	vst v63  }
0x9ff: {  	s1 =	simm.s32 $0x1300  }
0xa00: {  	[spmem:s2] =	stream.indirect.scatter.add.bf16 [tilespmem:s12], [sflag:$0x2], $0x40, s1, s8, $0xb8;
	[tilespmem:$0x1EE40] =	vst v63  }
0xa01: {  	s28 =	simm.s32 $0x1380  }
0xa02: {  	[spmem:s2] =	stream.indirect.scatter.add.bf16 [tilespmem:s13], [sflag:$0x2], $0x40, s28, s8, $0xb8;
	[tilespmem:$0x1EE40] =	vst v63  }
0xa03: {  	_ =	swait.ge [sflag:s7], $0x2000  }
0xa04: {  	[sflag:s7] =	ssyncset.done $0x0  }
0xa05: {  	[sflag:s7] =	ssyncadd.s32 $0xFFFFE000  }
0xa06: {  	_ =	swait.ge [sflag:s7], $0x2000  }
0xa07: {  	[sflag:s7] =	ssyncset.done $0x0  }
0xa08: {  	[sflag:s7] =	ssyncadd.s32 $0xFFFFE000  }
0xa09: {  	_ =	swait.ge [sflag:s7], $0x2000  }
0xa0a: {  	[sflag:s7] =	ssyncset.done $0x0  }
0xa0b: {  	[sflag:s7] =	ssyncadd.s32 $0xFFFFE000  }
0xa0c: {  	_ =	swait.ge [sflag:s7], $0x2000  }
0xa0d: {  	[sflag:s7] =	ssyncset.done $0x0  }
0xa0e: {  	[sflag:s7] =	ssyncadd.s32 $0xFFFFE000  }
0xa0f: {  	_ =	swait.ge [sflag:s7], $0x2000  }
0xa10: {  	[sflag:s7] =	ssyncset.done $0x0  }
0xa11: {  	[sflag:s7] =	ssyncadd.s32 $0xFFFFE000  }
0xa12: {  	[bflag:$0x0] =	sbarrier.arrive $0xFFFF  }
0xa13: {  	s29 =	rddreg [dreg:$0xe]  }
0xa14: {  	s30 =	rddreg [dreg:$0x17]  }
0xa15: {  	[hbm:s29], [sflag:s31] =	dma.local [spmem:s30], $0x13C0  }
0xa16: {  	_ =	swait.ge [sflag:s5], $0x13C0  }
0xa17: {  	[sflag:s5] =	ssyncset.done $0x0  }
0xa18: {  	[sflag:s5] =	ssyncadd.s32 $0xFFFFEC40  }
0xa19: {  	_ =	sfence.sel $0x180000  }
0xa1a: {  	[bflag:$0x0] =	sbarrier.arrive $0xFFFF  }
0xa1b: {  	_ =	strace $0x90000047  }
0xa1c: {  	s31 =	stileid.u32;
	[bflag:$0x2] =	sbarrier.arrive $0xFFFF  }
0xa1d: {  	p0 =	sne.s32 s31, $0x0;
	s0 =	rddreg [dreg:$0x4]  }
0xa1e: {  	s0 =	sadd.s32 @!p0 $0x100000, s0  }
0xa1f: {  	[sflag:s0] =	ssyncadd.tile.s32 @!p0 $0x1;
	_ =	shalt  }
.LBB2_1:
.Ltmp3:
0xa20: {  	(pc) =	sbr.rel .LBB2_6-.Ltmp3, $2  }
0xa21: {  	_ =	sdelay $0x2  }
0xa22: {  	s0 =	rddreg [dreg:$0x17]  }
.LBB2_3:
.Ltmp4:
0xa23: {  	(pc) =	sbr.rel .LBB2_6-.Ltmp4, $4  }
0xa24: {  	s0 =	rddreg [dreg:$0x17]  }
0xa25: {  	s15 =	simm.s32 $0xC80;
	s23 =	simm.s32 $0xD00;
	s24 =	simm.s32 $0xD80  }
0xa26: {  	s29 =	simm.s32 $0xE00;
	s30 =	simm.s32 $0xE80;
	s22 =	simm.s32 $0x300  }
0xa27: {  	s25 =	simm.s32 $0x380;
	s6 =	simm.s32 $0x400;
	s3 =	simm.s32 $0x480  }
.Lfunc_end2:
_tile_overlayer_lowered:
.L_overlay_start_2:
0xa28: {  	(tag) =	ssettag $0x2  }
0xa29: {  	s0 =	rddreg [dreg:$0x0];
	s2 =	stileid.u32  }
0xa2a: {  	s1 =	rddreg [dreg:$0x1];
	p0 =	sne.s32 s2, $0x0  }
0xa2b: {  	s3 =	rddreg [dreg:$0x2];
	[bflag:$0x3] =	sbarrier.arrive $0xFFFF;
	s2 =	simm.s32 @!p0 $0x1C03  }
0xa2c: {  	[timem:s3], [sflag:s2] =	dma.local @!p0 [hbm:s0], s1  }
0xa2d: {  	s0 =	simm.s32 @!p0 $0x3  }
0xa2e: {  	_ =	swait.ge @!p0 [sflag:s0], s1  }
0xa2f: {  	s1 =	ssub.s32 @!p0 $0x0, s1;
	[sflag:s0] =	ssyncset.done @!p0 $0x0  }
0xa30: {  	[sflag:s0] =	ssyncadd.s32 @!p0 s1  }
0xa31: {  	[bflag:$0x3] =	sbarrier.arrive $0xFFFF  }
0xa32: {  	_ =	shalt  }

</sc_bundles>
